<compile_context>
chip_gen: v7x
topology: tpu7x:2x2x1
jax: 0.10.2.dev20260603
libtpu: 0.0.44.dev20260713+nightly
codegen_flags: <defaults>
</compile_context>

<pallas_src>
import functools

import jax
import jax.numpy as jnp
from jax import lax
from jax.experimental import pallas as pl
from jax.experimental.pallas import tpu as pltpu
from jax.experimental.pallas import tpu_sc as plsc

N = 10000
D = 128
E = 320000
ET = E + N
K = 128
NC = 2
NS = 16
NW = NC * NS
NB = -(-ET // (NW * K))
NB0 = 115
NB1 = 47
CH = 40
NCH = 3
WIN = CH + 8
_max_start = max(NB * (NW - 1), NS * NB0 + (NS - 1) * NB1)
NBLK = (_max_start // 8 * 8 + (NCH - 1) * CH + WIN + 7) // 8 * 8
EPAD = NBLK * K
NPAD = 10240
RPT = NPAD // NS
EPS = 1e-5

_mesh = plsc.VectorSubcoreMesh(
    core_axis_name="c", subcore_axis_name="s", num_cores=NC, num_subcores=NS)


@functools.partial(
    pl.kernel,
    out_type=jax.ShapeDtypeStruct((NC, NPAD, D), jnp.float32),
    mesh=_mesh,
    scratch_types=[
        pltpu.VMEM((NB + 7, K), jnp.int32),
        pltpu.VMEM((K, D), jnp.float32),
        pltpu.VMEM((16, D), jnp.float32),
        pltpu.VMEM_SHARED((NPAD, D), jnp.float32),
    ],
)
def _sc_deg(e2_hbm, degp_hbm, didx, ones_v, zbuf, degacc):
    cid = lax.axis_index("c")
    sid = lax.axis_index("s")
    w = cid * NS + sid
    b0 = pl.multiple_of(NB * w // 8 * 8, 8)
    off = NB * w - b0

    def fill_ones(i, c):
        for cc in range(D // 16):
            ones_v[i, pl.ds(cc * 16, 16)] = jnp.ones((16,), jnp.float32)
        return c
    lax.fori_loop(0, K, fill_ones, 0)

    def fill_zero(i, c):
        for cc in range(D // 16):
            zbuf[i, pl.ds(cc * 16, 16)] = jnp.zeros((16,), jnp.float32)
        return c
    lax.fori_loop(0, 16, fill_zero, 0)

    def zero_acc(kk, c):
        pltpu.sync_copy(zbuf, degacc.at[pl.ds(sid * RPT + kk * 16, 16)])
        return c
    lax.fori_loop(0, RPT // 16, zero_acc, 0)
    plsc.subcore_barrier()

    pltpu.sync_copy(e2_hbm.at[1, pl.ds(b0, NB + 7)], didx)

    def step(j, c):
        pltpu.sync_copy(ones_v, degacc.at[didx.at[off + j]], add=True)
        return c
    lax.fori_loop(0, NB, step, 0)

    plsc.subcore_barrier()
    pltpu.sync_copy(degacc.at[pl.ds(sid * RPT, RPT)],
                    degp_hbm.at[cid, pl.ds(sid * RPT, RPT)])


@functools.partial(
    pl.kernel,
    out_type=jax.ShapeDtypeStruct((NC, NPAD, D), jnp.float32),
    mesh=_mesh,
    scratch_types=[
        pltpu.VMEM((WIN, K), jnp.int32),
        pltpu.VMEM((WIN, K), jnp.int32),
        pltpu.VMEM((K, D), jnp.float32),
        pltpu.VMEM((K, D), jnp.float32),
        pltpu.VMEM((16, D), jnp.float32),
        pltpu.VMEM_SHARED((NPAD, D), jnp.float32),
        pltpu.SemaphoreType.DMA,
        pltpu.SemaphoreType.DMA,
    ],
)
def _sc_agg(h2_hbm, e2_hbm, accp_hbm, sidx, didx, ga, gb, zbuf,
            acc, sema, semb):
    cid = lax.axis_index("c")
    sid = lax.axis_index("s")
    nb_w = jnp.where(cid == 0, NB0, NB1)
    start = jnp.where(cid == 0, sid * NB0, NS * NB0 + sid * NB1)
    b0 = pl.multiple_of(start // 8 * 8, 8)
    off = start - b0

    def fill_zero(i, c):
        for cc in range(D // 16):
            zbuf[i, pl.ds(cc * 16, 16)] = jnp.zeros((16,), jnp.float32)
        return c
    lax.fori_loop(0, 16, fill_zero, 0)

    def zero_acc(kk, c):
        pltpu.sync_copy(zbuf, acc.at[pl.ds(sid * RPT + kk * 16, 16)])
        return c
    lax.fori_loop(0, RPT // 16, zero_acc, 0)
    plsc.subcore_barrier()

    bufs = (ga, gb)
    sems = (sema, semb)
    for c in range(NCH):
        trips = jnp.clip(nb_w - c * CH, 0, CH)
        pltpu.sync_copy(e2_hbm.at[0, pl.ds(b0 + c * CH, WIN)], sidx)
        pltpu.sync_copy(e2_hbm.at[1, pl.ds(b0 + c * CH, WIN)], didx)

        @pl.when(trips > 0)
        def _():
            pltpu.async_copy(h2_hbm.at[sidx.at[off]], ga, sema)

        @pl.when(trips > 1)
        def _():
            pltpu.async_copy(h2_hbm.at[sidx.at[off + 1]], gb, semb)

        def step(j, _, trips=trips):
            def lane(buf, sem):
                pltpu.make_async_copy(
                    h2_hbm.at[sidx.at[off + j]], buf, sem).wait()
                pltpu.sync_copy(buf, acc.at[didx.at[off + j]], add=True)

                @pl.when(j < trips - 2)
                def _():
                    pltpu.async_copy(
                        h2_hbm.at[sidx.at[off + j + 2]], buf, sem)

            @pl.when(j % 2 == 0)
            def _():
                lane(bufs[0], sems[0])

            @pl.when(j % 2 == 1)
            def _():
                lane(bufs[1], sems[1])
            return 0
        lax.fori_loop(0, trips, step, 0)

    plsc.subcore_barrier()
    pltpu.sync_copy(acc.at[pl.ds(sid * RPT, RPT)],
                    accp_hbm.at[cid, pl.ds(sid * RPT, RPT)])


def _dis_from_degp(degp):
    deg = (degp[0] + degp[1])[:N, 0:1]
    return jnp.where(deg > 0, lax.rsqrt(jnp.maximum(deg, 1e-12)), 0.0)


def _tc_pre_body(x_ref, w_ref, degp_ref, h2_ref):
    dis = _dis_from_degp(degp_ref[...])
    h = jnp.dot(x_ref[...], w_ref[...], preferred_element_type=jnp.float32)
    h2_ref[...] = h * dis


def _bn_relu_part(accp, degp, b, g, be):
    dis = _dis_from_degp(degp)
    h = (accp[0, :N] + accp[1, :N]) * dis + b
    mean = jnp.mean(h, axis=0, keepdims=True)
    c = h - mean
    var = jnp.mean(c * c, axis=0, keepdims=True)
    hn = c * lax.rsqrt(var + EPS) * g + be
    return jnp.maximum(hn, 0.0), dis


def _tc_mid_body(accp_ref, degp_ref, b_ref, g_ref, be_ref, wn_ref, h2_ref):
    r, dis = _bn_relu_part(accp_ref[...], degp_ref[...], b_ref[...],
                           g_ref[...], be_ref[...])
    h2_ref[...] = jnp.dot(
        r, wn_ref[...], preferred_element_type=jnp.float32) * dis


def _tc_post_body(accp_ref, degp_ref, b_ref, g_ref, be_ref, out_ref):
    r, _ = _bn_relu_part(accp_ref[...], degp_ref[...], b_ref[...],
                         g_ref[...], be_ref[...])
    out_ref[...] = r


_tc_pre = pl.pallas_call(
    _tc_pre_body, out_shape=jax.ShapeDtypeStruct((N, D), jnp.float32))
_tc_mid = pl.pallas_call(
    _tc_mid_body, out_shape=jax.ShapeDtypeStruct((N, D), jnp.float32))
_tc_post = pl.pallas_call(
    _tc_post_body, out_shape=jax.ShapeDtypeStruct((N, D), jnp.float32))


def kernel(x, edge_index, W0, b0, g0, be0, W1, b1, g1, be1, W2, b2, g2, be2):
    loop = jnp.arange(N, dtype=edge_index.dtype)
    pad = EPAD - ET
    tail = jnp.stack([jnp.concatenate([loop, jnp.zeros((pad,), jnp.int32)]),
                      jnp.concatenate([loop, jnp.full((pad,), N, jnp.int32)])])
    e2 = jnp.concatenate([edge_index, tail], axis=1).reshape(2, NBLK, K)

    degp = _sc_deg(e2)
    h2 = _tc_pre(x, W0, degp)
    params = [(b0, g0, be0, W1), (b1, g1, be1, W2), (b2, g2, be2, None)]
    for b, g, be, Wn in params:
        accp = _sc_agg(h2, e2)
        br, gr, ber = b.reshape(1, D), g.reshape(1, D), be.reshape(1, D)
        if Wn is not None:
            h2 = _tc_mid(accp, degp, br, gr, ber, Wn)
        else:
            h2 = _tc_post(accp, degp, br, gr, ber)
    return h2

# --- scband reference (transcript-rebuilt; emitter-appended) ---
"""Pipeline reference for scband-node-encoder-16535624090331 (READ-ONLY COPY).

The authoritative reference and input builder live on the scoring server;
editing this copy changes nothing except your own understanding.
"""

import jax, jax.numpy as jnp
import numpy as np

N = 10000
E = 320000
D = 128
H = 128
L = 3
BN_EPS = 1e-5


def setup_inputs(seed: int = 0) -> dict:
    key = jax.random.key(seed)
    ks = jax.random.split(key, 2 + 4 * L)
    inp = {}
    inp["x"] = jax.random.normal(ks[0], (N, D), dtype=jnp.float32)
    inp["edge_index"] = jax.random.randint(ks[1], (2, E), 0, N, dtype=jnp.int32)
    dims = [(D, H)] + [(H, H)] * (L - 1)
    for i, (din, dout) in enumerate(dims):
        std = float(np.sqrt(2.0 / (din + dout)))
        inp[f"W{i}"] = jax.random.normal(ks[2 + 4 * i], (din, dout), dtype=jnp.float32) * std
        inp[f"b{i}"] = jnp.zeros((dout,), dtype=jnp.float32)
        inp[f"g{i}"] = jnp.ones((dout,), dtype=jnp.float32)
        inp[f"be{i}"] = jnp.zeros((dout,), dtype=jnp.float32)
    return inp


def _gcn_conv(x, src, dst, W, b, n):
    # PyG GCNConv: linear transform, symmetric normalization (self-loops already in src/dst), scatter-add, bias
    h = x @ W
    deg = jnp.zeros((n,), dtype=x.dtype).at[dst].add(1.0)
    dis = jnp.where(deg > 0, jax.lax.rsqrt(jnp.maximum(deg, 1e-12)), 0.0)
    norm = dis[src] * dis[dst]
    msg = h[src] * norm[:, None]
    out = jax.ops.segment_sum(msg, dst, num_segments=n)
    return out + b


def _bn_relu(h, g, be):
    # BatchNorm1d training-mode math (batch statistics, biased variance), then ReLU.
    mean = jnp.mean(h, axis=0)
    var = jnp.mean((h - mean) ** 2, axis=0)
    h = (h - mean) * jax.lax.rsqrt(var + BN_EPS) * g + be
    return jax.nn.relu(h)


def reference(x, edge_index, W0, b0, g0, be0, W1, b1, g1, be1, W2, b2, g2, be2):
    loop = jnp.arange(N, dtype=edge_index.dtype)
    src = jnp.concatenate([edge_index[0], loop])
    dst = jnp.concatenate([edge_index[1], loop])
    params = [(W0, b0, g0, be0), (W1, b1, g1, be1), (W2, b2, g2, be2)]
    h = x
    for (W, b, g, be) in params:
        h = _gcn_conv(h, src, dst, W, b, N)
        h = _bn_relu(h, g, be)
        # dropout is identity in eval mode
    return h

if __name__ == "__main__":
    import jax
    _d = setup_inputs()
    print(jax.jit(kernel)(*tuple(_d.values())))

</pallas_src>

<mosaic_0001>
#map = affine_map<(d0, d1) -> (0, 0)>
#map1 = affine_map<(d0, d1) -> (0, 0, 0)>
module attributes {stable_mosaic.version = 14 : i64} {
  func.func @_sc_agg(%arg0: i32, %arg1: i32, %arg2: memref<10000x128xf32, #tpu.memory_space<hbm>>, %arg3: memref<2x2672x128xi32, #tpu.memory_space<hbm>>, %arg4: memref<2x10240x128xf32, #tpu.memory_space<hbm>>, %arg5: memref<48x128xi32, #tpu.memory_space<vmem>>, %arg6: memref<48x128xi32, #tpu.memory_space<vmem>>, %arg7: memref<128x128xf32, #tpu.memory_space<vmem>>, %arg8: memref<128x128xf32, #tpu.memory_space<vmem>>, %arg9: memref<16x128xf32, #tpu.memory_space<vmem>>, %arg10: memref<10240x128xf32, #tpu.memory_space<vmem_shared>>, %arg11: memref<!tpu.dma_semaphore, #tpu.memory_space<semaphore_mem>>, %arg12: memref<!tpu.dma_semaphore, #tpu.memory_space<semaphore_mem>>) attributes {dimension_semantics = [#tpu.dimension_semantics<core_parallel>, #tpu.dimension_semantics<subcore_parallel>], iteration_bounds = array<i64: 2, 16>, scalar_prefetch = 0 : i64, scratch_operands = 8 : i64, tpu.core_type = #tpu.core_type<sc_vector_subcore>, window_params = [{transform_indices = #map}, {transform_indices = #map1}, {transform_indices = #map1}]} {
    %eq3A = arith.constant 0 : i32
    %eq3A_0 = arith.cmpi eq, %arg0, %eq3A : i32
    %jit3A = arith.constant 115 : i32
    %jit3A_1 = arith.constant 47 : i32
    %select_n3A = arith.select %eq3A_0, %jit3A, %jit3A_1 : i32
    %eq3A_2 = arith.constant 0 : i32
    %eq3A_3 = arith.cmpi eq, %arg0, %eq3A_2 : i32
    %mul3A = arith.constant 115 : i32
    %mul3A_4 = arith.muli %arg1, %mul3A : i32
    %mul3A_5 = arith.constant 47 : i32
    %mul3A_6 = arith.muli %arg1, %mul3A_5 : i32
    %add3A = arith.constant 1840 : i32
    %add3A_7 = arith.addi %add3A, %mul3A_6 : i32
    %select_n3A_8 = arith.select %eq3A_3, %mul3A_4, %add3A_7 : i32
    %jit3A_9 = arith.constant 8 : i32
    %div3A = arith.divsi %select_n3A_8, %jit3A_9 : i32
    %sign3A = arith.constant 0 : i32
    %sign3A_10 = arith.cmpi sgt, %select_n3A_8, %sign3A : i32
    %sign3A_11 = arith.extui %sign3A_10 : i1 to i32
    %sign3A_12 = arith.constant 0 : i32
    %sign3A_13 = arith.cmpi slt, %select_n3A_8, %sign3A_12 : i32
    %sign3A_14 = arith.extui %sign3A_13 : i1 to i32
    %sign3A_15 = arith.subi %sign3A_11, %sign3A_14 : i32
    %sign3A_16 = arith.constant 0 : i32
    %sign3A_17 = arith.cmpi sgt, %jit3A_9, %sign3A_16 : i32
    %sign3A_18 = arith.extui %sign3A_17 : i1 to i32
    %sign3A_19 = arith.constant 0 : i32
    %sign3A_20 = arith.cmpi slt, %jit3A_9, %sign3A_19 : i32
    %sign3A_21 = arith.extui %sign3A_20 : i1 to i32
    %sign3A_22 = arith.subi %sign3A_18, %sign3A_21 : i32
    %ne3A = arith.cmpi ne, %sign3A_15, %sign3A_22 : i32
    %rem3A = arith.remsi %select_n3A_8, %jit3A_9 : i32
    %ne3A_23 = arith.constant 0 : i32
    %ne3A_24 = arith.cmpi ne, %rem3A, %ne3A_23 : i32
    %and3A = arith.andi %ne3A, %ne3A_24 : i1
    %sub3A = arith.constant 1 : i32
    %sub3A_25 = arith.subi %div3A, %sub3A : i32
    %select_n3A_26 = arith.select %and3A, %sub3A_25, %div3A : i32
    %mul3A_27 = arith.constant 8 : i32
    %mul3A_28 = arith.muli %select_n3A_26, %mul3A_27 : i32
    %multiple_of3A = tpu.assume_multiple %mul3A_28, 8 : i32
    %sub3A_29 = arith.subi %select_n3A_8, %multiple_of3A : i32
    %scan3A = arith.constant 0 : i32
    %scan3A_30 = arith.constant 0 : i32
    %scan3A_31 = arith.constant 16 : i32
    %scan3A_32 = arith.addi %scan3A_30, %scan3A_31 : i32
    %scan3A_33 = arith.constant 1 : i32
    scf.for %scan3A_141 = %scan3A_30 to %scan3A_32 step %scan3A_33  : i32 {
      %broadcast_in_dim3A = arith.constant 0.000000e+00 : f32
      %broadcast_in_dim3A_142 = vector.broadcast %broadcast_in_dim3A : f32 to vector<16xf32>
      %swap3A = arith.index_cast %scan3A_141 : i32 to index
      %swap3A_143 = arith.constant 0 : index
      %swap3A_144 = tpu.vector_load %arg9[%swap3A, %swap3A_143] {strides = array<i32>} : memref<16x128xf32, #tpu.memory_space<vmem>>, vector<1x16xf32>,
      %swap3A_145 = vector.shape_cast %swap3A_144 : vector<1x16xf32> to vector<16xf32>
      %swap3A_146 = vector.shape_cast %broadcast_in_dim3A_142 : vector<16xf32> to vector<1x16xf32>
      tpu.vector_store %arg9[%swap3A, %swap3A_143], %swap3A_146 {strides = array<i32>} : memref<16x128xf32, #tpu.memory_space<vmem>>, vector<1x16xf32>,
      %broadcast_in_dim3A_147 = arith.constant 0.000000e+00 : f32
      %broadcast_in_dim3A_148 = vector.broadcast %broadcast_in_dim3A_147 : f32 to vector<16xf32>
      %swap3A_149 = arith.index_cast %scan3A_141 : i32 to index
      %swap3A_150 = arith.constant 16 : index
      %swap3A_151 = tpu.vector_load %arg9[%swap3A_149, %swap3A_150] {strides = array<i32>} : memref<16x128xf32, #tpu.memory_space<vmem>>, vector<1x16xf32>,
      %swap3A_152 = vector.shape_cast %swap3A_151 : vector<1x16xf32> to vector<16xf32>
      %swap3A_153 = vector.shape_cast %broadcast_in_dim3A_148 : vector<16xf32> to vector<1x16xf32>
      tpu.vector_store %arg9[%swap3A_149, %swap3A_150], %swap3A_153 {strides = array<i32>} : memref<16x128xf32, #tpu.memory_space<vmem>>, vector<1x16xf32>,
      %broadcast_in_dim3A_154 = arith.constant 0.000000e+00 : f32
      %broadcast_in_dim3A_155 = vector.broadcast %broadcast_in_dim3A_154 : f32 to vector<16xf32>
      %swap3A_156 = arith.index_cast %scan3A_141 : i32 to index
      %swap3A_157 = arith.constant 32 : index
      %swap3A_158 = tpu.vector_load %arg9[%swap3A_156, %swap3A_157] {strides = array<i32>} : memref<16x128xf32, #tpu.memory_space<vmem>>, vector<1x16xf32>,
      %swap3A_159 = vector.shape_cast %swap3A_158 : vector<1x16xf32> to vector<16xf32>
      %swap3A_160 = vector.shape_cast %broadcast_in_dim3A_155 : vector<16xf32> to vector<1x16xf32>
      tpu.vector_store %arg9[%swap3A_156, %swap3A_157], %swap3A_160 {strides = array<i32>} : memref<16x128xf32, #tpu.memory_space<vmem>>, vector<1x16xf32>,
      %broadcast_in_dim3A_161 = arith.constant 0.000000e+00 : f32
      %broadcast_in_dim3A_162 = vector.broadcast %broadcast_in_dim3A_161 : f32 to vector<16xf32>
      %swap3A_163 = arith.index_cast %scan3A_141 : i32 to index
      %swap3A_164 = arith.constant 48 : index
      %swap3A_165 = tpu.vector_load %arg9[%swap3A_163, %swap3A_164] {strides = array<i32>} : memref<16x128xf32, #tpu.memory_space<vmem>>, vector<1x16xf32>,
      %swap3A_166 = vector.shape_cast %swap3A_165 : vector<1x16xf32> to vector<16xf32>
      %swap3A_167 = vector.shape_cast %broadcast_in_dim3A_162 : vector<16xf32> to vector<1x16xf32>
      tpu.vector_store %arg9[%swap3A_163, %swap3A_164], %swap3A_167 {strides = array<i32>} : memref<16x128xf32, #tpu.memory_space<vmem>>, vector<1x16xf32>,
      %broadcast_in_dim3A_168 = arith.constant 0.000000e+00 : f32
      %broadcast_in_dim3A_169 = vector.broadcast %broadcast_in_dim3A_168 : f32 to vector<16xf32>
      %swap3A_170 = arith.index_cast %scan3A_141 : i32 to index
      %swap3A_171 = arith.constant 64 : index
      %swap3A_172 = tpu.vector_load %arg9[%swap3A_170, %swap3A_171] {strides = array<i32>} : memref<16x128xf32, #tpu.memory_space<vmem>>, vector<1x16xf32>,
      %swap3A_173 = vector.shape_cast %swap3A_172 : vector<1x16xf32> to vector<16xf32>
      %swap3A_174 = vector.shape_cast %broadcast_in_dim3A_169 : vector<16xf32> to vector<1x16xf32>
      tpu.vector_store %arg9[%swap3A_170, %swap3A_171], %swap3A_174 {strides = array<i32>} : memref<16x128xf32, #tpu.memory_space<vmem>>, vector<1x16xf32>,
      %broadcast_in_dim3A_175 = arith.constant 0.000000e+00 : f32
      %broadcast_in_dim3A_176 = vector.broadcast %broadcast_in_dim3A_175 : f32 to vector<16xf32>
      %swap3A_177 = arith.index_cast %scan3A_141 : i32 to index
      %swap3A_178 = arith.constant 80 : index
      %swap3A_179 = tpu.vector_load %arg9[%swap3A_177, %swap3A_178] {strides = array<i32>} : memref<16x128xf32, #tpu.memory_space<vmem>>, vector<1x16xf32>,
      %swap3A_180 = vector.shape_cast %swap3A_179 : vector<1x16xf32> to vector<16xf32>
      %swap3A_181 = vector.shape_cast %broadcast_in_dim3A_176 : vector<16xf32> to vector<1x16xf32>
      tpu.vector_store %arg9[%swap3A_177, %swap3A_178], %swap3A_181 {strides = array<i32>} : memref<16x128xf32, #tpu.memory_space<vmem>>, vector<1x16xf32>,
      %broadcast_in_dim3A_182 = arith.constant 0.000000e+00 : f32
      %broadcast_in_dim3A_183 = vector.broadcast %broadcast_in_dim3A_182 : f32 to vector<16xf32>
      %swap3A_184 = arith.index_cast %scan3A_141 : i32 to index
      %swap3A_185 = arith.constant 96 : index
      %swap3A_186 = tpu.vector_load %arg9[%swap3A_184, %swap3A_185] {strides = array<i32>} : memref<16x128xf32, #tpu.memory_space<vmem>>, vector<1x16xf32>,
      %swap3A_187 = vector.shape_cast %swap3A_186 : vector<1x16xf32> to vector<16xf32>
      %swap3A_188 = vector.shape_cast %broadcast_in_dim3A_183 : vector<16xf32> to vector<1x16xf32>
      tpu.vector_store %arg9[%swap3A_184, %swap3A_185], %swap3A_188 {strides = array<i32>} : memref<16x128xf32, #tpu.memory_space<vmem>>, vector<1x16xf32>,
      %broadcast_in_dim3A_189 = arith.constant 0.000000e+00 : f32
      %broadcast_in_dim3A_190 = vector.broadcast %broadcast_in_dim3A_189 : f32 to vector<16xf32>
      %swap3A_191 = arith.index_cast %scan3A_141 : i32 to index
      %swap3A_192 = arith.constant 112 : index
      %swap3A_193 = tpu.vector_load %arg9[%swap3A_191, %swap3A_192] {strides = array<i32>} : memref<16x128xf32, #tpu.memory_space<vmem>>, vector<1x16xf32>,
      %swap3A_194 = vector.shape_cast %swap3A_193 : vector<1x16xf32> to vector<16xf32>
      %swap3A_195 = vector.shape_cast %broadcast_in_dim3A_190 : vector<16xf32> to vector<1x16xf32>
      tpu.vector_store %arg9[%swap3A_191, %swap3A_192], %swap3A_195 {strides = array<i32>} : memref<16x128xf32, #tpu.memory_space<vmem>>, vector<1x16xf32>,
    }
    %scan3A_34 = arith.constant 16 : i32
    %scan3A_35 = arith.constant 0 : i32
    %scan3A_36 = arith.constant 0 : i32
    %scan3A_37 = arith.constant 40 : i32
    %scan3A_38 = arith.addi %scan3A_36, %scan3A_37 : i32
    %scan3A_39 = arith.constant 1 : i32
    scf.for %scan3A_141 = %scan3A_36 to %scan3A_38 step %scan3A_39  : i32 {
      %mul3A_142 = arith.constant 640 : i32
      %mul3A_143 = arith.muli %arg1, %mul3A_142 : i32
      %mul3A_144 = arith.constant 16 : i32
      %mul3A_145 = arith.muli %scan3A_141, %mul3A_144 : i32
      %add3A_146 = arith.addi %mul3A_143, %mul3A_145 : i32
      "tpu.region"() ({
        %run_scoped3A_147 = tpu.sem_alloc : memref<!tpu.dma_semaphore, #tpu.memory_space<semaphore_mem>>
        %dma_start3A = arith.constant 0 : i32
        %dma_start3A_148 = tpu.memref_slice %arg10[%add3A_146, %dma_start3A] : memref<10240x128xf32, #tpu.memory_space<vmem_shared>> -> memref<16x128xf32, #tpu.memory_space<vmem_shared>>
        %dma_start3A_149 = arith.constant 0 : i32
        %dma_start3A_150 = tpu.memref_slice %arg10[%add3A_146, %dma_start3A_149] : memref<10240x128xf32, #tpu.memory_space<vmem_shared>> -> memref<16x128xf32, #tpu.memory_space<vmem_shared>>
        tpu.enqueue_dma source(%arg9 : memref<16x128xf32, #tpu.memory_space<vmem>>) target(%dma_start3A_150 : memref<16x128xf32, #tpu.memory_space<vmem_shared>>) target_semaphore(%run_scoped3A_147 : memref<!tpu.dma_semaphore, #tpu.memory_space<semaphore_mem>>)
        %dma_wait3A = arith.constant 0 : i32
        %dma_wait3A_151 = tpu.memref_slice %arg10[%add3A_146, %dma_wait3A] : memref<10240x128xf32, #tpu.memory_space<vmem_shared>> -> memref<16x128xf32, #tpu.memory_space<vmem_shared>>
        %dma_wait3A_152 = arith.constant 0 : i32
        %dma_wait3A_153 = tpu.memref_slice %arg10[%add3A_146, %dma_wait3A_152] : memref<10240x128xf32, #tpu.memory_space<vmem_shared>> -> memref<16x128xf32, #tpu.memory_space<vmem_shared>>
        tpu.wait_dma2 semaphore(%run_scoped3A_147 : memref<!tpu.dma_semaphore, #tpu.memory_space<semaphore_mem>>) src(%arg9 : memref<16x128xf32, #tpu.memory_space<vmem>>) dst(%dma_wait3A_153 : memref<16x128xf32, #tpu.memory_space<vmem_shared>>)
        tpu.yield
      }) : () -> ()
    }
    %scan3A_40 = arith.constant 40 : i32
    %barrier3A = arith.constant 0 : index
    tpu.barrier barrier_id(%barrier3A)
    %sub3A_41 = arith.constant 0 : i32
    %sub3A_42 = arith.subi %select_n3A, %sub3A_41 : i32
    %jit3A_43 = arith.constant 0 : i32
    %jit3A_44 = arith.constant 40 : i32
    %max3A = arith.maxsi %jit3A_43, %sub3A_42 : i32
    %min3A = arith.minsi %jit3A_44, %max3A : i32
    %add3A_45 = arith.constant 0 : i32
    %add3A_46 = arith.addi %multiple_of3A, %add3A_45 : i32
    %run_scoped3A = arith.constant 0 : i32
    "tpu.region"() ({
      %run_scoped3A_141 = tpu.sem_alloc : memref<!tpu.dma_semaphore, #tpu.memory_space<semaphore_mem>>
      %dma_start3A = arith.constant 0 : i32
      %dma_start3A_142 = tpu.memref_slice %arg3[%run_scoped3A, %add3A_46, %dma_start3A] : memref<2x2672x128xi32, #tpu.memory_space<hbm>> -> memref<1x48x128xi32, #tpu.memory_space<hbm>>
      %dma_start3A_143 = tpu.memref_squeeze %dma_start3A_142 : memref<1x48x128xi32, #tpu.memory_space<hbm>> -> memref<48x128xi32, #tpu.memory_space<hbm>>
      %dma_start3A_144 = arith.constant 0 : i32
      %dma_start3A_145 = tpu.memref_slice %arg3[%run_scoped3A, %add3A_46, %dma_start3A_144] : memref<2x2672x128xi32, #tpu.memory_space<hbm>> -> memref<1x48x128xi32, #tpu.memory_space<hbm>>
      %dma_start3A_146 = tpu.memref_squeeze %dma_start3A_145 : memref<1x48x128xi32, #tpu.memory_space<hbm>> -> memref<48x128xi32, #tpu.memory_space<hbm>>
      tpu.enqueue_dma source(%dma_start3A_146 : memref<48x128xi32, #tpu.memory_space<hbm>>) target(%arg5 : memref<48x128xi32, #tpu.memory_space<vmem>>) target_semaphore(%run_scoped3A_141 : memref<!tpu.dma_semaphore, #tpu.memory_space<semaphore_mem>>)
      %dma_wait3A = arith.constant 0 : i32
      %dma_wait3A_147 = tpu.memref_slice %arg3[%run_scoped3A, %add3A_46, %dma_wait3A] : memref<2x2672x128xi32, #tpu.memory_space<hbm>> -> memref<1x48x128xi32, #tpu.memory_space<hbm>>
      %dma_wait3A_148 = tpu.memref_squeeze %dma_wait3A_147 : memref<1x48x128xi32, #tpu.memory_space<hbm>> -> memref<48x128xi32, #tpu.memory_space<hbm>>
      %dma_wait3A_149 = arith.constant 0 : i32
      %dma_wait3A_150 = tpu.memref_slice %arg3[%run_scoped3A, %add3A_46, %dma_wait3A_149] : memref<2x2672x128xi32, #tpu.memory_space<hbm>> -> memref<1x48x128xi32, #tpu.memory_space<hbm>>
      %dma_wait3A_151 = tpu.memref_squeeze %dma_wait3A_150 : memref<1x48x128xi32, #tpu.memory_space<hbm>> -> memref<48x128xi32, #tpu.memory_space<hbm>>
      tpu.wait_dma2 semaphore(%run_scoped3A_141 : memref<!tpu.dma_semaphore, #tpu.memory_space<semaphore_mem>>) src(%dma_wait3A_151 : memref<48x128xi32, #tpu.memory_space<hbm>>) dst(%arg5 : memref<48x128xi32, #tpu.memory_space<vmem>>)
      tpu.yield
    }) : () -> ()
    %add3A_47 = arith.constant 0 : i32
    %add3A_48 = arith.addi %multiple_of3A, %add3A_47 : i32
    %run_scoped3A_49 = arith.constant 1 : i32
    "tpu.region"() ({
      %run_scoped3A_141 = tpu.sem_alloc : memref<!tpu.dma_semaphore, #tpu.memory_space<semaphore_mem>>
      %dma_start3A = arith.constant 0 : i32
      %dma_start3A_142 = tpu.memref_slice %arg3[%run_scoped3A_49, %add3A_48, %dma_start3A] : memref<2x2672x128xi32, #tpu.memory_space<hbm>> -> memref<1x48x128xi32, #tpu.memory_space<hbm>>
      %dma_start3A_143 = tpu.memref_squeeze %dma_start3A_142 : memref<1x48x128xi32, #tpu.memory_space<hbm>> -> memref<48x128xi32, #tpu.memory_space<hbm>>
      %dma_start3A_144 = arith.constant 0 : i32
      %dma_start3A_145 = tpu.memref_slice %arg3[%run_scoped3A_49, %add3A_48, %dma_start3A_144] : memref<2x2672x128xi32, #tpu.memory_space<hbm>> -> memref<1x48x128xi32, #tpu.memory_space<hbm>>
      %dma_start3A_146 = tpu.memref_squeeze %dma_start3A_145 : memref<1x48x128xi32, #tpu.memory_space<hbm>> -> memref<48x128xi32, #tpu.memory_space<hbm>>
      tpu.enqueue_dma source(%dma_start3A_146 : memref<48x128xi32, #tpu.memory_space<hbm>>) target(%arg6 : memref<48x128xi32, #tpu.memory_space<vmem>>) target_semaphore(%run_scoped3A_141 : memref<!tpu.dma_semaphore, #tpu.memory_space<semaphore_mem>>)
      %dma_wait3A = arith.constant 0 : i32
      %dma_wait3A_147 = tpu.memref_slice %arg3[%run_scoped3A_49, %add3A_48, %dma_wait3A] : memref<2x2672x128xi32, #tpu.memory_space<hbm>> -> memref<1x48x128xi32, #tpu.memory_space<hbm>>
      %dma_wait3A_148 = tpu.memref_squeeze %dma_wait3A_147 : memref<1x48x128xi32, #tpu.memory_space<hbm>> -> memref<48x128xi32, #tpu.memory_space<hbm>>
      %dma_wait3A_149 = arith.constant 0 : i32
      %dma_wait3A_150 = tpu.memref_slice %arg3[%run_scoped3A_49, %add3A_48, %dma_wait3A_149] : memref<2x2672x128xi32, #tpu.memory_space<hbm>> -> memref<1x48x128xi32, #tpu.memory_space<hbm>>
      %dma_wait3A_151 = tpu.memref_squeeze %dma_wait3A_150 : memref<1x48x128xi32, #tpu.memory_space<hbm>> -> memref<48x128xi32, #tpu.memory_space<hbm>>
      tpu.wait_dma2 semaphore(%run_scoped3A_141 : memref<!tpu.dma_semaphore, #tpu.memory_space<semaphore_mem>>) src(%dma_wait3A_151 : memref<48x128xi32, #tpu.memory_space<hbm>>) dst(%arg6 : memref<48x128xi32, #tpu.memory_space<vmem>>)
      tpu.yield
    }) : () -> ()
    %gt3A = arith.constant 0 : i32
    %gt3A_50 = arith.cmpi sgt, %min3A, %gt3A : i32
    %convert_element_type3A = arith.extui %gt3A_50 : i1 to i32
    %cond3A = arith.constant 0 : i32
    %cond3A_51 = arith.cmpi ne, %convert_element_type3A, %cond3A : i32
    scf.if %cond3A_51 {
      %dma_start3A = arith.constant 0 : i32
      %dma_start3A_141 = tpu.memref_slice %arg5[%sub3A_29, %dma_start3A] : memref<48x128xi32, #tpu.memory_space<vmem>> -> memref<1x128xi32, #tpu.memory_space<vmem>>
      %dma_start3A_142 = tpu.memref_squeeze %dma_start3A_141 : memref<1x128xi32, #tpu.memory_space<vmem>> -> memref<128xi32, #tpu.memory_space<vmem>>
      %dma_start3A_143 = arith.constant 0 : i32
      %dma_start3A_144 = arith.constant 0 : i32
      %dma_start3A_145 = tpu.memref_slice %arg2[%dma_start3A_143, %dma_start3A_144] : memref<10000x128xf32, #tpu.memory_space<hbm>> -> memref<10000x128xf32, #tpu.memory_space<hbm>>
      tpu.enqueue_indirect_dma source(%dma_start3A_145 : memref<10000x128xf32, #tpu.memory_space<hbm>>) target(%arg7 : memref<128x128xf32, #tpu.memory_space<vmem>>) offsets(%dma_start3A_142 : memref<128xi32, #tpu.memory_space<vmem>>) semaphore(%arg11 : memref<!tpu.dma_semaphore, #tpu.memory_space<semaphore_mem>>)
    } else {
    }
    %gt3A_52 = arith.constant 1 : i32
    %gt3A_53 = arith.cmpi sgt, %min3A, %gt3A_52 : i32
    %convert_element_type3A_54 = arith.extui %gt3A_53 : i1 to i32
    %cond3A_55 = arith.constant 0 : i32
    %cond3A_56 = arith.cmpi ne, %convert_element_type3A_54, %cond3A_55 : i32
    scf.if %cond3A_56 {
      %add3A_141 = arith.constant 1 : i32
      %add3A_142 = arith.addi %sub3A_29, %add3A_141 : i32
      %dma_start3A = arith.constant 0 : i32
      %dma_start3A_143 = tpu.memref_slice %arg5[%add3A_142, %dma_start3A] : memref<48x128xi32, #tpu.memory_space<vmem>> -> memref<1x128xi32, #tpu.memory_space<vmem>>
      %dma_start3A_144 = tpu.memref_squeeze %dma_start3A_143 : memref<1x128xi32, #tpu.memory_space<vmem>> -> memref<128xi32, #tpu.memory_space<vmem>>
      %dma_start3A_145 = arith.constant 0 : i32
      %dma_start3A_146 = arith.constant 0 : i32
      %dma_start3A_147 = tpu.memref_slice %arg2[%dma_start3A_145, %dma_start3A_146] : memref<10000x128xf32, #tpu.memory_space<hbm>> -> memref<10000x128xf32, #tpu.memory_space<hbm>>
      tpu.enqueue_indirect_dma source(%dma_start3A_147 : memref<10000x128xf32, #tpu.memory_space<hbm>>) target(%arg8 : memref<128x128xf32, #tpu.memory_space<vmem>>) offsets(%dma_start3A_144 : memref<128xi32, #tpu.memory_space<vmem>>) semaphore(%arg12 : memref<!tpu.dma_semaphore, #tpu.memory_space<semaphore_mem>>)
    } else {
    }
    %while3A = arith.constant 0 : i32
    %while3A_57 = arith.constant 0 : i32
    %while3A_58 = arith.subi %min3A, %while3A : i32
    %while3A_59 = arith.addi %while3A, %while3A_58 : i32
    %while3A_60 = arith.constant 1 : i32
    %while3A_61 = arith.divsi %while3A_58, %while3A_60 : i32
    %while3A_62 = arith.muli %while3A_61, %while3A_60 : i32
    %while3A_63 = arith.addi %while3A, %while3A_62 : i32
    %while3A_64 = arith.constant 1 : i32
    %while3A_65 = scf.for %while3A_141 = %while3A to %while3A_63 step %while3A_64 iter_args(%while3A_142 = %while3A_57) -> (i32)  : i32 {
      %jit3A_143 = arith.constant 2 : i32
      %eq3A_144 = arith.constant 0 : i32
      %eq3A_145 = arith.cmpi eq, %jit3A_143, %eq3A_144 : i32
      %jit3A_146 = arith.constant 1 : i32
      %select_n3A_147 = arith.select %eq3A_145, %jit3A_146, %jit3A_143 : i32
      %rem3A_148 = arith.remsi %while3A_141, %select_n3A_147 : i32
      %ne3A_149 = arith.constant 0 : i32
      %ne3A_150 = arith.cmpi ne, %rem3A_148, %ne3A_149 : i32
      %lt3A = arith.constant 0 : i32
      %lt3A_151 = arith.cmpi slt, %rem3A_148, %lt3A : i32
      %lt3A_152 = arith.constant 0 : i32
      %lt3A_153 = arith.cmpi slt, %select_n3A_147, %lt3A_152 : i32
      %ne3A_154 = arith.xori %lt3A_151, %lt3A_153 : i1
      %and3A_155 = arith.andi %ne3A_154, %ne3A_150 : i1
      %add3A_156 = arith.addi %rem3A_148, %select_n3A_147 : i32
      %select_n3A_157 = arith.select %and3A_155, %add3A_156, %rem3A_148 : i32
      %eq3A_158 = arith.constant 0 : i32
      %eq3A_159 = arith.cmpi eq, %select_n3A_157, %eq3A_158 : i32
      %convert_element_type3A_160 = arith.extui %eq3A_159 : i1 to i32
      %cond3A_161 = arith.constant 0 : i32
      %cond3A_162 = arith.cmpi ne, %convert_element_type3A_160, %cond3A_161 : i32
      scf.if %cond3A_162 {
        %add3A_185 = arith.addi %sub3A_29, %while3A_141 : i32
        %dma_wait3A = arith.constant 0 : i32
        %dma_wait3A_186 = tpu.memref_slice %arg5[%add3A_185, %dma_wait3A] : memref<48x128xi32, #tpu.memory_space<vmem>> -> memref<1x128xi32, #tpu.memory_space<vmem>>
        %dma_wait3A_187 = tpu.memref_squeeze %dma_wait3A_186 : memref<1x128xi32, #tpu.memory_space<vmem>> -> memref<128xi32, #tpu.memory_space<vmem>>
        %dma_wait3A_188 = arith.constant 0 : i32
        %dma_wait3A_189 = arith.constant 0 : i32
        %dma_wait3A_190 = tpu.memref_slice %arg2[%dma_wait3A_188, %dma_wait3A_189] : memref<10000x128xf32, #tpu.memory_space<hbm>> -> memref<10000x128xf32, #tpu.memory_space<hbm>>
        tpu.wait_indirect_dma semaphore(%arg11 : memref<!tpu.dma_semaphore, #tpu.memory_space<semaphore_mem>>) src(%dma_wait3A_190 : memref<10000x128xf32, #tpu.memory_space<hbm>>) dst(%arg7 : memref<128x128xf32, #tpu.memory_space<vmem>>)
        %add3A_191 = arith.addi %sub3A_29, %while3A_141 : i32
        "tpu.region"() ({
          %run_scoped3A_198 = tpu.sem_alloc : memref<!tpu.dma_semaphore, #tpu.memory_space<semaphore_mem>>
          %dma_start3A = arith.constant 0 : i32
          %dma_start3A_199 = tpu.memref_slice %arg6[%add3A_191, %dma_start3A] : memref<48x128xi32, #tpu.memory_space<vmem>> -> memref<1x128xi32, #tpu.memory_space<vmem>>
          %dma_start3A_200 = tpu.memref_squeeze %dma_start3A_199 : memref<1x128xi32, #tpu.memory_space<vmem>> -> memref<128xi32, #tpu.memory_space<vmem>>
          %dma_start3A_201 = arith.constant 0 : i32
          %dma_start3A_202 = arith.constant 0 : i32
          %dma_start3A_203 = tpu.memref_slice %arg10[%dma_start3A_201, %dma_start3A_202] : memref<10240x128xf32, #tpu.memory_space<vmem_shared>> -> memref<10240x128xf32, #tpu.memory_space<vmem_shared>>
          tpu.enqueue_indirect_dma source(%arg7 : memref<128x128xf32, #tpu.memory_space<vmem>>) target(%dma_start3A_203 : memref<10240x128xf32, #tpu.memory_space<vmem_shared>>) offsets(%dma_start3A_200 : memref<128xi32, #tpu.memory_space<vmem>>) semaphore(%run_scoped3A_198 : memref<!tpu.dma_semaphore, #tpu.memory_space<semaphore_mem>>) {add = true}
          %dma_wait3A_204 = arith.constant 0 : i32
          %dma_wait3A_205 = tpu.memref_slice %arg6[%add3A_191, %dma_wait3A_204] : memref<48x128xi32, #tpu.memory_space<vmem>> -> memref<1x128xi32, #tpu.memory_space<vmem>>
          %dma_wait3A_206 = tpu.memref_squeeze %dma_wait3A_205 : memref<1x128xi32, #tpu.memory_space<vmem>> -> memref<128xi32, #tpu.memory_space<vmem>>
          %dma_wait3A_207 = arith.constant 0 : i32
          %dma_wait3A_208 = arith.constant 0 : i32
          %dma_wait3A_209 = tpu.memref_slice %arg10[%dma_wait3A_207, %dma_wait3A_208] : memref<10240x128xf32, #tpu.memory_space<vmem_shared>> -> memref<10240x128xf32, #tpu.memory_space<vmem_shared>>
          tpu.wait_indirect_dma semaphore(%run_scoped3A_198 : memref<!tpu.dma_semaphore, #tpu.memory_space<semaphore_mem>>) src(%arg7 : memref<128x128xf32, #tpu.memory_space<vmem>>) dst(%dma_wait3A_209 : memref<10240x128xf32, #tpu.memory_space<vmem_shared>>)
          tpu.yield
        }) : () -> ()
        %sub3A_192 = arith.constant 2 : i32
        %sub3A_193 = arith.subi %min3A, %sub3A_192 : i32
        %lt3A_194 = arith.cmpi slt, %while3A_141, %sub3A_193 : i32
        %convert_element_type3A_195 = arith.extui %lt3A_194 : i1 to i32
        %cond3A_196 = arith.constant 0 : i32
        %cond3A_197 = arith.cmpi ne, %convert_element_type3A_195, %cond3A_196 : i32
        scf.if %cond3A_197 {
          %add3A_198 = arith.addi %sub3A_29, %while3A_141 : i32
          %add3A_199 = arith.constant 2 : i32
          %add3A_200 = arith.addi %add3A_198, %add3A_199 : i32
          %dma_start3A = arith.constant 0 : i32
          %dma_start3A_201 = tpu.memref_slice %arg5[%add3A_200, %dma_start3A] : memref<48x128xi32, #tpu.memory_space<vmem>> -> memref<1x128xi32, #tpu.memory_space<vmem>>
          %dma_start3A_202 = tpu.memref_squeeze %dma_start3A_201 : memref<1x128xi32, #tpu.memory_space<vmem>> -> memref<128xi32, #tpu.memory_space<vmem>>
          %dma_start3A_203 = arith.constant 0 : i32
          %dma_start3A_204 = arith.constant 0 : i32
          %dma_start3A_205 = tpu.memref_slice %arg2[%dma_start3A_203, %dma_start3A_204] : memref<10000x128xf32, #tpu.memory_space<hbm>> -> memref<10000x128xf32, #tpu.memory_space<hbm>>
          tpu.enqueue_indirect_dma source(%dma_start3A_205 : memref<10000x128xf32, #tpu.memory_space<hbm>>) target(%arg7 : memref<128x128xf32, #tpu.memory_space<vmem>>) offsets(%dma_start3A_202 : memref<128xi32, #tpu.memory_space<vmem>>) semaphore(%arg11 : memref<!tpu.dma_semaphore, #tpu.memory_space<semaphore_mem>>)
        } else {
        }
      } else {
      }
      %jit3A_163 = arith.constant 2 : i32
      %eq3A_164 = arith.constant 0 : i32
      %eq3A_165 = arith.cmpi eq, %jit3A_163, %eq3A_164 : i32
      %jit3A_166 = arith.constant 1 : i32
      %select_n3A_167 = arith.select %eq3A_165, %jit3A_166, %jit3A_163 : i32
      %rem3A_168 = arith.remsi %while3A_141, %select_n3A_167 : i32
      %ne3A_169 = arith.constant 0 : i32
      %ne3A_170 = arith.cmpi ne, %rem3A_168, %ne3A_169 : i32
      %lt3A_171 = arith.constant 0 : i32
      %lt3A_172 = arith.cmpi slt, %rem3A_168, %lt3A_171 : i32
      %lt3A_173 = arith.constant 0 : i32
      %lt3A_174 = arith.cmpi slt, %select_n3A_167, %lt3A_173 : i32
      %ne3A_175 = arith.xori %lt3A_172, %lt3A_174 : i1
      %and3A_176 = arith.andi %ne3A_175, %ne3A_170 : i1
      %add3A_177 = arith.addi %rem3A_168, %select_n3A_167 : i32
      %select_n3A_178 = arith.select %and3A_176, %add3A_177, %rem3A_168 : i32
      %eq3A_179 = arith.constant 1 : i32
      %eq3A_180 = arith.cmpi eq, %select_n3A_178, %eq3A_179 : i32
      %convert_element_type3A_181 = arith.extui %eq3A_180 : i1 to i32
      %cond3A_182 = arith.constant 0 : i32
      %cond3A_183 = arith.cmpi ne, %convert_element_type3A_181, %cond3A_182 : i32
      scf.if %cond3A_183 {
        %add3A_185 = arith.addi %sub3A_29, %while3A_141 : i32
        %dma_wait3A = arith.constant 0 : i32
        %dma_wait3A_186 = tpu.memref_slice %arg5[%add3A_185, %dma_wait3A] : memref<48x128xi32, #tpu.memory_space<vmem>> -> memref<1x128xi32, #tpu.memory_space<vmem>>
        %dma_wait3A_187 = tpu.memref_squeeze %dma_wait3A_186 : memref<1x128xi32, #tpu.memory_space<vmem>> -> memref<128xi32, #tpu.memory_space<vmem>>
        %dma_wait3A_188 = arith.constant 0 : i32
        %dma_wait3A_189 = arith.constant 0 : i32
        %dma_wait3A_190 = tpu.memref_slice %arg2[%dma_wait3A_188, %dma_wait3A_189] : memref<10000x128xf32, #tpu.memory_space<hbm>> -> memref<10000x128xf32, #tpu.memory_space<hbm>>
        tpu.wait_indirect_dma semaphore(%arg12 : memref<!tpu.dma_semaphore, #tpu.memory_space<semaphore_mem>>) src(%dma_wait3A_190 : memref<10000x128xf32, #tpu.memory_space<hbm>>) dst(%arg8 : memref<128x128xf32, #tpu.memory_space<vmem>>)
        %add3A_191 = arith.addi %sub3A_29, %while3A_141 : i32
        "tpu.region"() ({
          %run_scoped3A_198 = tpu.sem_alloc : memref<!tpu.dma_semaphore, #tpu.memory_space<semaphore_mem>>
          %dma_start3A = arith.constant 0 : i32
          %dma_start3A_199 = tpu.memref_slice %arg6[%add3A_191, %dma_start3A] : memref<48x128xi32, #tpu.memory_space<vmem>> -> memref<1x128xi32, #tpu.memory_space<vmem>>
          %dma_start3A_200 = tpu.memref_squeeze %dma_start3A_199 : memref<1x128xi32, #tpu.memory_space<vmem>> -> memref<128xi32, #tpu.memory_space<vmem>>
          %dma_start3A_201 = arith.constant 0 : i32
          %dma_start3A_202 = arith.constant 0 : i32
          %dma_start3A_203 = tpu.memref_slice %arg10[%dma_start3A_201, %dma_start3A_202] : memref<10240x128xf32, #tpu.memory_space<vmem_shared>> -> memref<10240x128xf32, #tpu.memory_space<vmem_shared>>
          tpu.enqueue_indirect_dma source(%arg8 : memref<128x128xf32, #tpu.memory_space<vmem>>) target(%dma_start3A_203 : memref<10240x128xf32, #tpu.memory_space<vmem_shared>>) offsets(%dma_start3A_200 : memref<128xi32, #tpu.memory_space<vmem>>) semaphore(%run_scoped3A_198 : memref<!tpu.dma_semaphore, #tpu.memory_space<semaphore_mem>>) {add = true}
          %dma_wait3A_204 = arith.constant 0 : i32
          %dma_wait3A_205 = tpu.memref_slice %arg6[%add3A_191, %dma_wait3A_204] : memref<48x128xi32, #tpu.memory_space<vmem>> -> memref<1x128xi32, #tpu.memory_space<vmem>>
          %dma_wait3A_206 = tpu.memref_squeeze %dma_wait3A_205 : memref<1x128xi32, #tpu.memory_space<vmem>> -> memref<128xi32, #tpu.memory_space<vmem>>
          %dma_wait3A_207 = arith.constant 0 : i32
          %dma_wait3A_208 = arith.constant 0 : i32
          %dma_wait3A_209 = tpu.memref_slice %arg10[%dma_wait3A_207, %dma_wait3A_208] : memref<10240x128xf32, #tpu.memory_space<vmem_shared>> -> memref<10240x128xf32, #tpu.memory_space<vmem_shared>>
          tpu.wait_indirect_dma semaphore(%run_scoped3A_198 : memref<!tpu.dma_semaphore, #tpu.memory_space<semaphore_mem>>) src(%arg8 : memref<128x128xf32, #tpu.memory_space<vmem>>) dst(%dma_wait3A_209 : memref<10240x128xf32, #tpu.memory_space<vmem_shared>>)
          tpu.yield
        }) : () -> ()
        %sub3A_192 = arith.constant 2 : i32
        %sub3A_193 = arith.subi %min3A, %sub3A_192 : i32
        %lt3A_194 = arith.cmpi slt, %while3A_141, %sub3A_193 : i32
        %convert_element_type3A_195 = arith.extui %lt3A_194 : i1 to i32
        %cond3A_196 = arith.constant 0 : i32
        %cond3A_197 = arith.cmpi ne, %convert_element_type3A_195, %cond3A_196 : i32
        scf.if %cond3A_197 {
          %add3A_198 = arith.addi %sub3A_29, %while3A_141 : i32
          %add3A_199 = arith.constant 2 : i32
          %add3A_200 = arith.addi %add3A_198, %add3A_199 : i32
          %dma_start3A = arith.constant 0 : i32
          %dma_start3A_201 = tpu.memref_slice %arg5[%add3A_200, %dma_start3A] : memref<48x128xi32, #tpu.memory_space<vmem>> -> memref<1x128xi32, #tpu.memory_space<vmem>>
          %dma_start3A_202 = tpu.memref_squeeze %dma_start3A_201 : memref<1x128xi32, #tpu.memory_space<vmem>> -> memref<128xi32, #tpu.memory_space<vmem>>
          %dma_start3A_203 = arith.constant 0 : i32
          %dma_start3A_204 = arith.constant 0 : i32
          %dma_start3A_205 = tpu.memref_slice %arg2[%dma_start3A_203, %dma_start3A_204] : memref<10000x128xf32, #tpu.memory_space<hbm>> -> memref<10000x128xf32, #tpu.memory_space<hbm>>
          tpu.enqueue_indirect_dma source(%dma_start3A_205 : memref<10000x128xf32, #tpu.memory_space<hbm>>) target(%arg8 : memref<128x128xf32, #tpu.memory_space<vmem>>) offsets(%dma_start3A_202 : memref<128xi32, #tpu.memory_space<vmem>>) semaphore(%arg12 : memref<!tpu.dma_semaphore, #tpu.memory_space<semaphore_mem>>)
        } else {
        }
      } else {
      }
      %while3A_184 = arith.constant 0 : i32
      scf.yield %while3A_184 : i32
    }
    %while3A_66 = arith.constant 1 : i32
    %while3A_67 = scf.for %while3A_141 = %while3A_63 to %while3A_59 step %while3A_66 iter_args(%while3A_142 = %while3A_65) -> (i32)  : i32 {
      %jit3A_143 = arith.constant 2 : i32
      %eq3A_144 = arith.constant 0 : i32
      %eq3A_145 = arith.cmpi eq, %jit3A_143, %eq3A_144 : i32
      %jit3A_146 = arith.constant 1 : i32
      %select_n3A_147 = arith.select %eq3A_145, %jit3A_146, %jit3A_143 : i32
      %rem3A_148 = arith.remsi %while3A_141, %select_n3A_147 : i32
      %ne3A_149 = arith.constant 0 : i32
      %ne3A_150 = arith.cmpi ne, %rem3A_148, %ne3A_149 : i32
      %lt3A = arith.constant 0 : i32
      %lt3A_151 = arith.cmpi slt, %rem3A_148, %lt3A : i32
      %lt3A_152 = arith.constant 0 : i32
      %lt3A_153 = arith.cmpi slt, %select_n3A_147, %lt3A_152 : i32
      %ne3A_154 = arith.xori %lt3A_151, %lt3A_153 : i1
      %and3A_155 = arith.andi %ne3A_154, %ne3A_150 : i1
      %add3A_156 = arith.addi %rem3A_148, %select_n3A_147 : i32
      %select_n3A_157 = arith.select %and3A_155, %add3A_156, %rem3A_148 : i32
      %eq3A_158 = arith.constant 0 : i32
      %eq3A_159 = arith.cmpi eq, %select_n3A_157, %eq3A_158 : i32
      %convert_element_type3A_160 = arith.extui %eq3A_159 : i1 to i32
      %cond3A_161 = arith.constant 0 : i32
      %cond3A_162 = arith.cmpi ne, %convert_element_type3A_160, %cond3A_161 : i32
      scf.if %cond3A_162 {
        %add3A_185 = arith.addi %sub3A_29, %while3A_141 : i32
        %dma_wait3A = arith.constant 0 : i32
        %dma_wait3A_186 = tpu.memref_slice %arg5[%add3A_185, %dma_wait3A] : memref<48x128xi32, #tpu.memory_space<vmem>> -> memref<1x128xi32, #tpu.memory_space<vmem>>
        %dma_wait3A_187 = tpu.memref_squeeze %dma_wait3A_186 : memref<1x128xi32, #tpu.memory_space<vmem>> -> memref<128xi32, #tpu.memory_space<vmem>>
        %dma_wait3A_188 = arith.constant 0 : i32
        %dma_wait3A_189 = arith.constant 0 : i32
        %dma_wait3A_190 = tpu.memref_slice %arg2[%dma_wait3A_188, %dma_wait3A_189] : memref<10000x128xf32, #tpu.memory_space<hbm>> -> memref<10000x128xf32, #tpu.memory_space<hbm>>
        tpu.wait_indirect_dma semaphore(%arg11 : memref<!tpu.dma_semaphore, #tpu.memory_space<semaphore_mem>>) src(%dma_wait3A_190 : memref<10000x128xf32, #tpu.memory_space<hbm>>) dst(%arg7 : memref<128x128xf32, #tpu.memory_space<vmem>>)
        %add3A_191 = arith.addi %sub3A_29, %while3A_141 : i32
        "tpu.region"() ({
          %run_scoped3A_198 = tpu.sem_alloc : memref<!tpu.dma_semaphore, #tpu.memory_space<semaphore_mem>>
          %dma_start3A = arith.constant 0 : i32
          %dma_start3A_199 = tpu.memref_slice %arg6[%add3A_191, %dma_start3A] : memref<48x128xi32, #tpu.memory_space<vmem>> -> memref<1x128xi32, #tpu.memory_space<vmem>>
          %dma_start3A_200 = tpu.memref_squeeze %dma_start3A_199 : memref<1x128xi32, #tpu.memory_space<vmem>> -> memref<128xi32, #tpu.memory_space<vmem>>
          %dma_start3A_201 = arith.constant 0 : i32
          %dma_start3A_202 = arith.constant 0 : i32
          %dma_start3A_203 = tpu.memref_slice %arg10[%dma_start3A_201, %dma_start3A_202] : memref<10240x128xf32, #tpu.memory_space<vmem_shared>> -> memref<10240x128xf32, #tpu.memory_space<vmem_shared>>
          tpu.enqueue_indirect_dma source(%arg7 : memref<128x128xf32, #tpu.memory_space<vmem>>) target(%dma_start3A_203 : memref<10240x128xf32, #tpu.memory_space<vmem_shared>>) offsets(%dma_start3A_200 : memref<128xi32, #tpu.memory_space<vmem>>) semaphore(%run_scoped3A_198 : memref<!tpu.dma_semaphore, #tpu.memory_space<semaphore_mem>>) {add = true}
          %dma_wait3A_204 = arith.constant 0 : i32
          %dma_wait3A_205 = tpu.memref_slice %arg6[%add3A_191, %dma_wait3A_204] : memref<48x128xi32, #tpu.memory_space<vmem>> -> memref<1x128xi32, #tpu.memory_space<vmem>>
          %dma_wait3A_206 = tpu.memref_squeeze %dma_wait3A_205 : memref<1x128xi32, #tpu.memory_space<vmem>> -> memref<128xi32, #tpu.memory_space<vmem>>
          %dma_wait3A_207 = arith.constant 0 : i32
          %dma_wait3A_208 = arith.constant 0 : i32
          %dma_wait3A_209 = tpu.memref_slice %arg10[%dma_wait3A_207, %dma_wait3A_208] : memref<10240x128xf32, #tpu.memory_space<vmem_shared>> -> memref<10240x128xf32, #tpu.memory_space<vmem_shared>>
          tpu.wait_indirect_dma semaphore(%run_scoped3A_198 : memref<!tpu.dma_semaphore, #tpu.memory_space<semaphore_mem>>) src(%arg7 : memref<128x128xf32, #tpu.memory_space<vmem>>) dst(%dma_wait3A_209 : memref<10240x128xf32, #tpu.memory_space<vmem_shared>>)
          tpu.yield
        }) : () -> ()
        %sub3A_192 = arith.constant 2 : i32
        %sub3A_193 = arith.subi %min3A, %sub3A_192 : i32
        %lt3A_194 = arith.cmpi slt, %while3A_141, %sub3A_193 : i32
        %convert_element_type3A_195 = arith.extui %lt3A_194 : i1 to i32
        %cond3A_196 = arith.constant 0 : i32
        %cond3A_197 = arith.cmpi ne, %convert_element_type3A_195, %cond3A_196 : i32
        scf.if %cond3A_197 {
          %add3A_198 = arith.addi %sub3A_29, %while3A_141 : i32
          %add3A_199 = arith.constant 2 : i32
          %add3A_200 = arith.addi %add3A_198, %add3A_199 : i32
          %dma_start3A = arith.constant 0 : i32
          %dma_start3A_201 = tpu.memref_slice %arg5[%add3A_200, %dma_start3A] : memref<48x128xi32, #tpu.memory_space<vmem>> -> memref<1x128xi32, #tpu.memory_space<vmem>>
          %dma_start3A_202 = tpu.memref_squeeze %dma_start3A_201 : memref<1x128xi32, #tpu.memory_space<vmem>> -> memref<128xi32, #tpu.memory_space<vmem>>
          %dma_start3A_203 = arith.constant 0 : i32
          %dma_start3A_204 = arith.constant 0 : i32
          %dma_start3A_205 = tpu.memref_slice %arg2[%dma_start3A_203, %dma_start3A_204] : memref<10000x128xf32, #tpu.memory_space<hbm>> -> memref<10000x128xf32, #tpu.memory_space<hbm>>
          tpu.enqueue_indirect_dma source(%dma_start3A_205 : memref<10000x128xf32, #tpu.memory_space<hbm>>) target(%arg7 : memref<128x128xf32, #tpu.memory_space<vmem>>) offsets(%dma_start3A_202 : memref<128xi32, #tpu.memory_space<vmem>>) semaphore(%arg11 : memref<!tpu.dma_semaphore, #tpu.memory_space<semaphore_mem>>)
        } else {
        }
      } else {
      }
      %jit3A_163 = arith.constant 2 : i32
      %eq3A_164 = arith.constant 0 : i32
      %eq3A_165 = arith.cmpi eq, %jit3A_163, %eq3A_164 : i32
      %jit3A_166 = arith.constant 1 : i32
      %select_n3A_167 = arith.select %eq3A_165, %jit3A_166, %jit3A_163 : i32
      %rem3A_168 = arith.remsi %while3A_141, %select_n3A_167 : i32
      %ne3A_169 = arith.constant 0 : i32
      %ne3A_170 = arith.cmpi ne, %rem3A_168, %ne3A_169 : i32
      %lt3A_171 = arith.constant 0 : i32
      %lt3A_172 = arith.cmpi slt, %rem3A_168, %lt3A_171 : i32
      %lt3A_173 = arith.constant 0 : i32
      %lt3A_174 = arith.cmpi slt, %select_n3A_167, %lt3A_173 : i32
      %ne3A_175 = arith.xori %lt3A_172, %lt3A_174 : i1
      %and3A_176 = arith.andi %ne3A_175, %ne3A_170 : i1
      %add3A_177 = arith.addi %rem3A_168, %select_n3A_167 : i32
      %select_n3A_178 = arith.select %and3A_176, %add3A_177, %rem3A_168 : i32
      %eq3A_179 = arith.constant 1 : i32
      %eq3A_180 = arith.cmpi eq, %select_n3A_178, %eq3A_179 : i32
      %convert_element_type3A_181 = arith.extui %eq3A_180 : i1 to i32
      %cond3A_182 = arith.constant 0 : i32
      %cond3A_183 = arith.cmpi ne, %convert_element_type3A_181, %cond3A_182 : i32
      scf.if %cond3A_183 {
        %add3A_185 = arith.addi %sub3A_29, %while3A_141 : i32
        %dma_wait3A = arith.constant 0 : i32
        %dma_wait3A_186 = tpu.memref_slice %arg5[%add3A_185, %dma_wait3A] : memref<48x128xi32, #tpu.memory_space<vmem>> -> memref<1x128xi32, #tpu.memory_space<vmem>>
        %dma_wait3A_187 = tpu.memref_squeeze %dma_wait3A_186 : memref<1x128xi32, #tpu.memory_space<vmem>> -> memref<128xi32, #tpu.memory_space<vmem>>
        %dma_wait3A_188 = arith.constant 0 : i32
        %dma_wait3A_189 = arith.constant 0 : i32
        %dma_wait3A_190 = tpu.memref_slice %arg2[%dma_wait3A_188, %dma_wait3A_189] : memref<10000x128xf32, #tpu.memory_space<hbm>> -> memref<10000x128xf32, #tpu.memory_space<hbm>>
        tpu.wait_indirect_dma semaphore(%arg12 : memref<!tpu.dma_semaphore, #tpu.memory_space<semaphore_mem>>) src(%dma_wait3A_190 : memref<10000x128xf32, #tpu.memory_space<hbm>>) dst(%arg8 : memref<128x128xf32, #tpu.memory_space<vmem>>)
        %add3A_191 = arith.addi %sub3A_29, %while3A_141 : i32
        "tpu.region"() ({
          %run_scoped3A_198 = tpu.sem_alloc : memref<!tpu.dma_semaphore, #tpu.memory_space<semaphore_mem>>
          %dma_start3A = arith.constant 0 : i32
          %dma_start3A_199 = tpu.memref_slice %arg6[%add3A_191, %dma_start3A] : memref<48x128xi32, #tpu.memory_space<vmem>> -> memref<1x128xi32, #tpu.memory_space<vmem>>
          %dma_start3A_200 = tpu.memref_squeeze %dma_start3A_199 : memref<1x128xi32, #tpu.memory_space<vmem>> -> memref<128xi32, #tpu.memory_space<vmem>>
          %dma_start3A_201 = arith.constant 0 : i32
          %dma_start3A_202 = arith.constant 0 : i32
          %dma_start3A_203 = tpu.memref_slice %arg10[%dma_start3A_201, %dma_start3A_202] : memref<10240x128xf32, #tpu.memory_space<vmem_shared>> -> memref<10240x128xf32, #tpu.memory_space<vmem_shared>>
          tpu.enqueue_indirect_dma source(%arg8 : memref<128x128xf32, #tpu.memory_space<vmem>>) target(%dma_start3A_203 : memref<10240x128xf32, #tpu.memory_space<vmem_shared>>) offsets(%dma_start3A_200 : memref<128xi32, #tpu.memory_space<vmem>>) semaphore(%run_scoped3A_198 : memref<!tpu.dma_semaphore, #tpu.memory_space<semaphore_mem>>) {add = true}
          %dma_wait3A_204 = arith.constant 0 : i32
          %dma_wait3A_205 = tpu.memref_slice %arg6[%add3A_191, %dma_wait3A_204] : memref<48x128xi32, #tpu.memory_space<vmem>> -> memref<1x128xi32, #tpu.memory_space<vmem>>
          %dma_wait3A_206 = tpu.memref_squeeze %dma_wait3A_205 : memref<1x128xi32, #tpu.memory_space<vmem>> -> memref<128xi32, #tpu.memory_space<vmem>>
          %dma_wait3A_207 = arith.constant 0 : i32
          %dma_wait3A_208 = arith.constant 0 : i32
          %dma_wait3A_209 = tpu.memref_slice %arg10[%dma_wait3A_207, %dma_wait3A_208] : memref<10240x128xf32, #tpu.memory_space<vmem_shared>> -> memref<10240x128xf32, #tpu.memory_space<vmem_shared>>
          tpu.wait_indirect_dma semaphore(%run_scoped3A_198 : memref<!tpu.dma_semaphore, #tpu.memory_space<semaphore_mem>>) src(%arg8 : memref<128x128xf32, #tpu.memory_space<vmem>>) dst(%dma_wait3A_209 : memref<10240x128xf32, #tpu.memory_space<vmem_shared>>)
          tpu.yield
        }) : () -> ()
        %sub3A_192 = arith.constant 2 : i32
        %sub3A_193 = arith.subi %min3A, %sub3A_192 : i32
        %lt3A_194 = arith.cmpi slt, %while3A_141, %sub3A_193 : i32
        %convert_element_type3A_195 = arith.extui %lt3A_194 : i1 to i32
        %cond3A_196 = arith.constant 0 : i32
        %cond3A_197 = arith.cmpi ne, %convert_element_type3A_195, %cond3A_196 : i32
        scf.if %cond3A_197 {
          %add3A_198 = arith.addi %sub3A_29, %while3A_141 : i32
          %add3A_199 = arith.constant 2 : i32
          %add3A_200 = arith.addi %add3A_198, %add3A_199 : i32
          %dma_start3A = arith.constant 0 : i32
          %dma_start3A_201 = tpu.memref_slice %arg5[%add3A_200, %dma_start3A] : memref<48x128xi32, #tpu.memory_space<vmem>> -> memref<1x128xi32, #tpu.memory_space<vmem>>
          %dma_start3A_202 = tpu.memref_squeeze %dma_start3A_201 : memref<1x128xi32, #tpu.memory_space<vmem>> -> memref<128xi32, #tpu.memory_space<vmem>>
          %dma_start3A_203 = arith.constant 0 : i32
          %dma_start3A_204 = arith.constant 0 : i32
          %dma_start3A_205 = tpu.memref_slice %arg2[%dma_start3A_203, %dma_start3A_204] : memref<10000x128xf32, #tpu.memory_space<hbm>> -> memref<10000x128xf32, #tpu.memory_space<hbm>>
          tpu.enqueue_indirect_dma source(%dma_start3A_205 : memref<10000x128xf32, #tpu.memory_space<hbm>>) target(%arg8 : memref<128x128xf32, #tpu.memory_space<vmem>>) offsets(%dma_start3A_202 : memref<128xi32, #tpu.memory_space<vmem>>) semaphore(%arg12 : memref<!tpu.dma_semaphore, #tpu.memory_space<semaphore_mem>>)
        } else {
        }
      } else {
      }
      %while3A_184 = arith.constant 0 : i32
      scf.yield %while3A_184 : i32
    }
    %sub3A_68 = arith.constant 40 : i32
    %sub3A_69 = arith.subi %select_n3A, %sub3A_68 : i32
    %jit3A_70 = arith.constant 0 : i32
    %jit3A_71 = arith.constant 40 : i32
    %max3A_72 = arith.maxsi %jit3A_70, %sub3A_69 : i32
    %min3A_73 = arith.minsi %jit3A_71, %max3A_72 : i32
    %add3A_74 = arith.constant 40 : i32
    %add3A_75 = arith.addi %multiple_of3A, %add3A_74 : i32
    %run_scoped3A_76 = arith.constant 0 : i32
    "tpu.region"() ({
      %run_scoped3A_141 = tpu.sem_alloc : memref<!tpu.dma_semaphore, #tpu.memory_space<semaphore_mem>>
      %dma_start3A = arith.constant 0 : i32
      %dma_start3A_142 = tpu.memref_slice %arg3[%run_scoped3A_76, %add3A_75, %dma_start3A] : memref<2x2672x128xi32, #tpu.memory_space<hbm>> -> memref<1x48x128xi32, #tpu.memory_space<hbm>>
      %dma_start3A_143 = tpu.memref_squeeze %dma_start3A_142 : memref<1x48x128xi32, #tpu.memory_space<hbm>> -> memref<48x128xi32, #tpu.memory_space<hbm>>
      %dma_start3A_144 = arith.constant 0 : i32
      %dma_start3A_145 = tpu.memref_slice %arg3[%run_scoped3A_76, %add3A_75, %dma_start3A_144] : memref<2x2672x128xi32, #tpu.memory_space<hbm>> -> memref<1x48x128xi32, #tpu.memory_space<hbm>>
      %dma_start3A_146 = tpu.memref_squeeze %dma_start3A_145 : memref<1x48x128xi32, #tpu.memory_space<hbm>> -> memref<48x128xi32, #tpu.memory_space<hbm>>
      tpu.enqueue_dma source(%dma_start3A_146 : memref<48x128xi32, #tpu.memory_space<hbm>>) target(%arg5 : memref<48x128xi32, #tpu.memory_space<vmem>>) target_semaphore(%run_scoped3A_141 : memref<!tpu.dma_semaphore, #tpu.memory_space<semaphore_mem>>)
      %dma_wait3A = arith.constant 0 : i32
      %dma_wait3A_147 = tpu.memref_slice %arg3[%run_scoped3A_76, %add3A_75, %dma_wait3A] : memref<2x2672x128xi32, #tpu.memory_space<hbm>> -> memref<1x48x128xi32, #tpu.memory_space<hbm>>
      %dma_wait3A_148 = tpu.memref_squeeze %dma_wait3A_147 : memref<1x48x128xi32, #tpu.memory_space<hbm>> -> memref<48x128xi32, #tpu.memory_space<hbm>>
      %dma_wait3A_149 = arith.constant 0 : i32
      %dma_wait3A_150 = tpu.memref_slice %arg3[%run_scoped3A_76, %add3A_75, %dma_wait3A_149] : memref<2x2672x128xi32, #tpu.memory_space<hbm>> -> memref<1x48x128xi32, #tpu.memory_space<hbm>>
      %dma_wait3A_151 = tpu.memref_squeeze %dma_wait3A_150 : memref<1x48x128xi32, #tpu.memory_space<hbm>> -> memref<48x128xi32, #tpu.memory_space<hbm>>
      tpu.wait_dma2 semaphore(%run_scoped3A_141 : memref<!tpu.dma_semaphore, #tpu.memory_space<semaphore_mem>>) src(%dma_wait3A_151 : memref<48x128xi32, #tpu.memory_space<hbm>>) dst(%arg5 : memref<48x128xi32, #tpu.memory_space<vmem>>)
      tpu.yield
    }) : () -> ()
    %add3A_77 = arith.constant 40 : i32
    %add3A_78 = arith.addi %multiple_of3A, %add3A_77 : i32
    %run_scoped3A_79 = arith.constant 1 : i32
    "tpu.region"() ({
      %run_scoped3A_141 = tpu.sem_alloc : memref<!tpu.dma_semaphore, #tpu.memory_space<semaphore_mem>>
      %dma_start3A = arith.constant 0 : i32
      %dma_start3A_142 = tpu.memref_slice %arg3[%run_scoped3A_79, %add3A_78, %dma_start3A] : memref<2x2672x128xi32, #tpu.memory_space<hbm>> -> memref<1x48x128xi32, #tpu.memory_space<hbm>>
      %dma_start3A_143 = tpu.memref_squeeze %dma_start3A_142 : memref<1x48x128xi32, #tpu.memory_space<hbm>> -> memref<48x128xi32, #tpu.memory_space<hbm>>
      %dma_start3A_144 = arith.constant 0 : i32
      %dma_start3A_145 = tpu.memref_slice %arg3[%run_scoped3A_79, %add3A_78, %dma_start3A_144] : memref<2x2672x128xi32, #tpu.memory_space<hbm>> -> memref<1x48x128xi32, #tpu.memory_space<hbm>>
      %dma_start3A_146 = tpu.memref_squeeze %dma_start3A_145 : memref<1x48x128xi32, #tpu.memory_space<hbm>> -> memref<48x128xi32, #tpu.memory_space<hbm>>
      tpu.enqueue_dma source(%dma_start3A_146 : memref<48x128xi32, #tpu.memory_space<hbm>>) target(%arg6 : memref<48x128xi32, #tpu.memory_space<vmem>>) target_semaphore(%run_scoped3A_141 : memref<!tpu.dma_semaphore, #tpu.memory_space<semaphore_mem>>)
      %dma_wait3A = arith.constant 0 : i32
      %dma_wait3A_147 = tpu.memref_slice %arg3[%run_scoped3A_79, %add3A_78, %dma_wait3A] : memref<2x2672x128xi32, #tpu.memory_space<hbm>> -> memref<1x48x128xi32, #tpu.memory_space<hbm>>
      %dma_wait3A_148 = tpu.memref_squeeze %dma_wait3A_147 : memref<1x48x128xi32, #tpu.memory_space<hbm>> -> memref<48x128xi32, #tpu.memory_space<hbm>>
      %dma_wait3A_149 = arith.constant 0 : i32
      %dma_wait3A_150 = tpu.memref_slice %arg3[%run_scoped3A_79, %add3A_78, %dma_wait3A_149] : memref<2x2672x128xi32, #tpu.memory_space<hbm>> -> memref<1x48x128xi32, #tpu.memory_space<hbm>>
      %dma_wait3A_151 = tpu.memref_squeeze %dma_wait3A_150 : memref<1x48x128xi32, #tpu.memory_space<hbm>> -> memref<48x128xi32, #tpu.memory_space<hbm>>
      tpu.wait_dma2 semaphore(%run_scoped3A_141 : memref<!tpu.dma_semaphore, #tpu.memory_space<semaphore_mem>>) src(%dma_wait3A_151 : memref<48x128xi32, #tpu.memory_space<hbm>>) dst(%arg6 : memref<48x128xi32, #tpu.memory_space<vmem>>)
      tpu.yield
    }) : () -> ()
    %gt3A_80 = arith.constant 0 : i32
    %gt3A_81 = arith.cmpi sgt, %min3A_73, %gt3A_80 : i32
    %convert_element_type3A_82 = arith.extui %gt3A_81 : i1 to i32
    %cond3A_83 = arith.constant 0 : i32
    %cond3A_84 = arith.cmpi ne, %convert_element_type3A_82, %cond3A_83 : i32
    scf.if %cond3A_84 {
      %dma_start3A = arith.constant 0 : i32
      %dma_start3A_141 = tpu.memref_slice %arg5[%sub3A_29, %dma_start3A] : memref<48x128xi32, #tpu.memory_space<vmem>> -> memref<1x128xi32, #tpu.memory_space<vmem>>
      %dma_start3A_142 = tpu.memref_squeeze %dma_start3A_141 : memref<1x128xi32, #tpu.memory_space<vmem>> -> memref<128xi32, #tpu.memory_space<vmem>>
      %dma_start3A_143 = arith.constant 0 : i32
      %dma_start3A_144 = arith.constant 0 : i32
      %dma_start3A_145 = tpu.memref_slice %arg2[%dma_start3A_143, %dma_start3A_144] : memref<10000x128xf32, #tpu.memory_space<hbm>> -> memref<10000x128xf32, #tpu.memory_space<hbm>>
      tpu.enqueue_indirect_dma source(%dma_start3A_145 : memref<10000x128xf32, #tpu.memory_space<hbm>>) target(%arg7 : memref<128x128xf32, #tpu.memory_space<vmem>>) offsets(%dma_start3A_142 : memref<128xi32, #tpu.memory_space<vmem>>) semaphore(%arg11 : memref<!tpu.dma_semaphore, #tpu.memory_space<semaphore_mem>>)
    } else {
    }
    %gt3A_85 = arith.constant 1 : i32
    %gt3A_86 = arith.cmpi sgt, %min3A_73, %gt3A_85 : i32
    %convert_element_type3A_87 = arith.extui %gt3A_86 : i1 to i32
    %cond3A_88 = arith.constant 0 : i32
    %cond3A_89 = arith.cmpi ne, %convert_element_type3A_87, %cond3A_88 : i32
    scf.if %cond3A_89 {
      %add3A_141 = arith.constant 1 : i32
      %add3A_142 = arith.addi %sub3A_29, %add3A_141 : i32
      %dma_start3A = arith.constant 0 : i32
      %dma_start3A_143 = tpu.memref_slice %arg5[%add3A_142, %dma_start3A] : memref<48x128xi32, #tpu.memory_space<vmem>> -> memref<1x128xi32, #tpu.memory_space<vmem>>
      %dma_start3A_144 = tpu.memref_squeeze %dma_start3A_143 : memref<1x128xi32, #tpu.memory_space<vmem>> -> memref<128xi32, #tpu.memory_space<vmem>>
      %dma_start3A_145 = arith.constant 0 : i32
      %dma_start3A_146 = arith.constant 0 : i32
      %dma_start3A_147 = tpu.memref_slice %arg2[%dma_start3A_145, %dma_start3A_146] : memref<10000x128xf32, #tpu.memory_space<hbm>> -> memref<10000x128xf32, #tpu.memory_space<hbm>>
      tpu.enqueue_indirect_dma source(%dma_start3A_147 : memref<10000x128xf32, #tpu.memory_space<hbm>>) target(%arg8 : memref<128x128xf32, #tpu.memory_space<vmem>>) offsets(%dma_start3A_144 : memref<128xi32, #tpu.memory_space<vmem>>) semaphore(%arg12 : memref<!tpu.dma_semaphore, #tpu.memory_space<semaphore_mem>>)
    } else {
    }
    %while3A_90 = arith.constant 0 : i32
    %while3A_91 = arith.constant 0 : i32
    %while3A_92 = arith.subi %min3A_73, %while3A_90 : i32
    %while3A_93 = arith.addi %while3A_90, %while3A_92 : i32
    %while3A_94 = arith.constant 1 : i32
    %while3A_95 = arith.divsi %while3A_92, %while3A_94 : i32
    %while3A_96 = arith.muli %while3A_95, %while3A_94 : i32
    %while3A_97 = arith.addi %while3A_90, %while3A_96 : i32
    %while3A_98 = arith.constant 1 : i32
    %while3A_99 = scf.for %while3A_141 = %while3A_90 to %while3A_97 step %while3A_98 iter_args(%while3A_142 = %while3A_91) -> (i32)  : i32 {
      %jit3A_143 = arith.constant 2 : i32
      %eq3A_144 = arith.constant 0 : i32
      %eq3A_145 = arith.cmpi eq, %jit3A_143, %eq3A_144 : i32
      %jit3A_146 = arith.constant 1 : i32
      %select_n3A_147 = arith.select %eq3A_145, %jit3A_146, %jit3A_143 : i32
      %rem3A_148 = arith.remsi %while3A_141, %select_n3A_147 : i32
      %ne3A_149 = arith.constant 0 : i32
      %ne3A_150 = arith.cmpi ne, %rem3A_148, %ne3A_149 : i32
      %lt3A = arith.constant 0 : i32
      %lt3A_151 = arith.cmpi slt, %rem3A_148, %lt3A : i32
      %lt3A_152 = arith.constant 0 : i32
      %lt3A_153 = arith.cmpi slt, %select_n3A_147, %lt3A_152 : i32
      %ne3A_154 = arith.xori %lt3A_151, %lt3A_153 : i1
      %and3A_155 = arith.andi %ne3A_154, %ne3A_150 : i1
      %add3A_156 = arith.addi %rem3A_148, %select_n3A_147 : i32
      %select_n3A_157 = arith.select %and3A_155, %add3A_156, %rem3A_148 : i32
      %eq3A_158 = arith.constant 0 : i32
      %eq3A_159 = arith.cmpi eq, %select_n3A_157, %eq3A_158 : i32
      %convert_element_type3A_160 = arith.extui %eq3A_159 : i1 to i32
      %cond3A_161 = arith.constant 0 : i32
      %cond3A_162 = arith.cmpi ne, %convert_element_type3A_160, %cond3A_161 : i32
      scf.if %cond3A_162 {
        %add3A_185 = arith.addi %sub3A_29, %while3A_141 : i32
        %dma_wait3A = arith.constant 0 : i32
        %dma_wait3A_186 = tpu.memref_slice %arg5[%add3A_185, %dma_wait3A] : memref<48x128xi32, #tpu.memory_space<vmem>> -> memref<1x128xi32, #tpu.memory_space<vmem>>
        %dma_wait3A_187 = tpu.memref_squeeze %dma_wait3A_186 : memref<1x128xi32, #tpu.memory_space<vmem>> -> memref<128xi32, #tpu.memory_space<vmem>>
        %dma_wait3A_188 = arith.constant 0 : i32
        %dma_wait3A_189 = arith.constant 0 : i32
        %dma_wait3A_190 = tpu.memref_slice %arg2[%dma_wait3A_188, %dma_wait3A_189] : memref<10000x128xf32, #tpu.memory_space<hbm>> -> memref<10000x128xf32, #tpu.memory_space<hbm>>
        tpu.wait_indirect_dma semaphore(%arg11 : memref<!tpu.dma_semaphore, #tpu.memory_space<semaphore_mem>>) src(%dma_wait3A_190 : memref<10000x128xf32, #tpu.memory_space<hbm>>) dst(%arg7 : memref<128x128xf32, #tpu.memory_space<vmem>>)
        %add3A_191 = arith.addi %sub3A_29, %while3A_141 : i32
        "tpu.region"() ({
          %run_scoped3A_198 = tpu.sem_alloc : memref<!tpu.dma_semaphore, #tpu.memory_space<semaphore_mem>>
          %dma_start3A = arith.constant 0 : i32
          %dma_start3A_199 = tpu.memref_slice %arg6[%add3A_191, %dma_start3A] : memref<48x128xi32, #tpu.memory_space<vmem>> -> memref<1x128xi32, #tpu.memory_space<vmem>>
          %dma_start3A_200 = tpu.memref_squeeze %dma_start3A_199 : memref<1x128xi32, #tpu.memory_space<vmem>> -> memref<128xi32, #tpu.memory_space<vmem>>
          %dma_start3A_201 = arith.constant 0 : i32
          %dma_start3A_202 = arith.constant 0 : i32
          %dma_start3A_203 = tpu.memref_slice %arg10[%dma_start3A_201, %dma_start3A_202] : memref<10240x128xf32, #tpu.memory_space<vmem_shared>> -> memref<10240x128xf32, #tpu.memory_space<vmem_shared>>
          tpu.enqueue_indirect_dma source(%arg7 : memref<128x128xf32, #tpu.memory_space<vmem>>) target(%dma_start3A_203 : memref<10240x128xf32, #tpu.memory_space<vmem_shared>>) offsets(%dma_start3A_200 : memref<128xi32, #tpu.memory_space<vmem>>) semaphore(%run_scoped3A_198 : memref<!tpu.dma_semaphore, #tpu.memory_space<semaphore_mem>>) {add = true}
          %dma_wait3A_204 = arith.constant 0 : i32
          %dma_wait3A_205 = tpu.memref_slice %arg6[%add3A_191, %dma_wait3A_204] : memref<48x128xi32, #tpu.memory_space<vmem>> -> memref<1x128xi32, #tpu.memory_space<vmem>>
          %dma_wait3A_206 = tpu.memref_squeeze %dma_wait3A_205 : memref<1x128xi32, #tpu.memory_space<vmem>> -> memref<128xi32, #tpu.memory_space<vmem>>
          %dma_wait3A_207 = arith.constant 0 : i32
          %dma_wait3A_208 = arith.constant 0 : i32
          %dma_wait3A_209 = tpu.memref_slice %arg10[%dma_wait3A_207, %dma_wait3A_208] : memref<10240x128xf32, #tpu.memory_space<vmem_shared>> -> memref<10240x128xf32, #tpu.memory_space<vmem_shared>>
          tpu.wait_indirect_dma semaphore(%run_scoped3A_198 : memref<!tpu.dma_semaphore, #tpu.memory_space<semaphore_mem>>) src(%arg7 : memref<128x128xf32, #tpu.memory_space<vmem>>) dst(%dma_wait3A_209 : memref<10240x128xf32, #tpu.memory_space<vmem_shared>>)
          tpu.yield
        }) : () -> ()
        %sub3A_192 = arith.constant 2 : i32
        %sub3A_193 = arith.subi %min3A_73, %sub3A_192 : i32
        %lt3A_194 = arith.cmpi slt, %while3A_141, %sub3A_193 : i32
        %convert_element_type3A_195 = arith.extui %lt3A_194 : i1 to i32
        %cond3A_196 = arith.constant 0 : i32
        %cond3A_197 = arith.cmpi ne, %convert_element_type3A_195, %cond3A_196 : i32
        scf.if %cond3A_197 {
          %add3A_198 = arith.addi %sub3A_29, %while3A_141 : i32
          %add3A_199 = arith.constant 2 : i32
          %add3A_200 = arith.addi %add3A_198, %add3A_199 : i32
          %dma_start3A = arith.constant 0 : i32
          %dma_start3A_201 = tpu.memref_slice %arg5[%add3A_200, %dma_start3A] : memref<48x128xi32, #tpu.memory_space<vmem>> -> memref<1x128xi32, #tpu.memory_space<vmem>>
          %dma_start3A_202 = tpu.memref_squeeze %dma_start3A_201 : memref<1x128xi32, #tpu.memory_space<vmem>> -> memref<128xi32, #tpu.memory_space<vmem>>
          %dma_start3A_203 = arith.constant 0 : i32
          %dma_start3A_204 = arith.constant 0 : i32
          %dma_start3A_205 = tpu.memref_slice %arg2[%dma_start3A_203, %dma_start3A_204] : memref<10000x128xf32, #tpu.memory_space<hbm>> -> memref<10000x128xf32, #tpu.memory_space<hbm>>
          tpu.enqueue_indirect_dma source(%dma_start3A_205 : memref<10000x128xf32, #tpu.memory_space<hbm>>) target(%arg7 : memref<128x128xf32, #tpu.memory_space<vmem>>) offsets(%dma_start3A_202 : memref<128xi32, #tpu.memory_space<vmem>>) semaphore(%arg11 : memref<!tpu.dma_semaphore, #tpu.memory_space<semaphore_mem>>)
        } else {
        }
      } else {
      }
      %jit3A_163 = arith.constant 2 : i32
      %eq3A_164 = arith.constant 0 : i32
      %eq3A_165 = arith.cmpi eq, %jit3A_163, %eq3A_164 : i32
      %jit3A_166 = arith.constant 1 : i32
      %select_n3A_167 = arith.select %eq3A_165, %jit3A_166, %jit3A_163 : i32
      %rem3A_168 = arith.remsi %while3A_141, %select_n3A_167 : i32
      %ne3A_169 = arith.constant 0 : i32
      %ne3A_170 = arith.cmpi ne, %rem3A_168, %ne3A_169 : i32
      %lt3A_171 = arith.constant 0 : i32
      %lt3A_172 = arith.cmpi slt, %rem3A_168, %lt3A_171 : i32
      %lt3A_173 = arith.constant 0 : i32
      %lt3A_174 = arith.cmpi slt, %select_n3A_167, %lt3A_173 : i32
      %ne3A_175 = arith.xori %lt3A_172, %lt3A_174 : i1
      %and3A_176 = arith.andi %ne3A_175, %ne3A_170 : i1
      %add3A_177 = arith.addi %rem3A_168, %select_n3A_167 : i32
      %select_n3A_178 = arith.select %and3A_176, %add3A_177, %rem3A_168 : i32
      %eq3A_179 = arith.constant 1 : i32
      %eq3A_180 = arith.cmpi eq, %select_n3A_178, %eq3A_179 : i32
      %convert_element_type3A_181 = arith.extui %eq3A_180 : i1 to i32
      %cond3A_182 = arith.constant 0 : i32
      %cond3A_183 = arith.cmpi ne, %convert_element_type3A_181, %cond3A_182 : i32
      scf.if %cond3A_183 {
        %add3A_185 = arith.addi %sub3A_29, %while3A_141 : i32
        %dma_wait3A = arith.constant 0 : i32
        %dma_wait3A_186 = tpu.memref_slice %arg5[%add3A_185, %dma_wait3A] : memref<48x128xi32, #tpu.memory_space<vmem>> -> memref<1x128xi32, #tpu.memory_space<vmem>>
        %dma_wait3A_187 = tpu.memref_squeeze %dma_wait3A_186 : memref<1x128xi32, #tpu.memory_space<vmem>> -> memref<128xi32, #tpu.memory_space<vmem>>
        %dma_wait3A_188 = arith.constant 0 : i32
        %dma_wait3A_189 = arith.constant 0 : i32
        %dma_wait3A_190 = tpu.memref_slice %arg2[%dma_wait3A_188, %dma_wait3A_189] : memref<10000x128xf32, #tpu.memory_space<hbm>> -> memref<10000x128xf32, #tpu.memory_space<hbm>>
        tpu.wait_indirect_dma semaphore(%arg12 : memref<!tpu.dma_semaphore, #tpu.memory_space<semaphore_mem>>) src(%dma_wait3A_190 : memref<10000x128xf32, #tpu.memory_space<hbm>>) dst(%arg8 : memref<128x128xf32, #tpu.memory_space<vmem>>)
        %add3A_191 = arith.addi %sub3A_29, %while3A_141 : i32
        "tpu.region"() ({
          %run_scoped3A_198 = tpu.sem_alloc : memref<!tpu.dma_semaphore, #tpu.memory_space<semaphore_mem>>
          %dma_start3A = arith.constant 0 : i32
          %dma_start3A_199 = tpu.memref_slice %arg6[%add3A_191, %dma_start3A] : memref<48x128xi32, #tpu.memory_space<vmem>> -> memref<1x128xi32, #tpu.memory_space<vmem>>
          %dma_start3A_200 = tpu.memref_squeeze %dma_start3A_199 : memref<1x128xi32, #tpu.memory_space<vmem>> -> memref<128xi32, #tpu.memory_space<vmem>>
          %dma_start3A_201 = arith.constant 0 : i32
          %dma_start3A_202 = arith.constant 0 : i32
          %dma_start3A_203 = tpu.memref_slice %arg10[%dma_start3A_201, %dma_start3A_202] : memref<10240x128xf32, #tpu.memory_space<vmem_shared>> -> memref<10240x128xf32, #tpu.memory_space<vmem_shared>>
          tpu.enqueue_indirect_dma source(%arg8 : memref<128x128xf32, #tpu.memory_space<vmem>>) target(%dma_start3A_203 : memref<10240x128xf32, #tpu.memory_space<vmem_shared>>) offsets(%dma_start3A_200 : memref<128xi32, #tpu.memory_space<vmem>>) semaphore(%run_scoped3A_198 : memref<!tpu.dma_semaphore, #tpu.memory_space<semaphore_mem>>) {add = true}
          %dma_wait3A_204 = arith.constant 0 : i32
          %dma_wait3A_205 = tpu.memref_slice %arg6[%add3A_191, %dma_wait3A_204] : memref<48x128xi32, #tpu.memory_space<vmem>> -> memref<1x128xi32, #tpu.memory_space<vmem>>
          %dma_wait3A_206 = tpu.memref_squeeze %dma_wait3A_205 : memref<1x128xi32, #tpu.memory_space<vmem>> -> memref<128xi32, #tpu.memory_space<vmem>>
          %dma_wait3A_207 = arith.constant 0 : i32
          %dma_wait3A_208 = arith.constant 0 : i32
          %dma_wait3A_209 = tpu.memref_slice %arg10[%dma_wait3A_207, %dma_wait3A_208] : memref<10240x128xf32, #tpu.memory_space<vmem_shared>> -> memref<10240x128xf32, #tpu.memory_space<vmem_shared>>
          tpu.wait_indirect_dma semaphore(%run_scoped3A_198 : memref<!tpu.dma_semaphore, #tpu.memory_space<semaphore_mem>>) src(%arg8 : memref<128x128xf32, #tpu.memory_space<vmem>>) dst(%dma_wait3A_209 : memref<10240x128xf32, #tpu.memory_space<vmem_shared>>)
          tpu.yield
        }) : () -> ()
        %sub3A_192 = arith.constant 2 : i32
        %sub3A_193 = arith.subi %min3A_73, %sub3A_192 : i32
        %lt3A_194 = arith.cmpi slt, %while3A_141, %sub3A_193 : i32
        %convert_element_type3A_195 = arith.extui %lt3A_194 : i1 to i32
        %cond3A_196 = arith.constant 0 : i32
        %cond3A_197 = arith.cmpi ne, %convert_element_type3A_195, %cond3A_196 : i32
        scf.if %cond3A_197 {
          %add3A_198 = arith.addi %sub3A_29, %while3A_141 : i32
          %add3A_199 = arith.constant 2 : i32
          %add3A_200 = arith.addi %add3A_198, %add3A_199 : i32
          %dma_start3A = arith.constant 0 : i32
          %dma_start3A_201 = tpu.memref_slice %arg5[%add3A_200, %dma_start3A] : memref<48x128xi32, #tpu.memory_space<vmem>> -> memref<1x128xi32, #tpu.memory_space<vmem>>
          %dma_start3A_202 = tpu.memref_squeeze %dma_start3A_201 : memref<1x128xi32, #tpu.memory_space<vmem>> -> memref<128xi32, #tpu.memory_space<vmem>>
          %dma_start3A_203 = arith.constant 0 : i32
          %dma_start3A_204 = arith.constant 0 : i32
          %dma_start3A_205 = tpu.memref_slice %arg2[%dma_start3A_203, %dma_start3A_204] : memref<10000x128xf32, #tpu.memory_space<hbm>> -> memref<10000x128xf32, #tpu.memory_space<hbm>>
          tpu.enqueue_indirect_dma source(%dma_start3A_205 : memref<10000x128xf32, #tpu.memory_space<hbm>>) target(%arg8 : memref<128x128xf32, #tpu.memory_space<vmem>>) offsets(%dma_start3A_202 : memref<128xi32, #tpu.memory_space<vmem>>) semaphore(%arg12 : memref<!tpu.dma_semaphore, #tpu.memory_space<semaphore_mem>>)
        } else {
        }
      } else {
      }
      %while3A_184 = arith.constant 0 : i32
      scf.yield %while3A_184 : i32
    }
    %while3A_100 = arith.constant 1 : i32
    %while3A_101 = scf.for %while3A_141 = %while3A_97 to %while3A_93 step %while3A_100 iter_args(%while3A_142 = %while3A_99) -> (i32)  : i32 {
      %jit3A_143 = arith.constant 2 : i32
      %eq3A_144 = arith.constant 0 : i32
      %eq3A_145 = arith.cmpi eq, %jit3A_143, %eq3A_144 : i32
      %jit3A_146 = arith.constant 1 : i32
      %select_n3A_147 = arith.select %eq3A_145, %jit3A_146, %jit3A_143 : i32
      %rem3A_148 = arith.remsi %while3A_141, %select_n3A_147 : i32
      %ne3A_149 = arith.constant 0 : i32
      %ne3A_150 = arith.cmpi ne, %rem3A_148, %ne3A_149 : i32
      %lt3A = arith.constant 0 : i32
      %lt3A_151 = arith.cmpi slt, %rem3A_148, %lt3A : i32
      %lt3A_152 = arith.constant 0 : i32
      %lt3A_153 = arith.cmpi slt, %select_n3A_147, %lt3A_152 : i32
      %ne3A_154 = arith.xori %lt3A_151, %lt3A_153 : i1
      %and3A_155 = arith.andi %ne3A_154, %ne3A_150 : i1
      %add3A_156 = arith.addi %rem3A_148, %select_n3A_147 : i32
      %select_n3A_157 = arith.select %and3A_155, %add3A_156, %rem3A_148 : i32
      %eq3A_158 = arith.constant 0 : i32
      %eq3A_159 = arith.cmpi eq, %select_n3A_157, %eq3A_158 : i32
      %convert_element_type3A_160 = arith.extui %eq3A_159 : i1 to i32
      %cond3A_161 = arith.constant 0 : i32
      %cond3A_162 = arith.cmpi ne, %convert_element_type3A_160, %cond3A_161 : i32
      scf.if %cond3A_162 {
        %add3A_185 = arith.addi %sub3A_29, %while3A_141 : i32
        %dma_wait3A = arith.constant 0 : i32
        %dma_wait3A_186 = tpu.memref_slice %arg5[%add3A_185, %dma_wait3A] : memref<48x128xi32, #tpu.memory_space<vmem>> -> memref<1x128xi32, #tpu.memory_space<vmem>>
        %dma_wait3A_187 = tpu.memref_squeeze %dma_wait3A_186 : memref<1x128xi32, #tpu.memory_space<vmem>> -> memref<128xi32, #tpu.memory_space<vmem>>
        %dma_wait3A_188 = arith.constant 0 : i32
        %dma_wait3A_189 = arith.constant 0 : i32
        %dma_wait3A_190 = tpu.memref_slice %arg2[%dma_wait3A_188, %dma_wait3A_189] : memref<10000x128xf32, #tpu.memory_space<hbm>> -> memref<10000x128xf32, #tpu.memory_space<hbm>>
        tpu.wait_indirect_dma semaphore(%arg11 : memref<!tpu.dma_semaphore, #tpu.memory_space<semaphore_mem>>) src(%dma_wait3A_190 : memref<10000x128xf32, #tpu.memory_space<hbm>>) dst(%arg7 : memref<128x128xf32, #tpu.memory_space<vmem>>)
        %add3A_191 = arith.addi %sub3A_29, %while3A_141 : i32
        "tpu.region"() ({
          %run_scoped3A_198 = tpu.sem_alloc : memref<!tpu.dma_semaphore, #tpu.memory_space<semaphore_mem>>
          %dma_start3A = arith.constant 0 : i32
          %dma_start3A_199 = tpu.memref_slice %arg6[%add3A_191, %dma_start3A] : memref<48x128xi32, #tpu.memory_space<vmem>> -> memref<1x128xi32, #tpu.memory_space<vmem>>
          %dma_start3A_200 = tpu.memref_squeeze %dma_start3A_199 : memref<1x128xi32, #tpu.memory_space<vmem>> -> memref<128xi32, #tpu.memory_space<vmem>>
          %dma_start3A_201 = arith.constant 0 : i32
          %dma_start3A_202 = arith.constant 0 : i32
          %dma_start3A_203 = tpu.memref_slice %arg10[%dma_start3A_201, %dma_start3A_202] : memref<10240x128xf32, #tpu.memory_space<vmem_shared>> -> memref<10240x128xf32, #tpu.memory_space<vmem_shared>>
          tpu.enqueue_indirect_dma source(%arg7 : memref<128x128xf32, #tpu.memory_space<vmem>>) target(%dma_start3A_203 : memref<10240x128xf32, #tpu.memory_space<vmem_shared>>) offsets(%dma_start3A_200 : memref<128xi32, #tpu.memory_space<vmem>>) semaphore(%run_scoped3A_198 : memref<!tpu.dma_semaphore, #tpu.memory_space<semaphore_mem>>) {add = true}
          %dma_wait3A_204 = arith.constant 0 : i32
          %dma_wait3A_205 = tpu.memref_slice %arg6[%add3A_191, %dma_wait3A_204] : memref<48x128xi32, #tpu.memory_space<vmem>> -> memref<1x128xi32, #tpu.memory_space<vmem>>
          %dma_wait3A_206 = tpu.memref_squeeze %dma_wait3A_205 : memref<1x128xi32, #tpu.memory_space<vmem>> -> memref<128xi32, #tpu.memory_space<vmem>>
          %dma_wait3A_207 = arith.constant 0 : i32
          %dma_wait3A_208 = arith.constant 0 : i32
          %dma_wait3A_209 = tpu.memref_slice %arg10[%dma_wait3A_207, %dma_wait3A_208] : memref<10240x128xf32, #tpu.memory_space<vmem_shared>> -> memref<10240x128xf32, #tpu.memory_space<vmem_shared>>
          tpu.wait_indirect_dma semaphore(%run_scoped3A_198 : memref<!tpu.dma_semaphore, #tpu.memory_space<semaphore_mem>>) src(%arg7 : memref<128x128xf32, #tpu.memory_space<vmem>>) dst(%dma_wait3A_209 : memref<10240x128xf32, #tpu.memory_space<vmem_shared>>)
          tpu.yield
        }) : () -> ()
        %sub3A_192 = arith.constant 2 : i32
        %sub3A_193 = arith.subi %min3A_73, %sub3A_192 : i32
        %lt3A_194 = arith.cmpi slt, %while3A_141, %sub3A_193 : i32
        %convert_element_type3A_195 = arith.extui %lt3A_194 : i1 to i32
        %cond3A_196 = arith.constant 0 : i32
        %cond3A_197 = arith.cmpi ne, %convert_element_type3A_195, %cond3A_196 : i32
        scf.if %cond3A_197 {
          %add3A_198 = arith.addi %sub3A_29, %while3A_141 : i32
          %add3A_199 = arith.constant 2 : i32
          %add3A_200 = arith.addi %add3A_198, %add3A_199 : i32
          %dma_start3A = arith.constant 0 : i32
          %dma_start3A_201 = tpu.memref_slice %arg5[%add3A_200, %dma_start3A] : memref<48x128xi32, #tpu.memory_space<vmem>> -> memref<1x128xi32, #tpu.memory_space<vmem>>
          %dma_start3A_202 = tpu.memref_squeeze %dma_start3A_201 : memref<1x128xi32, #tpu.memory_space<vmem>> -> memref<128xi32, #tpu.memory_space<vmem>>
          %dma_start3A_203 = arith.constant 0 : i32
          %dma_start3A_204 = arith.constant 0 : i32
          %dma_start3A_205 = tpu.memref_slice %arg2[%dma_start3A_203, %dma_start3A_204] : memref<10000x128xf32, #tpu.memory_space<hbm>> -> memref<10000x128xf32, #tpu.memory_space<hbm>>
          tpu.enqueue_indirect_dma source(%dma_start3A_205 : memref<10000x128xf32, #tpu.memory_space<hbm>>) target(%arg7 : memref<128x128xf32, #tpu.memory_space<vmem>>) offsets(%dma_start3A_202 : memref<128xi32, #tpu.memory_space<vmem>>) semaphore(%arg11 : memref<!tpu.dma_semaphore, #tpu.memory_space<semaphore_mem>>)
        } else {
        }
      } else {
      }
      %jit3A_163 = arith.constant 2 : i32
      %eq3A_164 = arith.constant 0 : i32
      %eq3A_165 = arith.cmpi eq, %jit3A_163, %eq3A_164 : i32
      %jit3A_166 = arith.constant 1 : i32
      %select_n3A_167 = arith.select %eq3A_165, %jit3A_166, %jit3A_163 : i32
      %rem3A_168 = arith.remsi %while3A_141, %select_n3A_167 : i32
      %ne3A_169 = arith.constant 0 : i32
      %ne3A_170 = arith.cmpi ne, %rem3A_168, %ne3A_169 : i32
      %lt3A_171 = arith.constant 0 : i32
      %lt3A_172 = arith.cmpi slt, %rem3A_168, %lt3A_171 : i32
      %lt3A_173 = arith.constant 0 : i32
      %lt3A_174 = arith.cmpi slt, %select_n3A_167, %lt3A_173 : i32
      %ne3A_175 = arith.xori %lt3A_172, %lt3A_174 : i1
      %and3A_176 = arith.andi %ne3A_175, %ne3A_170 : i1
      %add3A_177 = arith.addi %rem3A_168, %select_n3A_167 : i32
      %select_n3A_178 = arith.select %and3A_176, %add3A_177, %rem3A_168 : i32
      %eq3A_179 = arith.constant 1 : i32
      %eq3A_180 = arith.cmpi eq, %select_n3A_178, %eq3A_179 : i32
      %convert_element_type3A_181 = arith.extui %eq3A_180 : i1 to i32
      %cond3A_182 = arith.constant 0 : i32
      %cond3A_183 = arith.cmpi ne, %convert_element_type3A_181, %cond3A_182 : i32
      scf.if %cond3A_183 {
        %add3A_185 = arith.addi %sub3A_29, %while3A_141 : i32
        %dma_wait3A = arith.constant 0 : i32
        %dma_wait3A_186 = tpu.memref_slice %arg5[%add3A_185, %dma_wait3A] : memref<48x128xi32, #tpu.memory_space<vmem>> -> memref<1x128xi32, #tpu.memory_space<vmem>>
        %dma_wait3A_187 = tpu.memref_squeeze %dma_wait3A_186 : memref<1x128xi32, #tpu.memory_space<vmem>> -> memref<128xi32, #tpu.memory_space<vmem>>
        %dma_wait3A_188 = arith.constant 0 : i32
        %dma_wait3A_189 = arith.constant 0 : i32
        %dma_wait3A_190 = tpu.memref_slice %arg2[%dma_wait3A_188, %dma_wait3A_189] : memref<10000x128xf32, #tpu.memory_space<hbm>> -> memref<10000x128xf32, #tpu.memory_space<hbm>>
        tpu.wait_indirect_dma semaphore(%arg12 : memref<!tpu.dma_semaphore, #tpu.memory_space<semaphore_mem>>) src(%dma_wait3A_190 : memref<10000x128xf32, #tpu.memory_space<hbm>>) dst(%arg8 : memref<128x128xf32, #tpu.memory_space<vmem>>)
        %add3A_191 = arith.addi %sub3A_29, %while3A_141 : i32
        "tpu.region"() ({
          %run_scoped3A_198 = tpu.sem_alloc : memref<!tpu.dma_semaphore, #tpu.memory_space<semaphore_mem>>
          %dma_start3A = arith.constant 0 : i32
          %dma_start3A_199 = tpu.memref_slice %arg6[%add3A_191, %dma_start3A] : memref<48x128xi32, #tpu.memory_space<vmem>> -> memref<1x128xi32, #tpu.memory_space<vmem>>
          %dma_start3A_200 = tpu.memref_squeeze %dma_start3A_199 : memref<1x128xi32, #tpu.memory_space<vmem>> -> memref<128xi32, #tpu.memory_space<vmem>>
          %dma_start3A_201 = arith.constant 0 : i32
          %dma_start3A_202 = arith.constant 0 : i32
          %dma_start3A_203 = tpu.memref_slice %arg10[%dma_start3A_201, %dma_start3A_202] : memref<10240x128xf32, #tpu.memory_space<vmem_shared>> -> memref<10240x128xf32, #tpu.memory_space<vmem_shared>>
          tpu.enqueue_indirect_dma source(%arg8 : memref<128x128xf32, #tpu.memory_space<vmem>>) target(%dma_start3A_203 : memref<10240x128xf32, #tpu.memory_space<vmem_shared>>) offsets(%dma_start3A_200 : memref<128xi32, #tpu.memory_space<vmem>>) semaphore(%run_scoped3A_198 : memref<!tpu.dma_semaphore, #tpu.memory_space<semaphore_mem>>) {add = true}
          %dma_wait3A_204 = arith.constant 0 : i32
          %dma_wait3A_205 = tpu.memref_slice %arg6[%add3A_191, %dma_wait3A_204] : memref<48x128xi32, #tpu.memory_space<vmem>> -> memref<1x128xi32, #tpu.memory_space<vmem>>
          %dma_wait3A_206 = tpu.memref_squeeze %dma_wait3A_205 : memref<1x128xi32, #tpu.memory_space<vmem>> -> memref<128xi32, #tpu.memory_space<vmem>>
          %dma_wait3A_207 = arith.constant 0 : i32
          %dma_wait3A_208 = arith.constant 0 : i32
          %dma_wait3A_209 = tpu.memref_slice %arg10[%dma_wait3A_207, %dma_wait3A_208] : memref<10240x128xf32, #tpu.memory_space<vmem_shared>> -> memref<10240x128xf32, #tpu.memory_space<vmem_shared>>
          tpu.wait_indirect_dma semaphore(%run_scoped3A_198 : memref<!tpu.dma_semaphore, #tpu.memory_space<semaphore_mem>>) src(%arg8 : memref<128x128xf32, #tpu.memory_space<vmem>>) dst(%dma_wait3A_209 : memref<10240x128xf32, #tpu.memory_space<vmem_shared>>)
          tpu.yield
        }) : () -> ()
        %sub3A_192 = arith.constant 2 : i32
        %sub3A_193 = arith.subi %min3A_73, %sub3A_192 : i32
        %lt3A_194 = arith.cmpi slt, %while3A_141, %sub3A_193 : i32
        %convert_element_type3A_195 = arith.extui %lt3A_194 : i1 to i32
        %cond3A_196 = arith.constant 0 : i32
        %cond3A_197 = arith.cmpi ne, %convert_element_type3A_195, %cond3A_196 : i32
        scf.if %cond3A_197 {
          %add3A_198 = arith.addi %sub3A_29, %while3A_141 : i32
          %add3A_199 = arith.constant 2 : i32
          %add3A_200 = arith.addi %add3A_198, %add3A_199 : i32
          %dma_start3A = arith.constant 0 : i32
          %dma_start3A_201 = tpu.memref_slice %arg5[%add3A_200, %dma_start3A] : memref<48x128xi32, #tpu.memory_space<vmem>> -> memref<1x128xi32, #tpu.memory_space<vmem>>
          %dma_start3A_202 = tpu.memref_squeeze %dma_start3A_201 : memref<1x128xi32, #tpu.memory_space<vmem>> -> memref<128xi32, #tpu.memory_space<vmem>>
          %dma_start3A_203 = arith.constant 0 : i32
          %dma_start3A_204 = arith.constant 0 : i32
          %dma_start3A_205 = tpu.memref_slice %arg2[%dma_start3A_203, %dma_start3A_204] : memref<10000x128xf32, #tpu.memory_space<hbm>> -> memref<10000x128xf32, #tpu.memory_space<hbm>>
          tpu.enqueue_indirect_dma source(%dma_start3A_205 : memref<10000x128xf32, #tpu.memory_space<hbm>>) target(%arg8 : memref<128x128xf32, #tpu.memory_space<vmem>>) offsets(%dma_start3A_202 : memref<128xi32, #tpu.memory_space<vmem>>) semaphore(%arg12 : memref<!tpu.dma_semaphore, #tpu.memory_space<semaphore_mem>>)
        } else {
        }
      } else {
      }
      %while3A_184 = arith.constant 0 : i32
      scf.yield %while3A_184 : i32
    }
    %sub3A_102 = arith.constant 80 : i32
    %sub3A_103 = arith.subi %select_n3A, %sub3A_102 : i32
    %jit3A_104 = arith.constant 0 : i32
    %jit3A_105 = arith.constant 40 : i32
    %max3A_106 = arith.maxsi %jit3A_104, %sub3A_103 : i32
    %min3A_107 = arith.minsi %jit3A_105, %max3A_106 : i32
    %add3A_108 = arith.constant 80 : i32
    %add3A_109 = arith.addi %multiple_of3A, %add3A_108 : i32
    %run_scoped3A_110 = arith.constant 0 : i32
    "tpu.region"() ({
      %run_scoped3A_141 = tpu.sem_alloc : memref<!tpu.dma_semaphore, #tpu.memory_space<semaphore_mem>>
      %dma_start3A = arith.constant 0 : i32
      %dma_start3A_142 = tpu.memref_slice %arg3[%run_scoped3A_110, %add3A_109, %dma_start3A] : memref<2x2672x128xi32, #tpu.memory_space<hbm>> -> memref<1x48x128xi32, #tpu.memory_space<hbm>>
      %dma_start3A_143 = tpu.memref_squeeze %dma_start3A_142 : memref<1x48x128xi32, #tpu.memory_space<hbm>> -> memref<48x128xi32, #tpu.memory_space<hbm>>
      %dma_start3A_144 = arith.constant 0 : i32
      %dma_start3A_145 = tpu.memref_slice %arg3[%run_scoped3A_110, %add3A_109, %dma_start3A_144] : memref<2x2672x128xi32, #tpu.memory_space<hbm>> -> memref<1x48x128xi32, #tpu.memory_space<hbm>>
      %dma_start3A_146 = tpu.memref_squeeze %dma_start3A_145 : memref<1x48x128xi32, #tpu.memory_space<hbm>> -> memref<48x128xi32, #tpu.memory_space<hbm>>
      tpu.enqueue_dma source(%dma_start3A_146 : memref<48x128xi32, #tpu.memory_space<hbm>>) target(%arg5 : memref<48x128xi32, #tpu.memory_space<vmem>>) target_semaphore(%run_scoped3A_141 : memref<!tpu.dma_semaphore, #tpu.memory_space<semaphore_mem>>)
      %dma_wait3A = arith.constant 0 : i32
      %dma_wait3A_147 = tpu.memref_slice %arg3[%run_scoped3A_110, %add3A_109, %dma_wait3A] : memref<2x2672x128xi32, #tpu.memory_space<hbm>> -> memref<1x48x128xi32, #tpu.memory_space<hbm>>
      %dma_wait3A_148 = tpu.memref_squeeze %dma_wait3A_147 : memref<1x48x128xi32, #tpu.memory_space<hbm>> -> memref<48x128xi32, #tpu.memory_space<hbm>>
      %dma_wait3A_149 = arith.constant 0 : i32
      %dma_wait3A_150 = tpu.memref_slice %arg3[%run_scoped3A_110, %add3A_109, %dma_wait3A_149] : memref<2x2672x128xi32, #tpu.memory_space<hbm>> -> memref<1x48x128xi32, #tpu.memory_space<hbm>>
      %dma_wait3A_151 = tpu.memref_squeeze %dma_wait3A_150 : memref<1x48x128xi32, #tpu.memory_space<hbm>> -> memref<48x128xi32, #tpu.memory_space<hbm>>
      tpu.wait_dma2 semaphore(%run_scoped3A_141 : memref<!tpu.dma_semaphore, #tpu.memory_space<semaphore_mem>>) src(%dma_wait3A_151 : memref<48x128xi32, #tpu.memory_space<hbm>>) dst(%arg5 : memref<48x128xi32, #tpu.memory_space<vmem>>)
      tpu.yield
    }) : () -> ()
    %add3A_111 = arith.constant 80 : i32
    %add3A_112 = arith.addi %multiple_of3A, %add3A_111 : i32
    %run_scoped3A_113 = arith.constant 1 : i32
    "tpu.region"() ({
      %run_scoped3A_141 = tpu.sem_alloc : memref<!tpu.dma_semaphore, #tpu.memory_space<semaphore_mem>>
      %dma_start3A = arith.constant 0 : i32
      %dma_start3A_142 = tpu.memref_slice %arg3[%run_scoped3A_113, %add3A_112, %dma_start3A] : memref<2x2672x128xi32, #tpu.memory_space<hbm>> -> memref<1x48x128xi32, #tpu.memory_space<hbm>>
      %dma_start3A_143 = tpu.memref_squeeze %dma_start3A_142 : memref<1x48x128xi32, #tpu.memory_space<hbm>> -> memref<48x128xi32, #tpu.memory_space<hbm>>
      %dma_start3A_144 = arith.constant 0 : i32
      %dma_start3A_145 = tpu.memref_slice %arg3[%run_scoped3A_113, %add3A_112, %dma_start3A_144] : memref<2x2672x128xi32, #tpu.memory_space<hbm>> -> memref<1x48x128xi32, #tpu.memory_space<hbm>>
      %dma_start3A_146 = tpu.memref_squeeze %dma_start3A_145 : memref<1x48x128xi32, #tpu.memory_space<hbm>> -> memref<48x128xi32, #tpu.memory_space<hbm>>
      tpu.enqueue_dma source(%dma_start3A_146 : memref<48x128xi32, #tpu.memory_space<hbm>>) target(%arg6 : memref<48x128xi32, #tpu.memory_space<vmem>>) target_semaphore(%run_scoped3A_141 : memref<!tpu.dma_semaphore, #tpu.memory_space<semaphore_mem>>)
      %dma_wait3A = arith.constant 0 : i32
      %dma_wait3A_147 = tpu.memref_slice %arg3[%run_scoped3A_113, %add3A_112, %dma_wait3A] : memref<2x2672x128xi32, #tpu.memory_space<hbm>> -> memref<1x48x128xi32, #tpu.memory_space<hbm>>
      %dma_wait3A_148 = tpu.memref_squeeze %dma_wait3A_147 : memref<1x48x128xi32, #tpu.memory_space<hbm>> -> memref<48x128xi32, #tpu.memory_space<hbm>>
      %dma_wait3A_149 = arith.constant 0 : i32
      %dma_wait3A_150 = tpu.memref_slice %arg3[%run_scoped3A_113, %add3A_112, %dma_wait3A_149] : memref<2x2672x128xi32, #tpu.memory_space<hbm>> -> memref<1x48x128xi32, #tpu.memory_space<hbm>>
      %dma_wait3A_151 = tpu.memref_squeeze %dma_wait3A_150 : memref<1x48x128xi32, #tpu.memory_space<hbm>> -> memref<48x128xi32, #tpu.memory_space<hbm>>
      tpu.wait_dma2 semaphore(%run_scoped3A_141 : memref<!tpu.dma_semaphore, #tpu.memory_space<semaphore_mem>>) src(%dma_wait3A_151 : memref<48x128xi32, #tpu.memory_space<hbm>>) dst(%arg6 : memref<48x128xi32, #tpu.memory_space<vmem>>)
      tpu.yield
    }) : () -> ()
    %gt3A_114 = arith.constant 0 : i32
    %gt3A_115 = arith.cmpi sgt, %min3A_107, %gt3A_114 : i32
    %convert_element_type3A_116 = arith.extui %gt3A_115 : i1 to i32
    %cond3A_117 = arith.constant 0 : i32
    %cond3A_118 = arith.cmpi ne, %convert_element_type3A_116, %cond3A_117 : i32
    scf.if %cond3A_118 {
      %dma_start3A = arith.constant 0 : i32
      %dma_start3A_141 = tpu.memref_slice %arg5[%sub3A_29, %dma_start3A] : memref<48x128xi32, #tpu.memory_space<vmem>> -> memref<1x128xi32, #tpu.memory_space<vmem>>
      %dma_start3A_142 = tpu.memref_squeeze %dma_start3A_141 : memref<1x128xi32, #tpu.memory_space<vmem>> -> memref<128xi32, #tpu.memory_space<vmem>>
      %dma_start3A_143 = arith.constant 0 : i32
      %dma_start3A_144 = arith.constant 0 : i32
      %dma_start3A_145 = tpu.memref_slice %arg2[%dma_start3A_143, %dma_start3A_144] : memref<10000x128xf32, #tpu.memory_space<hbm>> -> memref<10000x128xf32, #tpu.memory_space<hbm>>
      tpu.enqueue_indirect_dma source(%dma_start3A_145 : memref<10000x128xf32, #tpu.memory_space<hbm>>) target(%arg7 : memref<128x128xf32, #tpu.memory_space<vmem>>) offsets(%dma_start3A_142 : memref<128xi32, #tpu.memory_space<vmem>>) semaphore(%arg11 : memref<!tpu.dma_semaphore, #tpu.memory_space<semaphore_mem>>)
    } else {
    }
    %gt3A_119 = arith.constant 1 : i32
    %gt3A_120 = arith.cmpi sgt, %min3A_107, %gt3A_119 : i32
    %convert_element_type3A_121 = arith.extui %gt3A_120 : i1 to i32
    %cond3A_122 = arith.constant 0 : i32
    %cond3A_123 = arith.cmpi ne, %convert_element_type3A_121, %cond3A_122 : i32
    scf.if %cond3A_123 {
      %add3A_141 = arith.constant 1 : i32
      %add3A_142 = arith.addi %sub3A_29, %add3A_141 : i32
      %dma_start3A = arith.constant 0 : i32
      %dma_start3A_143 = tpu.memref_slice %arg5[%add3A_142, %dma_start3A] : memref<48x128xi32, #tpu.memory_space<vmem>> -> memref<1x128xi32, #tpu.memory_space<vmem>>
      %dma_start3A_144 = tpu.memref_squeeze %dma_start3A_143 : memref<1x128xi32, #tpu.memory_space<vmem>> -> memref<128xi32, #tpu.memory_space<vmem>>
      %dma_start3A_145 = arith.constant 0 : i32
      %dma_start3A_146 = arith.constant 0 : i32
      %dma_start3A_147 = tpu.memref_slice %arg2[%dma_start3A_145, %dma_start3A_146] : memref<10000x128xf32, #tpu.memory_space<hbm>> -> memref<10000x128xf32, #tpu.memory_space<hbm>>
      tpu.enqueue_indirect_dma source(%dma_start3A_147 : memref<10000x128xf32, #tpu.memory_space<hbm>>) target(%arg8 : memref<128x128xf32, #tpu.memory_space<vmem>>) offsets(%dma_start3A_144 : memref<128xi32, #tpu.memory_space<vmem>>) semaphore(%arg12 : memref<!tpu.dma_semaphore, #tpu.memory_space<semaphore_mem>>)
    } else {
    }
    %while3A_124 = arith.constant 0 : i32
    %while3A_125 = arith.constant 0 : i32
    %while3A_126 = arith.subi %min3A_107, %while3A_124 : i32
    %while3A_127 = arith.addi %while3A_124, %while3A_126 : i32
    %while3A_128 = arith.constant 1 : i32
    %while3A_129 = arith.divsi %while3A_126, %while3A_128 : i32
    %while3A_130 = arith.muli %while3A_129, %while3A_128 : i32
    %while3A_131 = arith.addi %while3A_124, %while3A_130 : i32
    %while3A_132 = arith.constant 1 : i32
    %while3A_133 = scf.for %while3A_141 = %while3A_124 to %while3A_131 step %while3A_132 iter_args(%while3A_142 = %while3A_125) -> (i32)  : i32 {
      %jit3A_143 = arith.constant 2 : i32
      %eq3A_144 = arith.constant 0 : i32
      %eq3A_145 = arith.cmpi eq, %jit3A_143, %eq3A_144 : i32
      %jit3A_146 = arith.constant 1 : i32
      %select_n3A_147 = arith.select %eq3A_145, %jit3A_146, %jit3A_143 : i32
      %rem3A_148 = arith.remsi %while3A_141, %select_n3A_147 : i32
      %ne3A_149 = arith.constant 0 : i32
      %ne3A_150 = arith.cmpi ne, %rem3A_148, %ne3A_149 : i32
      %lt3A = arith.constant 0 : i32
      %lt3A_151 = arith.cmpi slt, %rem3A_148, %lt3A : i32
      %lt3A_152 = arith.constant 0 : i32
      %lt3A_153 = arith.cmpi slt, %select_n3A_147, %lt3A_152 : i32
      %ne3A_154 = arith.xori %lt3A_151, %lt3A_153 : i1
      %and3A_155 = arith.andi %ne3A_154, %ne3A_150 : i1
      %add3A_156 = arith.addi %rem3A_148, %select_n3A_147 : i32
      %select_n3A_157 = arith.select %and3A_155, %add3A_156, %rem3A_148 : i32
      %eq3A_158 = arith.constant 0 : i32
      %eq3A_159 = arith.cmpi eq, %select_n3A_157, %eq3A_158 : i32
      %convert_element_type3A_160 = arith.extui %eq3A_159 : i1 to i32
      %cond3A_161 = arith.constant 0 : i32
      %cond3A_162 = arith.cmpi ne, %convert_element_type3A_160, %cond3A_161 : i32
      scf.if %cond3A_162 {
        %add3A_185 = arith.addi %sub3A_29, %while3A_141 : i32
        %dma_wait3A = arith.constant 0 : i32
        %dma_wait3A_186 = tpu.memref_slice %arg5[%add3A_185, %dma_wait3A] : memref<48x128xi32, #tpu.memory_space<vmem>> -> memref<1x128xi32, #tpu.memory_space<vmem>>
        %dma_wait3A_187 = tpu.memref_squeeze %dma_wait3A_186 : memref<1x128xi32, #tpu.memory_space<vmem>> -> memref<128xi32, #tpu.memory_space<vmem>>
        %dma_wait3A_188 = arith.constant 0 : i32
        %dma_wait3A_189 = arith.constant 0 : i32
        %dma_wait3A_190 = tpu.memref_slice %arg2[%dma_wait3A_188, %dma_wait3A_189] : memref<10000x128xf32, #tpu.memory_space<hbm>> -> memref<10000x128xf32, #tpu.memory_space<hbm>>
        tpu.wait_indirect_dma semaphore(%arg11 : memref<!tpu.dma_semaphore, #tpu.memory_space<semaphore_mem>>) src(%dma_wait3A_190 : memref<10000x128xf32, #tpu.memory_space<hbm>>) dst(%arg7 : memref<128x128xf32, #tpu.memory_space<vmem>>)
        %add3A_191 = arith.addi %sub3A_29, %while3A_141 : i32
        "tpu.region"() ({
          %run_scoped3A_198 = tpu.sem_alloc : memref<!tpu.dma_semaphore, #tpu.memory_space<semaphore_mem>>
          %dma_start3A = arith.constant 0 : i32
          %dma_start3A_199 = tpu.memref_slice %arg6[%add3A_191, %dma_start3A] : memref<48x128xi32, #tpu.memory_space<vmem>> -> memref<1x128xi32, #tpu.memory_space<vmem>>
          %dma_start3A_200 = tpu.memref_squeeze %dma_start3A_199 : memref<1x128xi32, #tpu.memory_space<vmem>> -> memref<128xi32, #tpu.memory_space<vmem>>
          %dma_start3A_201 = arith.constant 0 : i32
          %dma_start3A_202 = arith.constant 0 : i32
          %dma_start3A_203 = tpu.memref_slice %arg10[%dma_start3A_201, %dma_start3A_202] : memref<10240x128xf32, #tpu.memory_space<vmem_shared>> -> memref<10240x128xf32, #tpu.memory_space<vmem_shared>>
          tpu.enqueue_indirect_dma source(%arg7 : memref<128x128xf32, #tpu.memory_space<vmem>>) target(%dma_start3A_203 : memref<10240x128xf32, #tpu.memory_space<vmem_shared>>) offsets(%dma_start3A_200 : memref<128xi32, #tpu.memory_space<vmem>>) semaphore(%run_scoped3A_198 : memref<!tpu.dma_semaphore, #tpu.memory_space<semaphore_mem>>) {add = true}
          %dma_wait3A_204 = arith.constant 0 : i32
          %dma_wait3A_205 = tpu.memref_slice %arg6[%add3A_191, %dma_wait3A_204] : memref<48x128xi32, #tpu.memory_space<vmem>> -> memref<1x128xi32, #tpu.memory_space<vmem>>
          %dma_wait3A_206 = tpu.memref_squeeze %dma_wait3A_205 : memref<1x128xi32, #tpu.memory_space<vmem>> -> memref<128xi32, #tpu.memory_space<vmem>>
          %dma_wait3A_207 = arith.constant 0 : i32
          %dma_wait3A_208 = arith.constant 0 : i32
          %dma_wait3A_209 = tpu.memref_slice %arg10[%dma_wait3A_207, %dma_wait3A_208] : memref<10240x128xf32, #tpu.memory_space<vmem_shared>> -> memref<10240x128xf32, #tpu.memory_space<vmem_shared>>
          tpu.wait_indirect_dma semaphore(%run_scoped3A_198 : memref<!tpu.dma_semaphore, #tpu.memory_space<semaphore_mem>>) src(%arg7 : memref<128x128xf32, #tpu.memory_space<vmem>>) dst(%dma_wait3A_209 : memref<10240x128xf32, #tpu.memory_space<vmem_shared>>)
          tpu.yield
        }) : () -> ()
        %sub3A_192 = arith.constant 2 : i32
        %sub3A_193 = arith.subi %min3A_107, %sub3A_192 : i32
        %lt3A_194 = arith.cmpi slt, %while3A_141, %sub3A_193 : i32
        %convert_element_type3A_195 = arith.extui %lt3A_194 : i1 to i32
        %cond3A_196 = arith.constant 0 : i32
        %cond3A_197 = arith.cmpi ne, %convert_element_type3A_195, %cond3A_196 : i32
        scf.if %cond3A_197 {
          %add3A_198 = arith.addi %sub3A_29, %while3A_141 : i32
          %add3A_199 = arith.constant 2 : i32
          %add3A_200 = arith.addi %add3A_198, %add3A_199 : i32
          %dma_start3A = arith.constant 0 : i32
          %dma_start3A_201 = tpu.memref_slice %arg5[%add3A_200, %dma_start3A] : memref<48x128xi32, #tpu.memory_space<vmem>> -> memref<1x128xi32, #tpu.memory_space<vmem>>
          %dma_start3A_202 = tpu.memref_squeeze %dma_start3A_201 : memref<1x128xi32, #tpu.memory_space<vmem>> -> memref<128xi32, #tpu.memory_space<vmem>>
          %dma_start3A_203 = arith.constant 0 : i32
          %dma_start3A_204 = arith.constant 0 : i32
          %dma_start3A_205 = tpu.memref_slice %arg2[%dma_start3A_203, %dma_start3A_204] : memref<10000x128xf32, #tpu.memory_space<hbm>> -> memref<10000x128xf32, #tpu.memory_space<hbm>>
          tpu.enqueue_indirect_dma source(%dma_start3A_205 : memref<10000x128xf32, #tpu.memory_space<hbm>>) target(%arg7 : memref<128x128xf32, #tpu.memory_space<vmem>>) offsets(%dma_start3A_202 : memref<128xi32, #tpu.memory_space<vmem>>) semaphore(%arg11 : memref<!tpu.dma_semaphore, #tpu.memory_space<semaphore_mem>>)
        } else {
        }
      } else {
      }
      %jit3A_163 = arith.constant 2 : i32
      %eq3A_164 = arith.constant 0 : i32
      %eq3A_165 = arith.cmpi eq, %jit3A_163, %eq3A_164 : i32
      %jit3A_166 = arith.constant 1 : i32
      %select_n3A_167 = arith.select %eq3A_165, %jit3A_166, %jit3A_163 : i32
      %rem3A_168 = arith.remsi %while3A_141, %select_n3A_167 : i32
      %ne3A_169 = arith.constant 0 : i32
      %ne3A_170 = arith.cmpi ne, %rem3A_168, %ne3A_169 : i32
      %lt3A_171 = arith.constant 0 : i32
      %lt3A_172 = arith.cmpi slt, %rem3A_168, %lt3A_171 : i32
      %lt3A_173 = arith.constant 0 : i32
      %lt3A_174 = arith.cmpi slt, %select_n3A_167, %lt3A_173 : i32
      %ne3A_175 = arith.xori %lt3A_172, %lt3A_174 : i1
      %and3A_176 = arith.andi %ne3A_175, %ne3A_170 : i1
      %add3A_177 = arith.addi %rem3A_168, %select_n3A_167 : i32
      %select_n3A_178 = arith.select %and3A_176, %add3A_177, %rem3A_168 : i32
      %eq3A_179 = arith.constant 1 : i32
      %eq3A_180 = arith.cmpi eq, %select_n3A_178, %eq3A_179 : i32
      %convert_element_type3A_181 = arith.extui %eq3A_180 : i1 to i32
      %cond3A_182 = arith.constant 0 : i32
      %cond3A_183 = arith.cmpi ne, %convert_element_type3A_181, %cond3A_182 : i32
      scf.if %cond3A_183 {
        %add3A_185 = arith.addi %sub3A_29, %while3A_141 : i32
        %dma_wait3A = arith.constant 0 : i32
        %dma_wait3A_186 = tpu.memref_slice %arg5[%add3A_185, %dma_wait3A] : memref<48x128xi32, #tpu.memory_space<vmem>> -> memref<1x128xi32, #tpu.memory_space<vmem>>
        %dma_wait3A_187 = tpu.memref_squeeze %dma_wait3A_186 : memref<1x128xi32, #tpu.memory_space<vmem>> -> memref<128xi32, #tpu.memory_space<vmem>>
        %dma_wait3A_188 = arith.constant 0 : i32
        %dma_wait3A_189 = arith.constant 0 : i32
        %dma_wait3A_190 = tpu.memref_slice %arg2[%dma_wait3A_188, %dma_wait3A_189] : memref<10000x128xf32, #tpu.memory_space<hbm>> -> memref<10000x128xf32, #tpu.memory_space<hbm>>
        tpu.wait_indirect_dma semaphore(%arg12 : memref<!tpu.dma_semaphore, #tpu.memory_space<semaphore_mem>>) src(%dma_wait3A_190 : memref<10000x128xf32, #tpu.memory_space<hbm>>) dst(%arg8 : memref<128x128xf32, #tpu.memory_space<vmem>>)
        %add3A_191 = arith.addi %sub3A_29, %while3A_141 : i32
        "tpu.region"() ({
          %run_scoped3A_198 = tpu.sem_alloc : memref<!tpu.dma_semaphore, #tpu.memory_space<semaphore_mem>>
          %dma_start3A = arith.constant 0 : i32
          %dma_start3A_199 = tpu.memref_slice %arg6[%add3A_191, %dma_start3A] : memref<48x128xi32, #tpu.memory_space<vmem>> -> memref<1x128xi32, #tpu.memory_space<vmem>>
          %dma_start3A_200 = tpu.memref_squeeze %dma_start3A_199 : memref<1x128xi32, #tpu.memory_space<vmem>> -> memref<128xi32, #tpu.memory_space<vmem>>
          %dma_start3A_201 = arith.constant 0 : i32
          %dma_start3A_202 = arith.constant 0 : i32
          %dma_start3A_203 = tpu.memref_slice %arg10[%dma_start3A_201, %dma_start3A_202] : memref<10240x128xf32, #tpu.memory_space<vmem_shared>> -> memref<10240x128xf32, #tpu.memory_space<vmem_shared>>
          tpu.enqueue_indirect_dma source(%arg8 : memref<128x128xf32, #tpu.memory_space<vmem>>) target(%dma_start3A_203 : memref<10240x128xf32, #tpu.memory_space<vmem_shared>>) offsets(%dma_start3A_200 : memref<128xi32, #tpu.memory_space<vmem>>) semaphore(%run_scoped3A_198 : memref<!tpu.dma_semaphore, #tpu.memory_space<semaphore_mem>>) {add = true}
          %dma_wait3A_204 = arith.constant 0 : i32
          %dma_wait3A_205 = tpu.memref_slice %arg6[%add3A_191, %dma_wait3A_204] : memref<48x128xi32, #tpu.memory_space<vmem>> -> memref<1x128xi32, #tpu.memory_space<vmem>>
          %dma_wait3A_206 = tpu.memref_squeeze %dma_wait3A_205 : memref<1x128xi32, #tpu.memory_space<vmem>> -> memref<128xi32, #tpu.memory_space<vmem>>
          %dma_wait3A_207 = arith.constant 0 : i32
          %dma_wait3A_208 = arith.constant 0 : i32
          %dma_wait3A_209 = tpu.memref_slice %arg10[%dma_wait3A_207, %dma_wait3A_208] : memref<10240x128xf32, #tpu.memory_space<vmem_shared>> -> memref<10240x128xf32, #tpu.memory_space<vmem_shared>>
          tpu.wait_indirect_dma semaphore(%run_scoped3A_198 : memref<!tpu.dma_semaphore, #tpu.memory_space<semaphore_mem>>) src(%arg8 : memref<128x128xf32, #tpu.memory_space<vmem>>) dst(%dma_wait3A_209 : memref<10240x128xf32, #tpu.memory_space<vmem_shared>>)
          tpu.yield
        }) : () -> ()
        %sub3A_192 = arith.constant 2 : i32
        %sub3A_193 = arith.subi %min3A_107, %sub3A_192 : i32
        %lt3A_194 = arith.cmpi slt, %while3A_141, %sub3A_193 : i32
        %convert_element_type3A_195 = arith.extui %lt3A_194 : i1 to i32
        %cond3A_196 = arith.constant 0 : i32
        %cond3A_197 = arith.cmpi ne, %convert_element_type3A_195, %cond3A_196 : i32
        scf.if %cond3A_197 {
          %add3A_198 = arith.addi %sub3A_29, %while3A_141 : i32
          %add3A_199 = arith.constant 2 : i32
          %add3A_200 = arith.addi %add3A_198, %add3A_199 : i32
          %dma_start3A = arith.constant 0 : i32
          %dma_start3A_201 = tpu.memref_slice %arg5[%add3A_200, %dma_start3A] : memref<48x128xi32, #tpu.memory_space<vmem>> -> memref<1x128xi32, #tpu.memory_space<vmem>>
          %dma_start3A_202 = tpu.memref_squeeze %dma_start3A_201 : memref<1x128xi32, #tpu.memory_space<vmem>> -> memref<128xi32, #tpu.memory_space<vmem>>
          %dma_start3A_203 = arith.constant 0 : i32
          %dma_start3A_204 = arith.constant 0 : i32
          %dma_start3A_205 = tpu.memref_slice %arg2[%dma_start3A_203, %dma_start3A_204] : memref<10000x128xf32, #tpu.memory_space<hbm>> -> memref<10000x128xf32, #tpu.memory_space<hbm>>
          tpu.enqueue_indirect_dma source(%dma_start3A_205 : memref<10000x128xf32, #tpu.memory_space<hbm>>) target(%arg8 : memref<128x128xf32, #tpu.memory_space<vmem>>) offsets(%dma_start3A_202 : memref<128xi32, #tpu.memory_space<vmem>>) semaphore(%arg12 : memref<!tpu.dma_semaphore, #tpu.memory_space<semaphore_mem>>)
        } else {
        }
      } else {
      }
      %while3A_184 = arith.constant 0 : i32
      scf.yield %while3A_184 : i32
    }
    %while3A_134 = arith.constant 1 : i32
    %while3A_135 = scf.for %while3A_141 = %while3A_131 to %while3A_127 step %while3A_134 iter_args(%while3A_142 = %while3A_133) -> (i32)  : i32 {
      %jit3A_143 = arith.constant 2 : i32
      %eq3A_144 = arith.constant 0 : i32
      %eq3A_145 = arith.cmpi eq, %jit3A_143, %eq3A_144 : i32
      %jit3A_146 = arith.constant 1 : i32
      %select_n3A_147 = arith.select %eq3A_145, %jit3A_146, %jit3A_143 : i32
      %rem3A_148 = arith.remsi %while3A_141, %select_n3A_147 : i32
      %ne3A_149 = arith.constant 0 : i32
      %ne3A_150 = arith.cmpi ne, %rem3A_148, %ne3A_149 : i32
      %lt3A = arith.constant 0 : i32
      %lt3A_151 = arith.cmpi slt, %rem3A_148, %lt3A : i32
      %lt3A_152 = arith.constant 0 : i32
      %lt3A_153 = arith.cmpi slt, %select_n3A_147, %lt3A_152 : i32
      %ne3A_154 = arith.xori %lt3A_151, %lt3A_153 : i1
      %and3A_155 = arith.andi %ne3A_154, %ne3A_150 : i1
      %add3A_156 = arith.addi %rem3A_148, %select_n3A_147 : i32
      %select_n3A_157 = arith.select %and3A_155, %add3A_156, %rem3A_148 : i32
      %eq3A_158 = arith.constant 0 : i32
      %eq3A_159 = arith.cmpi eq, %select_n3A_157, %eq3A_158 : i32
      %convert_element_type3A_160 = arith.extui %eq3A_159 : i1 to i32
      %cond3A_161 = arith.constant 0 : i32
      %cond3A_162 = arith.cmpi ne, %convert_element_type3A_160, %cond3A_161 : i32
      scf.if %cond3A_162 {
        %add3A_185 = arith.addi %sub3A_29, %while3A_141 : i32
        %dma_wait3A = arith.constant 0 : i32
        %dma_wait3A_186 = tpu.memref_slice %arg5[%add3A_185, %dma_wait3A] : memref<48x128xi32, #tpu.memory_space<vmem>> -> memref<1x128xi32, #tpu.memory_space<vmem>>
        %dma_wait3A_187 = tpu.memref_squeeze %dma_wait3A_186 : memref<1x128xi32, #tpu.memory_space<vmem>> -> memref<128xi32, #tpu.memory_space<vmem>>
        %dma_wait3A_188 = arith.constant 0 : i32
        %dma_wait3A_189 = arith.constant 0 : i32
        %dma_wait3A_190 = tpu.memref_slice %arg2[%dma_wait3A_188, %dma_wait3A_189] : memref<10000x128xf32, #tpu.memory_space<hbm>> -> memref<10000x128xf32, #tpu.memory_space<hbm>>
        tpu.wait_indirect_dma semaphore(%arg11 : memref<!tpu.dma_semaphore, #tpu.memory_space<semaphore_mem>>) src(%dma_wait3A_190 : memref<10000x128xf32, #tpu.memory_space<hbm>>) dst(%arg7 : memref<128x128xf32, #tpu.memory_space<vmem>>)
        %add3A_191 = arith.addi %sub3A_29, %while3A_141 : i32
        "tpu.region"() ({
          %run_scoped3A_198 = tpu.sem_alloc : memref<!tpu.dma_semaphore, #tpu.memory_space<semaphore_mem>>
          %dma_start3A = arith.constant 0 : i32
          %dma_start3A_199 = tpu.memref_slice %arg6[%add3A_191, %dma_start3A] : memref<48x128xi32, #tpu.memory_space<vmem>> -> memref<1x128xi32, #tpu.memory_space<vmem>>
          %dma_start3A_200 = tpu.memref_squeeze %dma_start3A_199 : memref<1x128xi32, #tpu.memory_space<vmem>> -> memref<128xi32, #tpu.memory_space<vmem>>
          %dma_start3A_201 = arith.constant 0 : i32
          %dma_start3A_202 = arith.constant 0 : i32
          %dma_start3A_203 = tpu.memref_slice %arg10[%dma_start3A_201, %dma_start3A_202] : memref<10240x128xf32, #tpu.memory_space<vmem_shared>> -> memref<10240x128xf32, #tpu.memory_space<vmem_shared>>
          tpu.enqueue_indirect_dma source(%arg7 : memref<128x128xf32, #tpu.memory_space<vmem>>) target(%dma_start3A_203 : memref<10240x128xf32, #tpu.memory_space<vmem_shared>>) offsets(%dma_start3A_200 : memref<128xi32, #tpu.memory_space<vmem>>) semaphore(%run_scoped3A_198 : memref<!tpu.dma_semaphore, #tpu.memory_space<semaphore_mem>>) {add = true}
          %dma_wait3A_204 = arith.constant 0 : i32
          %dma_wait3A_205 = tpu.memref_slice %arg6[%add3A_191, %dma_wait3A_204] : memref<48x128xi32, #tpu.memory_space<vmem>> -> memref<1x128xi32, #tpu.memory_space<vmem>>
          %dma_wait3A_206 = tpu.memref_squeeze %dma_wait3A_205 : memref<1x128xi32, #tpu.memory_space<vmem>> -> memref<128xi32, #tpu.memory_space<vmem>>
          %dma_wait3A_207 = arith.constant 0 : i32
          %dma_wait3A_208 = arith.constant 0 : i32
          %dma_wait3A_209 = tpu.memref_slice %arg10[%dma_wait3A_207, %dma_wait3A_208] : memref<10240x128xf32, #tpu.memory_space<vmem_shared>> -> memref<10240x128xf32, #tpu.memory_space<vmem_shared>>
          tpu.wait_indirect_dma semaphore(%run_scoped3A_198 : memref<!tpu.dma_semaphore, #tpu.memory_space<semaphore_mem>>) src(%arg7 : memref<128x128xf32, #tpu.memory_space<vmem>>) dst(%dma_wait3A_209 : memref<10240x128xf32, #tpu.memory_space<vmem_shared>>)
          tpu.yield
        }) : () -> ()
        %sub3A_192 = arith.constant 2 : i32
        %sub3A_193 = arith.subi %min3A_107, %sub3A_192 : i32
        %lt3A_194 = arith.cmpi slt, %while3A_141, %sub3A_193 : i32
        %convert_element_type3A_195 = arith.extui %lt3A_194 : i1 to i32
        %cond3A_196 = arith.constant 0 : i32
        %cond3A_197 = arith.cmpi ne, %convert_element_type3A_195, %cond3A_196 : i32
        scf.if %cond3A_197 {
          %add3A_198 = arith.addi %sub3A_29, %while3A_141 : i32
          %add3A_199 = arith.constant 2 : i32
          %add3A_200 = arith.addi %add3A_198, %add3A_199 : i32
          %dma_start3A = arith.constant 0 : i32
          %dma_start3A_201 = tpu.memref_slice %arg5[%add3A_200, %dma_start3A] : memref<48x128xi32, #tpu.memory_space<vmem>> -> memref<1x128xi32, #tpu.memory_space<vmem>>
          %dma_start3A_202 = tpu.memref_squeeze %dma_start3A_201 : memref<1x128xi32, #tpu.memory_space<vmem>> -> memref<128xi32, #tpu.memory_space<vmem>>
          %dma_start3A_203 = arith.constant 0 : i32
          %dma_start3A_204 = arith.constant 0 : i32
          %dma_start3A_205 = tpu.memref_slice %arg2[%dma_start3A_203, %dma_start3A_204] : memref<10000x128xf32, #tpu.memory_space<hbm>> -> memref<10000x128xf32, #tpu.memory_space<hbm>>
          tpu.enqueue_indirect_dma source(%dma_start3A_205 : memref<10000x128xf32, #tpu.memory_space<hbm>>) target(%arg7 : memref<128x128xf32, #tpu.memory_space<vmem>>) offsets(%dma_start3A_202 : memref<128xi32, #tpu.memory_space<vmem>>) semaphore(%arg11 : memref<!tpu.dma_semaphore, #tpu.memory_space<semaphore_mem>>)
        } else {
        }
      } else {
      }
      %jit3A_163 = arith.constant 2 : i32
      %eq3A_164 = arith.constant 0 : i32
      %eq3A_165 = arith.cmpi eq, %jit3A_163, %eq3A_164 : i32
      %jit3A_166 = arith.constant 1 : i32
      %select_n3A_167 = arith.select %eq3A_165, %jit3A_166, %jit3A_163 : i32
      %rem3A_168 = arith.remsi %while3A_141, %select_n3A_167 : i32
      %ne3A_169 = arith.constant 0 : i32
      %ne3A_170 = arith.cmpi ne, %rem3A_168, %ne3A_169 : i32
      %lt3A_171 = arith.constant 0 : i32
      %lt3A_172 = arith.cmpi slt, %rem3A_168, %lt3A_171 : i32
      %lt3A_173 = arith.constant 0 : i32
      %lt3A_174 = arith.cmpi slt, %select_n3A_167, %lt3A_173 : i32
      %ne3A_175 = arith.xori %lt3A_172, %lt3A_174 : i1
      %and3A_176 = arith.andi %ne3A_175, %ne3A_170 : i1
      %add3A_177 = arith.addi %rem3A_168, %select_n3A_167 : i32
      %select_n3A_178 = arith.select %and3A_176, %add3A_177, %rem3A_168 : i32
      %eq3A_179 = arith.constant 1 : i32
      %eq3A_180 = arith.cmpi eq, %select_n3A_178, %eq3A_179 : i32
      %convert_element_type3A_181 = arith.extui %eq3A_180 : i1 to i32
      %cond3A_182 = arith.constant 0 : i32
      %cond3A_183 = arith.cmpi ne, %convert_element_type3A_181, %cond3A_182 : i32
      scf.if %cond3A_183 {
        %add3A_185 = arith.addi %sub3A_29, %while3A_141 : i32
        %dma_wait3A = arith.constant 0 : i32
        %dma_wait3A_186 = tpu.memref_slice %arg5[%add3A_185, %dma_wait3A] : memref<48x128xi32, #tpu.memory_space<vmem>> -> memref<1x128xi32, #tpu.memory_space<vmem>>
        %dma_wait3A_187 = tpu.memref_squeeze %dma_wait3A_186 : memref<1x128xi32, #tpu.memory_space<vmem>> -> memref<128xi32, #tpu.memory_space<vmem>>
        %dma_wait3A_188 = arith.constant 0 : i32
        %dma_wait3A_189 = arith.constant 0 : i32
        %dma_wait3A_190 = tpu.memref_slice %arg2[%dma_wait3A_188, %dma_wait3A_189] : memref<10000x128xf32, #tpu.memory_space<hbm>> -> memref<10000x128xf32, #tpu.memory_space<hbm>>
        tpu.wait_indirect_dma semaphore(%arg12 : memref<!tpu.dma_semaphore, #tpu.memory_space<semaphore_mem>>) src(%dma_wait3A_190 : memref<10000x128xf32, #tpu.memory_space<hbm>>) dst(%arg8 : memref<128x128xf32, #tpu.memory_space<vmem>>)
        %add3A_191 = arith.addi %sub3A_29, %while3A_141 : i32
        "tpu.region"() ({
          %run_scoped3A_198 = tpu.sem_alloc : memref<!tpu.dma_semaphore, #tpu.memory_space<semaphore_mem>>
          %dma_start3A = arith.constant 0 : i32
          %dma_start3A_199 = tpu.memref_slice %arg6[%add3A_191, %dma_start3A] : memref<48x128xi32, #tpu.memory_space<vmem>> -> memref<1x128xi32, #tpu.memory_space<vmem>>
          %dma_start3A_200 = tpu.memref_squeeze %dma_start3A_199 : memref<1x128xi32, #tpu.memory_space<vmem>> -> memref<128xi32, #tpu.memory_space<vmem>>
          %dma_start3A_201 = arith.constant 0 : i32
          %dma_start3A_202 = arith.constant 0 : i32
          %dma_start3A_203 = tpu.memref_slice %arg10[%dma_start3A_201, %dma_start3A_202] : memref<10240x128xf32, #tpu.memory_space<vmem_shared>> -> memref<10240x128xf32, #tpu.memory_space<vmem_shared>>
          tpu.enqueue_indirect_dma source(%arg8 : memref<128x128xf32, #tpu.memory_space<vmem>>) target(%dma_start3A_203 : memref<10240x128xf32, #tpu.memory_space<vmem_shared>>) offsets(%dma_start3A_200 : memref<128xi32, #tpu.memory_space<vmem>>) semaphore(%run_scoped3A_198 : memref<!tpu.dma_semaphore, #tpu.memory_space<semaphore_mem>>) {add = true}
          %dma_wait3A_204 = arith.constant 0 : i32
          %dma_wait3A_205 = tpu.memref_slice %arg6[%add3A_191, %dma_wait3A_204] : memref<48x128xi32, #tpu.memory_space<vmem>> -> memref<1x128xi32, #tpu.memory_space<vmem>>
          %dma_wait3A_206 = tpu.memref_squeeze %dma_wait3A_205 : memref<1x128xi32, #tpu.memory_space<vmem>> -> memref<128xi32, #tpu.memory_space<vmem>>
          %dma_wait3A_207 = arith.constant 0 : i32
          %dma_wait3A_208 = arith.constant 0 : i32
          %dma_wait3A_209 = tpu.memref_slice %arg10[%dma_wait3A_207, %dma_wait3A_208] : memref<10240x128xf32, #tpu.memory_space<vmem_shared>> -> memref<10240x128xf32, #tpu.memory_space<vmem_shared>>
          tpu.wait_indirect_dma semaphore(%run_scoped3A_198 : memref<!tpu.dma_semaphore, #tpu.memory_space<semaphore_mem>>) src(%arg8 : memref<128x128xf32, #tpu.memory_space<vmem>>) dst(%dma_wait3A_209 : memref<10240x128xf32, #tpu.memory_space<vmem_shared>>)
          tpu.yield
        }) : () -> ()
        %sub3A_192 = arith.constant 2 : i32
        %sub3A_193 = arith.subi %min3A_107, %sub3A_192 : i32
        %lt3A_194 = arith.cmpi slt, %while3A_141, %sub3A_193 : i32
        %convert_element_type3A_195 = arith.extui %lt3A_194 : i1 to i32
        %cond3A_196 = arith.constant 0 : i32
        %cond3A_197 = arith.cmpi ne, %convert_element_type3A_195, %cond3A_196 : i32
        scf.if %cond3A_197 {
          %add3A_198 = arith.addi %sub3A_29, %while3A_141 : i32
          %add3A_199 = arith.constant 2 : i32
          %add3A_200 = arith.addi %add3A_198, %add3A_199 : i32
          %dma_start3A = arith.constant 0 : i32
          %dma_start3A_201 = tpu.memref_slice %arg5[%add3A_200, %dma_start3A] : memref<48x128xi32, #tpu.memory_space<vmem>> -> memref<1x128xi32, #tpu.memory_space<vmem>>
          %dma_start3A_202 = tpu.memref_squeeze %dma_start3A_201 : memref<1x128xi32, #tpu.memory_space<vmem>> -> memref<128xi32, #tpu.memory_space<vmem>>
          %dma_start3A_203 = arith.constant 0 : i32
          %dma_start3A_204 = arith.constant 0 : i32
          %dma_start3A_205 = tpu.memref_slice %arg2[%dma_start3A_203, %dma_start3A_204] : memref<10000x128xf32, #tpu.memory_space<hbm>> -> memref<10000x128xf32, #tpu.memory_space<hbm>>
          tpu.enqueue_indirect_dma source(%dma_start3A_205 : memref<10000x128xf32, #tpu.memory_space<hbm>>) target(%arg8 : memref<128x128xf32, #tpu.memory_space<vmem>>) offsets(%dma_start3A_202 : memref<128xi32, #tpu.memory_space<vmem>>) semaphore(%arg12 : memref<!tpu.dma_semaphore, #tpu.memory_space<semaphore_mem>>)
        } else {
        }
      } else {
      }
      %while3A_184 = arith.constant 0 : i32
      scf.yield %while3A_184 : i32
    }
    %barrier3A_136 = arith.constant 0 : index
    tpu.barrier barrier_id(%barrier3A_136)
    %mul3A_137 = arith.constant 640 : i32
    %mul3A_138 = arith.muli %arg1, %mul3A_137 : i32
    %mul3A_139 = arith.constant 640 : i32
    %mul3A_140 = arith.muli %arg1, %mul3A_139 : i32
    "tpu.region"() ({
      %run_scoped3A_141 = tpu.sem_alloc : memref<!tpu.dma_semaphore, #tpu.memory_space<semaphore_mem>>
      %dma_start3A = arith.constant 0 : i32
      %dma_start3A_142 = tpu.memref_slice %arg4[%arg0, %mul3A_140, %dma_start3A] : memref<2x10240x128xf32, #tpu.memory_space<hbm>> -> memref<1x640x128xf32, #tpu.memory_space<hbm>>
      %dma_start3A_143 = tpu.memref_squeeze %dma_start3A_142 : memref<1x640x128xf32, #tpu.memory_space<hbm>> -> memref<640x128xf32, #tpu.memory_space<hbm>>
      %dma_start3A_144 = arith.constant 0 : i32
      %dma_start3A_145 = tpu.memref_slice %arg10[%mul3A_138, %dma_start3A_144] : memref<10240x128xf32, #tpu.memory_space<vmem_shared>> -> memref<640x128xf32, #tpu.memory_space<vmem_shared>>
      tpu.enqueue_dma source(%dma_start3A_145 : memref<640x128xf32, #tpu.memory_space<vmem_shared>>) target(%dma_start3A_143 : memref<640x128xf32, #tpu.memory_space<hbm>>) target_semaphore(%run_scoped3A_141 : memref<!tpu.dma_semaphore, #tpu.memory_space<semaphore_mem>>)
      %dma_wait3A = arith.constant 0 : i32
      %dma_wait3A_146 = tpu.memref_slice %arg4[%arg0, %mul3A_140, %dma_wait3A] : memref<2x10240x128xf32, #tpu.memory_space<hbm>> -> memref<1x640x128xf32, #tpu.memory_space<hbm>>
      %dma_wait3A_147 = tpu.memref_squeeze %dma_wait3A_146 : memref<1x640x128xf32, #tpu.memory_space<hbm>> -> memref<640x128xf32, #tpu.memory_space<hbm>>
      %dma_wait3A_148 = arith.constant 0 : i32
      %dma_wait3A_149 = tpu.memref_slice %arg10[%mul3A_138, %dma_wait3A_148] : memref<10240x128xf32, #tpu.memory_space<vmem_shared>> -> memref<640x128xf32, #tpu.memory_space<vmem_shared>>
      tpu.wait_dma2 semaphore(%run_scoped3A_141 : memref<!tpu.dma_semaphore, #tpu.memory_space<semaphore_mem>>) src(%dma_wait3A_149 : memref<640x128xf32, #tpu.memory_space<vmem_shared>>) dst(%dma_wait3A_147 : memref<640x128xf32, #tpu.memory_space<hbm>>)
      tpu.yield
    }) : () -> ()
    return
  }
}

#map = affine_map<(d0, d1) -> (0, 0, 0)>
module attributes {stable_mosaic.version = 14 : i64} {
  func.func @_sc_deg(%arg0: i32, %arg1: i32, %arg2: memref<2x2672x128xi32, #tpu.memory_space<hbm>>, %arg3: memref<2x10240x128xf32, #tpu.memory_space<hbm>>, %arg4: memref<88x128xi32, #tpu.memory_space<vmem>>, %arg5: memref<128x128xf32, #tpu.memory_space<vmem>>, %arg6: memref<16x128xf32, #tpu.memory_space<vmem>>, %arg7: memref<10240x128xf32, #tpu.memory_space<vmem_shared>>) attributes {dimension_semantics = [#tpu.dimension_semantics<core_parallel>, #tpu.dimension_semantics<subcore_parallel>], iteration_bounds = array<i64: 2, 16>, scalar_prefetch = 0 : i64, scratch_operands = 4 : i64, tpu.core_type = #tpu.core_type<sc_vector_subcore>, window_params = [{transform_indices = #map}, {transform_indices = #map}]} {
    %mul3A = arith.constant 16 : i32
    %mul3A_0 = arith.muli %arg0, %mul3A : i32
    %add3A = arith.addi %mul3A_0, %arg1 : i32
    %mul3A_1 = arith.constant 81 : i32
    %mul3A_2 = arith.muli %mul3A_1, %add3A : i32
    %jit3A = arith.constant 8 : i32
    %div3A = arith.divsi %mul3A_2, %jit3A : i32
    %sign3A = arith.constant 0 : i32
    %sign3A_3 = arith.cmpi sgt, %mul3A_2, %sign3A : i32
    %sign3A_4 = arith.extui %sign3A_3 : i1 to i32
    %sign3A_5 = arith.constant 0 : i32
    %sign3A_6 = arith.cmpi slt, %mul3A_2, %sign3A_5 : i32
    %sign3A_7 = arith.extui %sign3A_6 : i1 to i32
    %sign3A_8 = arith.subi %sign3A_4, %sign3A_7 : i32
    %sign3A_9 = arith.constant 0 : i32
    %sign3A_10 = arith.cmpi sgt, %jit3A, %sign3A_9 : i32
    %sign3A_11 = arith.extui %sign3A_10 : i1 to i32
    %sign3A_12 = arith.constant 0 : i32
    %sign3A_13 = arith.cmpi slt, %jit3A, %sign3A_12 : i32
    %sign3A_14 = arith.extui %sign3A_13 : i1 to i32
    %sign3A_15 = arith.subi %sign3A_11, %sign3A_14 : i32
    %ne3A = arith.cmpi ne, %sign3A_8, %sign3A_15 : i32
    %rem3A = arith.remsi %mul3A_2, %jit3A : i32
    %ne3A_16 = arith.constant 0 : i32
    %ne3A_17 = arith.cmpi ne, %rem3A, %ne3A_16 : i32
    %and3A = arith.andi %ne3A, %ne3A_17 : i1
    %sub3A = arith.constant 1 : i32
    %sub3A_18 = arith.subi %div3A, %sub3A : i32
    %select_n3A = arith.select %and3A, %sub3A_18, %div3A : i32
    %mul3A_19 = arith.constant 8 : i32
    %mul3A_20 = arith.muli %select_n3A, %mul3A_19 : i32
    %multiple_of3A = tpu.assume_multiple %mul3A_20, 8 : i32
    %mul3A_21 = arith.constant 81 : i32
    %mul3A_22 = arith.muli %mul3A_21, %add3A : i32
    %sub3A_23 = arith.subi %mul3A_22, %multiple_of3A : i32
    %scan3A = arith.constant 0 : i32
    %scan3A_24 = arith.constant 0 : i32
    %scan3A_25 = arith.constant 128 : i32
    %scan3A_26 = arith.addi %scan3A_24, %scan3A_25 : i32
    %scan3A_27 = arith.constant 1 : i32
    scf.for %scan3A_52 = %scan3A_24 to %scan3A_26 step %scan3A_27  : i32 {
      %broadcast_in_dim3A = arith.constant 1.000000e+00 : f32
      %broadcast_in_dim3A_53 = vector.broadcast %broadcast_in_dim3A : f32 to vector<16xf32>
      %swap3A = arith.index_cast %scan3A_52 : i32 to index
      %swap3A_54 = arith.constant 0 : index
      %swap3A_55 = tpu.vector_load %arg5[%swap3A, %swap3A_54] {strides = array<i32>} : memref<128x128xf32, #tpu.memory_space<vmem>>, vector<1x16xf32>,
      %swap3A_56 = vector.shape_cast %swap3A_55 : vector<1x16xf32> to vector<16xf32>
      %swap3A_57 = vector.shape_cast %broadcast_in_dim3A_53 : vector<16xf32> to vector<1x16xf32>
      tpu.vector_store %arg5[%swap3A, %swap3A_54], %swap3A_57 {strides = array<i32>} : memref<128x128xf32, #tpu.memory_space<vmem>>, vector<1x16xf32>,
      %broadcast_in_dim3A_58 = arith.constant 1.000000e+00 : f32
      %broadcast_in_dim3A_59 = vector.broadcast %broadcast_in_dim3A_58 : f32 to vector<16xf32>
      %swap3A_60 = arith.index_cast %scan3A_52 : i32 to index
      %swap3A_61 = arith.constant 16 : index
      %swap3A_62 = tpu.vector_load %arg5[%swap3A_60, %swap3A_61] {strides = array<i32>} : memref<128x128xf32, #tpu.memory_space<vmem>>, vector<1x16xf32>,
      %swap3A_63 = vector.shape_cast %swap3A_62 : vector<1x16xf32> to vector<16xf32>
      %swap3A_64 = vector.shape_cast %broadcast_in_dim3A_59 : vector<16xf32> to vector<1x16xf32>
      tpu.vector_store %arg5[%swap3A_60, %swap3A_61], %swap3A_64 {strides = array<i32>} : memref<128x128xf32, #tpu.memory_space<vmem>>, vector<1x16xf32>,
      %broadcast_in_dim3A_65 = arith.constant 1.000000e+00 : f32
      %broadcast_in_dim3A_66 = vector.broadcast %broadcast_in_dim3A_65 : f32 to vector<16xf32>
      %swap3A_67 = arith.index_cast %scan3A_52 : i32 to index
      %swap3A_68 = arith.constant 32 : index
      %swap3A_69 = tpu.vector_load %arg5[%swap3A_67, %swap3A_68] {strides = array<i32>} : memref<128x128xf32, #tpu.memory_space<vmem>>, vector<1x16xf32>,
      %swap3A_70 = vector.shape_cast %swap3A_69 : vector<1x16xf32> to vector<16xf32>
      %swap3A_71 = vector.shape_cast %broadcast_in_dim3A_66 : vector<16xf32> to vector<1x16xf32>
      tpu.vector_store %arg5[%swap3A_67, %swap3A_68], %swap3A_71 {strides = array<i32>} : memref<128x128xf32, #tpu.memory_space<vmem>>, vector<1x16xf32>,
      %broadcast_in_dim3A_72 = arith.constant 1.000000e+00 : f32
      %broadcast_in_dim3A_73 = vector.broadcast %broadcast_in_dim3A_72 : f32 to vector<16xf32>
      %swap3A_74 = arith.index_cast %scan3A_52 : i32 to index
      %swap3A_75 = arith.constant 48 : index
      %swap3A_76 = tpu.vector_load %arg5[%swap3A_74, %swap3A_75] {strides = array<i32>} : memref<128x128xf32, #tpu.memory_space<vmem>>, vector<1x16xf32>,
      %swap3A_77 = vector.shape_cast %swap3A_76 : vector<1x16xf32> to vector<16xf32>
      %swap3A_78 = vector.shape_cast %broadcast_in_dim3A_73 : vector<16xf32> to vector<1x16xf32>
      tpu.vector_store %arg5[%swap3A_74, %swap3A_75], %swap3A_78 {strides = array<i32>} : memref<128x128xf32, #tpu.memory_space<vmem>>, vector<1x16xf32>,
      %broadcast_in_dim3A_79 = arith.constant 1.000000e+00 : f32
      %broadcast_in_dim3A_80 = vector.broadcast %broadcast_in_dim3A_79 : f32 to vector<16xf32>
      %swap3A_81 = arith.index_cast %scan3A_52 : i32 to index
      %swap3A_82 = arith.constant 64 : index
      %swap3A_83 = tpu.vector_load %arg5[%swap3A_81, %swap3A_82] {strides = array<i32>} : memref<128x128xf32, #tpu.memory_space<vmem>>, vector<1x16xf32>,
      %swap3A_84 = vector.shape_cast %swap3A_83 : vector<1x16xf32> to vector<16xf32>
      %swap3A_85 = vector.shape_cast %broadcast_in_dim3A_80 : vector<16xf32> to vector<1x16xf32>
      tpu.vector_store %arg5[%swap3A_81, %swap3A_82], %swap3A_85 {strides = array<i32>} : memref<128x128xf32, #tpu.memory_space<vmem>>, vector<1x16xf32>,
      %broadcast_in_dim3A_86 = arith.constant 1.000000e+00 : f32
      %broadcast_in_dim3A_87 = vector.broadcast %broadcast_in_dim3A_86 : f32 to vector<16xf32>
      %swap3A_88 = arith.index_cast %scan3A_52 : i32 to index
      %swap3A_89 = arith.constant 80 : index
      %swap3A_90 = tpu.vector_load %arg5[%swap3A_88, %swap3A_89] {strides = array<i32>} : memref<128x128xf32, #tpu.memory_space<vmem>>, vector<1x16xf32>,
      %swap3A_91 = vector.shape_cast %swap3A_90 : vector<1x16xf32> to vector<16xf32>
      %swap3A_92 = vector.shape_cast %broadcast_in_dim3A_87 : vector<16xf32> to vector<1x16xf32>
      tpu.vector_store %arg5[%swap3A_88, %swap3A_89], %swap3A_92 {strides = array<i32>} : memref<128x128xf32, #tpu.memory_space<vmem>>, vector<1x16xf32>,
      %broadcast_in_dim3A_93 = arith.constant 1.000000e+00 : f32
      %broadcast_in_dim3A_94 = vector.broadcast %broadcast_in_dim3A_93 : f32 to vector<16xf32>
      %swap3A_95 = arith.index_cast %scan3A_52 : i32 to index
      %swap3A_96 = arith.constant 96 : index
      %swap3A_97 = tpu.vector_load %arg5[%swap3A_95, %swap3A_96] {strides = array<i32>} : memref<128x128xf32, #tpu.memory_space<vmem>>, vector<1x16xf32>,
      %swap3A_98 = vector.shape_cast %swap3A_97 : vector<1x16xf32> to vector<16xf32>
      %swap3A_99 = vector.shape_cast %broadcast_in_dim3A_94 : vector<16xf32> to vector<1x16xf32>
      tpu.vector_store %arg5[%swap3A_95, %swap3A_96], %swap3A_99 {strides = array<i32>} : memref<128x128xf32, #tpu.memory_space<vmem>>, vector<1x16xf32>,
      %broadcast_in_dim3A_100 = arith.constant 1.000000e+00 : f32
      %broadcast_in_dim3A_101 = vector.broadcast %broadcast_in_dim3A_100 : f32 to vector<16xf32>
      %swap3A_102 = arith.index_cast %scan3A_52 : i32 to index
      %swap3A_103 = arith.constant 112 : index
      %swap3A_104 = tpu.vector_load %arg5[%swap3A_102, %swap3A_103] {strides = array<i32>} : memref<128x128xf32, #tpu.memory_space<vmem>>, vector<1x16xf32>,
      %swap3A_105 = vector.shape_cast %swap3A_104 : vector<1x16xf32> to vector<16xf32>
      %swap3A_106 = vector.shape_cast %broadcast_in_dim3A_101 : vector<16xf32> to vector<1x16xf32>
      tpu.vector_store %arg5[%swap3A_102, %swap3A_103], %swap3A_106 {strides = array<i32>} : memref<128x128xf32, #tpu.memory_space<vmem>>, vector<1x16xf32>,
    }
    %scan3A_28 = arith.constant 128 : i32
    %scan3A_29 = arith.constant 0 : i32
    %scan3A_30 = arith.constant 0 : i32
    %scan3A_31 = arith.constant 16 : i32
    %scan3A_32 = arith.addi %scan3A_30, %scan3A_31 : i32
    %scan3A_33 = arith.constant 1 : i32
    scf.for %scan3A_52 = %scan3A_30 to %scan3A_32 step %scan3A_33  : i32 {
      %broadcast_in_dim3A = arith.constant 0.000000e+00 : f32
      %broadcast_in_dim3A_53 = vector.broadcast %broadcast_in_dim3A : f32 to vector<16xf32>
      %swap3A = arith.index_cast %scan3A_52 : i32 to index
      %swap3A_54 = arith.constant 0 : index
      %swap3A_55 = tpu.vector_load %arg6[%swap3A, %swap3A_54] {strides = array<i32>} : memref<16x128xf32, #tpu.memory_space<vmem>>, vector<1x16xf32>,
      %swap3A_56 = vector.shape_cast %swap3A_55 : vector<1x16xf32> to vector<16xf32>
      %swap3A_57 = vector.shape_cast %broadcast_in_dim3A_53 : vector<16xf32> to vector<1x16xf32>
      tpu.vector_store %arg6[%swap3A, %swap3A_54], %swap3A_57 {strides = array<i32>} : memref<16x128xf32, #tpu.memory_space<vmem>>, vector<1x16xf32>,
      %broadcast_in_dim3A_58 = arith.constant 0.000000e+00 : f32
      %broadcast_in_dim3A_59 = vector.broadcast %broadcast_in_dim3A_58 : f32 to vector<16xf32>
      %swap3A_60 = arith.index_cast %scan3A_52 : i32 to index
      %swap3A_61 = arith.constant 16 : index
      %swap3A_62 = tpu.vector_load %arg6[%swap3A_60, %swap3A_61] {strides = array<i32>} : memref<16x128xf32, #tpu.memory_space<vmem>>, vector<1x16xf32>,
      %swap3A_63 = vector.shape_cast %swap3A_62 : vector<1x16xf32> to vector<16xf32>
      %swap3A_64 = vector.shape_cast %broadcast_in_dim3A_59 : vector<16xf32> to vector<1x16xf32>
      tpu.vector_store %arg6[%swap3A_60, %swap3A_61], %swap3A_64 {strides = array<i32>} : memref<16x128xf32, #tpu.memory_space<vmem>>, vector<1x16xf32>,
      %broadcast_in_dim3A_65 = arith.constant 0.000000e+00 : f32
      %broadcast_in_dim3A_66 = vector.broadcast %broadcast_in_dim3A_65 : f32 to vector<16xf32>
      %swap3A_67 = arith.index_cast %scan3A_52 : i32 to index
      %swap3A_68 = arith.constant 32 : index
      %swap3A_69 = tpu.vector_load %arg6[%swap3A_67, %swap3A_68] {strides = array<i32>} : memref<16x128xf32, #tpu.memory_space<vmem>>, vector<1x16xf32>,
      %swap3A_70 = vector.shape_cast %swap3A_69 : vector<1x16xf32> to vector<16xf32>
      %swap3A_71 = vector.shape_cast %broadcast_in_dim3A_66 : vector<16xf32> to vector<1x16xf32>
      tpu.vector_store %arg6[%swap3A_67, %swap3A_68], %swap3A_71 {strides = array<i32>} : memref<16x128xf32, #tpu.memory_space<vmem>>, vector<1x16xf32>,
      %broadcast_in_dim3A_72 = arith.constant 0.000000e+00 : f32
      %broadcast_in_dim3A_73 = vector.broadcast %broadcast_in_dim3A_72 : f32 to vector<16xf32>
      %swap3A_74 = arith.index_cast %scan3A_52 : i32 to index
      %swap3A_75 = arith.constant 48 : index
      %swap3A_76 = tpu.vector_load %arg6[%swap3A_74, %swap3A_75] {strides = array<i32>} : memref<16x128xf32, #tpu.memory_space<vmem>>, vector<1x16xf32>,
      %swap3A_77 = vector.shape_cast %swap3A_76 : vector<1x16xf32> to vector<16xf32>
      %swap3A_78 = vector.shape_cast %broadcast_in_dim3A_73 : vector<16xf32> to vector<1x16xf32>
      tpu.vector_store %arg6[%swap3A_74, %swap3A_75], %swap3A_78 {strides = array<i32>} : memref<16x128xf32, #tpu.memory_space<vmem>>, vector<1x16xf32>,
      %broadcast_in_dim3A_79 = arith.constant 0.000000e+00 : f32
      %broadcast_in_dim3A_80 = vector.broadcast %broadcast_in_dim3A_79 : f32 to vector<16xf32>
      %swap3A_81 = arith.index_cast %scan3A_52 : i32 to index
      %swap3A_82 = arith.constant 64 : index
      %swap3A_83 = tpu.vector_load %arg6[%swap3A_81, %swap3A_82] {strides = array<i32>} : memref<16x128xf32, #tpu.memory_space<vmem>>, vector<1x16xf32>,
      %swap3A_84 = vector.shape_cast %swap3A_83 : vector<1x16xf32> to vector<16xf32>
      %swap3A_85 = vector.shape_cast %broadcast_in_dim3A_80 : vector<16xf32> to vector<1x16xf32>
      tpu.vector_store %arg6[%swap3A_81, %swap3A_82], %swap3A_85 {strides = array<i32>} : memref<16x128xf32, #tpu.memory_space<vmem>>, vector<1x16xf32>,
      %broadcast_in_dim3A_86 = arith.constant 0.000000e+00 : f32
      %broadcast_in_dim3A_87 = vector.broadcast %broadcast_in_dim3A_86 : f32 to vector<16xf32>
      %swap3A_88 = arith.index_cast %scan3A_52 : i32 to index
      %swap3A_89 = arith.constant 80 : index
      %swap3A_90 = tpu.vector_load %arg6[%swap3A_88, %swap3A_89] {strides = array<i32>} : memref<16x128xf32, #tpu.memory_space<vmem>>, vector<1x16xf32>,
      %swap3A_91 = vector.shape_cast %swap3A_90 : vector<1x16xf32> to vector<16xf32>
      %swap3A_92 = vector.shape_cast %broadcast_in_dim3A_87 : vector<16xf32> to vector<1x16xf32>
      tpu.vector_store %arg6[%swap3A_88, %swap3A_89], %swap3A_92 {strides = array<i32>} : memref<16x128xf32, #tpu.memory_space<vmem>>, vector<1x16xf32>,
      %broadcast_in_dim3A_93 = arith.constant 0.000000e+00 : f32
      %broadcast_in_dim3A_94 = vector.broadcast %broadcast_in_dim3A_93 : f32 to vector<16xf32>
      %swap3A_95 = arith.index_cast %scan3A_52 : i32 to index
      %swap3A_96 = arith.constant 96 : index
      %swap3A_97 = tpu.vector_load %arg6[%swap3A_95, %swap3A_96] {strides = array<i32>} : memref<16x128xf32, #tpu.memory_space<vmem>>, vector<1x16xf32>,
      %swap3A_98 = vector.shape_cast %swap3A_97 : vector<1x16xf32> to vector<16xf32>
      %swap3A_99 = vector.shape_cast %broadcast_in_dim3A_94 : vector<16xf32> to vector<1x16xf32>
      tpu.vector_store %arg6[%swap3A_95, %swap3A_96], %swap3A_99 {strides = array<i32>} : memref<16x128xf32, #tpu.memory_space<vmem>>, vector<1x16xf32>,
      %broadcast_in_dim3A_100 = arith.constant 0.000000e+00 : f32
      %broadcast_in_dim3A_101 = vector.broadcast %broadcast_in_dim3A_100 : f32 to vector<16xf32>
      %swap3A_102 = arith.index_cast %scan3A_52 : i32 to index
      %swap3A_103 = arith.constant 112 : index
      %swap3A_104 = tpu.vector_load %arg6[%swap3A_102, %swap3A_103] {strides = array<i32>} : memref<16x128xf32, #tpu.memory_space<vmem>>, vector<1x16xf32>,
      %swap3A_105 = vector.shape_cast %swap3A_104 : vector<1x16xf32> to vector<16xf32>
      %swap3A_106 = vector.shape_cast %broadcast_in_dim3A_101 : vector<16xf32> to vector<1x16xf32>
      tpu.vector_store %arg6[%swap3A_102, %swap3A_103], %swap3A_106 {strides = array<i32>} : memref<16x128xf32, #tpu.memory_space<vmem>>, vector<1x16xf32>,
    }
    %scan3A_34 = arith.constant 16 : i32
    %scan3A_35 = arith.constant 0 : i32
    %scan3A_36 = arith.constant 0 : i32
    %scan3A_37 = arith.constant 40 : i32
    %scan3A_38 = arith.addi %scan3A_36, %scan3A_37 : i32
    %scan3A_39 = arith.constant 1 : i32
    scf.for %scan3A_52 = %scan3A_36 to %scan3A_38 step %scan3A_39  : i32 {
      %mul3A_53 = arith.constant 640 : i32
      %mul3A_54 = arith.muli %arg1, %mul3A_53 : i32
      %mul3A_55 = arith.constant 16 : i32
      %mul3A_56 = arith.muli %scan3A_52, %mul3A_55 : i32
      %add3A_57 = arith.addi %mul3A_54, %mul3A_56 : i32
      "tpu.region"() ({
        %run_scoped3A_58 = tpu.sem_alloc : memref<!tpu.dma_semaphore, #tpu.memory_space<semaphore_mem>>
        %dma_start3A = arith.constant 0 : i32
        %dma_start3A_59 = tpu.memref_slice %arg7[%add3A_57, %dma_start3A] : memref<10240x128xf32, #tpu.memory_space<vmem_shared>> -> memref<16x128xf32, #tpu.memory_space<vmem_shared>>
        %dma_start3A_60 = arith.constant 0 : i32
        %dma_start3A_61 = tpu.memref_slice %arg7[%add3A_57, %dma_start3A_60] : memref<10240x128xf32, #tpu.memory_space<vmem_shared>> -> memref<16x128xf32, #tpu.memory_space<vmem_shared>>
        tpu.enqueue_dma source(%arg6 : memref<16x128xf32, #tpu.memory_space<vmem>>) target(%dma_start3A_61 : memref<16x128xf32, #tpu.memory_space<vmem_shared>>) target_semaphore(%run_scoped3A_58 : memref<!tpu.dma_semaphore, #tpu.memory_space<semaphore_mem>>)
        %dma_wait3A = arith.constant 0 : i32
        %dma_wait3A_62 = tpu.memref_slice %arg7[%add3A_57, %dma_wait3A] : memref<10240x128xf32, #tpu.memory_space<vmem_shared>> -> memref<16x128xf32, #tpu.memory_space<vmem_shared>>
        %dma_wait3A_63 = arith.constant 0 : i32
        %dma_wait3A_64 = tpu.memref_slice %arg7[%add3A_57, %dma_wait3A_63] : memref<10240x128xf32, #tpu.memory_space<vmem_shared>> -> memref<16x128xf32, #tpu.memory_space<vmem_shared>>
        tpu.wait_dma2 semaphore(%run_scoped3A_58 : memref<!tpu.dma_semaphore, #tpu.memory_space<semaphore_mem>>) src(%arg6 : memref<16x128xf32, #tpu.memory_space<vmem>>) dst(%dma_wait3A_64 : memref<16x128xf32, #tpu.memory_space<vmem_shared>>)
        tpu.yield
      }) : () -> ()
    }
    %scan3A_40 = arith.constant 40 : i32
    %barrier3A = arith.constant 0 : index
    tpu.barrier barrier_id(%barrier3A)
    %run_scoped3A = arith.constant 1 : i32
    "tpu.region"() ({
      %run_scoped3A_52 = tpu.sem_alloc : memref<!tpu.dma_semaphore, #tpu.memory_space<semaphore_mem>>
      %dma_start3A = arith.constant 0 : i32
      %dma_start3A_53 = tpu.memref_slice %arg2[%run_scoped3A, %multiple_of3A, %dma_start3A] : memref<2x2672x128xi32, #tpu.memory_space<hbm>> -> memref<1x88x128xi32, #tpu.memory_space<hbm>>
      %dma_start3A_54 = tpu.memref_squeeze %dma_start3A_53 : memref<1x88x128xi32, #tpu.memory_space<hbm>> -> memref<88x128xi32, #tpu.memory_space<hbm>>
      %dma_start3A_55 = arith.constant 0 : i32
      %dma_start3A_56 = tpu.memref_slice %arg2[%run_scoped3A, %multiple_of3A, %dma_start3A_55] : memref<2x2672x128xi32, #tpu.memory_space<hbm>> -> memref<1x88x128xi32, #tpu.memory_space<hbm>>
      %dma_start3A_57 = tpu.memref_squeeze %dma_start3A_56 : memref<1x88x128xi32, #tpu.memory_space<hbm>> -> memref<88x128xi32, #tpu.memory_space<hbm>>
      tpu.enqueue_dma source(%dma_start3A_57 : memref<88x128xi32, #tpu.memory_space<hbm>>) target(%arg4 : memref<88x128xi32, #tpu.memory_space<vmem>>) target_semaphore(%run_scoped3A_52 : memref<!tpu.dma_semaphore, #tpu.memory_space<semaphore_mem>>)
      %dma_wait3A = arith.constant 0 : i32
      %dma_wait3A_58 = tpu.memref_slice %arg2[%run_scoped3A, %multiple_of3A, %dma_wait3A] : memref<2x2672x128xi32, #tpu.memory_space<hbm>> -> memref<1x88x128xi32, #tpu.memory_space<hbm>>
      %dma_wait3A_59 = tpu.memref_squeeze %dma_wait3A_58 : memref<1x88x128xi32, #tpu.memory_space<hbm>> -> memref<88x128xi32, #tpu.memory_space<hbm>>
      %dma_wait3A_60 = arith.constant 0 : i32
      %dma_wait3A_61 = tpu.memref_slice %arg2[%run_scoped3A, %multiple_of3A, %dma_wait3A_60] : memref<2x2672x128xi32, #tpu.memory_space<hbm>> -> memref<1x88x128xi32, #tpu.memory_space<hbm>>
      %dma_wait3A_62 = tpu.memref_squeeze %dma_wait3A_61 : memref<1x88x128xi32, #tpu.memory_space<hbm>> -> memref<88x128xi32, #tpu.memory_space<hbm>>
      tpu.wait_dma2 semaphore(%run_scoped3A_52 : memref<!tpu.dma_semaphore, #tpu.memory_space<semaphore_mem>>) src(%dma_wait3A_62 : memref<88x128xi32, #tpu.memory_space<hbm>>) dst(%arg4 : memref<88x128xi32, #tpu.memory_space<vmem>>)
      tpu.yield
    }) : () -> ()
    %scan3A_41 = arith.constant 0 : i32
    %scan3A_42 = arith.constant 0 : i32
    %scan3A_43 = arith.constant 81 : i32
    %scan3A_44 = arith.addi %scan3A_42, %scan3A_43 : i32
    %scan3A_45 = arith.constant 1 : i32
    scf.for %scan3A_52 = %scan3A_42 to %scan3A_44 step %scan3A_45  : i32 {
      %add3A_53 = arith.addi %sub3A_23, %scan3A_52 : i32
      "tpu.region"() ({
        %run_scoped3A_54 = tpu.sem_alloc : memref<!tpu.dma_semaphore, #tpu.memory_space<semaphore_mem>>
        %dma_start3A = arith.constant 0 : i32
        %dma_start3A_55 = tpu.memref_slice %arg4[%add3A_53, %dma_start3A] : memref<88x128xi32, #tpu.memory_space<vmem>> -> memref<1x128xi32, #tpu.memory_space<vmem>>
        %dma_start3A_56 = tpu.memref_squeeze %dma_start3A_55 : memref<1x128xi32, #tpu.memory_space<vmem>> -> memref<128xi32, #tpu.memory_space<vmem>>
        %dma_start3A_57 = arith.constant 0 : i32
        %dma_start3A_58 = arith.constant 0 : i32
        %dma_start3A_59 = tpu.memref_slice %arg7[%dma_start3A_57, %dma_start3A_58] : memref<10240x128xf32, #tpu.memory_space<vmem_shared>> -> memref<10240x128xf32, #tpu.memory_space<vmem_shared>>
        tpu.enqueue_indirect_dma source(%arg5 : memref<128x128xf32, #tpu.memory_space<vmem>>) target(%dma_start3A_59 : memref<10240x128xf32, #tpu.memory_space<vmem_shared>>) offsets(%dma_start3A_56 : memref<128xi32, #tpu.memory_space<vmem>>) semaphore(%run_scoped3A_54 : memref<!tpu.dma_semaphore, #tpu.memory_space<semaphore_mem>>) {add = true}
        %dma_wait3A = arith.constant 0 : i32
        %dma_wait3A_60 = tpu.memref_slice %arg4[%add3A_53, %dma_wait3A] : memref<88x128xi32, #tpu.memory_space<vmem>> -> memref<1x128xi32, #tpu.memory_space<vmem>>
        %dma_wait3A_61 = tpu.memref_squeeze %dma_wait3A_60 : memref<1x128xi32, #tpu.memory_space<vmem>> -> memref<128xi32, #tpu.memory_space<vmem>>
        %dma_wait3A_62 = arith.constant 0 : i32
        %dma_wait3A_63 = arith.constant 0 : i32
        %dma_wait3A_64 = tpu.memref_slice %arg7[%dma_wait3A_62, %dma_wait3A_63] : memref<10240x128xf32, #tpu.memory_space<vmem_shared>> -> memref<10240x128xf32, #tpu.memory_space<vmem_shared>>
        tpu.wait_indirect_dma semaphore(%run_scoped3A_54 : memref<!tpu.dma_semaphore, #tpu.memory_space<semaphore_mem>>) src(%arg5 : memref<128x128xf32, #tpu.memory_space<vmem>>) dst(%dma_wait3A_64 : memref<10240x128xf32, #tpu.memory_space<vmem_shared>>)
        tpu.yield
      }) : () -> ()
    }
    %scan3A_46 = arith.constant 81 : i32
    %barrier3A_47 = arith.constant 0 : index
    tpu.barrier barrier_id(%barrier3A_47)
    %mul3A_48 = arith.constant 640 : i32
    %mul3A_49 = arith.muli %arg1, %mul3A_48 : i32
    %mul3A_50 = arith.constant 640 : i32
    %mul3A_51 = arith.muli %arg1, %mul3A_50 : i32
    "tpu.region"() ({
      %run_scoped3A_52 = tpu.sem_alloc : memref<!tpu.dma_semaphore, #tpu.memory_space<semaphore_mem>>
      %dma_start3A = arith.constant 0 : i32
      %dma_start3A_53 = tpu.memref_slice %arg3[%arg0, %mul3A_51, %dma_start3A] : memref<2x10240x128xf32, #tpu.memory_space<hbm>> -> memref<1x640x128xf32, #tpu.memory_space<hbm>>
      %dma_start3A_54 = tpu.memref_squeeze %dma_start3A_53 : memref<1x640x128xf32, #tpu.memory_space<hbm>> -> memref<640x128xf32, #tpu.memory_space<hbm>>
      %dma_start3A_55 = arith.constant 0 : i32
      %dma_start3A_56 = tpu.memref_slice %arg7[%mul3A_49, %dma_start3A_55] : memref<10240x128xf32, #tpu.memory_space<vmem_shared>> -> memref<640x128xf32, #tpu.memory_space<vmem_shared>>
      tpu.enqueue_dma source(%dma_start3A_56 : memref<640x128xf32, #tpu.memory_space<vmem_shared>>) target(%dma_start3A_54 : memref<640x128xf32, #tpu.memory_space<hbm>>) target_semaphore(%run_scoped3A_52 : memref<!tpu.dma_semaphore, #tpu.memory_space<semaphore_mem>>)
      %dma_wait3A = arith.constant 0 : i32
      %dma_wait3A_57 = tpu.memref_slice %arg3[%arg0, %mul3A_51, %dma_wait3A] : memref<2x10240x128xf32, #tpu.memory_space<hbm>> -> memref<1x640x128xf32, #tpu.memory_space<hbm>>
      %dma_wait3A_58 = tpu.memref_squeeze %dma_wait3A_57 : memref<1x640x128xf32, #tpu.memory_space<hbm>> -> memref<640x128xf32, #tpu.memory_space<hbm>>
      %dma_wait3A_59 = arith.constant 0 : i32
      %dma_wait3A_60 = tpu.memref_slice %arg7[%mul3A_49, %dma_wait3A_59] : memref<10240x128xf32, #tpu.memory_space<vmem_shared>> -> memref<640x128xf32, #tpu.memory_space<vmem_shared>>
      tpu.wait_dma2 semaphore(%run_scoped3A_52 : memref<!tpu.dma_semaphore, #tpu.memory_space<semaphore_mem>>) src(%dma_wait3A_60 : memref<640x128xf32, #tpu.memory_space<vmem_shared>>) dst(%dma_wait3A_58 : memref<640x128xf32, #tpu.memory_space<hbm>>)
      tpu.yield
    }) : () -> ()
    return
  }
}

#map = affine_map<(d0, d1) -> (0, 0)>
#map1 = affine_map<(d0, d1) -> (0, 0, 0)>
module attributes {stable_mosaic.version = 14 : i64} {
  func.func @_sc_agg(%arg0: i32, %arg1: i32, %arg2: memref<10000x128xf32, #tpu.memory_space<hbm>>, %arg3: memref<2x2672x128xi32, #tpu.memory_space<hbm>>, %arg4: memref<2x10240x128xf32, #tpu.memory_space<hbm>>, %arg5: memref<48x128xi32, #tpu.memory_space<vmem>>, %arg6: memref<48x128xi32, #tpu.memory_space<vmem>>, %arg7: memref<128x128xf32, #tpu.memory_space<vmem>>, %arg8: memref<128x128xf32, #tpu.memory_space<vmem>>, %arg9: memref<16x128xf32, #tpu.memory_space<vmem>>, %arg10: memref<10240x128xf32, #tpu.memory_space<vmem_shared>>, %arg11: memref<!tpu.dma_semaphore, #tpu.memory_space<semaphore_mem>>, %arg12: memref<!tpu.dma_semaphore, #tpu.memory_space<semaphore_mem>>) attributes {dimension_semantics = [#tpu.dimension_semantics<core_parallel>, #tpu.dimension_semantics<subcore_parallel>], iteration_bounds = array<i64: 2, 16>, scalar_prefetch = 0 : i64, scratch_operands = 8 : i64, tpu.core_type = #tpu.core_type<sc_vector_subcore>, window_params = [{transform_indices = #map}, {transform_indices = #map1}, {transform_indices = #map1}]} {
    %eq3A = arith.constant 0 : i32
    %eq3A_0 = arith.cmpi eq, %arg0, %eq3A : i32
    %jit3A = arith.constant 115 : i32
    %jit3A_1 = arith.constant 47 : i32
    %select_n3A = arith.select %eq3A_0, %jit3A, %jit3A_1 : i32
    %eq3A_2 = arith.constant 0 : i32
    %eq3A_3 = arith.cmpi eq, %arg0, %eq3A_2 : i32
    %mul3A = arith.constant 115 : i32
    %mul3A_4 = arith.muli %arg1, %mul3A : i32
    %mul3A_5 = arith.constant 47 : i32
    %mul3A_6 = arith.muli %arg1, %mul3A_5 : i32
    %add3A = arith.constant 1840 : i32
    %add3A_7 = arith.addi %add3A, %mul3A_6 : i32
    %select_n3A_8 = arith.select %eq3A_3, %mul3A_4, %add3A_7 : i32
    %jit3A_9 = arith.constant 8 : i32
    %div3A = arith.divsi %select_n3A_8, %jit3A_9 : i32
    %sign3A = arith.constant 0 : i32
    %sign3A_10 = arith.cmpi sgt, %select_n3A_8, %sign3A : i32
    %sign3A_11 = arith.extui %sign3A_10 : i1 to i32
    %sign3A_12 = arith.constant 0 : i32
    %sign3A_13 = arith.cmpi slt, %select_n3A_8, %sign3A_12 : i32
    %sign3A_14 = arith.extui %sign3A_13 : i1 to i32
    %sign3A_15 = arith.subi %sign3A_11, %sign3A_14 : i32
    %sign3A_16 = arith.constant 0 : i32
    %sign3A_17 = arith.cmpi sgt, %jit3A_9, %sign3A_16 : i32
    %sign3A_18 = arith.extui %sign3A_17 : i1 to i32
    %sign3A_19 = arith.constant 0 : i32
    %sign3A_20 = arith.cmpi slt, %jit3A_9, %sign3A_19 : i32
    %sign3A_21 = arith.extui %sign3A_20 : i1 to i32
    %sign3A_22 = arith.subi %sign3A_18, %sign3A_21 : i32
    %ne3A = arith.cmpi ne, %sign3A_15, %sign3A_22 : i32
    %rem3A = arith.remsi %select_n3A_8, %jit3A_9 : i32
    %ne3A_23 = arith.constant 0 : i32
    %ne3A_24 = arith.cmpi ne, %rem3A, %ne3A_23 : i32
    %and3A = arith.andi %ne3A, %ne3A_24 : i1
    %sub3A = arith.constant 1 : i32
    %sub3A_25 = arith.subi %div3A, %sub3A : i32
    %select_n3A_26 = arith.select %and3A, %sub3A_25, %div3A : i32
    %mul3A_27 = arith.constant 8 : i32
    %mul3A_28 = arith.muli %select_n3A_26, %mul3A_27 : i32
    %multiple_of3A = tpu.assume_multiple %mul3A_28, 8 : i32
    %sub3A_29 = arith.subi %select_n3A_8, %multiple_of3A : i32
    %scan3A = arith.constant 0 : i32
    %scan3A_30 = arith.constant 0 : i32
    %scan3A_31 = arith.constant 16 : i32
    %scan3A_32 = arith.addi %scan3A_30, %scan3A_31 : i32
    %scan3A_33 = arith.constant 1 : i32
    scf.for %scan3A_141 = %scan3A_30 to %scan3A_32 step %scan3A_33  : i32 {
      %broadcast_in_dim3A = arith.constant 0.000000e+00 : f32
      %broadcast_in_dim3A_142 = vector.broadcast %broadcast_in_dim3A : f32 to vector<16xf32>
      %swap3A = arith.index_cast %scan3A_141 : i32 to index
      %swap3A_143 = arith.constant 0 : index
      %swap3A_144 = tpu.vector_load %arg9[%swap3A, %swap3A_143] {strides = array<i32>} : memref<16x128xf32, #tpu.memory_space<vmem>>, vector<1x16xf32>,
      %swap3A_145 = vector.shape_cast %swap3A_144 : vector<1x16xf32> to vector<16xf32>
      %swap3A_146 = vector.shape_cast %broadcast_in_dim3A_142 : vector<16xf32> to vector<1x16xf32>
      tpu.vector_store %arg9[%swap3A, %swap3A_143], %swap3A_146 {strides = array<i32>} : memref<16x128xf32, #tpu.memory_space<vmem>>, vector<1x16xf32>,
      %broadcast_in_dim3A_147 = arith.constant 0.000000e+00 : f32
      %broadcast_in_dim3A_148 = vector.broadcast %broadcast_in_dim3A_147 : f32 to vector<16xf32>
      %swap3A_149 = arith.index_cast %scan3A_141 : i32 to index
      %swap3A_150 = arith.constant 16 : index
      %swap3A_151 = tpu.vector_load %arg9[%swap3A_149, %swap3A_150] {strides = array<i32>} : memref<16x128xf32, #tpu.memory_space<vmem>>, vector<1x16xf32>,
      %swap3A_152 = vector.shape_cast %swap3A_151 : vector<1x16xf32> to vector<16xf32>
      %swap3A_153 = vector.shape_cast %broadcast_in_dim3A_148 : vector<16xf32> to vector<1x16xf32>
      tpu.vector_store %arg9[%swap3A_149, %swap3A_150], %swap3A_153 {strides = array<i32>} : memref<16x128xf32, #tpu.memory_space<vmem>>, vector<1x16xf32>,
      %broadcast_in_dim3A_154 = arith.constant 0.000000e+00 : f32
      %broadcast_in_dim3A_155 = vector.broadcast %broadcast_in_dim3A_154 : f32 to vector<16xf32>
      %swap3A_156 = arith.index_cast %scan3A_141 : i32 to index
      %swap3A_157 = arith.constant 32 : index
      %swap3A_158 = tpu.vector_load %arg9[%swap3A_156, %swap3A_157] {strides = array<i32>} : memref<16x128xf32, #tpu.memory_space<vmem>>, vector<1x16xf32>,
      %swap3A_159 = vector.shape_cast %swap3A_158 : vector<1x16xf32> to vector<16xf32>
      %swap3A_160 = vector.shape_cast %broadcast_in_dim3A_155 : vector<16xf32> to vector<1x16xf32>
      tpu.vector_store %arg9[%swap3A_156, %swap3A_157], %swap3A_160 {strides = array<i32>} : memref<16x128xf32, #tpu.memory_space<vmem>>, vector<1x16xf32>,
      %broadcast_in_dim3A_161 = arith.constant 0.000000e+00 : f32
      %broadcast_in_dim3A_162 = vector.broadcast %broadcast_in_dim3A_161 : f32 to vector<16xf32>
      %swap3A_163 = arith.index_cast %scan3A_141 : i32 to index
      %swap3A_164 = arith.constant 48 : index
      %swap3A_165 = tpu.vector_load %arg9[%swap3A_163, %swap3A_164] {strides = array<i32>} : memref<16x128xf32, #tpu.memory_space<vmem>>, vector<1x16xf32>,
      %swap3A_166 = vector.shape_cast %swap3A_165 : vector<1x16xf32> to vector<16xf32>
      %swap3A_167 = vector.shape_cast %broadcast_in_dim3A_162 : vector<16xf32> to vector<1x16xf32>
      tpu.vector_store %arg9[%swap3A_163, %swap3A_164], %swap3A_167 {strides = array<i32>} : memref<16x128xf32, #tpu.memory_space<vmem>>, vector<1x16xf32>,
      %broadcast_in_dim3A_168 = arith.constant 0.000000e+00 : f32
      %broadcast_in_dim3A_169 = vector.broadcast %broadcast_in_dim3A_168 : f32 to vector<16xf32>
      %swap3A_170 = arith.index_cast %scan3A_141 : i32 to index
      %swap3A_171 = arith.constant 64 : index
      %swap3A_172 = tpu.vector_load %arg9[%swap3A_170, %swap3A_171] {strides = array<i32>} : memref<16x128xf32, #tpu.memory_space<vmem>>, vector<1x16xf32>,
      %swap3A_173 = vector.shape_cast %swap3A_172 : vector<1x16xf32> to vector<16xf32>
      %swap3A_174 = vector.shape_cast %broadcast_in_dim3A_169 : vector<16xf32> to vector<1x16xf32>
      tpu.vector_store %arg9[%swap3A_170, %swap3A_171], %swap3A_174 {strides = array<i32>} : memref<16x128xf32, #tpu.memory_space<vmem>>, vector<1x16xf32>,
      %broadcast_in_dim3A_175 = arith.constant 0.000000e+00 : f32
      %broadcast_in_dim3A_176 = vector.broadcast %broadcast_in_dim3A_175 : f32 to vector<16xf32>
      %swap3A_177 = arith.index_cast %scan3A_141 : i32 to index
      %swap3A_178 = arith.constant 80 : index
      %swap3A_179 = tpu.vector_load %arg9[%swap3A_177, %swap3A_178] {strides = array<i32>} : memref<16x128xf32, #tpu.memory_space<vmem>>, vector<1x16xf32>,
      %swap3A_180 = vector.shape_cast %swap3A_179 : vector<1x16xf32> to vector<16xf32>
      %swap3A_181 = vector.shape_cast %broadcast_in_dim3A_176 : vector<16xf32> to vector<1x16xf32>
      tpu.vector_store %arg9[%swap3A_177, %swap3A_178], %swap3A_181 {strides = array<i32>} : memref<16x128xf32, #tpu.memory_space<vmem>>, vector<1x16xf32>,
      %broadcast_in_dim3A_182 = arith.constant 0.000000e+00 : f32
      %broadcast_in_dim3A_183 = vector.broadcast %broadcast_in_dim3A_182 : f32 to vector<16xf32>
      %swap3A_184 = arith.index_cast %scan3A_141 : i32 to index
      %swap3A_185 = arith.constant 96 : index
      %swap3A_186 = tpu.vector_load %arg9[%swap3A_184, %swap3A_185] {strides = array<i32>} : memref<16x128xf32, #tpu.memory_space<vmem>>, vector<1x16xf32>,
      %swap3A_187 = vector.shape_cast %swap3A_186 : vector<1x16xf32> to vector<16xf32>
      %swap3A_188 = vector.shape_cast %broadcast_in_dim3A_183 : vector<16xf32> to vector<1x16xf32>
      tpu.vector_store %arg9[%swap3A_184, %swap3A_185], %swap3A_188 {strides = array<i32>} : memref<16x128xf32, #tpu.memory_space<vmem>>, vector<1x16xf32>,
      %broadcast_in_dim3A_189 = arith.constant 0.000000e+00 : f32
      %broadcast_in_dim3A_190 = vector.broadcast %broadcast_in_dim3A_189 : f32 to vector<16xf32>
      %swap3A_191 = arith.index_cast %scan3A_141 : i32 to index
      %swap3A_192 = arith.constant 112 : index
      %swap3A_193 = tpu.vector_load %arg9[%swap3A_191, %swap3A_192] {strides = array<i32>} : memref<16x128xf32, #tpu.memory_space<vmem>>, vector<1x16xf32>,
      %swap3A_194 = vector.shape_cast %swap3A_193 : vector<1x16xf32> to vector<16xf32>
      %swap3A_195 = vector.shape_cast %broadcast_in_dim3A_190 : vector<16xf32> to vector<1x16xf32>
      tpu.vector_store %arg9[%swap3A_191, %swap3A_192], %swap3A_195 {strides = array<i32>} : memref<16x128xf32, #tpu.memory_space<vmem>>, vector<1x16xf32>,
    }
    %scan3A_34 = arith.constant 16 : i32
    %scan3A_35 = arith.constant 0 : i32
    %scan3A_36 = arith.constant 0 : i32
    %scan3A_37 = arith.constant 40 : i32
    %scan3A_38 = arith.addi %scan3A_36, %scan3A_37 : i32
    %scan3A_39 = arith.constant 1 : i32
    scf.for %scan3A_141 = %scan3A_36 to %scan3A_38 step %scan3A_39  : i32 {
      %mul3A_142 = arith.constant 640 : i32
      %mul3A_143 = arith.muli %arg1, %mul3A_142 : i32
      %mul3A_144 = arith.constant 16 : i32
      %mul3A_145 = arith.muli %scan3A_141, %mul3A_144 : i32
      %add3A_146 = arith.addi %mul3A_143, %mul3A_145 : i32
      "tpu.region"() ({
        %run_scoped3A_147 = tpu.sem_alloc : memref<!tpu.dma_semaphore, #tpu.memory_space<semaphore_mem>>
        %dma_start3A = arith.constant 0 : i32
        %dma_start3A_148 = tpu.memref_slice %arg10[%add3A_146, %dma_start3A] : memref<10240x128xf32, #tpu.memory_space<vmem_shared>> -> memref<16x128xf32, #tpu.memory_space<vmem_shared>>
        %dma_start3A_149 = arith.constant 0 : i32
        %dma_start3A_150 = tpu.memref_slice %arg10[%add3A_146, %dma_start3A_149] : memref<10240x128xf32, #tpu.memory_space<vmem_shared>> -> memref<16x128xf32, #tpu.memory_space<vmem_shared>>
        tpu.enqueue_dma source(%arg9 : memref<16x128xf32, #tpu.memory_space<vmem>>) target(%dma_start3A_150 : memref<16x128xf32, #tpu.memory_space<vmem_shared>>) target_semaphore(%run_scoped3A_147 : memref<!tpu.dma_semaphore, #tpu.memory_space<semaphore_mem>>)
        %dma_wait3A = arith.constant 0 : i32
        %dma_wait3A_151 = tpu.memref_slice %arg10[%add3A_146, %dma_wait3A] : memref<10240x128xf32, #tpu.memory_space<vmem_shared>> -> memref<16x128xf32, #tpu.memory_space<vmem_shared>>
        %dma_wait3A_152 = arith.constant 0 : i32
        %dma_wait3A_153 = tpu.memref_slice %arg10[%add3A_146, %dma_wait3A_152] : memref<10240x128xf32, #tpu.memory_space<vmem_shared>> -> memref<16x128xf32, #tpu.memory_space<vmem_shared>>
        tpu.wait_dma2 semaphore(%run_scoped3A_147 : memref<!tpu.dma_semaphore, #tpu.memory_space<semaphore_mem>>) src(%arg9 : memref<16x128xf32, #tpu.memory_space<vmem>>) dst(%dma_wait3A_153 : memref<16x128xf32, #tpu.memory_space<vmem_shared>>)
        tpu.yield
      }) : () -> ()
    }
    %scan3A_40 = arith.constant 40 : i32
    %barrier3A = arith.constant 0 : index
    tpu.barrier barrier_id(%barrier3A)
    %sub3A_41 = arith.constant 0 : i32
    %sub3A_42 = arith.subi %select_n3A, %sub3A_41 : i32
    %jit3A_43 = arith.constant 0 : i32
    %jit3A_44 = arith.constant 40 : i32
    %max3A = arith.maxsi %jit3A_43, %sub3A_42 : i32
    %min3A = arith.minsi %jit3A_44, %max3A : i32
    %add3A_45 = arith.constant 0 : i32
    %add3A_46 = arith.addi %multiple_of3A, %add3A_45 : i32
    %run_scoped3A = arith.constant 0 : i32
    "tpu.region"() ({
      %run_scoped3A_141 = tpu.sem_alloc : memref<!tpu.dma_semaphore, #tpu.memory_space<semaphore_mem>>
      %dma_start3A = arith.constant 0 : i32
      %dma_start3A_142 = tpu.memref_slice %arg3[%run_scoped3A, %add3A_46, %dma_start3A] : memref<2x2672x128xi32, #tpu.memory_space<hbm>> -> memref<1x48x128xi32, #tpu.memory_space<hbm>>
      %dma_start3A_143 = tpu.memref_squeeze %dma_start3A_142 : memref<1x48x128xi32, #tpu.memory_space<hbm>> -> memref<48x128xi32, #tpu.memory_space<hbm>>
      %dma_start3A_144 = arith.constant 0 : i32
      %dma_start3A_145 = tpu.memref_slice %arg3[%run_scoped3A, %add3A_46, %dma_start3A_144] : memref<2x2672x128xi32, #tpu.memory_space<hbm>> -> memref<1x48x128xi32, #tpu.memory_space<hbm>>
      %dma_start3A_146 = tpu.memref_squeeze %dma_start3A_145 : memref<1x48x128xi32, #tpu.memory_space<hbm>> -> memref<48x128xi32, #tpu.memory_space<hbm>>
      tpu.enqueue_dma source(%dma_start3A_146 : memref<48x128xi32, #tpu.memory_space<hbm>>) target(%arg5 : memref<48x128xi32, #tpu.memory_space<vmem>>) target_semaphore(%run_scoped3A_141 : memref<!tpu.dma_semaphore, #tpu.memory_space<semaphore_mem>>)
      %dma_wait3A = arith.constant 0 : i32
      %dma_wait3A_147 = tpu.memref_slice %arg3[%run_scoped3A, %add3A_46, %dma_wait3A] : memref<2x2672x128xi32, #tpu.memory_space<hbm>> -> memref<1x48x128xi32, #tpu.memory_space<hbm>>
      %dma_wait3A_148 = tpu.memref_squeeze %dma_wait3A_147 : memref<1x48x128xi32, #tpu.memory_space<hbm>> -> memref<48x128xi32, #tpu.memory_space<hbm>>
      %dma_wait3A_149 = arith.constant 0 : i32
      %dma_wait3A_150 = tpu.memref_slice %arg3[%run_scoped3A, %add3A_46, %dma_wait3A_149] : memref<2x2672x128xi32, #tpu.memory_space<hbm>> -> memref<1x48x128xi32, #tpu.memory_space<hbm>>
      %dma_wait3A_151 = tpu.memref_squeeze %dma_wait3A_150 : memref<1x48x128xi32, #tpu.memory_space<hbm>> -> memref<48x128xi32, #tpu.memory_space<hbm>>
      tpu.wait_dma2 semaphore(%run_scoped3A_141 : memref<!tpu.dma_semaphore, #tpu.memory_space<semaphore_mem>>) src(%dma_wait3A_151 : memref<48x128xi32, #tpu.memory_space<hbm>>) dst(%arg5 : memref<48x128xi32, #tpu.memory_space<vmem>>)
      tpu.yield
    }) : () -> ()
    %add3A_47 = arith.constant 0 : i32
    %add3A_48 = arith.addi %multiple_of3A, %add3A_47 : i32
    %run_scoped3A_49 = arith.constant 1 : i32
    "tpu.region"() ({
      %run_scoped3A_141 = tpu.sem_alloc : memref<!tpu.dma_semaphore, #tpu.memory_space<semaphore_mem>>
      %dma_start3A = arith.constant 0 : i32
      %dma_start3A_142 = tpu.memref_slice %arg3[%run_scoped3A_49, %add3A_48, %dma_start3A] : memref<2x2672x128xi32, #tpu.memory_space<hbm>> -> memref<1x48x128xi32, #tpu.memory_space<hbm>>
      %dma_start3A_143 = tpu.memref_squeeze %dma_start3A_142 : memref<1x48x128xi32, #tpu.memory_space<hbm>> -> memref<48x128xi32, #tpu.memory_space<hbm>>
      %dma_start3A_144 = arith.constant 0 : i32
      %dma_start3A_145 = tpu.memref_slice %arg3[%run_scoped3A_49, %add3A_48, %dma_start3A_144] : memref<2x2672x128xi32, #tpu.memory_space<hbm>> -> memref<1x48x128xi32, #tpu.memory_space<hbm>>
      %dma_start3A_146 = tpu.memref_squeeze %dma_start3A_145 : memref<1x48x128xi32, #tpu.memory_space<hbm>> -> memref<48x128xi32, #tpu.memory_space<hbm>>
      tpu.enqueue_dma source(%dma_start3A_146 : memref<48x128xi32, #tpu.memory_space<hbm>>) target(%arg6 : memref<48x128xi32, #tpu.memory_space<vmem>>) target_semaphore(%run_scoped3A_141 : memref<!tpu.dma_semaphore, #tpu.memory_space<semaphore_mem>>)
      %dma_wait3A = arith.constant 0 : i32
      %dma_wait3A_147 = tpu.memref_slice %arg3[%run_scoped3A_49, %add3A_48, %dma_wait3A] : memref<2x2672x128xi32, #tpu.memory_space<hbm>> -> memref<1x48x128xi32, #tpu.memory_space<hbm>>
      %dma_wait3A_148 = tpu.memref_squeeze %dma_wait3A_147 : memref<1x48x128xi32, #tpu.memory_space<hbm>> -> memref<48x128xi32, #tpu.memory_space<hbm>>
      %dma_wait3A_149 = arith.constant 0 : i32
      %dma_wait3A_150 = tpu.memref_slice %arg3[%run_scoped3A_49, %add3A_48, %dma_wait3A_149] : memref<2x2672x128xi32, #tpu.memory_space<hbm>> -> memref<1x48x128xi32, #tpu.memory_space<hbm>>
      %dma_wait3A_151 = tpu.memref_squeeze %dma_wait3A_150 : memref<1x48x128xi32, #tpu.memory_space<hbm>> -> memref<48x128xi32, #tpu.memory_space<hbm>>
      tpu.wait_dma2 semaphore(%run_scoped3A_141 : memref<!tpu.dma_semaphore, #tpu.memory_space<semaphore_mem>>) src(%dma_wait3A_151 : memref<48x128xi32, #tpu.memory_space<hbm>>) dst(%arg6 : memref<48x128xi32, #tpu.memory_space<vmem>>)
      tpu.yield
    }) : () -> ()
    %gt3A = arith.constant 0 : i32
    %gt3A_50 = arith.cmpi sgt, %min3A, %gt3A : i32
    %convert_element_type3A = arith.extui %gt3A_50 : i1 to i32
    %cond3A = arith.constant 0 : i32
    %cond3A_51 = arith.cmpi ne, %convert_element_type3A, %cond3A : i32
    scf.if %cond3A_51 {
      %dma_start3A = arith.constant 0 : i32
      %dma_start3A_141 = tpu.memref_slice %arg5[%sub3A_29, %dma_start3A] : memref<48x128xi32, #tpu.memory_space<vmem>> -> memref<1x128xi32, #tpu.memory_space<vmem>>
      %dma_start3A_142 = tpu.memref_squeeze %dma_start3A_141 : memref<1x128xi32, #tpu.memory_space<vmem>> -> memref<128xi32, #tpu.memory_space<vmem>>
      %dma_start3A_143 = arith.constant 0 : i32
      %dma_start3A_144 = arith.constant 0 : i32
      %dma_start3A_145 = tpu.memref_slice %arg2[%dma_start3A_143, %dma_start3A_144] : memref<10000x128xf32, #tpu.memory_space<hbm>> -> memref<10000x128xf32, #tpu.memory_space<hbm>>
      tpu.enqueue_indirect_dma source(%dma_start3A_145 : memref<10000x128xf32, #tpu.memory_space<hbm>>) target(%arg7 : memref<128x128xf32, #tpu.memory_space<vmem>>) offsets(%dma_start3A_142 : memref<128xi32, #tpu.memory_space<vmem>>) semaphore(%arg11 : memref<!tpu.dma_semaphore, #tpu.memory_space<semaphore_mem>>)
    } else {
    }
    %gt3A_52 = arith.constant 1 : i32
    %gt3A_53 = arith.cmpi sgt, %min3A, %gt3A_52 : i32
    %convert_element_type3A_54 = arith.extui %gt3A_53 : i1 to i32
    %cond3A_55 = arith.constant 0 : i32
    %cond3A_56 = arith.cmpi ne, %convert_element_type3A_54, %cond3A_55 : i32
    scf.if %cond3A_56 {
      %add3A_141 = arith.constant 1 : i32
      %add3A_142 = arith.addi %sub3A_29, %add3A_141 : i32
      %dma_start3A = arith.constant 0 : i32
      %dma_start3A_143 = tpu.memref_slice %arg5[%add3A_142, %dma_start3A] : memref<48x128xi32, #tpu.memory_space<vmem>> -> memref<1x128xi32, #tpu.memory_space<vmem>>
      %dma_start3A_144 = tpu.memref_squeeze %dma_start3A_143 : memref<1x128xi32, #tpu.memory_space<vmem>> -> memref<128xi32, #tpu.memory_space<vmem>>
      %dma_start3A_145 = arith.constant 0 : i32
      %dma_start3A_146 = arith.constant 0 : i32
      %dma_start3A_147 = tpu.memref_slice %arg2[%dma_start3A_145, %dma_start3A_146] : memref<10000x128xf32, #tpu.memory_space<hbm>> -> memref<10000x128xf32, #tpu.memory_space<hbm>>
      tpu.enqueue_indirect_dma source(%dma_start3A_147 : memref<10000x128xf32, #tpu.memory_space<hbm>>) target(%arg8 : memref<128x128xf32, #tpu.memory_space<vmem>>) offsets(%dma_start3A_144 : memref<128xi32, #tpu.memory_space<vmem>>) semaphore(%arg12 : memref<!tpu.dma_semaphore, #tpu.memory_space<semaphore_mem>>)
    } else {
    }
    %while3A = arith.constant 0 : i32
    %while3A_57 = arith.constant 0 : i32
    %while3A_58 = arith.subi %min3A, %while3A : i32
    %while3A_59 = arith.addi %while3A, %while3A_58 : i32
    %while3A_60 = arith.constant 1 : i32
    %while3A_61 = arith.divsi %while3A_58, %while3A_60 : i32
    %while3A_62 = arith.muli %while3A_61, %while3A_60 : i32
    %while3A_63 = arith.addi %while3A, %while3A_62 : i32
    %while3A_64 = arith.constant 1 : i32
    %while3A_65 = scf.for %while3A_141 = %while3A to %while3A_63 step %while3A_64 iter_args(%while3A_142 = %while3A_57) -> (i32)  : i32 {
      %jit3A_143 = arith.constant 2 : i32
      %eq3A_144 = arith.constant 0 : i32
      %eq3A_145 = arith.cmpi eq, %jit3A_143, %eq3A_144 : i32
      %jit3A_146 = arith.constant 1 : i32
      %select_n3A_147 = arith.select %eq3A_145, %jit3A_146, %jit3A_143 : i32
      %rem3A_148 = arith.remsi %while3A_141, %select_n3A_147 : i32
      %ne3A_149 = arith.constant 0 : i32
      %ne3A_150 = arith.cmpi ne, %rem3A_148, %ne3A_149 : i32
      %lt3A = arith.constant 0 : i32
      %lt3A_151 = arith.cmpi slt, %rem3A_148, %lt3A : i32
      %lt3A_152 = arith.constant 0 : i32
      %lt3A_153 = arith.cmpi slt, %select_n3A_147, %lt3A_152 : i32
      %ne3A_154 = arith.xori %lt3A_151, %lt3A_153 : i1
      %and3A_155 = arith.andi %ne3A_154, %ne3A_150 : i1
      %add3A_156 = arith.addi %rem3A_148, %select_n3A_147 : i32
      %select_n3A_157 = arith.select %and3A_155, %add3A_156, %rem3A_148 : i32
      %eq3A_158 = arith.constant 0 : i32
      %eq3A_159 = arith.cmpi eq, %select_n3A_157, %eq3A_158 : i32
      %convert_element_type3A_160 = arith.extui %eq3A_159 : i1 to i32
      %cond3A_161 = arith.constant 0 : i32
      %cond3A_162 = arith.cmpi ne, %convert_element_type3A_160, %cond3A_161 : i32
      scf.if %cond3A_162 {
        %add3A_185 = arith.addi %sub3A_29, %while3A_141 : i32
        %dma_wait3A = arith.constant 0 : i32
        %dma_wait3A_186 = tpu.memref_slice %arg5[%add3A_185, %dma_wait3A] : memref<48x128xi32, #tpu.memory_space<vmem>> -> memref<1x128xi32, #tpu.memory_space<vmem>>
        %dma_wait3A_187 = tpu.memref_squeeze %dma_wait3A_186 : memref<1x128xi32, #tpu.memory_space<vmem>> -> memref<128xi32, #tpu.memory_space<vmem>>
        %dma_wait3A_188 = arith.constant 0 : i32
        %dma_wait3A_189 = arith.constant 0 : i32
        %dma_wait3A_190 = tpu.memref_slice %arg2[%dma_wait3A_188, %dma_wait3A_189] : memref<10000x128xf32, #tpu.memory_space<hbm>> -> memref<10000x128xf32, #tpu.memory_space<hbm>>
        tpu.wait_indirect_dma semaphore(%arg11 : memref<!tpu.dma_semaphore, #tpu.memory_space<semaphore_mem>>) src(%dma_wait3A_190 : memref<10000x128xf32, #tpu.memory_space<hbm>>) dst(%arg7 : memref<128x128xf32, #tpu.memory_space<vmem>>)
        %add3A_191 = arith.addi %sub3A_29, %while3A_141 : i32
        "tpu.region"() ({
          %run_scoped3A_198 = tpu.sem_alloc : memref<!tpu.dma_semaphore, #tpu.memory_space<semaphore_mem>>
          %dma_start3A = arith.constant 0 : i32
          %dma_start3A_199 = tpu.memref_slice %arg6[%add3A_191, %dma_start3A] : memref<48x128xi32, #tpu.memory_space<vmem>> -> memref<1x128xi32, #tpu.memory_space<vmem>>
          %dma_start3A_200 = tpu.memref_squeeze %dma_start3A_199 : memref<1x128xi32, #tpu.memory_space<vmem>> -> memref<128xi32, #tpu.memory_space<vmem>>
          %dma_start3A_201 = arith.constant 0 : i32
          %dma_start3A_202 = arith.constant 0 : i32
          %dma_start3A_203 = tpu.memref_slice %arg10[%dma_start3A_201, %dma_start3A_202] : memref<10240x128xf32, #tpu.memory_space<vmem_shared>> -> memref<10240x128xf32, #tpu.memory_space<vmem_shared>>
          tpu.enqueue_indirect_dma source(%arg7 : memref<128x128xf32, #tpu.memory_space<vmem>>) target(%dma_start3A_203 : memref<10240x128xf32, #tpu.memory_space<vmem_shared>>) offsets(%dma_start3A_200 : memref<128xi32, #tpu.memory_space<vmem>>) semaphore(%run_scoped3A_198 : memref<!tpu.dma_semaphore, #tpu.memory_space<semaphore_mem>>) {add = true}
          %dma_wait3A_204 = arith.constant 0 : i32
          %dma_wait3A_205 = tpu.memref_slice %arg6[%add3A_191, %dma_wait3A_204] : memref<48x128xi32, #tpu.memory_space<vmem>> -> memref<1x128xi32, #tpu.memory_space<vmem>>
          %dma_wait3A_206 = tpu.memref_squeeze %dma_wait3A_205 : memref<1x128xi32, #tpu.memory_space<vmem>> -> memref<128xi32, #tpu.memory_space<vmem>>
          %dma_wait3A_207 = arith.constant 0 : i32
          %dma_wait3A_208 = arith.constant 0 : i32
          %dma_wait3A_209 = tpu.memref_slice %arg10[%dma_wait3A_207, %dma_wait3A_208] : memref<10240x128xf32, #tpu.memory_space<vmem_shared>> -> memref<10240x128xf32, #tpu.memory_space<vmem_shared>>
          tpu.wait_indirect_dma semaphore(%run_scoped3A_198 : memref<!tpu.dma_semaphore, #tpu.memory_space<semaphore_mem>>) src(%arg7 : memref<128x128xf32, #tpu.memory_space<vmem>>) dst(%dma_wait3A_209 : memref<10240x128xf32, #tpu.memory_space<vmem_shared>>)
          tpu.yield
        }) : () -> ()
        %sub3A_192 = arith.constant 2 : i32
        %sub3A_193 = arith.subi %min3A, %sub3A_192 : i32
        %lt3A_194 = arith.cmpi slt, %while3A_141, %sub3A_193 : i32
        %convert_element_type3A_195 = arith.extui %lt3A_194 : i1 to i32
        %cond3A_196 = arith.constant 0 : i32
        %cond3A_197 = arith.cmpi ne, %convert_element_type3A_195, %cond3A_196 : i32
        scf.if %cond3A_197 {
          %add3A_198 = arith.addi %sub3A_29, %while3A_141 : i32
          %add3A_199 = arith.constant 2 : i32
          %add3A_200 = arith.addi %add3A_198, %add3A_199 : i32
          %dma_start3A = arith.constant 0 : i32
          %dma_start3A_201 = tpu.memref_slice %arg5[%add3A_200, %dma_start3A] : memref<48x128xi32, #tpu.memory_space<vmem>> -> memref<1x128xi32, #tpu.memory_space<vmem>>
          %dma_start3A_202 = tpu.memref_squeeze %dma_start3A_201 : memref<1x128xi32, #tpu.memory_space<vmem>> -> memref<128xi32, #tpu.memory_space<vmem>>
          %dma_start3A_203 = arith.constant 0 : i32
          %dma_start3A_204 = arith.constant 0 : i32
          %dma_start3A_205 = tpu.memref_slice %arg2[%dma_start3A_203, %dma_start3A_204] : memref<10000x128xf32, #tpu.memory_space<hbm>> -> memref<10000x128xf32, #tpu.memory_space<hbm>>
          tpu.enqueue_indirect_dma source(%dma_start3A_205 : memref<10000x128xf32, #tpu.memory_space<hbm>>) target(%arg7 : memref<128x128xf32, #tpu.memory_space<vmem>>) offsets(%dma_start3A_202 : memref<128xi32, #tpu.memory_space<vmem>>) semaphore(%arg11 : memref<!tpu.dma_semaphore, #tpu.memory_space<semaphore_mem>>)
        } else {
        }
      } else {
      }
      %jit3A_163 = arith.constant 2 : i32
      %eq3A_164 = arith.constant 0 : i32
      %eq3A_165 = arith.cmpi eq, %jit3A_163, %eq3A_164 : i32
      %jit3A_166 = arith.constant 1 : i32
      %select_n3A_167 = arith.select %eq3A_165, %jit3A_166, %jit3A_163 : i32
      %rem3A_168 = arith.remsi %while3A_141, %select_n3A_167 : i32
      %ne3A_169 = arith.constant 0 : i32
      %ne3A_170 = arith.cmpi ne, %rem3A_168, %ne3A_169 : i32
      %lt3A_171 = arith.constant 0 : i32
      %lt3A_172 = arith.cmpi slt, %rem3A_168, %lt3A_171 : i32
      %lt3A_173 = arith.constant 0 : i32
      %lt3A_174 = arith.cmpi slt, %select_n3A_167, %lt3A_173 : i32
      %ne3A_175 = arith.xori %lt3A_172, %lt3A_174 : i1
      %and3A_176 = arith.andi %ne3A_175, %ne3A_170 : i1
      %add3A_177 = arith.addi %rem3A_168, %select_n3A_167 : i32
      %select_n3A_178 = arith.select %and3A_176, %add3A_177, %rem3A_168 : i32
      %eq3A_179 = arith.constant 1 : i32
      %eq3A_180 = arith.cmpi eq, %select_n3A_178, %eq3A_179 : i32
      %convert_element_type3A_181 = arith.extui %eq3A_180 : i1 to i32
      %cond3A_182 = arith.constant 0 : i32
      %cond3A_183 = arith.cmpi ne, %convert_element_type3A_181, %cond3A_182 : i32
      scf.if %cond3A_183 {
        %add3A_185 = arith.addi %sub3A_29, %while3A_141 : i32
        %dma_wait3A = arith.constant 0 : i32
        %dma_wait3A_186 = tpu.memref_slice %arg5[%add3A_185, %dma_wait3A] : memref<48x128xi32, #tpu.memory_space<vmem>> -> memref<1x128xi32, #tpu.memory_space<vmem>>
        %dma_wait3A_187 = tpu.memref_squeeze %dma_wait3A_186 : memref<1x128xi32, #tpu.memory_space<vmem>> -> memref<128xi32, #tpu.memory_space<vmem>>
        %dma_wait3A_188 = arith.constant 0 : i32
        %dma_wait3A_189 = arith.constant 0 : i32
        %dma_wait3A_190 = tpu.memref_slice %arg2[%dma_wait3A_188, %dma_wait3A_189] : memref<10000x128xf32, #tpu.memory_space<hbm>> -> memref<10000x128xf32, #tpu.memory_space<hbm>>
        tpu.wait_indirect_dma semaphore(%arg12 : memref<!tpu.dma_semaphore, #tpu.memory_space<semaphore_mem>>) src(%dma_wait3A_190 : memref<10000x128xf32, #tpu.memory_space<hbm>>) dst(%arg8 : memref<128x128xf32, #tpu.memory_space<vmem>>)
        %add3A_191 = arith.addi %sub3A_29, %while3A_141 : i32
        "tpu.region"() ({
          %run_scoped3A_198 = tpu.sem_alloc : memref<!tpu.dma_semaphore, #tpu.memory_space<semaphore_mem>>
          %dma_start3A = arith.constant 0 : i32
          %dma_start3A_199 = tpu.memref_slice %arg6[%add3A_191, %dma_start3A] : memref<48x128xi32, #tpu.memory_space<vmem>> -> memref<1x128xi32, #tpu.memory_space<vmem>>
          %dma_start3A_200 = tpu.memref_squeeze %dma_start3A_199 : memref<1x128xi32, #tpu.memory_space<vmem>> -> memref<128xi32, #tpu.memory_space<vmem>>
          %dma_start3A_201 = arith.constant 0 : i32
          %dma_start3A_202 = arith.constant 0 : i32
          %dma_start3A_203 = tpu.memref_slice %arg10[%dma_start3A_201, %dma_start3A_202] : memref<10240x128xf32, #tpu.memory_space<vmem_shared>> -> memref<10240x128xf32, #tpu.memory_space<vmem_shared>>
          tpu.enqueue_indirect_dma source(%arg8 : memref<128x128xf32, #tpu.memory_space<vmem>>) target(%dma_start3A_203 : memref<10240x128xf32, #tpu.memory_space<vmem_shared>>) offsets(%dma_start3A_200 : memref<128xi32, #tpu.memory_space<vmem>>) semaphore(%run_scoped3A_198 : memref<!tpu.dma_semaphore, #tpu.memory_space<semaphore_mem>>) {add = true}
          %dma_wait3A_204 = arith.constant 0 : i32
          %dma_wait3A_205 = tpu.memref_slice %arg6[%add3A_191, %dma_wait3A_204] : memref<48x128xi32, #tpu.memory_space<vmem>> -> memref<1x128xi32, #tpu.memory_space<vmem>>
          %dma_wait3A_206 = tpu.memref_squeeze %dma_wait3A_205 : memref<1x128xi32, #tpu.memory_space<vmem>> -> memref<128xi32, #tpu.memory_space<vmem>>
          %dma_wait3A_207 = arith.constant 0 : i32
          %dma_wait3A_208 = arith.constant 0 : i32
          %dma_wait3A_209 = tpu.memref_slice %arg10[%dma_wait3A_207, %dma_wait3A_208] : memref<10240x128xf32, #tpu.memory_space<vmem_shared>> -> memref<10240x128xf32, #tpu.memory_space<vmem_shared>>
          tpu.wait_indirect_dma semaphore(%run_scoped3A_198 : memref<!tpu.dma_semaphore, #tpu.memory_space<semaphore_mem>>) src(%arg8 : memref<128x128xf32, #tpu.memory_space<vmem>>) dst(%dma_wait3A_209 : memref<10240x128xf32, #tpu.memory_space<vmem_shared>>)
          tpu.yield
        }) : () -> ()
        %sub3A_192 = arith.constant 2 : i32
        %sub3A_193 = arith.subi %min3A, %sub3A_192 : i32
        %lt3A_194 = arith.cmpi slt, %while3A_141, %sub3A_193 : i32
        %convert_element_type3A_195 = arith.extui %lt3A_194 : i1 to i32
        %cond3A_196 = arith.constant 0 : i32
        %cond3A_197 = arith.cmpi ne, %convert_element_type3A_195, %cond3A_196 : i32
        scf.if %cond3A_197 {
          %add3A_198 = arith.addi %sub3A_29, %while3A_141 : i32
          %add3A_199 = arith.constant 2 : i32
          %add3A_200 = arith.addi %add3A_198, %add3A_199 : i32
          %dma_start3A = arith.constant 0 : i32
          %dma_start3A_201 = tpu.memref_slice %arg5[%add3A_200, %dma_start3A] : memref<48x128xi32, #tpu.memory_space<vmem>> -> memref<1x128xi32, #tpu.memory_space<vmem>>
          %dma_start3A_202 = tpu.memref_squeeze %dma_start3A_201 : memref<1x128xi32, #tpu.memory_space<vmem>> -> memref<128xi32, #tpu.memory_space<vmem>>
          %dma_start3A_203 = arith.constant 0 : i32
          %dma_start3A_204 = arith.constant 0 : i32
          %dma_start3A_205 = tpu.memref_slice %arg2[%dma_start3A_203, %dma_start3A_204] : memref<10000x128xf32, #tpu.memory_space<hbm>> -> memref<10000x128xf32, #tpu.memory_space<hbm>>
          tpu.enqueue_indirect_dma source(%dma_start3A_205 : memref<10000x128xf32, #tpu.memory_space<hbm>>) target(%arg8 : memref<128x128xf32, #tpu.memory_space<vmem>>) offsets(%dma_start3A_202 : memref<128xi32, #tpu.memory_space<vmem>>) semaphore(%arg12 : memref<!tpu.dma_semaphore, #tpu.memory_space<semaphore_mem>>)
        } else {
        }
      } else {
      }
      %while3A_184 = arith.constant 0 : i32
      scf.yield %while3A_184 : i32
    }
    %while3A_66 = arith.constant 1 : i32
    %while3A_67 = scf.for %while3A_141 = %while3A_63 to %while3A_59 step %while3A_66 iter_args(%while3A_142 = %while3A_65) -> (i32)  : i32 {
      %jit3A_143 = arith.constant 2 : i32
      %eq3A_144 = arith.constant 0 : i32
      %eq3A_145 = arith.cmpi eq, %jit3A_143, %eq3A_144 : i32
      %jit3A_146 = arith.constant 1 : i32
      %select_n3A_147 = arith.select %eq3A_145, %jit3A_146, %jit3A_143 : i32
      %rem3A_148 = arith.remsi %while3A_141, %select_n3A_147 : i32
      %ne3A_149 = arith.constant 0 : i32
      %ne3A_150 = arith.cmpi ne, %rem3A_148, %ne3A_149 : i32
      %lt3A = arith.constant 0 : i32
      %lt3A_151 = arith.cmpi slt, %rem3A_148, %lt3A : i32
      %lt3A_152 = arith.constant 0 : i32
      %lt3A_153 = arith.cmpi slt, %select_n3A_147, %lt3A_152 : i32
      %ne3A_154 = arith.xori %lt3A_151, %lt3A_153 : i1
      %and3A_155 = arith.andi %ne3A_154, %ne3A_150 : i1
      %add3A_156 = arith.addi %rem3A_148, %select_n3A_147 : i32
      %select_n3A_157 = arith.select %and3A_155, %add3A_156, %rem3A_148 : i32
      %eq3A_158 = arith.constant 0 : i32
      %eq3A_159 = arith.cmpi eq, %select_n3A_157, %eq3A_158 : i32
      %convert_element_type3A_160 = arith.extui %eq3A_159 : i1 to i32
      %cond3A_161 = arith.constant 0 : i32
      %cond3A_162 = arith.cmpi ne, %convert_element_type3A_160, %cond3A_161 : i32
      scf.if %cond3A_162 {
        %add3A_185 = arith.addi %sub3A_29, %while3A_141 : i32
        %dma_wait3A = arith.constant 0 : i32
        %dma_wait3A_186 = tpu.memref_slice %arg5[%add3A_185, %dma_wait3A] : memref<48x128xi32, #tpu.memory_space<vmem>> -> memref<1x128xi32, #tpu.memory_space<vmem>>
        %dma_wait3A_187 = tpu.memref_squeeze %dma_wait3A_186 : memref<1x128xi32, #tpu.memory_space<vmem>> -> memref<128xi32, #tpu.memory_space<vmem>>
        %dma_wait3A_188 = arith.constant 0 : i32
        %dma_wait3A_189 = arith.constant 0 : i32
        %dma_wait3A_190 = tpu.memref_slice %arg2[%dma_wait3A_188, %dma_wait3A_189] : memref<10000x128xf32, #tpu.memory_space<hbm>> -> memref<10000x128xf32, #tpu.memory_space<hbm>>
        tpu.wait_indirect_dma semaphore(%arg11 : memref<!tpu.dma_semaphore, #tpu.memory_space<semaphore_mem>>) src(%dma_wait3A_190 : memref<10000x128xf32, #tpu.memory_space<hbm>>) dst(%arg7 : memref<128x128xf32, #tpu.memory_space<vmem>>)
        %add3A_191 = arith.addi %sub3A_29, %while3A_141 : i32
        "tpu.region"() ({
          %run_scoped3A_198 = tpu.sem_alloc : memref<!tpu.dma_semaphore, #tpu.memory_space<semaphore_mem>>
          %dma_start3A = arith.constant 0 : i32
          %dma_start3A_199 = tpu.memref_slice %arg6[%add3A_191, %dma_start3A] : memref<48x128xi32, #tpu.memory_space<vmem>> -> memref<1x128xi32, #tpu.memory_space<vmem>>
          %dma_start3A_200 = tpu.memref_squeeze %dma_start3A_199 : memref<1x128xi32, #tpu.memory_space<vmem>> -> memref<128xi32, #tpu.memory_space<vmem>>
          %dma_start3A_201 = arith.constant 0 : i32
          %dma_start3A_202 = arith.constant 0 : i32
          %dma_start3A_203 = tpu.memref_slice %arg10[%dma_start3A_201, %dma_start3A_202] : memref<10240x128xf32, #tpu.memory_space<vmem_shared>> -> memref<10240x128xf32, #tpu.memory_space<vmem_shared>>
          tpu.enqueue_indirect_dma source(%arg7 : memref<128x128xf32, #tpu.memory_space<vmem>>) target(%dma_start3A_203 : memref<10240x128xf32, #tpu.memory_space<vmem_shared>>) offsets(%dma_start3A_200 : memref<128xi32, #tpu.memory_space<vmem>>) semaphore(%run_scoped3A_198 : memref<!tpu.dma_semaphore, #tpu.memory_space<semaphore_mem>>) {add = true}
          %dma_wait3A_204 = arith.constant 0 : i32
          %dma_wait3A_205 = tpu.memref_slice %arg6[%add3A_191, %dma_wait3A_204] : memref<48x128xi32, #tpu.memory_space<vmem>> -> memref<1x128xi32, #tpu.memory_space<vmem>>
          %dma_wait3A_206 = tpu.memref_squeeze %dma_wait3A_205 : memref<1x128xi32, #tpu.memory_space<vmem>> -> memref<128xi32, #tpu.memory_space<vmem>>
          %dma_wait3A_207 = arith.constant 0 : i32
          %dma_wait3A_208 = arith.constant 0 : i32
          %dma_wait3A_209 = tpu.memref_slice %arg10[%dma_wait3A_207, %dma_wait3A_208] : memref<10240x128xf32, #tpu.memory_space<vmem_shared>> -> memref<10240x128xf32, #tpu.memory_space<vmem_shared>>
          tpu.wait_indirect_dma semaphore(%run_scoped3A_198 : memref<!tpu.dma_semaphore, #tpu.memory_space<semaphore_mem>>) src(%arg7 : memref<128x128xf32, #tpu.memory_space<vmem>>) dst(%dma_wait3A_209 : memref<10240x128xf32, #tpu.memory_space<vmem_shared>>)
          tpu.yield
        }) : () -> ()
        %sub3A_192 = arith.constant 2 : i32
        %sub3A_193 = arith.subi %min3A, %sub3A_192 : i32
        %lt3A_194 = arith.cmpi slt, %while3A_141, %sub3A_193 : i32
        %convert_element_type3A_195 = arith.extui %lt3A_194 : i1 to i32
        %cond3A_196 = arith.constant 0 : i32
        %cond3A_197 = arith.cmpi ne, %convert_element_type3A_195, %cond3A_196 : i32
        scf.if %cond3A_197 {
          %add3A_198 = arith.addi %sub3A_29, %while3A_141 : i32
          %add3A_199 = arith.constant 2 : i32
          %add3A_200 = arith.addi %add3A_198, %add3A_199 : i32
          %dma_start3A = arith.constant 0 : i32
          %dma_start3A_201 = tpu.memref_slice %arg5[%add3A_200, %dma_start3A] : memref<48x128xi32, #tpu.memory_space<vmem>> -> memref<1x128xi32, #tpu.memory_space<vmem>>
          %dma_start3A_202 = tpu.memref_squeeze %dma_start3A_201 : memref<1x128xi32, #tpu.memory_space<vmem>> -> memref<128xi32, #tpu.memory_space<vmem>>
          %dma_start3A_203 = arith.constant 0 : i32
          %dma_start3A_204 = arith.constant 0 : i32
          %dma_start3A_205 = tpu.memref_slice %arg2[%dma_start3A_203, %dma_start3A_204] : memref<10000x128xf32, #tpu.memory_space<hbm>> -> memref<10000x128xf32, #tpu.memory_space<hbm>>
          tpu.enqueue_indirect_dma source(%dma_start3A_205 : memref<10000x128xf32, #tpu.memory_space<hbm>>) target(%arg7 : memref<128x128xf32, #tpu.memory_space<vmem>>) offsets(%dma_start3A_202 : memref<128xi32, #tpu.memory_space<vmem>>) semaphore(%arg11 : memref<!tpu.dma_semaphore, #tpu.memory_space<semaphore_mem>>)
        } else {
        }
      } else {
      }
      %jit3A_163 = arith.constant 2 : i32
      %eq3A_164 = arith.constant 0 : i32
      %eq3A_165 = arith.cmpi eq, %jit3A_163, %eq3A_164 : i32
      %jit3A_166 = arith.constant 1 : i32
      %select_n3A_167 = arith.select %eq3A_165, %jit3A_166, %jit3A_163 : i32
      %rem3A_168 = arith.remsi %while3A_141, %select_n3A_167 : i32
      %ne3A_169 = arith.constant 0 : i32
      %ne3A_170 = arith.cmpi ne, %rem3A_168, %ne3A_169 : i32
      %lt3A_171 = arith.constant 0 : i32
      %lt3A_172 = arith.cmpi slt, %rem3A_168, %lt3A_171 : i32
      %lt3A_173 = arith.constant 0 : i32
      %lt3A_174 = arith.cmpi slt, %select_n3A_167, %lt3A_173 : i32
      %ne3A_175 = arith.xori %lt3A_172, %lt3A_174 : i1
      %and3A_176 = arith.andi %ne3A_175, %ne3A_170 : i1
      %add3A_177 = arith.addi %rem3A_168, %select_n3A_167 : i32
      %select_n3A_178 = arith.select %and3A_176, %add3A_177, %rem3A_168 : i32
      %eq3A_179 = arith.constant 1 : i32
      %eq3A_180 = arith.cmpi eq, %select_n3A_178, %eq3A_179 : i32
      %convert_element_type3A_181 = arith.extui %eq3A_180 : i1 to i32
      %cond3A_182 = arith.constant 0 : i32
      %cond3A_183 = arith.cmpi ne, %convert_element_type3A_181, %cond3A_182 : i32
      scf.if %cond3A_183 {
        %add3A_185 = arith.addi %sub3A_29, %while3A_141 : i32
        %dma_wait3A = arith.constant 0 : i32
        %dma_wait3A_186 = tpu.memref_slice %arg5[%add3A_185, %dma_wait3A] : memref<48x128xi32, #tpu.memory_space<vmem>> -> memref<1x128xi32, #tpu.memory_space<vmem>>
        %dma_wait3A_187 = tpu.memref_squeeze %dma_wait3A_186 : memref<1x128xi32, #tpu.memory_space<vmem>> -> memref<128xi32, #tpu.memory_space<vmem>>
        %dma_wait3A_188 = arith.constant 0 : i32
        %dma_wait3A_189 = arith.constant 0 : i32
        %dma_wait3A_190 = tpu.memref_slice %arg2[%dma_wait3A_188, %dma_wait3A_189] : memref<10000x128xf32, #tpu.memory_space<hbm>> -> memref<10000x128xf32, #tpu.memory_space<hbm>>
        tpu.wait_indirect_dma semaphore(%arg12 : memref<!tpu.dma_semaphore, #tpu.memory_space<semaphore_mem>>) src(%dma_wait3A_190 : memref<10000x128xf32, #tpu.memory_space<hbm>>) dst(%arg8 : memref<128x128xf32, #tpu.memory_space<vmem>>)
        %add3A_191 = arith.addi %sub3A_29, %while3A_141 : i32
        "tpu.region"() ({
          %run_scoped3A_198 = tpu.sem_alloc : memref<!tpu.dma_semaphore, #tpu.memory_space<semaphore_mem>>
          %dma_start3A = arith.constant 0 : i32
          %dma_start3A_199 = tpu.memref_slice %arg6[%add3A_191, %dma_start3A] : memref<48x128xi32, #tpu.memory_space<vmem>> -> memref<1x128xi32, #tpu.memory_space<vmem>>
          %dma_start3A_200 = tpu.memref_squeeze %dma_start3A_199 : memref<1x128xi32, #tpu.memory_space<vmem>> -> memref<128xi32, #tpu.memory_space<vmem>>
          %dma_start3A_201 = arith.constant 0 : i32
          %dma_start3A_202 = arith.constant 0 : i32
          %dma_start3A_203 = tpu.memref_slice %arg10[%dma_start3A_201, %dma_start3A_202] : memref<10240x128xf32, #tpu.memory_space<vmem_shared>> -> memref<10240x128xf32, #tpu.memory_space<vmem_shared>>
          tpu.enqueue_indirect_dma source(%arg8 : memref<128x128xf32, #tpu.memory_space<vmem>>) target(%dma_start3A_203 : memref<10240x128xf32, #tpu.memory_space<vmem_shared>>) offsets(%dma_start3A_200 : memref<128xi32, #tpu.memory_space<vmem>>) semaphore(%run_scoped3A_198 : memref<!tpu.dma_semaphore, #tpu.memory_space<semaphore_mem>>) {add = true}
          %dma_wait3A_204 = arith.constant 0 : i32
          %dma_wait3A_205 = tpu.memref_slice %arg6[%add3A_191, %dma_wait3A_204] : memref<48x128xi32, #tpu.memory_space<vmem>> -> memref<1x128xi32, #tpu.memory_space<vmem>>
          %dma_wait3A_206 = tpu.memref_squeeze %dma_wait3A_205 : memref<1x128xi32, #tpu.memory_space<vmem>> -> memref<128xi32, #tpu.memory_space<vmem>>
          %dma_wait3A_207 = arith.constant 0 : i32
          %dma_wait3A_208 = arith.constant 0 : i32
          %dma_wait3A_209 = tpu.memref_slice %arg10[%dma_wait3A_207, %dma_wait3A_208] : memref<10240x128xf32, #tpu.memory_space<vmem_shared>> -> memref<10240x128xf32, #tpu.memory_space<vmem_shared>>
          tpu.wait_indirect_dma semaphore(%run_scoped3A_198 : memref<!tpu.dma_semaphore, #tpu.memory_space<semaphore_mem>>) src(%arg8 : memref<128x128xf32, #tpu.memory_space<vmem>>) dst(%dma_wait3A_209 : memref<10240x128xf32, #tpu.memory_space<vmem_shared>>)
          tpu.yield
        }) : () -> ()
        %sub3A_192 = arith.constant 2 : i32
        %sub3A_193 = arith.subi %min3A, %sub3A_192 : i32
        %lt3A_194 = arith.cmpi slt, %while3A_141, %sub3A_193 : i32
        %convert_element_type3A_195 = arith.extui %lt3A_194 : i1 to i32
        %cond3A_196 = arith.constant 0 : i32
        %cond3A_197 = arith.cmpi ne, %convert_element_type3A_195, %cond3A_196 : i32
        scf.if %cond3A_197 {
          %add3A_198 = arith.addi %sub3A_29, %while3A_141 : i32
          %add3A_199 = arith.constant 2 : i32
          %add3A_200 = arith.addi %add3A_198, %add3A_199 : i32
          %dma_start3A = arith.constant 0 : i32
          %dma_start3A_201 = tpu.memref_slice %arg5[%add3A_200, %dma_start3A] : memref<48x128xi32, #tpu.memory_space<vmem>> -> memref<1x128xi32, #tpu.memory_space<vmem>>
          %dma_start3A_202 = tpu.memref_squeeze %dma_start3A_201 : memref<1x128xi32, #tpu.memory_space<vmem>> -> memref<128xi32, #tpu.memory_space<vmem>>
          %dma_start3A_203 = arith.constant 0 : i32
          %dma_start3A_204 = arith.constant 0 : i32
          %dma_start3A_205 = tpu.memref_slice %arg2[%dma_start3A_203, %dma_start3A_204] : memref<10000x128xf32, #tpu.memory_space<hbm>> -> memref<10000x128xf32, #tpu.memory_space<hbm>>
          tpu.enqueue_indirect_dma source(%dma_start3A_205 : memref<10000x128xf32, #tpu.memory_space<hbm>>) target(%arg8 : memref<128x128xf32, #tpu.memory_space<vmem>>) offsets(%dma_start3A_202 : memref<128xi32, #tpu.memory_space<vmem>>) semaphore(%arg12 : memref<!tpu.dma_semaphore, #tpu.memory_space<semaphore_mem>>)
        } else {
        }
      } else {
      }
      %while3A_184 = arith.constant 0 : i32
      scf.yield %while3A_184 : i32
    }
    %sub3A_68 = arith.constant 40 : i32
    %sub3A_69 = arith.subi %select_n3A, %sub3A_68 : i32
    %jit3A_70 = arith.constant 0 : i32
    %jit3A_71 = arith.constant 40 : i32
    %max3A_72 = arith.maxsi %jit3A_70, %sub3A_69 : i32
    %min3A_73 = arith.minsi %jit3A_71, %max3A_72 : i32
    %add3A_74 = arith.constant 40 : i32
    %add3A_75 = arith.addi %multiple_of3A, %add3A_74 : i32
    %run_scoped3A_76 = arith.constant 0 : i32
    "tpu.region"() ({
      %run_scoped3A_141 = tpu.sem_alloc : memref<!tpu.dma_semaphore, #tpu.memory_space<semaphore_mem>>
      %dma_start3A = arith.constant 0 : i32
      %dma_start3A_142 = tpu.memref_slice %arg3[%run_scoped3A_76, %add3A_75, %dma_start3A] : memref<2x2672x128xi32, #tpu.memory_space<hbm>> -> memref<1x48x128xi32, #tpu.memory_space<hbm>>
      %dma_start3A_143 = tpu.memref_squeeze %dma_start3A_142 : memref<1x48x128xi32, #tpu.memory_space<hbm>> -> memref<48x128xi32, #tpu.memory_space<hbm>>
      %dma_start3A_144 = arith.constant 0 : i32
      %dma_start3A_145 = tpu.memref_slice %arg3[%run_scoped3A_76, %add3A_75, %dma_start3A_144] : memref<2x2672x128xi32, #tpu.memory_space<hbm>> -> memref<1x48x128xi32, #tpu.memory_space<hbm>>
      %dma_start3A_146 = tpu.memref_squeeze %dma_start3A_145 : memref<1x48x128xi32, #tpu.memory_space<hbm>> -> memref<48x128xi32, #tpu.memory_space<hbm>>
      tpu.enqueue_dma source(%dma_start3A_146 : memref<48x128xi32, #tpu.memory_space<hbm>>) target(%arg5 : memref<48x128xi32, #tpu.memory_space<vmem>>) target_semaphore(%run_scoped3A_141 : memref<!tpu.dma_semaphore, #tpu.memory_space<semaphore_mem>>)
      %dma_wait3A = arith.constant 0 : i32
      %dma_wait3A_147 = tpu.memref_slice %arg3[%run_scoped3A_76, %add3A_75, %dma_wait3A] : memref<2x2672x128xi32, #tpu.memory_space<hbm>> -> memref<1x48x128xi32, #tpu.memory_space<hbm>>
      %dma_wait3A_148 = tpu.memref_squeeze %dma_wait3A_147 : memref<1x48x128xi32, #tpu.memory_space<hbm>> -> memref<48x128xi32, #tpu.memory_space<hbm>>
      %dma_wait3A_149 = arith.constant 0 : i32
      %dma_wait3A_150 = tpu.memref_slice %arg3[%run_scoped3A_76, %add3A_75, %dma_wait3A_149] : memref<2x2672x128xi32, #tpu.memory_space<hbm>> -> memref<1x48x128xi32, #tpu.memory_space<hbm>>
      %dma_wait3A_151 = tpu.memref_squeeze %dma_wait3A_150 : memref<1x48x128xi32, #tpu.memory_space<hbm>> -> memref<48x128xi32, #tpu.memory_space<hbm>>
      tpu.wait_dma2 semaphore(%run_scoped3A_141 : memref<!tpu.dma_semaphore, #tpu.memory_space<semaphore_mem>>) src(%dma_wait3A_151 : memref<48x128xi32, #tpu.memory_space<hbm>>) dst(%arg5 : memref<48x128xi32, #tpu.memory_space<vmem>>)
      tpu.yield
    }) : () -> ()
    %add3A_77 = arith.constant 40 : i32
    %add3A_78 = arith.addi %multiple_of3A, %add3A_77 : i32
    %run_scoped3A_79 = arith.constant 1 : i32
    "tpu.region"() ({
      %run_scoped3A_141 = tpu.sem_alloc : memref<!tpu.dma_semaphore, #tpu.memory_space<semaphore_mem>>
      %dma_start3A = arith.constant 0 : i32
      %dma_start3A_142 = tpu.memref_slice %arg3[%run_scoped3A_79, %add3A_78, %dma_start3A] : memref<2x2672x128xi32, #tpu.memory_space<hbm>> -> memref<1x48x128xi32, #tpu.memory_space<hbm>>
      %dma_start3A_143 = tpu.memref_squeeze %dma_start3A_142 : memref<1x48x128xi32, #tpu.memory_space<hbm>> -> memref<48x128xi32, #tpu.memory_space<hbm>>
      %dma_start3A_144 = arith.constant 0 : i32
      %dma_start3A_145 = tpu.memref_slice %arg3[%run_scoped3A_79, %add3A_78, %dma_start3A_144] : memref<2x2672x128xi32, #tpu.memory_space<hbm>> -> memref<1x48x128xi32, #tpu.memory_space<hbm>>
      %dma_start3A_146 = tpu.memref_squeeze %dma_start3A_145 : memref<1x48x128xi32, #tpu.memory_space<hbm>> -> memref<48x128xi32, #tpu.memory_space<hbm>>
      tpu.enqueue_dma source(%dma_start3A_146 : memref<48x128xi32, #tpu.memory_space<hbm>>) target(%arg6 : memref<48x128xi32, #tpu.memory_space<vmem>>) target_semaphore(%run_scoped3A_141 : memref<!tpu.dma_semaphore, #tpu.memory_space<semaphore_mem>>)
      %dma_wait3A = arith.constant 0 : i32
      %dma_wait3A_147 = tpu.memref_slice %arg3[%run_scoped3A_79, %add3A_78, %dma_wait3A] : memref<2x2672x128xi32, #tpu.memory_space<hbm>> -> memref<1x48x128xi32, #tpu.memory_space<hbm>>
      %dma_wait3A_148 = tpu.memref_squeeze %dma_wait3A_147 : memref<1x48x128xi32, #tpu.memory_space<hbm>> -> memref<48x128xi32, #tpu.memory_space<hbm>>
      %dma_wait3A_149 = arith.constant 0 : i32
      %dma_wait3A_150 = tpu.memref_slice %arg3[%run_scoped3A_79, %add3A_78, %dma_wait3A_149] : memref<2x2672x128xi32, #tpu.memory_space<hbm>> -> memref<1x48x128xi32, #tpu.memory_space<hbm>>
      %dma_wait3A_151 = tpu.memref_squeeze %dma_wait3A_150 : memref<1x48x128xi32, #tpu.memory_space<hbm>> -> memref<48x128xi32, #tpu.memory_space<hbm>>
      tpu.wait_dma2 semaphore(%run_scoped3A_141 : memref<!tpu.dma_semaphore, #tpu.memory_space<semaphore_mem>>) src(%dma_wait3A_151 : memref<48x128xi32, #tpu.memory_space<hbm>>) dst(%arg6 : memref<48x128xi32, #tpu.memory_space<vmem>>)
      tpu.yield
    }) : () -> ()
    %gt3A_80 = arith.constant 0 : i32
    %gt3A_81 = arith.cmpi sgt, %min3A_73, %gt3A_80 : i32
    %convert_element_type3A_82 = arith.extui %gt3A_81 : i1 to i32
    %cond3A_83 = arith.constant 0 : i32
    %cond3A_84 = arith.cmpi ne, %convert_element_type3A_82, %cond3A_83 : i32
    scf.if %cond3A_84 {
      %dma_start3A = arith.constant 0 : i32
      %dma_start3A_141 = tpu.memref_slice %arg5[%sub3A_29, %dma_start3A] : memref<48x128xi32, #tpu.memory_space<vmem>> -> memref<1x128xi32, #tpu.memory_space<vmem>>
      %dma_start3A_142 = tpu.memref_squeeze %dma_start3A_141 : memref<1x128xi32, #tpu.memory_space<vmem>> -> memref<128xi32, #tpu.memory_space<vmem>>
      %dma_start3A_143 = arith.constant 0 : i32
      %dma_start3A_144 = arith.constant 0 : i32
      %dma_start3A_145 = tpu.memref_slice %arg2[%dma_start3A_143, %dma_start3A_144] : memref<10000x128xf32, #tpu.memory_space<hbm>> -> memref<10000x128xf32, #tpu.memory_space<hbm>>
      tpu.enqueue_indirect_dma source(%dma_start3A_145 : memref<10000x128xf32, #tpu.memory_space<hbm>>) target(%arg7 : memref<128x128xf32, #tpu.memory_space<vmem>>) offsets(%dma_start3A_142 : memref<128xi32, #tpu.memory_space<vmem>>) semaphore(%arg11 : memref<!tpu.dma_semaphore, #tpu.memory_space<semaphore_mem>>)
    } else {
    }
    %gt3A_85 = arith.constant 1 : i32
    %gt3A_86 = arith.cmpi sgt, %min3A_73, %gt3A_85 : i32
    %convert_element_type3A_87 = arith.extui %gt3A_86 : i1 to i32
    %cond3A_88 = arith.constant 0 : i32
    %cond3A_89 = arith.cmpi ne, %convert_element_type3A_87, %cond3A_88 : i32
    scf.if %cond3A_89 {
      %add3A_141 = arith.constant 1 : i32
      %add3A_142 = arith.addi %sub3A_29, %add3A_141 : i32
      %dma_start3A = arith.constant 0 : i32
      %dma_start3A_143 = tpu.memref_slice %arg5[%add3A_142, %dma_start3A] : memref<48x128xi32, #tpu.memory_space<vmem>> -> memref<1x128xi32, #tpu.memory_space<vmem>>
      %dma_start3A_144 = tpu.memref_squeeze %dma_start3A_143 : memref<1x128xi32, #tpu.memory_space<vmem>> -> memref<128xi32, #tpu.memory_space<vmem>>
      %dma_start3A_145 = arith.constant 0 : i32
      %dma_start3A_146 = arith.constant 0 : i32
      %dma_start3A_147 = tpu.memref_slice %arg2[%dma_start3A_145, %dma_start3A_146] : memref<10000x128xf32, #tpu.memory_space<hbm>> -> memref<10000x128xf32, #tpu.memory_space<hbm>>
      tpu.enqueue_indirect_dma source(%dma_start3A_147 : memref<10000x128xf32, #tpu.memory_space<hbm>>) target(%arg8 : memref<128x128xf32, #tpu.memory_space<vmem>>) offsets(%dma_start3A_144 : memref<128xi32, #tpu.memory_space<vmem>>) semaphore(%arg12 : memref<!tpu.dma_semaphore, #tpu.memory_space<semaphore_mem>>)
    } else {
    }
    %while3A_90 = arith.constant 0 : i32
    %while3A_91 = arith.constant 0 : i32
    %while3A_92 = arith.subi %min3A_73, %while3A_90 : i32
    %while3A_93 = arith.addi %while3A_90, %while3A_92 : i32
    %while3A_94 = arith.constant 1 : i32
    %while3A_95 = arith.divsi %while3A_92, %while3A_94 : i32
    %while3A_96 = arith.muli %while3A_95, %while3A_94 : i32
    %while3A_97 = arith.addi %while3A_90, %while3A_96 : i32
    %while3A_98 = arith.constant 1 : i32
    %while3A_99 = scf.for %while3A_141 = %while3A_90 to %while3A_97 step %while3A_98 iter_args(%while3A_142 = %while3A_91) -> (i32)  : i32 {
      %jit3A_143 = arith.constant 2 : i32
      %eq3A_144 = arith.constant 0 : i32
      %eq3A_145 = arith.cmpi eq, %jit3A_143, %eq3A_144 : i32
      %jit3A_146 = arith.constant 1 : i32
      %select_n3A_147 = arith.select %eq3A_145, %jit3A_146, %jit3A_143 : i32
      %rem3A_148 = arith.remsi %while3A_141, %select_n3A_147 : i32
      %ne3A_149 = arith.constant 0 : i32
      %ne3A_150 = arith.cmpi ne, %rem3A_148, %ne3A_149 : i32
      %lt3A = arith.constant 0 : i32
      %lt3A_151 = arith.cmpi slt, %rem3A_148, %lt3A : i32
      %lt3A_152 = arith.constant 0 : i32
      %lt3A_153 = arith.cmpi slt, %select_n3A_147, %lt3A_152 : i32
      %ne3A_154 = arith.xori %lt3A_151, %lt3A_153 : i1
      %and3A_155 = arith.andi %ne3A_154, %ne3A_150 : i1
      %add3A_156 = arith.addi %rem3A_148, %select_n3A_147 : i32
      %select_n3A_157 = arith.select %and3A_155, %add3A_156, %rem3A_148 : i32
      %eq3A_158 = arith.constant 0 : i32
      %eq3A_159 = arith.cmpi eq, %select_n3A_157, %eq3A_158 : i32
      %convert_element_type3A_160 = arith.extui %eq3A_159 : i1 to i32
      %cond3A_161 = arith.constant 0 : i32
      %cond3A_162 = arith.cmpi ne, %convert_element_type3A_160, %cond3A_161 : i32
      scf.if %cond3A_162 {
        %add3A_185 = arith.addi %sub3A_29, %while3A_141 : i32
        %dma_wait3A = arith.constant 0 : i32
        %dma_wait3A_186 = tpu.memref_slice %arg5[%add3A_185, %dma_wait3A] : memref<48x128xi32, #tpu.memory_space<vmem>> -> memref<1x128xi32, #tpu.memory_space<vmem>>
        %dma_wait3A_187 = tpu.memref_squeeze %dma_wait3A_186 : memref<1x128xi32, #tpu.memory_space<vmem>> -> memref<128xi32, #tpu.memory_space<vmem>>
        %dma_wait3A_188 = arith.constant 0 : i32
        %dma_wait3A_189 = arith.constant 0 : i32
        %dma_wait3A_190 = tpu.memref_slice %arg2[%dma_wait3A_188, %dma_wait3A_189] : memref<10000x128xf32, #tpu.memory_space<hbm>> -> memref<10000x128xf32, #tpu.memory_space<hbm>>
        tpu.wait_indirect_dma semaphore(%arg11 : memref<!tpu.dma_semaphore, #tpu.memory_space<semaphore_mem>>) src(%dma_wait3A_190 : memref<10000x128xf32, #tpu.memory_space<hbm>>) dst(%arg7 : memref<128x128xf32, #tpu.memory_space<vmem>>)
        %add3A_191 = arith.addi %sub3A_29, %while3A_141 : i32
        "tpu.region"() ({
          %run_scoped3A_198 = tpu.sem_alloc : memref<!tpu.dma_semaphore, #tpu.memory_space<semaphore_mem>>
          %dma_start3A = arith.constant 0 : i32
          %dma_start3A_199 = tpu.memref_slice %arg6[%add3A_191, %dma_start3A] : memref<48x128xi32, #tpu.memory_space<vmem>> -> memref<1x128xi32, #tpu.memory_space<vmem>>
          %dma_start3A_200 = tpu.memref_squeeze %dma_start3A_199 : memref<1x128xi32, #tpu.memory_space<vmem>> -> memref<128xi32, #tpu.memory_space<vmem>>
          %dma_start3A_201 = arith.constant 0 : i32
          %dma_start3A_202 = arith.constant 0 : i32
          %dma_start3A_203 = tpu.memref_slice %arg10[%dma_start3A_201, %dma_start3A_202] : memref<10240x128xf32, #tpu.memory_space<vmem_shared>> -> memref<10240x128xf32, #tpu.memory_space<vmem_shared>>
          tpu.enqueue_indirect_dma source(%arg7 : memref<128x128xf32, #tpu.memory_space<vmem>>) target(%dma_start3A_203 : memref<10240x128xf32, #tpu.memory_space<vmem_shared>>) offsets(%dma_start3A_200 : memref<128xi32, #tpu.memory_space<vmem>>) semaphore(%run_scoped3A_198 : memref<!tpu.dma_semaphore, #tpu.memory_space<semaphore_mem>>) {add = true}
          %dma_wait3A_204 = arith.constant 0 : i32
          %dma_wait3A_205 = tpu.memref_slice %arg6[%add3A_191, %dma_wait3A_204] : memref<48x128xi32, #tpu.memory_space<vmem>> -> memref<1x128xi32, #tpu.memory_space<vmem>>
          %dma_wait3A_206 = tpu.memref_squeeze %dma_wait3A_205 : memref<1x128xi32, #tpu.memory_space<vmem>> -> memref<128xi32, #tpu.memory_space<vmem>>
          %dma_wait3A_207 = arith.constant 0 : i32
          %dma_wait3A_208 = arith.constant 0 : i32
          %dma_wait3A_209 = tpu.memref_slice %arg10[%dma_wait3A_207, %dma_wait3A_208] : memref<10240x128xf32, #tpu.memory_space<vmem_shared>> -> memref<10240x128xf32, #tpu.memory_space<vmem_shared>>
          tpu.wait_indirect_dma semaphore(%run_scoped3A_198 : memref<!tpu.dma_semaphore, #tpu.memory_space<semaphore_mem>>) src(%arg7 : memref<128x128xf32, #tpu.memory_space<vmem>>) dst(%dma_wait3A_209 : memref<10240x128xf32, #tpu.memory_space<vmem_shared>>)
          tpu.yield
        }) : () -> ()
        %sub3A_192 = arith.constant 2 : i32
        %sub3A_193 = arith.subi %min3A_73, %sub3A_192 : i32
        %lt3A_194 = arith.cmpi slt, %while3A_141, %sub3A_193 : i32
        %convert_element_type3A_195 = arith.extui %lt3A_194 : i1 to i32
        %cond3A_196 = arith.constant 0 : i32
        %cond3A_197 = arith.cmpi ne, %convert_element_type3A_195, %cond3A_196 : i32
        scf.if %cond3A_197 {
          %add3A_198 = arith.addi %sub3A_29, %while3A_141 : i32
          %add3A_199 = arith.constant 2 : i32
          %add3A_200 = arith.addi %add3A_198, %add3A_199 : i32
          %dma_start3A = arith.constant 0 : i32
          %dma_start3A_201 = tpu.memref_slice %arg5[%add3A_200, %dma_start3A] : memref<48x128xi32, #tpu.memory_space<vmem>> -> memref<1x128xi32, #tpu.memory_space<vmem>>
          %dma_start3A_202 = tpu.memref_squeeze %dma_start3A_201 : memref<1x128xi32, #tpu.memory_space<vmem>> -> memref<128xi32, #tpu.memory_space<vmem>>
          %dma_start3A_203 = arith.constant 0 : i32
          %dma_start3A_204 = arith.constant 0 : i32
          %dma_start3A_205 = tpu.memref_slice %arg2[%dma_start3A_203, %dma_start3A_204] : memref<10000x128xf32, #tpu.memory_space<hbm>> -> memref<10000x128xf32, #tpu.memory_space<hbm>>
          tpu.enqueue_indirect_dma source(%dma_start3A_205 : memref<10000x128xf32, #tpu.memory_space<hbm>>) target(%arg7 : memref<128x128xf32, #tpu.memory_space<vmem>>) offsets(%dma_start3A_202 : memref<128xi32, #tpu.memory_space<vmem>>) semaphore(%arg11 : memref<!tpu.dma_semaphore, #tpu.memory_space<semaphore_mem>>)
        } else {
        }
      } else {
      }
      %jit3A_163 = arith.constant 2 : i32
      %eq3A_164 = arith.constant 0 : i32
      %eq3A_165 = arith.cmpi eq, %jit3A_163, %eq3A_164 : i32
      %jit3A_166 = arith.constant 1 : i32
      %select_n3A_167 = arith.select %eq3A_165, %jit3A_166, %jit3A_163 : i32
      %rem3A_168 = arith.remsi %while3A_141, %select_n3A_167 : i32
      %ne3A_169 = arith.constant 0 : i32
      %ne3A_170 = arith.cmpi ne, %rem3A_168, %ne3A_169 : i32
      %lt3A_171 = arith.constant 0 : i32
      %lt3A_172 = arith.cmpi slt, %rem3A_168, %lt3A_171 : i32
      %lt3A_173 = arith.constant 0 : i32
      %lt3A_174 = arith.cmpi slt, %select_n3A_167, %lt3A_173 : i32
      %ne3A_175 = arith.xori %lt3A_172, %lt3A_174 : i1
      %and3A_176 = arith.andi %ne3A_175, %ne3A_170 : i1
      %add3A_177 = arith.addi %rem3A_168, %select_n3A_167 : i32
      %select_n3A_178 = arith.select %and3A_176, %add3A_177, %rem3A_168 : i32
      %eq3A_179 = arith.constant 1 : i32
      %eq3A_180 = arith.cmpi eq, %select_n3A_178, %eq3A_179 : i32
      %convert_element_type3A_181 = arith.extui %eq3A_180 : i1 to i32
      %cond3A_182 = arith.constant 0 : i32
      %cond3A_183 = arith.cmpi ne, %convert_element_type3A_181, %cond3A_182 : i32
      scf.if %cond3A_183 {
        %add3A_185 = arith.addi %sub3A_29, %while3A_141 : i32
        %dma_wait3A = arith.constant 0 : i32
        %dma_wait3A_186 = tpu.memref_slice %arg5[%add3A_185, %dma_wait3A] : memref<48x128xi32, #tpu.memory_space<vmem>> -> memref<1x128xi32, #tpu.memory_space<vmem>>
        %dma_wait3A_187 = tpu.memref_squeeze %dma_wait3A_186 : memref<1x128xi32, #tpu.memory_space<vmem>> -> memref<128xi32, #tpu.memory_space<vmem>>
        %dma_wait3A_188 = arith.constant 0 : i32
        %dma_wait3A_189 = arith.constant 0 : i32
        %dma_wait3A_190 = tpu.memref_slice %arg2[%dma_wait3A_188, %dma_wait3A_189] : memref<10000x128xf32, #tpu.memory_space<hbm>> -> memref<10000x128xf32, #tpu.memory_space<hbm>>
        tpu.wait_indirect_dma semaphore(%arg12 : memref<!tpu.dma_semaphore, #tpu.memory_space<semaphore_mem>>) src(%dma_wait3A_190 : memref<10000x128xf32, #tpu.memory_space<hbm>>) dst(%arg8 : memref<128x128xf32, #tpu.memory_space<vmem>>)
        %add3A_191 = arith.addi %sub3A_29, %while3A_141 : i32
        "tpu.region"() ({
          %run_scoped3A_198 = tpu.sem_alloc : memref<!tpu.dma_semaphore, #tpu.memory_space<semaphore_mem>>
          %dma_start3A = arith.constant 0 : i32
          %dma_start3A_199 = tpu.memref_slice %arg6[%add3A_191, %dma_start3A] : memref<48x128xi32, #tpu.memory_space<vmem>> -> memref<1x128xi32, #tpu.memory_space<vmem>>
          %dma_start3A_200 = tpu.memref_squeeze %dma_start3A_199 : memref<1x128xi32, #tpu.memory_space<vmem>> -> memref<128xi32, #tpu.memory_space<vmem>>
          %dma_start3A_201 = arith.constant 0 : i32
          %dma_start3A_202 = arith.constant 0 : i32
          %dma_start3A_203 = tpu.memref_slice %arg10[%dma_start3A_201, %dma_start3A_202] : memref<10240x128xf32, #tpu.memory_space<vmem_shared>> -> memref<10240x128xf32, #tpu.memory_space<vmem_shared>>
          tpu.enqueue_indirect_dma source(%arg8 : memref<128x128xf32, #tpu.memory_space<vmem>>) target(%dma_start3A_203 : memref<10240x128xf32, #tpu.memory_space<vmem_shared>>) offsets(%dma_start3A_200 : memref<128xi32, #tpu.memory_space<vmem>>) semaphore(%run_scoped3A_198 : memref<!tpu.dma_semaphore, #tpu.memory_space<semaphore_mem>>) {add = true}
          %dma_wait3A_204 = arith.constant 0 : i32
          %dma_wait3A_205 = tpu.memref_slice %arg6[%add3A_191, %dma_wait3A_204] : memref<48x128xi32, #tpu.memory_space<vmem>> -> memref<1x128xi32, #tpu.memory_space<vmem>>
          %dma_wait3A_206 = tpu.memref_squeeze %dma_wait3A_205 : memref<1x128xi32, #tpu.memory_space<vmem>> -> memref<128xi32, #tpu.memory_space<vmem>>
          %dma_wait3A_207 = arith.constant 0 : i32
          %dma_wait3A_208 = arith.constant 0 : i32
          %dma_wait3A_209 = tpu.memref_slice %arg10[%dma_wait3A_207, %dma_wait3A_208] : memref<10240x128xf32, #tpu.memory_space<vmem_shared>> -> memref<10240x128xf32, #tpu.memory_space<vmem_shared>>
          tpu.wait_indirect_dma semaphore(%run_scoped3A_198 : memref<!tpu.dma_semaphore, #tpu.memory_space<semaphore_mem>>) src(%arg8 : memref<128x128xf32, #tpu.memory_space<vmem>>) dst(%dma_wait3A_209 : memref<10240x128xf32, #tpu.memory_space<vmem_shared>>)
          tpu.yield
        }) : () -> ()
        %sub3A_192 = arith.constant 2 : i32
        %sub3A_193 = arith.subi %min3A_73, %sub3A_192 : i32
        %lt3A_194 = arith.cmpi slt, %while3A_141, %sub3A_193 : i32
        %convert_element_type3A_195 = arith.extui %lt3A_194 : i1 to i32
        %cond3A_196 = arith.constant 0 : i32
        %cond3A_197 = arith.cmpi ne, %convert_element_type3A_195, %cond3A_196 : i32
        scf.if %cond3A_197 {
          %add3A_198 = arith.addi %sub3A_29, %while3A_141 : i32
          %add3A_199 = arith.constant 2 : i32
          %add3A_200 = arith.addi %add3A_198, %add3A_199 : i32
          %dma_start3A = arith.constant 0 : i32
          %dma_start3A_201 = tpu.memref_slice %arg5[%add3A_200, %dma_start3A] : memref<48x128xi32, #tpu.memory_space<vmem>> -> memref<1x128xi32, #tpu.memory_space<vmem>>
          %dma_start3A_202 = tpu.memref_squeeze %dma_start3A_201 : memref<1x128xi32, #tpu.memory_space<vmem>> -> memref<128xi32, #tpu.memory_space<vmem>>
          %dma_start3A_203 = arith.constant 0 : i32
          %dma_start3A_204 = arith.constant 0 : i32
          %dma_start3A_205 = tpu.memref_slice %arg2[%dma_start3A_203, %dma_start3A_204] : memref<10000x128xf32, #tpu.memory_space<hbm>> -> memref<10000x128xf32, #tpu.memory_space<hbm>>
          tpu.enqueue_indirect_dma source(%dma_start3A_205 : memref<10000x128xf32, #tpu.memory_space<hbm>>) target(%arg8 : memref<128x128xf32, #tpu.memory_space<vmem>>) offsets(%dma_start3A_202 : memref<128xi32, #tpu.memory_space<vmem>>) semaphore(%arg12 : memref<!tpu.dma_semaphore, #tpu.memory_space<semaphore_mem>>)
        } else {
        }
      } else {
      }
      %while3A_184 = arith.constant 0 : i32
      scf.yield %while3A_184 : i32
    }
    %while3A_100 = arith.constant 1 : i32
    %while3A_101 = scf.for %while3A_141 = %while3A_97 to %while3A_93 step %while3A_100 iter_args(%while3A_142 = %while3A_99) -> (i32)  : i32 {
      %jit3A_143 = arith.constant 2 : i32
      %eq3A_144 = arith.constant 0 : i32
      %eq3A_145 = arith.cmpi eq, %jit3A_143, %eq3A_144 : i32
      %jit3A_146 = arith.constant 1 : i32
      %select_n3A_147 = arith.select %eq3A_145, %jit3A_146, %jit3A_143 : i32
      %rem3A_148 = arith.remsi %while3A_141, %select_n3A_147 : i32
      %ne3A_149 = arith.constant 0 : i32
      %ne3A_150 = arith.cmpi ne, %rem3A_148, %ne3A_149 : i32
      %lt3A = arith.constant 0 : i32
      %lt3A_151 = arith.cmpi slt, %rem3A_148, %lt3A : i32
      %lt3A_152 = arith.constant 0 : i32
      %lt3A_153 = arith.cmpi slt, %select_n3A_147, %lt3A_152 : i32
      %ne3A_154 = arith.xori %lt3A_151, %lt3A_153 : i1
      %and3A_155 = arith.andi %ne3A_154, %ne3A_150 : i1
      %add3A_156 = arith.addi %rem3A_148, %select_n3A_147 : i32
      %select_n3A_157 = arith.select %and3A_155, %add3A_156, %rem3A_148 : i32
      %eq3A_158 = arith.constant 0 : i32
      %eq3A_159 = arith.cmpi eq, %select_n3A_157, %eq3A_158 : i32
      %convert_element_type3A_160 = arith.extui %eq3A_159 : i1 to i32
      %cond3A_161 = arith.constant 0 : i32
      %cond3A_162 = arith.cmpi ne, %convert_element_type3A_160, %cond3A_161 : i32
      scf.if %cond3A_162 {
        %add3A_185 = arith.addi %sub3A_29, %while3A_141 : i32
        %dma_wait3A = arith.constant 0 : i32
        %dma_wait3A_186 = tpu.memref_slice %arg5[%add3A_185, %dma_wait3A] : memref<48x128xi32, #tpu.memory_space<vmem>> -> memref<1x128xi32, #tpu.memory_space<vmem>>
        %dma_wait3A_187 = tpu.memref_squeeze %dma_wait3A_186 : memref<1x128xi32, #tpu.memory_space<vmem>> -> memref<128xi32, #tpu.memory_space<vmem>>
        %dma_wait3A_188 = arith.constant 0 : i32
        %dma_wait3A_189 = arith.constant 0 : i32
        %dma_wait3A_190 = tpu.memref_slice %arg2[%dma_wait3A_188, %dma_wait3A_189] : memref<10000x128xf32, #tpu.memory_space<hbm>> -> memref<10000x128xf32, #tpu.memory_space<hbm>>
        tpu.wait_indirect_dma semaphore(%arg11 : memref<!tpu.dma_semaphore, #tpu.memory_space<semaphore_mem>>) src(%dma_wait3A_190 : memref<10000x128xf32, #tpu.memory_space<hbm>>) dst(%arg7 : memref<128x128xf32, #tpu.memory_space<vmem>>)
        %add3A_191 = arith.addi %sub3A_29, %while3A_141 : i32
        "tpu.region"() ({
          %run_scoped3A_198 = tpu.sem_alloc : memref<!tpu.dma_semaphore, #tpu.memory_space<semaphore_mem>>
          %dma_start3A = arith.constant 0 : i32
          %dma_start3A_199 = tpu.memref_slice %arg6[%add3A_191, %dma_start3A] : memref<48x128xi32, #tpu.memory_space<vmem>> -> memref<1x128xi32, #tpu.memory_space<vmem>>
          %dma_start3A_200 = tpu.memref_squeeze %dma_start3A_199 : memref<1x128xi32, #tpu.memory_space<vmem>> -> memref<128xi32, #tpu.memory_space<vmem>>
          %dma_start3A_201 = arith.constant 0 : i32
          %dma_start3A_202 = arith.constant 0 : i32
          %dma_start3A_203 = tpu.memref_slice %arg10[%dma_start3A_201, %dma_start3A_202] : memref<10240x128xf32, #tpu.memory_space<vmem_shared>> -> memref<10240x128xf32, #tpu.memory_space<vmem_shared>>
          tpu.enqueue_indirect_dma source(%arg7 : memref<128x128xf32, #tpu.memory_space<vmem>>) target(%dma_start3A_203 : memref<10240x128xf32, #tpu.memory_space<vmem_shared>>) offsets(%dma_start3A_200 : memref<128xi32, #tpu.memory_space<vmem>>) semaphore(%run_scoped3A_198 : memref<!tpu.dma_semaphore, #tpu.memory_space<semaphore_mem>>) {add = true}
          %dma_wait3A_204 = arith.constant 0 : i32
          %dma_wait3A_205 = tpu.memref_slice %arg6[%add3A_191, %dma_wait3A_204] : memref<48x128xi32, #tpu.memory_space<vmem>> -> memref<1x128xi32, #tpu.memory_space<vmem>>
          %dma_wait3A_206 = tpu.memref_squeeze %dma_wait3A_205 : memref<1x128xi32, #tpu.memory_space<vmem>> -> memref<128xi32, #tpu.memory_space<vmem>>
          %dma_wait3A_207 = arith.constant 0 : i32
          %dma_wait3A_208 = arith.constant 0 : i32
          %dma_wait3A_209 = tpu.memref_slice %arg10[%dma_wait3A_207, %dma_wait3A_208] : memref<10240x128xf32, #tpu.memory_space<vmem_shared>> -> memref<10240x128xf32, #tpu.memory_space<vmem_shared>>
          tpu.wait_indirect_dma semaphore(%run_scoped3A_198 : memref<!tpu.dma_semaphore, #tpu.memory_space<semaphore_mem>>) src(%arg7 : memref<128x128xf32, #tpu.memory_space<vmem>>) dst(%dma_wait3A_209 : memref<10240x128xf32, #tpu.memory_space<vmem_shared>>)
          tpu.yield
        }) : () -> ()
        %sub3A_192 = arith.constant 2 : i32
        %sub3A_193 = arith.subi %min3A_73, %sub3A_192 : i32
        %lt3A_194 = arith.cmpi slt, %while3A_141, %sub3A_193 : i32
        %convert_element_type3A_195 = arith.extui %lt3A_194 : i1 to i32
        %cond3A_196 = arith.constant 0 : i32
        %cond3A_197 = arith.cmpi ne, %convert_element_type3A_195, %cond3A_196 : i32
        scf.if %cond3A_197 {
          %add3A_198 = arith.addi %sub3A_29, %while3A_141 : i32
          %add3A_199 = arith.constant 2 : i32
          %add3A_200 = arith.addi %add3A_198, %add3A_199 : i32
          %dma_start3A = arith.constant 0 : i32
          %dma_start3A_201 = tpu.memref_slice %arg5[%add3A_200, %dma_start3A] : memref<48x128xi32, #tpu.memory_space<vmem>> -> memref<1x128xi32, #tpu.memory_space<vmem>>
          %dma_start3A_202 = tpu.memref_squeeze %dma_start3A_201 : memref<1x128xi32, #tpu.memory_space<vmem>> -> memref<128xi32, #tpu.memory_space<vmem>>
          %dma_start3A_203 = arith.constant 0 : i32
          %dma_start3A_204 = arith.constant 0 : i32
          %dma_start3A_205 = tpu.memref_slice %arg2[%dma_start3A_203, %dma_start3A_204] : memref<10000x128xf32, #tpu.memory_space<hbm>> -> memref<10000x128xf32, #tpu.memory_space<hbm>>
          tpu.enqueue_indirect_dma source(%dma_start3A_205 : memref<10000x128xf32, #tpu.memory_space<hbm>>) target(%arg7 : memref<128x128xf32, #tpu.memory_space<vmem>>) offsets(%dma_start3A_202 : memref<128xi32, #tpu.memory_space<vmem>>) semaphore(%arg11 : memref<!tpu.dma_semaphore, #tpu.memory_space<semaphore_mem>>)
        } else {
        }
      } else {
      }
      %jit3A_163 = arith.constant 2 : i32
      %eq3A_164 = arith.constant 0 : i32
      %eq3A_165 = arith.cmpi eq, %jit3A_163, %eq3A_164 : i32
      %jit3A_166 = arith.constant 1 : i32
      %select_n3A_167 = arith.select %eq3A_165, %jit3A_166, %jit3A_163 : i32
      %rem3A_168 = arith.remsi %while3A_141, %select_n3A_167 : i32
      %ne3A_169 = arith.constant 0 : i32
      %ne3A_170 = arith.cmpi ne, %rem3A_168, %ne3A_169 : i32
      %lt3A_171 = arith.constant 0 : i32
      %lt3A_172 = arith.cmpi slt, %rem3A_168, %lt3A_171 : i32
      %lt3A_173 = arith.constant 0 : i32
      %lt3A_174 = arith.cmpi slt, %select_n3A_167, %lt3A_173 : i32
      %ne3A_175 = arith.xori %lt3A_172, %lt3A_174 : i1
      %and3A_176 = arith.andi %ne3A_175, %ne3A_170 : i1
      %add3A_177 = arith.addi %rem3A_168, %select_n3A_167 : i32
      %select_n3A_178 = arith.select %and3A_176, %add3A_177, %rem3A_168 : i32
      %eq3A_179 = arith.constant 1 : i32
      %eq3A_180 = arith.cmpi eq, %select_n3A_178, %eq3A_179 : i32
      %convert_element_type3A_181 = arith.extui %eq3A_180 : i1 to i32
      %cond3A_182 = arith.constant 0 : i32
      %cond3A_183 = arith.cmpi ne, %convert_element_type3A_181, %cond3A_182 : i32
      scf.if %cond3A_183 {
        %add3A_185 = arith.addi %sub3A_29, %while3A_141 : i32
        %dma_wait3A = arith.constant 0 : i32
        %dma_wait3A_186 = tpu.memref_slice %arg5[%add3A_185, %dma_wait3A] : memref<48x128xi32, #tpu.memory_space<vmem>> -> memref<1x128xi32, #tpu.memory_space<vmem>>
        %dma_wait3A_187 = tpu.memref_squeeze %dma_wait3A_186 : memref<1x128xi32, #tpu.memory_space<vmem>> -> memref<128xi32, #tpu.memory_space<vmem>>
        %dma_wait3A_188 = arith.constant 0 : i32
        %dma_wait3A_189 = arith.constant 0 : i32
        %dma_wait3A_190 = tpu.memref_slice %arg2[%dma_wait3A_188, %dma_wait3A_189] : memref<10000x128xf32, #tpu.memory_space<hbm>> -> memref<10000x128xf32, #tpu.memory_space<hbm>>
        tpu.wait_indirect_dma semaphore(%arg12 : memref<!tpu.dma_semaphore, #tpu.memory_space<semaphore_mem>>) src(%dma_wait3A_190 : memref<10000x128xf32, #tpu.memory_space<hbm>>) dst(%arg8 : memref<128x128xf32, #tpu.memory_space<vmem>>)
        %add3A_191 = arith.addi %sub3A_29, %while3A_141 : i32
        "tpu.region"() ({
          %run_scoped3A_198 = tpu.sem_alloc : memref<!tpu.dma_semaphore, #tpu.memory_space<semaphore_mem>>
          %dma_start3A = arith.constant 0 : i32
          %dma_start3A_199 = tpu.memref_slice %arg6[%add3A_191, %dma_start3A] : memref<48x128xi32, #tpu.memory_space<vmem>> -> memref<1x128xi32, #tpu.memory_space<vmem>>
          %dma_start3A_200 = tpu.memref_squeeze %dma_start3A_199 : memref<1x128xi32, #tpu.memory_space<vmem>> -> memref<128xi32, #tpu.memory_space<vmem>>
          %dma_start3A_201 = arith.constant 0 : i32
          %dma_start3A_202 = arith.constant 0 : i32
          %dma_start3A_203 = tpu.memref_slice %arg10[%dma_start3A_201, %dma_start3A_202] : memref<10240x128xf32, #tpu.memory_space<vmem_shared>> -> memref<10240x128xf32, #tpu.memory_space<vmem_shared>>
          tpu.enqueue_indirect_dma source(%arg8 : memref<128x128xf32, #tpu.memory_space<vmem>>) target(%dma_start3A_203 : memref<10240x128xf32, #tpu.memory_space<vmem_shared>>) offsets(%dma_start3A_200 : memref<128xi32, #tpu.memory_space<vmem>>) semaphore(%run_scoped3A_198 : memref<!tpu.dma_semaphore, #tpu.memory_space<semaphore_mem>>) {add = true}
          %dma_wait3A_204 = arith.constant 0 : i32
          %dma_wait3A_205 = tpu.memref_slice %arg6[%add3A_191, %dma_wait3A_204] : memref<48x128xi32, #tpu.memory_space<vmem>> -> memref<1x128xi32, #tpu.memory_space<vmem>>
          %dma_wait3A_206 = tpu.memref_squeeze %dma_wait3A_205 : memref<1x128xi32, #tpu.memory_space<vmem>> -> memref<128xi32, #tpu.memory_space<vmem>>
          %dma_wait3A_207 = arith.constant 0 : i32
          %dma_wait3A_208 = arith.constant 0 : i32
          %dma_wait3A_209 = tpu.memref_slice %arg10[%dma_wait3A_207, %dma_wait3A_208] : memref<10240x128xf32, #tpu.memory_space<vmem_shared>> -> memref<10240x128xf32, #tpu.memory_space<vmem_shared>>
          tpu.wait_indirect_dma semaphore(%run_scoped3A_198 : memref<!tpu.dma_semaphore, #tpu.memory_space<semaphore_mem>>) src(%arg8 : memref<128x128xf32, #tpu.memory_space<vmem>>) dst(%dma_wait3A_209 : memref<10240x128xf32, #tpu.memory_space<vmem_shared>>)
          tpu.yield
        }) : () -> ()
        %sub3A_192 = arith.constant 2 : i32
        %sub3A_193 = arith.subi %min3A_73, %sub3A_192 : i32
        %lt3A_194 = arith.cmpi slt, %while3A_141, %sub3A_193 : i32
        %convert_element_type3A_195 = arith.extui %lt3A_194 : i1 to i32
        %cond3A_196 = arith.constant 0 : i32
        %cond3A_197 = arith.cmpi ne, %convert_element_type3A_195, %cond3A_196 : i32
        scf.if %cond3A_197 {
          %add3A_198 = arith.addi %sub3A_29, %while3A_141 : i32
          %add3A_199 = arith.constant 2 : i32
          %add3A_200 = arith.addi %add3A_198, %add3A_199 : i32
          %dma_start3A = arith.constant 0 : i32
          %dma_start3A_201 = tpu.memref_slice %arg5[%add3A_200, %dma_start3A] : memref<48x128xi32, #tpu.memory_space<vmem>> -> memref<1x128xi32, #tpu.memory_space<vmem>>
          %dma_start3A_202 = tpu.memref_squeeze %dma_start3A_201 : memref<1x128xi32, #tpu.memory_space<vmem>> -> memref<128xi32, #tpu.memory_space<vmem>>
          %dma_start3A_203 = arith.constant 0 : i32
          %dma_start3A_204 = arith.constant 0 : i32
          %dma_start3A_205 = tpu.memref_slice %arg2[%dma_start3A_203, %dma_start3A_204] : memref<10000x128xf32, #tpu.memory_space<hbm>> -> memref<10000x128xf32, #tpu.memory_space<hbm>>
          tpu.enqueue_indirect_dma source(%dma_start3A_205 : memref<10000x128xf32, #tpu.memory_space<hbm>>) target(%arg8 : memref<128x128xf32, #tpu.memory_space<vmem>>) offsets(%dma_start3A_202 : memref<128xi32, #tpu.memory_space<vmem>>) semaphore(%arg12 : memref<!tpu.dma_semaphore, #tpu.memory_space<semaphore_mem>>)
        } else {
        }
      } else {
      }
      %while3A_184 = arith.constant 0 : i32
      scf.yield %while3A_184 : i32
    }
    %sub3A_102 = arith.constant 80 : i32
    %sub3A_103 = arith.subi %select_n3A, %sub3A_102 : i32
    %jit3A_104 = arith.constant 0 : i32
    %jit3A_105 = arith.constant 40 : i32
    %max3A_106 = arith.maxsi %jit3A_104, %sub3A_103 : i32
    %min3A_107 = arith.minsi %jit3A_105, %max3A_106 : i32
    %add3A_108 = arith.constant 80 : i32
    %add3A_109 = arith.addi %multiple_of3A, %add3A_108 : i32
    %run_scoped3A_110 = arith.constant 0 : i32
    "tpu.region"() ({
      %run_scoped3A_141 = tpu.sem_alloc : memref<!tpu.dma_semaphore, #tpu.memory_space<semaphore_mem>>
      %dma_start3A = arith.constant 0 : i32
      %dma_start3A_142 = tpu.memref_slice %arg3[%run_scoped3A_110, %add3A_109, %dma_start3A] : memref<2x2672x128xi32, #tpu.memory_space<hbm>> -> memref<1x48x128xi32, #tpu.memory_space<hbm>>
      %dma_start3A_143 = tpu.memref_squeeze %dma_start3A_142 : memref<1x48x128xi32, #tpu.memory_space<hbm>> -> memref<48x128xi32, #tpu.memory_space<hbm>>
      %dma_start3A_144 = arith.constant 0 : i32
      %dma_start3A_145 = tpu.memref_slice %arg3[%run_scoped3A_110, %add3A_109, %dma_start3A_144] : memref<2x2672x128xi32, #tpu.memory_space<hbm>> -> memref<1x48x128xi32, #tpu.memory_space<hbm>>
      %dma_start3A_146 = tpu.memref_squeeze %dma_start3A_145 : memref<1x48x128xi32, #tpu.memory_space<hbm>> -> memref<48x128xi32, #tpu.memory_space<hbm>>
      tpu.enqueue_dma source(%dma_start3A_146 : memref<48x128xi32, #tpu.memory_space<hbm>>) target(%arg5 : memref<48x128xi32, #tpu.memory_space<vmem>>) target_semaphore(%run_scoped3A_141 : memref<!tpu.dma_semaphore, #tpu.memory_space<semaphore_mem>>)
      %dma_wait3A = arith.constant 0 : i32
      %dma_wait3A_147 = tpu.memref_slice %arg3[%run_scoped3A_110, %add3A_109, %dma_wait3A] : memref<2x2672x128xi32, #tpu.memory_space<hbm>> -> memref<1x48x128xi32, #tpu.memory_space<hbm>>
      %dma_wait3A_148 = tpu.memref_squeeze %dma_wait3A_147 : memref<1x48x128xi32, #tpu.memory_space<hbm>> -> memref<48x128xi32, #tpu.memory_space<hbm>>
      %dma_wait3A_149 = arith.constant 0 : i32
      %dma_wait3A_150 = tpu.memref_slice %arg3[%run_scoped3A_110, %add3A_109, %dma_wait3A_149] : memref<2x2672x128xi32, #tpu.memory_space<hbm>> -> memref<1x48x128xi32, #tpu.memory_space<hbm>>
      %dma_wait3A_151 = tpu.memref_squeeze %dma_wait3A_150 : memref<1x48x128xi32, #tpu.memory_space<hbm>> -> memref<48x128xi32, #tpu.memory_space<hbm>>
      tpu.wait_dma2 semaphore(%run_scoped3A_141 : memref<!tpu.dma_semaphore, #tpu.memory_space<semaphore_mem>>) src(%dma_wait3A_151 : memref<48x128xi32, #tpu.memory_space<hbm>>) dst(%arg5 : memref<48x128xi32, #tpu.memory_space<vmem>>)
      tpu.yield
    }) : () -> ()
    %add3A_111 = arith.constant 80 : i32
    %add3A_112 = arith.addi %multiple_of3A, %add3A_111 : i32
    %run_scoped3A_113 = arith.constant 1 : i32
    "tpu.region"() ({
      %run_scoped3A_141 = tpu.sem_alloc : memref<!tpu.dma_semaphore, #tpu.memory_space<semaphore_mem>>
      %dma_start3A = arith.constant 0 : i32
      %dma_start3A_142 = tpu.memref_slice %arg3[%run_scoped3A_113, %add3A_112, %dma_start3A] : memref<2x2672x128xi32, #tpu.memory_space<hbm>> -> memref<1x48x128xi32, #tpu.memory_space<hbm>>
      %dma_start3A_143 = tpu.memref_squeeze %dma_start3A_142 : memref<1x48x128xi32, #tpu.memory_space<hbm>> -> memref<48x128xi32, #tpu.memory_space<hbm>>
      %dma_start3A_144 = arith.constant 0 : i32
      %dma_start3A_145 = tpu.memref_slice %arg3[%run_scoped3A_113, %add3A_112, %dma_start3A_144] : memref<2x2672x128xi32, #tpu.memory_space<hbm>> -> memref<1x48x128xi32, #tpu.memory_space<hbm>>
      %dma_start3A_146 = tpu.memref_squeeze %dma_start3A_145 : memref<1x48x128xi32, #tpu.memory_space<hbm>> -> memref<48x128xi32, #tpu.memory_space<hbm>>
      tpu.enqueue_dma source(%dma_start3A_146 : memref<48x128xi32, #tpu.memory_space<hbm>>) target(%arg6 : memref<48x128xi32, #tpu.memory_space<vmem>>) target_semaphore(%run_scoped3A_141 : memref<!tpu.dma_semaphore, #tpu.memory_space<semaphore_mem>>)
      %dma_wait3A = arith.constant 0 : i32
      %dma_wait3A_147 = tpu.memref_slice %arg3[%run_scoped3A_113, %add3A_112, %dma_wait3A] : memref<2x2672x128xi32, #tpu.memory_space<hbm>> -> memref<1x48x128xi32, #tpu.memory_space<hbm>>
      %dma_wait3A_148 = tpu.memref_squeeze %dma_wait3A_147 : memref<1x48x128xi32, #tpu.memory_space<hbm>> -> memref<48x128xi32, #tpu.memory_space<hbm>>
      %dma_wait3A_149 = arith.constant 0 : i32
      %dma_wait3A_150 = tpu.memref_slice %arg3[%run_scoped3A_113, %add3A_112, %dma_wait3A_149] : memref<2x2672x128xi32, #tpu.memory_space<hbm>> -> memref<1x48x128xi32, #tpu.memory_space<hbm>>
      %dma_wait3A_151 = tpu.memref_squeeze %dma_wait3A_150 : memref<1x48x128xi32, #tpu.memory_space<hbm>> -> memref<48x128xi32, #tpu.memory_space<hbm>>
      tpu.wait_dma2 semaphore(%run_scoped3A_141 : memref<!tpu.dma_semaphore, #tpu.memory_space<semaphore_mem>>) src(%dma_wait3A_151 : memref<48x128xi32, #tpu.memory_space<hbm>>) dst(%arg6 : memref<48x128xi32, #tpu.memory_space<vmem>>)
      tpu.yield
    }) : () -> ()
    %gt3A_114 = arith.constant 0 : i32
    %gt3A_115 = arith.cmpi sgt, %min3A_107, %gt3A_114 : i32
    %convert_element_type3A_116 = arith.extui %gt3A_115 : i1 to i32
    %cond3A_117 = arith.constant 0 : i32
    %cond3A_118 = arith.cmpi ne, %convert_element_type3A_116, %cond3A_117 : i32
    scf.if %cond3A_118 {
      %dma_start3A = arith.constant 0 : i32
      %dma_start3A_141 = tpu.memref_slice %arg5[%sub3A_29, %dma_start3A] : memref<48x128xi32, #tpu.memory_space<vmem>> -> memref<1x128xi32, #tpu.memory_space<vmem>>
      %dma_start3A_142 = tpu.memref_squeeze %dma_start3A_141 : memref<1x128xi32, #tpu.memory_space<vmem>> -> memref<128xi32, #tpu.memory_space<vmem>>
      %dma_start3A_143 = arith.constant 0 : i32
      %dma_start3A_144 = arith.constant 0 : i32
      %dma_start3A_145 = tpu.memref_slice %arg2[%dma_start3A_143, %dma_start3A_144] : memref<10000x128xf32, #tpu.memory_space<hbm>> -> memref<10000x128xf32, #tpu.memory_space<hbm>>
      tpu.enqueue_indirect_dma source(%dma_start3A_145 : memref<10000x128xf32, #tpu.memory_space<hbm>>) target(%arg7 : memref<128x128xf32, #tpu.memory_space<vmem>>) offsets(%dma_start3A_142 : memref<128xi32, #tpu.memory_space<vmem>>) semaphore(%arg11 : memref<!tpu.dma_semaphore, #tpu.memory_space<semaphore_mem>>)
    } else {
    }
    %gt3A_119 = arith.constant 1 : i32
    %gt3A_120 = arith.cmpi sgt, %min3A_107, %gt3A_119 : i32
    %convert_element_type3A_121 = arith.extui %gt3A_120 : i1 to i32
    %cond3A_122 = arith.constant 0 : i32
    %cond3A_123 = arith.cmpi ne, %convert_element_type3A_121, %cond3A_122 : i32
    scf.if %cond3A_123 {
      %add3A_141 = arith.constant 1 : i32
      %add3A_142 = arith.addi %sub3A_29, %add3A_141 : i32
      %dma_start3A = arith.constant 0 : i32
      %dma_start3A_143 = tpu.memref_slice %arg5[%add3A_142, %dma_start3A] : memref<48x128xi32, #tpu.memory_space<vmem>> -> memref<1x128xi32, #tpu.memory_space<vmem>>
      %dma_start3A_144 = tpu.memref_squeeze %dma_start3A_143 : memref<1x128xi32, #tpu.memory_space<vmem>> -> memref<128xi32, #tpu.memory_space<vmem>>
      %dma_start3A_145 = arith.constant 0 : i32
      %dma_start3A_146 = arith.constant 0 : i32
      %dma_start3A_147 = tpu.memref_slice %arg2[%dma_start3A_145, %dma_start3A_146] : memref<10000x128xf32, #tpu.memory_space<hbm>> -> memref<10000x128xf32, #tpu.memory_space<hbm>>
      tpu.enqueue_indirect_dma source(%dma_start3A_147 : memref<10000x128xf32, #tpu.memory_space<hbm>>) target(%arg8 : memref<128x128xf32, #tpu.memory_space<vmem>>) offsets(%dma_start3A_144 : memref<128xi32, #tpu.memory_space<vmem>>) semaphore(%arg12 : memref<!tpu.dma_semaphore, #tpu.memory_space<semaphore_mem>>)
    } else {
    }
    %while3A_124 = arith.constant 0 : i32
    %while3A_125 = arith.constant 0 : i32
    %while3A_126 = arith.subi %min3A_107, %while3A_124 : i32
    %while3A_127 = arith.addi %while3A_124, %while3A_126 : i32
    %while3A_128 = arith.constant 1 : i32
    %while3A_129 = arith.divsi %while3A_126, %while3A_128 : i32
    %while3A_130 = arith.muli %while3A_129, %while3A_128 : i32
    %while3A_131 = arith.addi %while3A_124, %while3A_130 : i32
    %while3A_132 = arith.constant 1 : i32
    %while3A_133 = scf.for %while3A_141 = %while3A_124 to %while3A_131 step %while3A_132 iter_args(%while3A_142 = %while3A_125) -> (i32)  : i32 {
      %jit3A_143 = arith.constant 2 : i32
      %eq3A_144 = arith.constant 0 : i32
      %eq3A_145 = arith.cmpi eq, %jit3A_143, %eq3A_144 : i32
      %jit3A_146 = arith.constant 1 : i32
      %select_n3A_147 = arith.select %eq3A_145, %jit3A_146, %jit3A_143 : i32
      %rem3A_148 = arith.remsi %while3A_141, %select_n3A_147 : i32
      %ne3A_149 = arith.constant 0 : i32
      %ne3A_150 = arith.cmpi ne, %rem3A_148, %ne3A_149 : i32
      %lt3A = arith.constant 0 : i32
      %lt3A_151 = arith.cmpi slt, %rem3A_148, %lt3A : i32
      %lt3A_152 = arith.constant 0 : i32
      %lt3A_153 = arith.cmpi slt, %select_n3A_147, %lt3A_152 : i32
      %ne3A_154 = arith.xori %lt3A_151, %lt3A_153 : i1
      %and3A_155 = arith.andi %ne3A_154, %ne3A_150 : i1
      %add3A_156 = arith.addi %rem3A_148, %select_n3A_147 : i32
      %select_n3A_157 = arith.select %and3A_155, %add3A_156, %rem3A_148 : i32
      %eq3A_158 = arith.constant 0 : i32
      %eq3A_159 = arith.cmpi eq, %select_n3A_157, %eq3A_158 : i32
      %convert_element_type3A_160 = arith.extui %eq3A_159 : i1 to i32
      %cond3A_161 = arith.constant 0 : i32
      %cond3A_162 = arith.cmpi ne, %convert_element_type3A_160, %cond3A_161 : i32
      scf.if %cond3A_162 {
        %add3A_185 = arith.addi %sub3A_29, %while3A_141 : i32
        %dma_wait3A = arith.constant 0 : i32
        %dma_wait3A_186 = tpu.memref_slice %arg5[%add3A_185, %dma_wait3A] : memref<48x128xi32, #tpu.memory_space<vmem>> -> memref<1x128xi32, #tpu.memory_space<vmem>>
        %dma_wait3A_187 = tpu.memref_squeeze %dma_wait3A_186 : memref<1x128xi32, #tpu.memory_space<vmem>> -> memref<128xi32, #tpu.memory_space<vmem>>
        %dma_wait3A_188 = arith.constant 0 : i32
        %dma_wait3A_189 = arith.constant 0 : i32
        %dma_wait3A_190 = tpu.memref_slice %arg2[%dma_wait3A_188, %dma_wait3A_189] : memref<10000x128xf32, #tpu.memory_space<hbm>> -> memref<10000x128xf32, #tpu.memory_space<hbm>>
        tpu.wait_indirect_dma semaphore(%arg11 : memref<!tpu.dma_semaphore, #tpu.memory_space<semaphore_mem>>) src(%dma_wait3A_190 : memref<10000x128xf32, #tpu.memory_space<hbm>>) dst(%arg7 : memref<128x128xf32, #tpu.memory_space<vmem>>)
        %add3A_191 = arith.addi %sub3A_29, %while3A_141 : i32
        "tpu.region"() ({
          %run_scoped3A_198 = tpu.sem_alloc : memref<!tpu.dma_semaphore, #tpu.memory_space<semaphore_mem>>
          %dma_start3A = arith.constant 0 : i32
          %dma_start3A_199 = tpu.memref_slice %arg6[%add3A_191, %dma_start3A] : memref<48x128xi32, #tpu.memory_space<vmem>> -> memref<1x128xi32, #tpu.memory_space<vmem>>
          %dma_start3A_200 = tpu.memref_squeeze %dma_start3A_199 : memref<1x128xi32, #tpu.memory_space<vmem>> -> memref<128xi32, #tpu.memory_space<vmem>>
          %dma_start3A_201 = arith.constant 0 : i32
          %dma_start3A_202 = arith.constant 0 : i32
          %dma_start3A_203 = tpu.memref_slice %arg10[%dma_start3A_201, %dma_start3A_202] : memref<10240x128xf32, #tpu.memory_space<vmem_shared>> -> memref<10240x128xf32, #tpu.memory_space<vmem_shared>>
          tpu.enqueue_indirect_dma source(%arg7 : memref<128x128xf32, #tpu.memory_space<vmem>>) target(%dma_start3A_203 : memref<10240x128xf32, #tpu.memory_space<vmem_shared>>) offsets(%dma_start3A_200 : memref<128xi32, #tpu.memory_space<vmem>>) semaphore(%run_scoped3A_198 : memref<!tpu.dma_semaphore, #tpu.memory_space<semaphore_mem>>) {add = true}
          %dma_wait3A_204 = arith.constant 0 : i32
          %dma_wait3A_205 = tpu.memref_slice %arg6[%add3A_191, %dma_wait3A_204] : memref<48x128xi32, #tpu.memory_space<vmem>> -> memref<1x128xi32, #tpu.memory_space<vmem>>
          %dma_wait3A_206 = tpu.memref_squeeze %dma_wait3A_205 : memref<1x128xi32, #tpu.memory_space<vmem>> -> memref<128xi32, #tpu.memory_space<vmem>>
          %dma_wait3A_207 = arith.constant 0 : i32
          %dma_wait3A_208 = arith.constant 0 : i32
          %dma_wait3A_209 = tpu.memref_slice %arg10[%dma_wait3A_207, %dma_wait3A_208] : memref<10240x128xf32, #tpu.memory_space<vmem_shared>> -> memref<10240x128xf32, #tpu.memory_space<vmem_shared>>
          tpu.wait_indirect_dma semaphore(%run_scoped3A_198 : memref<!tpu.dma_semaphore, #tpu.memory_space<semaphore_mem>>) src(%arg7 : memref<128x128xf32, #tpu.memory_space<vmem>>) dst(%dma_wait3A_209 : memref<10240x128xf32, #tpu.memory_space<vmem_shared>>)
          tpu.yield
        }) : () -> ()
        %sub3A_192 = arith.constant 2 : i32
        %sub3A_193 = arith.subi %min3A_107, %sub3A_192 : i32
        %lt3A_194 = arith.cmpi slt, %while3A_141, %sub3A_193 : i32
        %convert_element_type3A_195 = arith.extui %lt3A_194 : i1 to i32
        %cond3A_196 = arith.constant 0 : i32
        %cond3A_197 = arith.cmpi ne, %convert_element_type3A_195, %cond3A_196 : i32
        scf.if %cond3A_197 {
          %add3A_198 = arith.addi %sub3A_29, %while3A_141 : i32
          %add3A_199 = arith.constant 2 : i32
          %add3A_200 = arith.addi %add3A_198, %add3A_199 : i32
          %dma_start3A = arith.constant 0 : i32
          %dma_start3A_201 = tpu.memref_slice %arg5[%add3A_200, %dma_start3A] : memref<48x128xi32, #tpu.memory_space<vmem>> -> memref<1x128xi32, #tpu.memory_space<vmem>>
          %dma_start3A_202 = tpu.memref_squeeze %dma_start3A_201 : memref<1x128xi32, #tpu.memory_space<vmem>> -> memref<128xi32, #tpu.memory_space<vmem>>
          %dma_start3A_203 = arith.constant 0 : i32
          %dma_start3A_204 = arith.constant 0 : i32
          %dma_start3A_205 = tpu.memref_slice %arg2[%dma_start3A_203, %dma_start3A_204] : memref<10000x128xf32, #tpu.memory_space<hbm>> -> memref<10000x128xf32, #tpu.memory_space<hbm>>
          tpu.enqueue_indirect_dma source(%dma_start3A_205 : memref<10000x128xf32, #tpu.memory_space<hbm>>) target(%arg7 : memref<128x128xf32, #tpu.memory_space<vmem>>) offsets(%dma_start3A_202 : memref<128xi32, #tpu.memory_space<vmem>>) semaphore(%arg11 : memref<!tpu.dma_semaphore, #tpu.memory_space<semaphore_mem>>)
        } else {
        }
      } else {
      }
      %jit3A_163 = arith.constant 2 : i32
      %eq3A_164 = arith.constant 0 : i32
      %eq3A_165 = arith.cmpi eq, %jit3A_163, %eq3A_164 : i32
      %jit3A_166 = arith.constant 1 : i32
      %select_n3A_167 = arith.select %eq3A_165, %jit3A_166, %jit3A_163 : i32
      %rem3A_168 = arith.remsi %while3A_141, %select_n3A_167 : i32
      %ne3A_169 = arith.constant 0 : i32
      %ne3A_170 = arith.cmpi ne, %rem3A_168, %ne3A_169 : i32
      %lt3A_171 = arith.constant 0 : i32
      %lt3A_172 = arith.cmpi slt, %rem3A_168, %lt3A_171 : i32
      %lt3A_173 = arith.constant 0 : i32
      %lt3A_174 = arith.cmpi slt, %select_n3A_167, %lt3A_173 : i32
      %ne3A_175 = arith.xori %lt3A_172, %lt3A_174 : i1
      %and3A_176 = arith.andi %ne3A_175, %ne3A_170 : i1
      %add3A_177 = arith.addi %rem3A_168, %select_n3A_167 : i32
      %select_n3A_178 = arith.select %and3A_176, %add3A_177, %rem3A_168 : i32
      %eq3A_179 = arith.constant 1 : i32
      %eq3A_180 = arith.cmpi eq, %select_n3A_178, %eq3A_179 : i32
      %convert_element_type3A_181 = arith.extui %eq3A_180 : i1 to i32
      %cond3A_182 = arith.constant 0 : i32
      %cond3A_183 = arith.cmpi ne, %convert_element_type3A_181, %cond3A_182 : i32
      scf.if %cond3A_183 {
        %add3A_185 = arith.addi %sub3A_29, %while3A_141 : i32
        %dma_wait3A = arith.constant 0 : i32
        %dma_wait3A_186 = tpu.memref_slice %arg5[%add3A_185, %dma_wait3A] : memref<48x128xi32, #tpu.memory_space<vmem>> -> memref<1x128xi32, #tpu.memory_space<vmem>>
        %dma_wait3A_187 = tpu.memref_squeeze %dma_wait3A_186 : memref<1x128xi32, #tpu.memory_space<vmem>> -> memref<128xi32, #tpu.memory_space<vmem>>
        %dma_wait3A_188 = arith.constant 0 : i32
        %dma_wait3A_189 = arith.constant 0 : i32
        %dma_wait3A_190 = tpu.memref_slice %arg2[%dma_wait3A_188, %dma_wait3A_189] : memref<10000x128xf32, #tpu.memory_space<hbm>> -> memref<10000x128xf32, #tpu.memory_space<hbm>>
        tpu.wait_indirect_dma semaphore(%arg12 : memref<!tpu.dma_semaphore, #tpu.memory_space<semaphore_mem>>) src(%dma_wait3A_190 : memref<10000x128xf32, #tpu.memory_space<hbm>>) dst(%arg8 : memref<128x128xf32, #tpu.memory_space<vmem>>)
        %add3A_191 = arith.addi %sub3A_29, %while3A_141 : i32
        "tpu.region"() ({
          %run_scoped3A_198 = tpu.sem_alloc : memref<!tpu.dma_semaphore, #tpu.memory_space<semaphore_mem>>
          %dma_start3A = arith.constant 0 : i32
          %dma_start3A_199 = tpu.memref_slice %arg6[%add3A_191, %dma_start3A] : memref<48x128xi32, #tpu.memory_space<vmem>> -> memref<1x128xi32, #tpu.memory_space<vmem>>
          %dma_start3A_200 = tpu.memref_squeeze %dma_start3A_199 : memref<1x128xi32, #tpu.memory_space<vmem>> -> memref<128xi32, #tpu.memory_space<vmem>>
          %dma_start3A_201 = arith.constant 0 : i32
          %dma_start3A_202 = arith.constant 0 : i32
          %dma_start3A_203 = tpu.memref_slice %arg10[%dma_start3A_201, %dma_start3A_202] : memref<10240x128xf32, #tpu.memory_space<vmem_shared>> -> memref<10240x128xf32, #tpu.memory_space<vmem_shared>>
          tpu.enqueue_indirect_dma source(%arg8 : memref<128x128xf32, #tpu.memory_space<vmem>>) target(%dma_start3A_203 : memref<10240x128xf32, #tpu.memory_space<vmem_shared>>) offsets(%dma_start3A_200 : memref<128xi32, #tpu.memory_space<vmem>>) semaphore(%run_scoped3A_198 : memref<!tpu.dma_semaphore, #tpu.memory_space<semaphore_mem>>) {add = true}
          %dma_wait3A_204 = arith.constant 0 : i32
          %dma_wait3A_205 = tpu.memref_slice %arg6[%add3A_191, %dma_wait3A_204] : memref<48x128xi32, #tpu.memory_space<vmem>> -> memref<1x128xi32, #tpu.memory_space<vmem>>
          %dma_wait3A_206 = tpu.memref_squeeze %dma_wait3A_205 : memref<1x128xi32, #tpu.memory_space<vmem>> -> memref<128xi32, #tpu.memory_space<vmem>>
          %dma_wait3A_207 = arith.constant 0 : i32
          %dma_wait3A_208 = arith.constant 0 : i32
          %dma_wait3A_209 = tpu.memref_slice %arg10[%dma_wait3A_207, %dma_wait3A_208] : memref<10240x128xf32, #tpu.memory_space<vmem_shared>> -> memref<10240x128xf32, #tpu.memory_space<vmem_shared>>
          tpu.wait_indirect_dma semaphore(%run_scoped3A_198 : memref<!tpu.dma_semaphore, #tpu.memory_space<semaphore_mem>>) src(%arg8 : memref<128x128xf32, #tpu.memory_space<vmem>>) dst(%dma_wait3A_209 : memref<10240x128xf32, #tpu.memory_space<vmem_shared>>)
          tpu.yield
        }) : () -> ()
        %sub3A_192 = arith.constant 2 : i32
        %sub3A_193 = arith.subi %min3A_107, %sub3A_192 : i32
        %lt3A_194 = arith.cmpi slt, %while3A_141, %sub3A_193 : i32
        %convert_element_type3A_195 = arith.extui %lt3A_194 : i1 to i32
        %cond3A_196 = arith.constant 0 : i32
        %cond3A_197 = arith.cmpi ne, %convert_element_type3A_195, %cond3A_196 : i32
        scf.if %cond3A_197 {
          %add3A_198 = arith.addi %sub3A_29, %while3A_141 : i32
          %add3A_199 = arith.constant 2 : i32
          %add3A_200 = arith.addi %add3A_198, %add3A_199 : i32
          %dma_start3A = arith.constant 0 : i32
          %dma_start3A_201 = tpu.memref_slice %arg5[%add3A_200, %dma_start3A] : memref<48x128xi32, #tpu.memory_space<vmem>> -> memref<1x128xi32, #tpu.memory_space<vmem>>
          %dma_start3A_202 = tpu.memref_squeeze %dma_start3A_201 : memref<1x128xi32, #tpu.memory_space<vmem>> -> memref<128xi32, #tpu.memory_space<vmem>>
          %dma_start3A_203 = arith.constant 0 : i32
          %dma_start3A_204 = arith.constant 0 : i32
          %dma_start3A_205 = tpu.memref_slice %arg2[%dma_start3A_203, %dma_start3A_204] : memref<10000x128xf32, #tpu.memory_space<hbm>> -> memref<10000x128xf32, #tpu.memory_space<hbm>>
          tpu.enqueue_indirect_dma source(%dma_start3A_205 : memref<10000x128xf32, #tpu.memory_space<hbm>>) target(%arg8 : memref<128x128xf32, #tpu.memory_space<vmem>>) offsets(%dma_start3A_202 : memref<128xi32, #tpu.memory_space<vmem>>) semaphore(%arg12 : memref<!tpu.dma_semaphore, #tpu.memory_space<semaphore_mem>>)
        } else {
        }
      } else {
      }
      %while3A_184 = arith.constant 0 : i32
      scf.yield %while3A_184 : i32
    }
    %while3A_134 = arith.constant 1 : i32
    %while3A_135 = scf.for %while3A_141 = %while3A_131 to %while3A_127 step %while3A_134 iter_args(%while3A_142 = %while3A_133) -> (i32)  : i32 {
      %jit3A_143 = arith.constant 2 : i32
      %eq3A_144 = arith.constant 0 : i32
      %eq3A_145 = arith.cmpi eq, %jit3A_143, %eq3A_144 : i32
      %jit3A_146 = arith.constant 1 : i32
      %select_n3A_147 = arith.select %eq3A_145, %jit3A_146, %jit3A_143 : i32
      %rem3A_148 = arith.remsi %while3A_141, %select_n3A_147 : i32
      %ne3A_149 = arith.constant 0 : i32
      %ne3A_150 = arith.cmpi ne, %rem3A_148, %ne3A_149 : i32
      %lt3A = arith.constant 0 : i32
      %lt3A_151 = arith.cmpi slt, %rem3A_148, %lt3A : i32
      %lt3A_152 = arith.constant 0 : i32
      %lt3A_153 = arith.cmpi slt, %select_n3A_147, %lt3A_152 : i32
      %ne3A_154 = arith.xori %lt3A_151, %lt3A_153 : i1
      %and3A_155 = arith.andi %ne3A_154, %ne3A_150 : i1
      %add3A_156 = arith.addi %rem3A_148, %select_n3A_147 : i32
      %select_n3A_157 = arith.select %and3A_155, %add3A_156, %rem3A_148 : i32
      %eq3A_158 = arith.constant 0 : i32
      %eq3A_159 = arith.cmpi eq, %select_n3A_157, %eq3A_158 : i32
      %convert_element_type3A_160 = arith.extui %eq3A_159 : i1 to i32
      %cond3A_161 = arith.constant 0 : i32
      %cond3A_162 = arith.cmpi ne, %convert_element_type3A_160, %cond3A_161 : i32
      scf.if %cond3A_162 {
        %add3A_185 = arith.addi %sub3A_29, %while3A_141 : i32
        %dma_wait3A = arith.constant 0 : i32
        %dma_wait3A_186 = tpu.memref_slice %arg5[%add3A_185, %dma_wait3A] : memref<48x128xi32, #tpu.memory_space<vmem>> -> memref<1x128xi32, #tpu.memory_space<vmem>>
        %dma_wait3A_187 = tpu.memref_squeeze %dma_wait3A_186 : memref<1x128xi32, #tpu.memory_space<vmem>> -> memref<128xi32, #tpu.memory_space<vmem>>
        %dma_wait3A_188 = arith.constant 0 : i32
        %dma_wait3A_189 = arith.constant 0 : i32
        %dma_wait3A_190 = tpu.memref_slice %arg2[%dma_wait3A_188, %dma_wait3A_189] : memref<10000x128xf32, #tpu.memory_space<hbm>> -> memref<10000x128xf32, #tpu.memory_space<hbm>>
        tpu.wait_indirect_dma semaphore(%arg11 : memref<!tpu.dma_semaphore, #tpu.memory_space<semaphore_mem>>) src(%dma_wait3A_190 : memref<10000x128xf32, #tpu.memory_space<hbm>>) dst(%arg7 : memref<128x128xf32, #tpu.memory_space<vmem>>)
        %add3A_191 = arith.addi %sub3A_29, %while3A_141 : i32
        "tpu.region"() ({
          %run_scoped3A_198 = tpu.sem_alloc : memref<!tpu.dma_semaphore, #tpu.memory_space<semaphore_mem>>
          %dma_start3A = arith.constant 0 : i32
          %dma_start3A_199 = tpu.memref_slice %arg6[%add3A_191, %dma_start3A] : memref<48x128xi32, #tpu.memory_space<vmem>> -> memref<1x128xi32, #tpu.memory_space<vmem>>
          %dma_start3A_200 = tpu.memref_squeeze %dma_start3A_199 : memref<1x128xi32, #tpu.memory_space<vmem>> -> memref<128xi32, #tpu.memory_space<vmem>>
          %dma_start3A_201 = arith.constant 0 : i32
          %dma_start3A_202 = arith.constant 0 : i32
          %dma_start3A_203 = tpu.memref_slice %arg10[%dma_start3A_201, %dma_start3A_202] : memref<10240x128xf32, #tpu.memory_space<vmem_shared>> -> memref<10240x128xf32, #tpu.memory_space<vmem_shared>>
          tpu.enqueue_indirect_dma source(%arg7 : memref<128x128xf32, #tpu.memory_space<vmem>>) target(%dma_start3A_203 : memref<10240x128xf32, #tpu.memory_space<vmem_shared>>) offsets(%dma_start3A_200 : memref<128xi32, #tpu.memory_space<vmem>>) semaphore(%run_scoped3A_198 : memref<!tpu.dma_semaphore, #tpu.memory_space<semaphore_mem>>) {add = true}
          %dma_wait3A_204 = arith.constant 0 : i32
          %dma_wait3A_205 = tpu.memref_slice %arg6[%add3A_191, %dma_wait3A_204] : memref<48x128xi32, #tpu.memory_space<vmem>> -> memref<1x128xi32, #tpu.memory_space<vmem>>
          %dma_wait3A_206 = tpu.memref_squeeze %dma_wait3A_205 : memref<1x128xi32, #tpu.memory_space<vmem>> -> memref<128xi32, #tpu.memory_space<vmem>>
          %dma_wait3A_207 = arith.constant 0 : i32
          %dma_wait3A_208 = arith.constant 0 : i32
          %dma_wait3A_209 = tpu.memref_slice %arg10[%dma_wait3A_207, %dma_wait3A_208] : memref<10240x128xf32, #tpu.memory_space<vmem_shared>> -> memref<10240x128xf32, #tpu.memory_space<vmem_shared>>
          tpu.wait_indirect_dma semaphore(%run_scoped3A_198 : memref<!tpu.dma_semaphore, #tpu.memory_space<semaphore_mem>>) src(%arg7 : memref<128x128xf32, #tpu.memory_space<vmem>>) dst(%dma_wait3A_209 : memref<10240x128xf32, #tpu.memory_space<vmem_shared>>)
          tpu.yield
        }) : () -> ()
        %sub3A_192 = arith.constant 2 : i32
        %sub3A_193 = arith.subi %min3A_107, %sub3A_192 : i32
        %lt3A_194 = arith.cmpi slt, %while3A_141, %sub3A_193 : i32
        %convert_element_type3A_195 = arith.extui %lt3A_194 : i1 to i32
        %cond3A_196 = arith.constant 0 : i32
        %cond3A_197 = arith.cmpi ne, %convert_element_type3A_195, %cond3A_196 : i32
        scf.if %cond3A_197 {
          %add3A_198 = arith.addi %sub3A_29, %while3A_141 : i32
          %add3A_199 = arith.constant 2 : i32
          %add3A_200 = arith.addi %add3A_198, %add3A_199 : i32
          %dma_start3A = arith.constant 0 : i32
          %dma_start3A_201 = tpu.memref_slice %arg5[%add3A_200, %dma_start3A] : memref<48x128xi32, #tpu.memory_space<vmem>> -> memref<1x128xi32, #tpu.memory_space<vmem>>
          %dma_start3A_202 = tpu.memref_squeeze %dma_start3A_201 : memref<1x128xi32, #tpu.memory_space<vmem>> -> memref<128xi32, #tpu.memory_space<vmem>>
          %dma_start3A_203 = arith.constant 0 : i32
          %dma_start3A_204 = arith.constant 0 : i32
          %dma_start3A_205 = tpu.memref_slice %arg2[%dma_start3A_203, %dma_start3A_204] : memref<10000x128xf32, #tpu.memory_space<hbm>> -> memref<10000x128xf32, #tpu.memory_space<hbm>>
          tpu.enqueue_indirect_dma source(%dma_start3A_205 : memref<10000x128xf32, #tpu.memory_space<hbm>>) target(%arg7 : memref<128x128xf32, #tpu.memory_space<vmem>>) offsets(%dma_start3A_202 : memref<128xi32, #tpu.memory_space<vmem>>) semaphore(%arg11 : memref<!tpu.dma_semaphore, #tpu.memory_space<semaphore_mem>>)
        } else {
        }
      } else {
      }
      %jit3A_163 = arith.constant 2 : i32
      %eq3A_164 = arith.constant 0 : i32
      %eq3A_165 = arith.cmpi eq, %jit3A_163, %eq3A_164 : i32
      %jit3A_166 = arith.constant 1 : i32
      %select_n3A_167 = arith.select %eq3A_165, %jit3A_166, %jit3A_163 : i32
      %rem3A_168 = arith.remsi %while3A_141, %select_n3A_167 : i32
      %ne3A_169 = arith.constant 0 : i32
      %ne3A_170 = arith.cmpi ne, %rem3A_168, %ne3A_169 : i32
      %lt3A_171 = arith.constant 0 : i32
      %lt3A_172 = arith.cmpi slt, %rem3A_168, %lt3A_171 : i32
      %lt3A_173 = arith.constant 0 : i32
      %lt3A_174 = arith.cmpi slt, %select_n3A_167, %lt3A_173 : i32
      %ne3A_175 = arith.xori %lt3A_172, %lt3A_174 : i1
      %and3A_176 = arith.andi %ne3A_175, %ne3A_170 : i1
      %add3A_177 = arith.addi %rem3A_168, %select_n3A_167 : i32
      %select_n3A_178 = arith.select %and3A_176, %add3A_177, %rem3A_168 : i32
      %eq3A_179 = arith.constant 1 : i32
      %eq3A_180 = arith.cmpi eq, %select_n3A_178, %eq3A_179 : i32
      %convert_element_type3A_181 = arith.extui %eq3A_180 : i1 to i32
      %cond3A_182 = arith.constant 0 : i32
      %cond3A_183 = arith.cmpi ne, %convert_element_type3A_181, %cond3A_182 : i32
      scf.if %cond3A_183 {
        %add3A_185 = arith.addi %sub3A_29, %while3A_141 : i32
        %dma_wait3A = arith.constant 0 : i32
        %dma_wait3A_186 = tpu.memref_slice %arg5[%add3A_185, %dma_wait3A] : memref<48x128xi32, #tpu.memory_space<vmem>> -> memref<1x128xi32, #tpu.memory_space<vmem>>
        %dma_wait3A_187 = tpu.memref_squeeze %dma_wait3A_186 : memref<1x128xi32, #tpu.memory_space<vmem>> -> memref<128xi32, #tpu.memory_space<vmem>>
        %dma_wait3A_188 = arith.constant 0 : i32
        %dma_wait3A_189 = arith.constant 0 : i32
        %dma_wait3A_190 = tpu.memref_slice %arg2[%dma_wait3A_188, %dma_wait3A_189] : memref<10000x128xf32, #tpu.memory_space<hbm>> -> memref<10000x128xf32, #tpu.memory_space<hbm>>
        tpu.wait_indirect_dma semaphore(%arg12 : memref<!tpu.dma_semaphore, #tpu.memory_space<semaphore_mem>>) src(%dma_wait3A_190 : memref<10000x128xf32, #tpu.memory_space<hbm>>) dst(%arg8 : memref<128x128xf32, #tpu.memory_space<vmem>>)
        %add3A_191 = arith.addi %sub3A_29, %while3A_141 : i32
        "tpu.region"() ({
          %run_scoped3A_198 = tpu.sem_alloc : memref<!tpu.dma_semaphore, #tpu.memory_space<semaphore_mem>>
          %dma_start3A = arith.constant 0 : i32
          %dma_start3A_199 = tpu.memref_slice %arg6[%add3A_191, %dma_start3A] : memref<48x128xi32, #tpu.memory_space<vmem>> -> memref<1x128xi32, #tpu.memory_space<vmem>>
          %dma_start3A_200 = tpu.memref_squeeze %dma_start3A_199 : memref<1x128xi32, #tpu.memory_space<vmem>> -> memref<128xi32, #tpu.memory_space<vmem>>
          %dma_start3A_201 = arith.constant 0 : i32
          %dma_start3A_202 = arith.constant 0 : i32
          %dma_start3A_203 = tpu.memref_slice %arg10[%dma_start3A_201, %dma_start3A_202] : memref<10240x128xf32, #tpu.memory_space<vmem_shared>> -> memref<10240x128xf32, #tpu.memory_space<vmem_shared>>
          tpu.enqueue_indirect_dma source(%arg8 : memref<128x128xf32, #tpu.memory_space<vmem>>) target(%dma_start3A_203 : memref<10240x128xf32, #tpu.memory_space<vmem_shared>>) offsets(%dma_start3A_200 : memref<128xi32, #tpu.memory_space<vmem>>) semaphore(%run_scoped3A_198 : memref<!tpu.dma_semaphore, #tpu.memory_space<semaphore_mem>>) {add = true}
          %dma_wait3A_204 = arith.constant 0 : i32
          %dma_wait3A_205 = tpu.memref_slice %arg6[%add3A_191, %dma_wait3A_204] : memref<48x128xi32, #tpu.memory_space<vmem>> -> memref<1x128xi32, #tpu.memory_space<vmem>>
          %dma_wait3A_206 = tpu.memref_squeeze %dma_wait3A_205 : memref<1x128xi32, #tpu.memory_space<vmem>> -> memref<128xi32, #tpu.memory_space<vmem>>
          %dma_wait3A_207 = arith.constant 0 : i32
          %dma_wait3A_208 = arith.constant 0 : i32
          %dma_wait3A_209 = tpu.memref_slice %arg10[%dma_wait3A_207, %dma_wait3A_208] : memref<10240x128xf32, #tpu.memory_space<vmem_shared>> -> memref<10240x128xf32, #tpu.memory_space<vmem_shared>>
          tpu.wait_indirect_dma semaphore(%run_scoped3A_198 : memref<!tpu.dma_semaphore, #tpu.memory_space<semaphore_mem>>) src(%arg8 : memref<128x128xf32, #tpu.memory_space<vmem>>) dst(%dma_wait3A_209 : memref<10240x128xf32, #tpu.memory_space<vmem_shared>>)
          tpu.yield
        }) : () -> ()
        %sub3A_192 = arith.constant 2 : i32
        %sub3A_193 = arith.subi %min3A_107, %sub3A_192 : i32
        %lt3A_194 = arith.cmpi slt, %while3A_141, %sub3A_193 : i32
        %convert_element_type3A_195 = arith.extui %lt3A_194 : i1 to i32
        %cond3A_196 = arith.constant 0 : i32
        %cond3A_197 = arith.cmpi ne, %convert_element_type3A_195, %cond3A_196 : i32
        scf.if %cond3A_197 {
          %add3A_198 = arith.addi %sub3A_29, %while3A_141 : i32
          %add3A_199 = arith.constant 2 : i32
          %add3A_200 = arith.addi %add3A_198, %add3A_199 : i32
          %dma_start3A = arith.constant 0 : i32
          %dma_start3A_201 = tpu.memref_slice %arg5[%add3A_200, %dma_start3A] : memref<48x128xi32, #tpu.memory_space<vmem>> -> memref<1x128xi32, #tpu.memory_space<vmem>>
          %dma_start3A_202 = tpu.memref_squeeze %dma_start3A_201 : memref<1x128xi32, #tpu.memory_space<vmem>> -> memref<128xi32, #tpu.memory_space<vmem>>
          %dma_start3A_203 = arith.constant 0 : i32
          %dma_start3A_204 = arith.constant 0 : i32
          %dma_start3A_205 = tpu.memref_slice %arg2[%dma_start3A_203, %dma_start3A_204] : memref<10000x128xf32, #tpu.memory_space<hbm>> -> memref<10000x128xf32, #tpu.memory_space<hbm>>
          tpu.enqueue_indirect_dma source(%dma_start3A_205 : memref<10000x128xf32, #tpu.memory_space<hbm>>) target(%arg8 : memref<128x128xf32, #tpu.memory_space<vmem>>) offsets(%dma_start3A_202 : memref<128xi32, #tpu.memory_space<vmem>>) semaphore(%arg12 : memref<!tpu.dma_semaphore, #tpu.memory_space<semaphore_mem>>)
        } else {
        }
      } else {
      }
      %while3A_184 = arith.constant 0 : i32
      scf.yield %while3A_184 : i32
    }
    %barrier3A_136 = arith.constant 0 : index
    tpu.barrier barrier_id(%barrier3A_136)
    %mul3A_137 = arith.constant 640 : i32
    %mul3A_138 = arith.muli %arg1, %mul3A_137 : i32
    %mul3A_139 = arith.constant 640 : i32
    %mul3A_140 = arith.muli %arg1, %mul3A_139 : i32
    "tpu.region"() ({
      %run_scoped3A_141 = tpu.sem_alloc : memref<!tpu.dma_semaphore, #tpu.memory_space<semaphore_mem>>
      %dma_start3A = arith.constant 0 : i32
      %dma_start3A_142 = tpu.memref_slice %arg4[%arg0, %mul3A_140, %dma_start3A] : memref<2x10240x128xf32, #tpu.memory_space<hbm>> -> memref<1x640x128xf32, #tpu.memory_space<hbm>>
      %dma_start3A_143 = tpu.memref_squeeze %dma_start3A_142 : memref<1x640x128xf32, #tpu.memory_space<hbm>> -> memref<640x128xf32, #tpu.memory_space<hbm>>
      %dma_start3A_144 = arith.constant 0 : i32
      %dma_start3A_145 = tpu.memref_slice %arg10[%mul3A_138, %dma_start3A_144] : memref<10240x128xf32, #tpu.memory_space<vmem_shared>> -> memref<640x128xf32, #tpu.memory_space<vmem_shared>>
      tpu.enqueue_dma source(%dma_start3A_145 : memref<640x128xf32, #tpu.memory_space<vmem_shared>>) target(%dma_start3A_143 : memref<640x128xf32, #tpu.memory_space<hbm>>) target_semaphore(%run_scoped3A_141 : memref<!tpu.dma_semaphore, #tpu.memory_space<semaphore_mem>>)
      %dma_wait3A = arith.constant 0 : i32
      %dma_wait3A_146 = tpu.memref_slice %arg4[%arg0, %mul3A_140, %dma_wait3A] : memref<2x10240x128xf32, #tpu.memory_space<hbm>> -> memref<1x640x128xf32, #tpu.memory_space<hbm>>
      %dma_wait3A_147 = tpu.memref_squeeze %dma_wait3A_146 : memref<1x640x128xf32, #tpu.memory_space<hbm>> -> memref<640x128xf32, #tpu.memory_space<hbm>>
      %dma_wait3A_148 = arith.constant 0 : i32
      %dma_wait3A_149 = tpu.memref_slice %arg10[%mul3A_138, %dma_wait3A_148] : memref<10240x128xf32, #tpu.memory_space<vmem_shared>> -> memref<640x128xf32, #tpu.memory_space<vmem_shared>>
      tpu.wait_dma2 semaphore(%run_scoped3A_141 : memref<!tpu.dma_semaphore, #tpu.memory_space<semaphore_mem>>) src(%dma_wait3A_149 : memref<640x128xf32, #tpu.memory_space<vmem_shared>>) dst(%dma_wait3A_147 : memref<640x128xf32, #tpu.memory_space<hbm>>)
      tpu.yield
    }) : () -> ()
    return
  }
}

#map = affine_map<(d0, d1) -> (0, 0)>
#map1 = affine_map<(d0, d1) -> (0, 0, 0)>
module attributes {stable_mosaic.version = 14 : i64} {
  func.func @_sc_agg(%arg0: i32, %arg1: i32, %arg2: memref<10000x128xf32, #tpu.memory_space<hbm>>, %arg3: memref<2x2672x128xi32, #tpu.memory_space<hbm>>, %arg4: memref<2x10240x128xf32, #tpu.memory_space<hbm>>, %arg5: memref<48x128xi32, #tpu.memory_space<vmem>>, %arg6: memref<48x128xi32, #tpu.memory_space<vmem>>, %arg7: memref<128x128xf32, #tpu.memory_space<vmem>>, %arg8: memref<128x128xf32, #tpu.memory_space<vmem>>, %arg9: memref<16x128xf32, #tpu.memory_space<vmem>>, %arg10: memref<10240x128xf32, #tpu.memory_space<vmem_shared>>, %arg11: memref<!tpu.dma_semaphore, #tpu.memory_space<semaphore_mem>>, %arg12: memref<!tpu.dma_semaphore, #tpu.memory_space<semaphore_mem>>) attributes {dimension_semantics = [#tpu.dimension_semantics<core_parallel>, #tpu.dimension_semantics<subcore_parallel>], iteration_bounds = array<i64: 2, 16>, scalar_prefetch = 0 : i64, scratch_operands = 8 : i64, tpu.core_type = #tpu.core_type<sc_vector_subcore>, window_params = [{transform_indices = #map}, {transform_indices = #map1}, {transform_indices = #map1}]} {
    %eq3A = arith.constant 0 : i32
    %eq3A_0 = arith.cmpi eq, %arg0, %eq3A : i32
    %jit3A = arith.constant 115 : i32
    %jit3A_1 = arith.constant 47 : i32
    %select_n3A = arith.select %eq3A_0, %jit3A, %jit3A_1 : i32
    %eq3A_2 = arith.constant 0 : i32
    %eq3A_3 = arith.cmpi eq, %arg0, %eq3A_2 : i32
    %mul3A = arith.constant 115 : i32
    %mul3A_4 = arith.muli %arg1, %mul3A : i32
    %mul3A_5 = arith.constant 47 : i32
    %mul3A_6 = arith.muli %arg1, %mul3A_5 : i32
    %add3A = arith.constant 1840 : i32
    %add3A_7 = arith.addi %add3A, %mul3A_6 : i32
    %select_n3A_8 = arith.select %eq3A_3, %mul3A_4, %add3A_7 : i32
    %jit3A_9 = arith.constant 8 : i32
    %div3A = arith.divsi %select_n3A_8, %jit3A_9 : i32
    %sign3A = arith.constant 0 : i32
    %sign3A_10 = arith.cmpi sgt, %select_n3A_8, %sign3A : i32
    %sign3A_11 = arith.extui %sign3A_10 : i1 to i32
    %sign3A_12 = arith.constant 0 : i32
    %sign3A_13 = arith.cmpi slt, %select_n3A_8, %sign3A_12 : i32
    %sign3A_14 = arith.extui %sign3A_13 : i1 to i32
    %sign3A_15 = arith.subi %sign3A_11, %sign3A_14 : i32
    %sign3A_16 = arith.constant 0 : i32
    %sign3A_17 = arith.cmpi sgt, %jit3A_9, %sign3A_16 : i32
    %sign3A_18 = arith.extui %sign3A_17 : i1 to i32
    %sign3A_19 = arith.constant 0 : i32
    %sign3A_20 = arith.cmpi slt, %jit3A_9, %sign3A_19 : i32
    %sign3A_21 = arith.extui %sign3A_20 : i1 to i32
    %sign3A_22 = arith.subi %sign3A_18, %sign3A_21 : i32
    %ne3A = arith.cmpi ne, %sign3A_15, %sign3A_22 : i32
    %rem3A = arith.remsi %select_n3A_8, %jit3A_9 : i32
    %ne3A_23 = arith.constant 0 : i32
    %ne3A_24 = arith.cmpi ne, %rem3A, %ne3A_23 : i32
    %and3A = arith.andi %ne3A, %ne3A_24 : i1
    %sub3A = arith.constant 1 : i32
    %sub3A_25 = arith.subi %div3A, %sub3A : i32
    %select_n3A_26 = arith.select %and3A, %sub3A_25, %div3A : i32
    %mul3A_27 = arith.constant 8 : i32
    %mul3A_28 = arith.muli %select_n3A_26, %mul3A_27 : i32
    %multiple_of3A = tpu.assume_multiple %mul3A_28, 8 : i32
    %sub3A_29 = arith.subi %select_n3A_8, %multiple_of3A : i32
    %scan3A = arith.constant 0 : i32
    %scan3A_30 = arith.constant 0 : i32
    %scan3A_31 = arith.constant 16 : i32
    %scan3A_32 = arith.addi %scan3A_30, %scan3A_31 : i32
    %scan3A_33 = arith.constant 1 : i32
    scf.for %scan3A_141 = %scan3A_30 to %scan3A_32 step %scan3A_33  : i32 {
      %broadcast_in_dim3A = arith.constant 0.000000e+00 : f32
      %broadcast_in_dim3A_142 = vector.broadcast %broadcast_in_dim3A : f32 to vector<16xf32>
      %swap3A = arith.index_cast %scan3A_141 : i32 to index
      %swap3A_143 = arith.constant 0 : index
      %swap3A_144 = tpu.vector_load %arg9[%swap3A, %swap3A_143] {strides = array<i32>} : memref<16x128xf32, #tpu.memory_space<vmem>>, vector<1x16xf32>,
      %swap3A_145 = vector.shape_cast %swap3A_144 : vector<1x16xf32> to vector<16xf32>
      %swap3A_146 = vector.shape_cast %broadcast_in_dim3A_142 : vector<16xf32> to vector<1x16xf32>
      tpu.vector_store %arg9[%swap3A, %swap3A_143], %swap3A_146 {strides = array<i32>} : memref<16x128xf32, #tpu.memory_space<vmem>>, vector<1x16xf32>,
      %broadcast_in_dim3A_147 = arith.constant 0.000000e+00 : f32
      %broadcast_in_dim3A_148 = vector.broadcast %broadcast_in_dim3A_147 : f32 to vector<16xf32>
      %swap3A_149 = arith.index_cast %scan3A_141 : i32 to index
      %swap3A_150 = arith.constant 16 : index
      %swap3A_151 = tpu.vector_load %arg9[%swap3A_149, %swap3A_150] {strides = array<i32>} : memref<16x128xf32, #tpu.memory_space<vmem>>, vector<1x16xf32>,
      %swap3A_152 = vector.shape_cast %swap3A_151 : vector<1x16xf32> to vector<16xf32>
      %swap3A_153 = vector.shape_cast %broadcast_in_dim3A_148 : vector<16xf32> to vector<1x16xf32>
      tpu.vector_store %arg9[%swap3A_149, %swap3A_150], %swap3A_153 {strides = array<i32>} : memref<16x128xf32, #tpu.memory_space<vmem>>, vector<1x16xf32>,
      %broadcast_in_dim3A_154 = arith.constant 0.000000e+00 : f32
      %broadcast_in_dim3A_155 = vector.broadcast %broadcast_in_dim3A_154 : f32 to vector<16xf32>
      %swap3A_156 = arith.index_cast %scan3A_141 : i32 to index
      %swap3A_157 = arith.constant 32 : index
      %swap3A_158 = tpu.vector_load %arg9[%swap3A_156, %swap3A_157] {strides = array<i32>} : memref<16x128xf32, #tpu.memory_space<vmem>>, vector<1x16xf32>,
      %swap3A_159 = vector.shape_cast %swap3A_158 : vector<1x16xf32> to vector<16xf32>
      %swap3A_160 = vector.shape_cast %broadcast_in_dim3A_155 : vector<16xf32> to vector<1x16xf32>
      tpu.vector_store %arg9[%swap3A_156, %swap3A_157], %swap3A_160 {strides = array<i32>} : memref<16x128xf32, #tpu.memory_space<vmem>>, vector<1x16xf32>,
      %broadcast_in_dim3A_161 = arith.constant 0.000000e+00 : f32
      %broadcast_in_dim3A_162 = vector.broadcast %broadcast_in_dim3A_161 : f32 to vector<16xf32>
      %swap3A_163 = arith.index_cast %scan3A_141 : i32 to index
      %swap3A_164 = arith.constant 48 : index
      %swap3A_165 = tpu.vector_load %arg9[%swap3A_163, %swap3A_164] {strides = array<i32>} : memref<16x128xf32, #tpu.memory_space<vmem>>, vector<1x16xf32>,
      %swap3A_166 = vector.shape_cast %swap3A_165 : vector<1x16xf32> to vector<16xf32>
      %swap3A_167 = vector.shape_cast %broadcast_in_dim3A_162 : vector<16xf32> to vector<1x16xf32>
      tpu.vector_store %arg9[%swap3A_163, %swap3A_164], %swap3A_167 {strides = array<i32>} : memref<16x128xf32, #tpu.memory_space<vmem>>, vector<1x16xf32>,
      %broadcast_in_dim3A_168 = arith.constant 0.000000e+00 : f32
      %broadcast_in_dim3A_169 = vector.broadcast %broadcast_in_dim3A_168 : f32 to vector<16xf32>
      %swap3A_170 = arith.index_cast %scan3A_141 : i32 to index
      %swap3A_171 = arith.constant 64 : index
      %swap3A_172 = tpu.vector_load %arg9[%swap3A_170, %swap3A_171] {strides = array<i32>} : memref<16x128xf32, #tpu.memory_space<vmem>>, vector<1x16xf32>,
      %swap3A_173 = vector.shape_cast %swap3A_172 : vector<1x16xf32> to vector<16xf32>
      %swap3A_174 = vector.shape_cast %broadcast_in_dim3A_169 : vector<16xf32> to vector<1x16xf32>
      tpu.vector_store %arg9[%swap3A_170, %swap3A_171], %swap3A_174 {strides = array<i32>} : memref<16x128xf32, #tpu.memory_space<vmem>>, vector<1x16xf32>,
      %broadcast_in_dim3A_175 = arith.constant 0.000000e+00 : f32
      %broadcast_in_dim3A_176 = vector.broadcast %broadcast_in_dim3A_175 : f32 to vector<16xf32>
      %swap3A_177 = arith.index_cast %scan3A_141 : i32 to index
      %swap3A_178 = arith.constant 80 : index
      %swap3A_179 = tpu.vector_load %arg9[%swap3A_177, %swap3A_178] {strides = array<i32>} : memref<16x128xf32, #tpu.memory_space<vmem>>, vector<1x16xf32>,
      %swap3A_180 = vector.shape_cast %swap3A_179 : vector<1x16xf32> to vector<16xf32>
      %swap3A_181 = vector.shape_cast %broadcast_in_dim3A_176 : vector<16xf32> to vector<1x16xf32>
      tpu.vector_store %arg9[%swap3A_177, %swap3A_178], %swap3A_181 {strides = array<i32>} : memref<16x128xf32, #tpu.memory_space<vmem>>, vector<1x16xf32>,
      %broadcast_in_dim3A_182 = arith.constant 0.000000e+00 : f32
      %broadcast_in_dim3A_183 = vector.broadcast %broadcast_in_dim3A_182 : f32 to vector<16xf32>
      %swap3A_184 = arith.index_cast %scan3A_141 : i32 to index
      %swap3A_185 = arith.constant 96 : index
      %swap3A_186 = tpu.vector_load %arg9[%swap3A_184, %swap3A_185] {strides = array<i32>} : memref<16x128xf32, #tpu.memory_space<vmem>>, vector<1x16xf32>,
      %swap3A_187 = vector.shape_cast %swap3A_186 : vector<1x16xf32> to vector<16xf32>
      %swap3A_188 = vector.shape_cast %broadcast_in_dim3A_183 : vector<16xf32> to vector<1x16xf32>
      tpu.vector_store %arg9[%swap3A_184, %swap3A_185], %swap3A_188 {strides = array<i32>} : memref<16x128xf32, #tpu.memory_space<vmem>>, vector<1x16xf32>,
      %broadcast_in_dim3A_189 = arith.constant 0.000000e+00 : f32
      %broadcast_in_dim3A_190 = vector.broadcast %broadcast_in_dim3A_189 : f32 to vector<16xf32>
      %swap3A_191 = arith.index_cast %scan3A_141 : i32 to index
      %swap3A_192 = arith.constant 112 : index
      %swap3A_193 = tpu.vector_load %arg9[%swap3A_191, %swap3A_192] {strides = array<i32>} : memref<16x128xf32, #tpu.memory_space<vmem>>, vector<1x16xf32>,
      %swap3A_194 = vector.shape_cast %swap3A_193 : vector<1x16xf32> to vector<16xf32>
      %swap3A_195 = vector.shape_cast %broadcast_in_dim3A_190 : vector<16xf32> to vector<1x16xf32>
      tpu.vector_store %arg9[%swap3A_191, %swap3A_192], %swap3A_195 {strides = array<i32>} : memref<16x128xf32, #tpu.memory_space<vmem>>, vector<1x16xf32>,
    }
    %scan3A_34 = arith.constant 16 : i32
    %scan3A_35 = arith.constant 0 : i32
    %scan3A_36 = arith.constant 0 : i32
    %scan3A_37 = arith.constant 40 : i32
    %scan3A_38 = arith.addi %scan3A_36, %scan3A_37 : i32
    %scan3A_39 = arith.constant 1 : i32
    scf.for %scan3A_141 = %scan3A_36 to %scan3A_38 step %scan3A_39  : i32 {
      %mul3A_142 = arith.constant 640 : i32
      %mul3A_143 = arith.muli %arg1, %mul3A_142 : i32
      %mul3A_144 = arith.constant 16 : i32
      %mul3A_145 = arith.muli %scan3A_141, %mul3A_144 : i32
      %add3A_146 = arith.addi %mul3A_143, %mul3A_145 : i32
      "tpu.region"() ({
        %run_scoped3A_147 = tpu.sem_alloc : memref<!tpu.dma_semaphore, #tpu.memory_space<semaphore_mem>>
        %dma_start3A = arith.constant 0 : i32
        %dma_start3A_148 = tpu.memref_slice %arg10[%add3A_146, %dma_start3A] : memref<10240x128xf32, #tpu.memory_space<vmem_shared>> -> memref<16x128xf32, #tpu.memory_space<vmem_shared>>
        %dma_start3A_149 = arith.constant 0 : i32
        %dma_start3A_150 = tpu.memref_slice %arg10[%add3A_146, %dma_start3A_149] : memref<10240x128xf32, #tpu.memory_space<vmem_shared>> -> memref<16x128xf32, #tpu.memory_space<vmem_shared>>
        tpu.enqueue_dma source(%arg9 : memref<16x128xf32, #tpu.memory_space<vmem>>) target(%dma_start3A_150 : memref<16x128xf32, #tpu.memory_space<vmem_shared>>) target_semaphore(%run_scoped3A_147 : memref<!tpu.dma_semaphore, #tpu.memory_space<semaphore_mem>>)
        %dma_wait3A = arith.constant 0 : i32
        %dma_wait3A_151 = tpu.memref_slice %arg10[%add3A_146, %dma_wait3A] : memref<10240x128xf32, #tpu.memory_space<vmem_shared>> -> memref<16x128xf32, #tpu.memory_space<vmem_shared>>
        %dma_wait3A_152 = arith.constant 0 : i32
        %dma_wait3A_153 = tpu.memref_slice %arg10[%add3A_146, %dma_wait3A_152] : memref<10240x128xf32, #tpu.memory_space<vmem_shared>> -> memref<16x128xf32, #tpu.memory_space<vmem_shared>>
        tpu.wait_dma2 semaphore(%run_scoped3A_147 : memref<!tpu.dma_semaphore, #tpu.memory_space<semaphore_mem>>) src(%arg9 : memref<16x128xf32, #tpu.memory_space<vmem>>) dst(%dma_wait3A_153 : memref<16x128xf32, #tpu.memory_space<vmem_shared>>)
        tpu.yield
      }) : () -> ()
    }
    %scan3A_40 = arith.constant 40 : i32
    %barrier3A = arith.constant 0 : index
    tpu.barrier barrier_id(%barrier3A)
    %sub3A_41 = arith.constant 0 : i32
    %sub3A_42 = arith.subi %select_n3A, %sub3A_41 : i32
    %jit3A_43 = arith.constant 0 : i32
    %jit3A_44 = arith.constant 40 : i32
    %max3A = arith.maxsi %jit3A_43, %sub3A_42 : i32
    %min3A = arith.minsi %jit3A_44, %max3A : i32
    %add3A_45 = arith.constant 0 : i32
    %add3A_46 = arith.addi %multiple_of3A, %add3A_45 : i32
    %run_scoped3A = arith.constant 0 : i32
    "tpu.region"() ({
      %run_scoped3A_141 = tpu.sem_alloc : memref<!tpu.dma_semaphore, #tpu.memory_space<semaphore_mem>>
      %dma_start3A = arith.constant 0 : i32
      %dma_start3A_142 = tpu.memref_slice %arg3[%run_scoped3A, %add3A_46, %dma_start3A] : memref<2x2672x128xi32, #tpu.memory_space<hbm>> -> memref<1x48x128xi32, #tpu.memory_space<hbm>>
      %dma_start3A_143 = tpu.memref_squeeze %dma_start3A_142 : memref<1x48x128xi32, #tpu.memory_space<hbm>> -> memref<48x128xi32, #tpu.memory_space<hbm>>
      %dma_start3A_144 = arith.constant 0 : i32
      %dma_start3A_145 = tpu.memref_slice %arg3[%run_scoped3A, %add3A_46, %dma_start3A_144] : memref<2x2672x128xi32, #tpu.memory_space<hbm>> -> memref<1x48x128xi32, #tpu.memory_space<hbm>>
      %dma_start3A_146 = tpu.memref_squeeze %dma_start3A_145 : memref<1x48x128xi32, #tpu.memory_space<hbm>> -> memref<48x128xi32, #tpu.memory_space<hbm>>
      tpu.enqueue_dma source(%dma_start3A_146 : memref<48x128xi32, #tpu.memory_space<hbm>>) target(%arg5 : memref<48x128xi32, #tpu.memory_space<vmem>>) target_semaphore(%run_scoped3A_141 : memref<!tpu.dma_semaphore, #tpu.memory_space<semaphore_mem>>)
      %dma_wait3A = arith.constant 0 : i32
      %dma_wait3A_147 = tpu.memref_slice %arg3[%run_scoped3A, %add3A_46, %dma_wait3A] : memref<2x2672x128xi32, #tpu.memory_space<hbm>> -> memref<1x48x128xi32, #tpu.memory_space<hbm>>
      %dma_wait3A_148 = tpu.memref_squeeze %dma_wait3A_147 : memref<1x48x128xi32, #tpu.memory_space<hbm>> -> memref<48x128xi32, #tpu.memory_space<hbm>>
      %dma_wait3A_149 = arith.constant 0 : i32
      %dma_wait3A_150 = tpu.memref_slice %arg3[%run_scoped3A, %add3A_46, %dma_wait3A_149] : memref<2x2672x128xi32, #tpu.memory_space<hbm>> -> memref<1x48x128xi32, #tpu.memory_space<hbm>>
      %dma_wait3A_151 = tpu.memref_squeeze %dma_wait3A_150 : memref<1x48x128xi32, #tpu.memory_space<hbm>> -> memref<48x128xi32, #tpu.memory_space<hbm>>
      tpu.wait_dma2 semaphore(%run_scoped3A_141 : memref<!tpu.dma_semaphore, #tpu.memory_space<semaphore_mem>>) src(%dma_wait3A_151 : memref<48x128xi32, #tpu.memory_space<hbm>>) dst(%arg5 : memref<48x128xi32, #tpu.memory_space<vmem>>)
      tpu.yield
    }) : () -> ()
    %add3A_47 = arith.constant 0 : i32
    %add3A_48 = arith.addi %multiple_of3A, %add3A_47 : i32
    %run_scoped3A_49 = arith.constant 1 : i32
    "tpu.region"() ({
      %run_scoped3A_141 = tpu.sem_alloc : memref<!tpu.dma_semaphore, #tpu.memory_space<semaphore_mem>>
      %dma_start3A = arith.constant 0 : i32
      %dma_start3A_142 = tpu.memref_slice %arg3[%run_scoped3A_49, %add3A_48, %dma_start3A] : memref<2x2672x128xi32, #tpu.memory_space<hbm>> -> memref<1x48x128xi32, #tpu.memory_space<hbm>>
      %dma_start3A_143 = tpu.memref_squeeze %dma_start3A_142 : memref<1x48x128xi32, #tpu.memory_space<hbm>> -> memref<48x128xi32, #tpu.memory_space<hbm>>
      %dma_start3A_144 = arith.constant 0 : i32
      %dma_start3A_145 = tpu.memref_slice %arg3[%run_scoped3A_49, %add3A_48, %dma_start3A_144] : memref<2x2672x128xi32, #tpu.memory_space<hbm>> -> memref<1x48x128xi32, #tpu.memory_space<hbm>>
      %dma_start3A_146 = tpu.memref_squeeze %dma_start3A_145 : memref<1x48x128xi32, #tpu.memory_space<hbm>> -> memref<48x128xi32, #tpu.memory_space<hbm>>
      tpu.enqueue_dma source(%dma_start3A_146 : memref<48x128xi32, #tpu.memory_space<hbm>>) target(%arg6 : memref<48x128xi32, #tpu.memory_space<vmem>>) target_semaphore(%run_scoped3A_141 : memref<!tpu.dma_semaphore, #tpu.memory_space<semaphore_mem>>)
      %dma_wait3A = arith.constant 0 : i32
      %dma_wait3A_147 = tpu.memref_slice %arg3[%run_scoped3A_49, %add3A_48, %dma_wait3A] : memref<2x2672x128xi32, #tpu.memory_space<hbm>> -> memref<1x48x128xi32, #tpu.memory_space<hbm>>
      %dma_wait3A_148 = tpu.memref_squeeze %dma_wait3A_147 : memref<1x48x128xi32, #tpu.memory_space<hbm>> -> memref<48x128xi32, #tpu.memory_space<hbm>>
      %dma_wait3A_149 = arith.constant 0 : i32
      %dma_wait3A_150 = tpu.memref_slice %arg3[%run_scoped3A_49, %add3A_48, %dma_wait3A_149] : memref<2x2672x128xi32, #tpu.memory_space<hbm>> -> memref<1x48x128xi32, #tpu.memory_space<hbm>>
      %dma_wait3A_151 = tpu.memref_squeeze %dma_wait3A_150 : memref<1x48x128xi32, #tpu.memory_space<hbm>> -> memref<48x128xi32, #tpu.memory_space<hbm>>
      tpu.wait_dma2 semaphore(%run_scoped3A_141 : memref<!tpu.dma_semaphore, #tpu.memory_space<semaphore_mem>>) src(%dma_wait3A_151 : memref<48x128xi32, #tpu.memory_space<hbm>>) dst(%arg6 : memref<48x128xi32, #tpu.memory_space<vmem>>)
      tpu.yield
    }) : () -> ()
    %gt3A = arith.constant 0 : i32
    %gt3A_50 = arith.cmpi sgt, %min3A, %gt3A : i32
    %convert_element_type3A = arith.extui %gt3A_50 : i1 to i32
    %cond3A = arith.constant 0 : i32
    %cond3A_51 = arith.cmpi ne, %convert_element_type3A, %cond3A : i32
    scf.if %cond3A_51 {
      %dma_start3A = arith.constant 0 : i32
      %dma_start3A_141 = tpu.memref_slice %arg5[%sub3A_29, %dma_start3A] : memref<48x128xi32, #tpu.memory_space<vmem>> -> memref<1x128xi32, #tpu.memory_space<vmem>>
      %dma_start3A_142 = tpu.memref_squeeze %dma_start3A_141 : memref<1x128xi32, #tpu.memory_space<vmem>> -> memref<128xi32, #tpu.memory_space<vmem>>
      %dma_start3A_143 = arith.constant 0 : i32
      %dma_start3A_144 = arith.constant 0 : i32
      %dma_start3A_145 = tpu.memref_slice %arg2[%dma_start3A_143, %dma_start3A_144] : memref<10000x128xf32, #tpu.memory_space<hbm>> -> memref<10000x128xf32, #tpu.memory_space<hbm>>
      tpu.enqueue_indirect_dma source(%dma_start3A_145 : memref<10000x128xf32, #tpu.memory_space<hbm>>) target(%arg7 : memref<128x128xf32, #tpu.memory_space<vmem>>) offsets(%dma_start3A_142 : memref<128xi32, #tpu.memory_space<vmem>>) semaphore(%arg11 : memref<!tpu.dma_semaphore, #tpu.memory_space<semaphore_mem>>)
    } else {
    }
    %gt3A_52 = arith.constant 1 : i32
    %gt3A_53 = arith.cmpi sgt, %min3A, %gt3A_52 : i32
    %convert_element_type3A_54 = arith.extui %gt3A_53 : i1 to i32
    %cond3A_55 = arith.constant 0 : i32
    %cond3A_56 = arith.cmpi ne, %convert_element_type3A_54, %cond3A_55 : i32
    scf.if %cond3A_56 {
      %add3A_141 = arith.constant 1 : i32
      %add3A_142 = arith.addi %sub3A_29, %add3A_141 : i32
      %dma_start3A = arith.constant 0 : i32
      %dma_start3A_143 = tpu.memref_slice %arg5[%add3A_142, %dma_start3A] : memref<48x128xi32, #tpu.memory_space<vmem>> -> memref<1x128xi32, #tpu.memory_space<vmem>>
      %dma_start3A_144 = tpu.memref_squeeze %dma_start3A_143 : memref<1x128xi32, #tpu.memory_space<vmem>> -> memref<128xi32, #tpu.memory_space<vmem>>
      %dma_start3A_145 = arith.constant 0 : i32
      %dma_start3A_146 = arith.constant 0 : i32
      %dma_start3A_147 = tpu.memref_slice %arg2[%dma_start3A_145, %dma_start3A_146] : memref<10000x128xf32, #tpu.memory_space<hbm>> -> memref<10000x128xf32, #tpu.memory_space<hbm>>
      tpu.enqueue_indirect_dma source(%dma_start3A_147 : memref<10000x128xf32, #tpu.memory_space<hbm>>) target(%arg8 : memref<128x128xf32, #tpu.memory_space<vmem>>) offsets(%dma_start3A_144 : memref<128xi32, #tpu.memory_space<vmem>>) semaphore(%arg12 : memref<!tpu.dma_semaphore, #tpu.memory_space<semaphore_mem>>)
    } else {
    }
    %while3A = arith.constant 0 : i32
    %while3A_57 = arith.constant 0 : i32
    %while3A_58 = arith.subi %min3A, %while3A : i32
    %while3A_59 = arith.addi %while3A, %while3A_58 : i32
    %while3A_60 = arith.constant 1 : i32
    %while3A_61 = arith.divsi %while3A_58, %while3A_60 : i32
    %while3A_62 = arith.muli %while3A_61, %while3A_60 : i32
    %while3A_63 = arith.addi %while3A, %while3A_62 : i32
    %while3A_64 = arith.constant 1 : i32
    %while3A_65 = scf.for %while3A_141 = %while3A to %while3A_63 step %while3A_64 iter_args(%while3A_142 = %while3A_57) -> (i32)  : i32 {
      %jit3A_143 = arith.constant 2 : i32
      %eq3A_144 = arith.constant 0 : i32
      %eq3A_145 = arith.cmpi eq, %jit3A_143, %eq3A_144 : i32
      %jit3A_146 = arith.constant 1 : i32
      %select_n3A_147 = arith.select %eq3A_145, %jit3A_146, %jit3A_143 : i32
      %rem3A_148 = arith.remsi %while3A_141, %select_n3A_147 : i32
      %ne3A_149 = arith.constant 0 : i32
      %ne3A_150 = arith.cmpi ne, %rem3A_148, %ne3A_149 : i32
      %lt3A = arith.constant 0 : i32
      %lt3A_151 = arith.cmpi slt, %rem3A_148, %lt3A : i32
      %lt3A_152 = arith.constant 0 : i32
      %lt3A_153 = arith.cmpi slt, %select_n3A_147, %lt3A_152 : i32
      %ne3A_154 = arith.xori %lt3A_151, %lt3A_153 : i1
      %and3A_155 = arith.andi %ne3A_154, %ne3A_150 : i1
      %add3A_156 = arith.addi %rem3A_148, %select_n3A_147 : i32
      %select_n3A_157 = arith.select %and3A_155, %add3A_156, %rem3A_148 : i32
      %eq3A_158 = arith.constant 0 : i32
      %eq3A_159 = arith.cmpi eq, %select_n3A_157, %eq3A_158 : i32
      %convert_element_type3A_160 = arith.extui %eq3A_159 : i1 to i32
      %cond3A_161 = arith.constant 0 : i32
      %cond3A_162 = arith.cmpi ne, %convert_element_type3A_160, %cond3A_161 : i32
      scf.if %cond3A_162 {
        %add3A_185 = arith.addi %sub3A_29, %while3A_141 : i32
        %dma_wait3A = arith.constant 0 : i32
        %dma_wait3A_186 = tpu.memref_slice %arg5[%add3A_185, %dma_wait3A] : memref<48x128xi32, #tpu.memory_space<vmem>> -> memref<1x128xi32, #tpu.memory_space<vmem>>
        %dma_wait3A_187 = tpu.memref_squeeze %dma_wait3A_186 : memref<1x128xi32, #tpu.memory_space<vmem>> -> memref<128xi32, #tpu.memory_space<vmem>>
        %dma_wait3A_188 = arith.constant 0 : i32
        %dma_wait3A_189 = arith.constant 0 : i32
        %dma_wait3A_190 = tpu.memref_slice %arg2[%dma_wait3A_188, %dma_wait3A_189] : memref<10000x128xf32, #tpu.memory_space<hbm>> -> memref<10000x128xf32, #tpu.memory_space<hbm>>
        tpu.wait_indirect_dma semaphore(%arg11 : memref<!tpu.dma_semaphore, #tpu.memory_space<semaphore_mem>>) src(%dma_wait3A_190 : memref<10000x128xf32, #tpu.memory_space<hbm>>) dst(%arg7 : memref<128x128xf32, #tpu.memory_space<vmem>>)
        %add3A_191 = arith.addi %sub3A_29, %while3A_141 : i32
        "tpu.region"() ({
          %run_scoped3A_198 = tpu.sem_alloc : memref<!tpu.dma_semaphore, #tpu.memory_space<semaphore_mem>>
          %dma_start3A = arith.constant 0 : i32
          %dma_start3A_199 = tpu.memref_slice %arg6[%add3A_191, %dma_start3A] : memref<48x128xi32, #tpu.memory_space<vmem>> -> memref<1x128xi32, #tpu.memory_space<vmem>>
          %dma_start3A_200 = tpu.memref_squeeze %dma_start3A_199 : memref<1x128xi32, #tpu.memory_space<vmem>> -> memref<128xi32, #tpu.memory_space<vmem>>
          %dma_start3A_201 = arith.constant 0 : i32
          %dma_start3A_202 = arith.constant 0 : i32
          %dma_start3A_203 = tpu.memref_slice %arg10[%dma_start3A_201, %dma_start3A_202] : memref<10240x128xf32, #tpu.memory_space<vmem_shared>> -> memref<10240x128xf32, #tpu.memory_space<vmem_shared>>
          tpu.enqueue_indirect_dma source(%arg7 : memref<128x128xf32, #tpu.memory_space<vmem>>) target(%dma_start3A_203 : memref<10240x128xf32, #tpu.memory_space<vmem_shared>>) offsets(%dma_start3A_200 : memref<128xi32, #tpu.memory_space<vmem>>) semaphore(%run_scoped3A_198 : memref<!tpu.dma_semaphore, #tpu.memory_space<semaphore_mem>>) {add = true}
          %dma_wait3A_204 = arith.constant 0 : i32
          %dma_wait3A_205 = tpu.memref_slice %arg6[%add3A_191, %dma_wait3A_204] : memref<48x128xi32, #tpu.memory_space<vmem>> -> memref<1x128xi32, #tpu.memory_space<vmem>>
          %dma_wait3A_206 = tpu.memref_squeeze %dma_wait3A_205 : memref<1x128xi32, #tpu.memory_space<vmem>> -> memref<128xi32, #tpu.memory_space<vmem>>
          %dma_wait3A_207 = arith.constant 0 : i32
          %dma_wait3A_208 = arith.constant 0 : i32
          %dma_wait3A_209 = tpu.memref_slice %arg10[%dma_wait3A_207, %dma_wait3A_208] : memref<10240x128xf32, #tpu.memory_space<vmem_shared>> -> memref<10240x128xf32, #tpu.memory_space<vmem_shared>>
          tpu.wait_indirect_dma semaphore(%run_scoped3A_198 : memref<!tpu.dma_semaphore, #tpu.memory_space<semaphore_mem>>) src(%arg7 : memref<128x128xf32, #tpu.memory_space<vmem>>) dst(%dma_wait3A_209 : memref<10240x128xf32, #tpu.memory_space<vmem_shared>>)
          tpu.yield
        }) : () -> ()
        %sub3A_192 = arith.constant 2 : i32
        %sub3A_193 = arith.subi %min3A, %sub3A_192 : i32
        %lt3A_194 = arith.cmpi slt, %while3A_141, %sub3A_193 : i32
        %convert_element_type3A_195 = arith.extui %lt3A_194 : i1 to i32
        %cond3A_196 = arith.constant 0 : i32
        %cond3A_197 = arith.cmpi ne, %convert_element_type3A_195, %cond3A_196 : i32
        scf.if %cond3A_197 {
          %add3A_198 = arith.addi %sub3A_29, %while3A_141 : i32
          %add3A_199 = arith.constant 2 : i32
          %add3A_200 = arith.addi %add3A_198, %add3A_199 : i32
          %dma_start3A = arith.constant 0 : i32
          %dma_start3A_201 = tpu.memref_slice %arg5[%add3A_200, %dma_start3A] : memref<48x128xi32, #tpu.memory_space<vmem>> -> memref<1x128xi32, #tpu.memory_space<vmem>>
          %dma_start3A_202 = tpu.memref_squeeze %dma_start3A_201 : memref<1x128xi32, #tpu.memory_space<vmem>> -> memref<128xi32, #tpu.memory_space<vmem>>
          %dma_start3A_203 = arith.constant 0 : i32
          %dma_start3A_204 = arith.constant 0 : i32
          %dma_start3A_205 = tpu.memref_slice %arg2[%dma_start3A_203, %dma_start3A_204] : memref<10000x128xf32, #tpu.memory_space<hbm>> -> memref<10000x128xf32, #tpu.memory_space<hbm>>
          tpu.enqueue_indirect_dma source(%dma_start3A_205 : memref<10000x128xf32, #tpu.memory_space<hbm>>) target(%arg7 : memref<128x128xf32, #tpu.memory_space<vmem>>) offsets(%dma_start3A_202 : memref<128xi32, #tpu.memory_space<vmem>>) semaphore(%arg11 : memref<!tpu.dma_semaphore, #tpu.memory_space<semaphore_mem>>)
        } else {
        }
      } else {
      }
      %jit3A_163 = arith.constant 2 : i32
      %eq3A_164 = arith.constant 0 : i32
      %eq3A_165 = arith.cmpi eq, %jit3A_163, %eq3A_164 : i32
      %jit3A_166 = arith.constant 1 : i32
      %select_n3A_167 = arith.select %eq3A_165, %jit3A_166, %jit3A_163 : i32
      %rem3A_168 = arith.remsi %while3A_141, %select_n3A_167 : i32
      %ne3A_169 = arith.constant 0 : i32
      %ne3A_170 = arith.cmpi ne, %rem3A_168, %ne3A_169 : i32
      %lt3A_171 = arith.constant 0 : i32
      %lt3A_172 = arith.cmpi slt, %rem3A_168, %lt3A_171 : i32
      %lt3A_173 = arith.constant 0 : i32
      %lt3A_174 = arith.cmpi slt, %select_n3A_167, %lt3A_173 : i32
      %ne3A_175 = arith.xori %lt3A_172, %lt3A_174 : i1
      %and3A_176 = arith.andi %ne3A_175, %ne3A_170 : i1
      %add3A_177 = arith.addi %rem3A_168, %select_n3A_167 : i32
      %select_n3A_178 = arith.select %and3A_176, %add3A_177, %rem3A_168 : i32
      %eq3A_179 = arith.constant 1 : i32
      %eq3A_180 = arith.cmpi eq, %select_n3A_178, %eq3A_179 : i32
      %convert_element_type3A_181 = arith.extui %eq3A_180 : i1 to i32
      %cond3A_182 = arith.constant 0 : i32
      %cond3A_183 = arith.cmpi ne, %convert_element_type3A_181, %cond3A_182 : i32
      scf.if %cond3A_183 {
        %add3A_185 = arith.addi %sub3A_29, %while3A_141 : i32
        %dma_wait3A = arith.constant 0 : i32
        %dma_wait3A_186 = tpu.memref_slice %arg5[%add3A_185, %dma_wait3A] : memref<48x128xi32, #tpu.memory_space<vmem>> -> memref<1x128xi32, #tpu.memory_space<vmem>>
        %dma_wait3A_187 = tpu.memref_squeeze %dma_wait3A_186 : memref<1x128xi32, #tpu.memory_space<vmem>> -> memref<128xi32, #tpu.memory_space<vmem>>
        %dma_wait3A_188 = arith.constant 0 : i32
        %dma_wait3A_189 = arith.constant 0 : i32
        %dma_wait3A_190 = tpu.memref_slice %arg2[%dma_wait3A_188, %dma_wait3A_189] : memref<10000x128xf32, #tpu.memory_space<hbm>> -> memref<10000x128xf32, #tpu.memory_space<hbm>>
        tpu.wait_indirect_dma semaphore(%arg12 : memref<!tpu.dma_semaphore, #tpu.memory_space<semaphore_mem>>) src(%dma_wait3A_190 : memref<10000x128xf32, #tpu.memory_space<hbm>>) dst(%arg8 : memref<128x128xf32, #tpu.memory_space<vmem>>)
        %add3A_191 = arith.addi %sub3A_29, %while3A_141 : i32
        "tpu.region"() ({
          %run_scoped3A_198 = tpu.sem_alloc : memref<!tpu.dma_semaphore, #tpu.memory_space<semaphore_mem>>
          %dma_start3A = arith.constant 0 : i32
          %dma_start3A_199 = tpu.memref_slice %arg6[%add3A_191, %dma_start3A] : memref<48x128xi32, #tpu.memory_space<vmem>> -> memref<1x128xi32, #tpu.memory_space<vmem>>
          %dma_start3A_200 = tpu.memref_squeeze %dma_start3A_199 : memref<1x128xi32, #tpu.memory_space<vmem>> -> memref<128xi32, #tpu.memory_space<vmem>>
          %dma_start3A_201 = arith.constant 0 : i32
          %dma_start3A_202 = arith.constant 0 : i32
          %dma_start3A_203 = tpu.memref_slice %arg10[%dma_start3A_201, %dma_start3A_202] : memref<10240x128xf32, #tpu.memory_space<vmem_shared>> -> memref<10240x128xf32, #tpu.memory_space<vmem_shared>>
          tpu.enqueue_indirect_dma source(%arg8 : memref<128x128xf32, #tpu.memory_space<vmem>>) target(%dma_start3A_203 : memref<10240x128xf32, #tpu.memory_space<vmem_shared>>) offsets(%dma_start3A_200 : memref<128xi32, #tpu.memory_space<vmem>>) semaphore(%run_scoped3A_198 : memref<!tpu.dma_semaphore, #tpu.memory_space<semaphore_mem>>) {add = true}
          %dma_wait3A_204 = arith.constant 0 : i32
          %dma_wait3A_205 = tpu.memref_slice %arg6[%add3A_191, %dma_wait3A_204] : memref<48x128xi32, #tpu.memory_space<vmem>> -> memref<1x128xi32, #tpu.memory_space<vmem>>
          %dma_wait3A_206 = tpu.memref_squeeze %dma_wait3A_205 : memref<1x128xi32, #tpu.memory_space<vmem>> -> memref<128xi32, #tpu.memory_space<vmem>>
          %dma_wait3A_207 = arith.constant 0 : i32
          %dma_wait3A_208 = arith.constant 0 : i32
          %dma_wait3A_209 = tpu.memref_slice %arg10[%dma_wait3A_207, %dma_wait3A_208] : memref<10240x128xf32, #tpu.memory_space<vmem_shared>> -> memref<10240x128xf32, #tpu.memory_space<vmem_shared>>
          tpu.wait_indirect_dma semaphore(%run_scoped3A_198 : memref<!tpu.dma_semaphore, #tpu.memory_space<semaphore_mem>>) src(%arg8 : memref<128x128xf32, #tpu.memory_space<vmem>>) dst(%dma_wait3A_209 : memref<10240x128xf32, #tpu.memory_space<vmem_shared>>)
          tpu.yield
        }) : () -> ()
        %sub3A_192 = arith.constant 2 : i32
        %sub3A_193 = arith.subi %min3A, %sub3A_192 : i32
        %lt3A_194 = arith.cmpi slt, %while3A_141, %sub3A_193 : i32
        %convert_element_type3A_195 = arith.extui %lt3A_194 : i1 to i32
        %cond3A_196 = arith.constant 0 : i32
        %cond3A_197 = arith.cmpi ne, %convert_element_type3A_195, %cond3A_196 : i32
        scf.if %cond3A_197 {
          %add3A_198 = arith.addi %sub3A_29, %while3A_141 : i32
          %add3A_199 = arith.constant 2 : i32
          %add3A_200 = arith.addi %add3A_198, %add3A_199 : i32
          %dma_start3A = arith.constant 0 : i32
          %dma_start3A_201 = tpu.memref_slice %arg5[%add3A_200, %dma_start3A] : memref<48x128xi32, #tpu.memory_space<vmem>> -> memref<1x128xi32, #tpu.memory_space<vmem>>
          %dma_start3A_202 = tpu.memref_squeeze %dma_start3A_201 : memref<1x128xi32, #tpu.memory_space<vmem>> -> memref<128xi32, #tpu.memory_space<vmem>>
          %dma_start3A_203 = arith.constant 0 : i32
          %dma_start3A_204 = arith.constant 0 : i32
          %dma_start3A_205 = tpu.memref_slice %arg2[%dma_start3A_203, %dma_start3A_204] : memref<10000x128xf32, #tpu.memory_space<hbm>> -> memref<10000x128xf32, #tpu.memory_space<hbm>>
          tpu.enqueue_indirect_dma source(%dma_start3A_205 : memref<10000x128xf32, #tpu.memory_space<hbm>>) target(%arg8 : memref<128x128xf32, #tpu.memory_space<vmem>>) offsets(%dma_start3A_202 : memref<128xi32, #tpu.memory_space<vmem>>) semaphore(%arg12 : memref<!tpu.dma_semaphore, #tpu.memory_space<semaphore_mem>>)
        } else {
        }
      } else {
      }
      %while3A_184 = arith.constant 0 : i32
      scf.yield %while3A_184 : i32
    }
    %while3A_66 = arith.constant 1 : i32
    %while3A_67 = scf.for %while3A_141 = %while3A_63 to %while3A_59 step %while3A_66 iter_args(%while3A_142 = %while3A_65) -> (i32)  : i32 {
      %jit3A_143 = arith.constant 2 : i32
      %eq3A_144 = arith.constant 0 : i32
      %eq3A_145 = arith.cmpi eq, %jit3A_143, %eq3A_144 : i32
      %jit3A_146 = arith.constant 1 : i32
      %select_n3A_147 = arith.select %eq3A_145, %jit3A_146, %jit3A_143 : i32
      %rem3A_148 = arith.remsi %while3A_141, %select_n3A_147 : i32
      %ne3A_149 = arith.constant 0 : i32
      %ne3A_150 = arith.cmpi ne, %rem3A_148, %ne3A_149 : i32
      %lt3A = arith.constant 0 : i32
      %lt3A_151 = arith.cmpi slt, %rem3A_148, %lt3A : i32
      %lt3A_152 = arith.constant 0 : i32
      %lt3A_153 = arith.cmpi slt, %select_n3A_147, %lt3A_152 : i32
      %ne3A_154 = arith.xori %lt3A_151, %lt3A_153 : i1
      %and3A_155 = arith.andi %ne3A_154, %ne3A_150 : i1
      %add3A_156 = arith.addi %rem3A_148, %select_n3A_147 : i32
      %select_n3A_157 = arith.select %and3A_155, %add3A_156, %rem3A_148 : i32
      %eq3A_158 = arith.constant 0 : i32
      %eq3A_159 = arith.cmpi eq, %select_n3A_157, %eq3A_158 : i32
      %convert_element_type3A_160 = arith.extui %eq3A_159 : i1 to i32
      %cond3A_161 = arith.constant 0 : i32
      %cond3A_162 = arith.cmpi ne, %convert_element_type3A_160, %cond3A_161 : i32
      scf.if %cond3A_162 {
        %add3A_185 = arith.addi %sub3A_29, %while3A_141 : i32
        %dma_wait3A = arith.constant 0 : i32
        %dma_wait3A_186 = tpu.memref_slice %arg5[%add3A_185, %dma_wait3A] : memref<48x128xi32, #tpu.memory_space<vmem>> -> memref<1x128xi32, #tpu.memory_space<vmem>>
        %dma_wait3A_187 = tpu.memref_squeeze %dma_wait3A_186 : memref<1x128xi32, #tpu.memory_space<vmem>> -> memref<128xi32, #tpu.memory_space<vmem>>
        %dma_wait3A_188 = arith.constant 0 : i32
        %dma_wait3A_189 = arith.constant 0 : i32
        %dma_wait3A_190 = tpu.memref_slice %arg2[%dma_wait3A_188, %dma_wait3A_189] : memref<10000x128xf32, #tpu.memory_space<hbm>> -> memref<10000x128xf32, #tpu.memory_space<hbm>>
        tpu.wait_indirect_dma semaphore(%arg11 : memref<!tpu.dma_semaphore, #tpu.memory_space<semaphore_mem>>) src(%dma_wait3A_190 : memref<10000x128xf32, #tpu.memory_space<hbm>>) dst(%arg7 : memref<128x128xf32, #tpu.memory_space<vmem>>)
        %add3A_191 = arith.addi %sub3A_29, %while3A_141 : i32
        "tpu.region"() ({
          %run_scoped3A_198 = tpu.sem_alloc : memref<!tpu.dma_semaphore, #tpu.memory_space<semaphore_mem>>
          %dma_start3A = arith.constant 0 : i32
          %dma_start3A_199 = tpu.memref_slice %arg6[%add3A_191, %dma_start3A] : memref<48x128xi32, #tpu.memory_space<vmem>> -> memref<1x128xi32, #tpu.memory_space<vmem>>
          %dma_start3A_200 = tpu.memref_squeeze %dma_start3A_199 : memref<1x128xi32, #tpu.memory_space<vmem>> -> memref<128xi32, #tpu.memory_space<vmem>>
          %dma_start3A_201 = arith.constant 0 : i32
          %dma_start3A_202 = arith.constant 0 : i32
          %dma_start3A_203 = tpu.memref_slice %arg10[%dma_start3A_201, %dma_start3A_202] : memref<10240x128xf32, #tpu.memory_space<vmem_shared>> -> memref<10240x128xf32, #tpu.memory_space<vmem_shared>>
          tpu.enqueue_indirect_dma source(%arg7 : memref<128x128xf32, #tpu.memory_space<vmem>>) target(%dma_start3A_203 : memref<10240x128xf32, #tpu.memory_space<vmem_shared>>) offsets(%dma_start3A_200 : memref<128xi32, #tpu.memory_space<vmem>>) semaphore(%run_scoped3A_198 : memref<!tpu.dma_semaphore, #tpu.memory_space<semaphore_mem>>) {add = true}
          %dma_wait3A_204 = arith.constant 0 : i32
          %dma_wait3A_205 = tpu.memref_slice %arg6[%add3A_191, %dma_wait3A_204] : memref<48x128xi32, #tpu.memory_space<vmem>> -> memref<1x128xi32, #tpu.memory_space<vmem>>
          %dma_wait3A_206 = tpu.memref_squeeze %dma_wait3A_205 : memref<1x128xi32, #tpu.memory_space<vmem>> -> memref<128xi32, #tpu.memory_space<vmem>>
          %dma_wait3A_207 = arith.constant 0 : i32
          %dma_wait3A_208 = arith.constant 0 : i32
          %dma_wait3A_209 = tpu.memref_slice %arg10[%dma_wait3A_207, %dma_wait3A_208] : memref<10240x128xf32, #tpu.memory_space<vmem_shared>> -> memref<10240x128xf32, #tpu.memory_space<vmem_shared>>
          tpu.wait_indirect_dma semaphore(%run_scoped3A_198 : memref<!tpu.dma_semaphore, #tpu.memory_space<semaphore_mem>>) src(%arg7 : memref<128x128xf32, #tpu.memory_space<vmem>>) dst(%dma_wait3A_209 : memref<10240x128xf32, #tpu.memory_space<vmem_shared>>)
          tpu.yield
        }) : () -> ()
        %sub3A_192 = arith.constant 2 : i32
        %sub3A_193 = arith.subi %min3A, %sub3A_192 : i32
        %lt3A_194 = arith.cmpi slt, %while3A_141, %sub3A_193 : i32
        %convert_element_type3A_195 = arith.extui %lt3A_194 : i1 to i32
        %cond3A_196 = arith.constant 0 : i32
        %cond3A_197 = arith.cmpi ne, %convert_element_type3A_195, %cond3A_196 : i32
        scf.if %cond3A_197 {
          %add3A_198 = arith.addi %sub3A_29, %while3A_141 : i32
          %add3A_199 = arith.constant 2 : i32
          %add3A_200 = arith.addi %add3A_198, %add3A_199 : i32
          %dma_start3A = arith.constant 0 : i32
          %dma_start3A_201 = tpu.memref_slice %arg5[%add3A_200, %dma_start3A] : memref<48x128xi32, #tpu.memory_space<vmem>> -> memref<1x128xi32, #tpu.memory_space<vmem>>
          %dma_start3A_202 = tpu.memref_squeeze %dma_start3A_201 : memref<1x128xi32, #tpu.memory_space<vmem>> -> memref<128xi32, #tpu.memory_space<vmem>>
          %dma_start3A_203 = arith.constant 0 : i32
          %dma_start3A_204 = arith.constant 0 : i32
          %dma_start3A_205 = tpu.memref_slice %arg2[%dma_start3A_203, %dma_start3A_204] : memref<10000x128xf32, #tpu.memory_space<hbm>> -> memref<10000x128xf32, #tpu.memory_space<hbm>>
          tpu.enqueue_indirect_dma source(%dma_start3A_205 : memref<10000x128xf32, #tpu.memory_space<hbm>>) target(%arg7 : memref<128x128xf32, #tpu.memory_space<vmem>>) offsets(%dma_start3A_202 : memref<128xi32, #tpu.memory_space<vmem>>) semaphore(%arg11 : memref<!tpu.dma_semaphore, #tpu.memory_space<semaphore_mem>>)
        } else {
        }
      } else {
      }
      %jit3A_163 = arith.constant 2 : i32
      %eq3A_164 = arith.constant 0 : i32
      %eq3A_165 = arith.cmpi eq, %jit3A_163, %eq3A_164 : i32
      %jit3A_166 = arith.constant 1 : i32
      %select_n3A_167 = arith.select %eq3A_165, %jit3A_166, %jit3A_163 : i32
      %rem3A_168 = arith.remsi %while3A_141, %select_n3A_167 : i32
      %ne3A_169 = arith.constant 0 : i32
      %ne3A_170 = arith.cmpi ne, %rem3A_168, %ne3A_169 : i32
      %lt3A_171 = arith.constant 0 : i32
      %lt3A_172 = arith.cmpi slt, %rem3A_168, %lt3A_171 : i32
      %lt3A_173 = arith.constant 0 : i32
      %lt3A_174 = arith.cmpi slt, %select_n3A_167, %lt3A_173 : i32
      %ne3A_175 = arith.xori %lt3A_172, %lt3A_174 : i1
      %and3A_176 = arith.andi %ne3A_175, %ne3A_170 : i1
      %add3A_177 = arith.addi %rem3A_168, %select_n3A_167 : i32
      %select_n3A_178 = arith.select %and3A_176, %add3A_177, %rem3A_168 : i32
      %eq3A_179 = arith.constant 1 : i32
      %eq3A_180 = arith.cmpi eq, %select_n3A_178, %eq3A_179 : i32
      %convert_element_type3A_181 = arith.extui %eq3A_180 : i1 to i32
      %cond3A_182 = arith.constant 0 : i32
      %cond3A_183 = arith.cmpi ne, %convert_element_type3A_181, %cond3A_182 : i32
      scf.if %cond3A_183 {
        %add3A_185 = arith.addi %sub3A_29, %while3A_141 : i32
        %dma_wait3A = arith.constant 0 : i32
        %dma_wait3A_186 = tpu.memref_slice %arg5[%add3A_185, %dma_wait3A] : memref<48x128xi32, #tpu.memory_space<vmem>> -> memref<1x128xi32, #tpu.memory_space<vmem>>
        %dma_wait3A_187 = tpu.memref_squeeze %dma_wait3A_186 : memref<1x128xi32, #tpu.memory_space<vmem>> -> memref<128xi32, #tpu.memory_space<vmem>>
        %dma_wait3A_188 = arith.constant 0 : i32
        %dma_wait3A_189 = arith.constant 0 : i32
        %dma_wait3A_190 = tpu.memref_slice %arg2[%dma_wait3A_188, %dma_wait3A_189] : memref<10000x128xf32, #tpu.memory_space<hbm>> -> memref<10000x128xf32, #tpu.memory_space<hbm>>
        tpu.wait_indirect_dma semaphore(%arg12 : memref<!tpu.dma_semaphore, #tpu.memory_space<semaphore_mem>>) src(%dma_wait3A_190 : memref<10000x128xf32, #tpu.memory_space<hbm>>) dst(%arg8 : memref<128x128xf32, #tpu.memory_space<vmem>>)
        %add3A_191 = arith.addi %sub3A_29, %while3A_141 : i32
        "tpu.region"() ({
          %run_scoped3A_198 = tpu.sem_alloc : memref<!tpu.dma_semaphore, #tpu.memory_space<semaphore_mem>>
          %dma_start3A = arith.constant 0 : i32
          %dma_start3A_199 = tpu.memref_slice %arg6[%add3A_191, %dma_start3A] : memref<48x128xi32, #tpu.memory_space<vmem>> -> memref<1x128xi32, #tpu.memory_space<vmem>>
          %dma_start3A_200 = tpu.memref_squeeze %dma_start3A_199 : memref<1x128xi32, #tpu.memory_space<vmem>> -> memref<128xi32, #tpu.memory_space<vmem>>
          %dma_start3A_201 = arith.constant 0 : i32
          %dma_start3A_202 = arith.constant 0 : i32
          %dma_start3A_203 = tpu.memref_slice %arg10[%dma_start3A_201, %dma_start3A_202] : memref<10240x128xf32, #tpu.memory_space<vmem_shared>> -> memref<10240x128xf32, #tpu.memory_space<vmem_shared>>
          tpu.enqueue_indirect_dma source(%arg8 : memref<128x128xf32, #tpu.memory_space<vmem>>) target(%dma_start3A_203 : memref<10240x128xf32, #tpu.memory_space<vmem_shared>>) offsets(%dma_start3A_200 : memref<128xi32, #tpu.memory_space<vmem>>) semaphore(%run_scoped3A_198 : memref<!tpu.dma_semaphore, #tpu.memory_space<semaphore_mem>>) {add = true}
          %dma_wait3A_204 = arith.constant 0 : i32
          %dma_wait3A_205 = tpu.memref_slice %arg6[%add3A_191, %dma_wait3A_204] : memref<48x128xi32, #tpu.memory_space<vmem>> -> memref<1x128xi32, #tpu.memory_space<vmem>>
          %dma_wait3A_206 = tpu.memref_squeeze %dma_wait3A_205 : memref<1x128xi32, #tpu.memory_space<vmem>> -> memref<128xi32, #tpu.memory_space<vmem>>
          %dma_wait3A_207 = arith.constant 0 : i32
          %dma_wait3A_208 = arith.constant 0 : i32
          %dma_wait3A_209 = tpu.memref_slice %arg10[%dma_wait3A_207, %dma_wait3A_208] : memref<10240x128xf32, #tpu.memory_space<vmem_shared>> -> memref<10240x128xf32, #tpu.memory_space<vmem_shared>>
          tpu.wait_indirect_dma semaphore(%run_scoped3A_198 : memref<!tpu.dma_semaphore, #tpu.memory_space<semaphore_mem>>) src(%arg8 : memref<128x128xf32, #tpu.memory_space<vmem>>) dst(%dma_wait3A_209 : memref<10240x128xf32, #tpu.memory_space<vmem_shared>>)
          tpu.yield
        }) : () -> ()
        %sub3A_192 = arith.constant 2 : i32
        %sub3A_193 = arith.subi %min3A, %sub3A_192 : i32
        %lt3A_194 = arith.cmpi slt, %while3A_141, %sub3A_193 : i32
        %convert_element_type3A_195 = arith.extui %lt3A_194 : i1 to i32
        %cond3A_196 = arith.constant 0 : i32
        %cond3A_197 = arith.cmpi ne, %convert_element_type3A_195, %cond3A_196 : i32
        scf.if %cond3A_197 {
          %add3A_198 = arith.addi %sub3A_29, %while3A_141 : i32
          %add3A_199 = arith.constant 2 : i32
          %add3A_200 = arith.addi %add3A_198, %add3A_199 : i32
          %dma_start3A = arith.constant 0 : i32
          %dma_start3A_201 = tpu.memref_slice %arg5[%add3A_200, %dma_start3A] : memref<48x128xi32, #tpu.memory_space<vmem>> -> memref<1x128xi32, #tpu.memory_space<vmem>>
          %dma_start3A_202 = tpu.memref_squeeze %dma_start3A_201 : memref<1x128xi32, #tpu.memory_space<vmem>> -> memref<128xi32, #tpu.memory_space<vmem>>
          %dma_start3A_203 = arith.constant 0 : i32
          %dma_start3A_204 = arith.constant 0 : i32
          %dma_start3A_205 = tpu.memref_slice %arg2[%dma_start3A_203, %dma_start3A_204] : memref<10000x128xf32, #tpu.memory_space<hbm>> -> memref<10000x128xf32, #tpu.memory_space<hbm>>
          tpu.enqueue_indirect_dma source(%dma_start3A_205 : memref<10000x128xf32, #tpu.memory_space<hbm>>) target(%arg8 : memref<128x128xf32, #tpu.memory_space<vmem>>) offsets(%dma_start3A_202 : memref<128xi32, #tpu.memory_space<vmem>>) semaphore(%arg12 : memref<!tpu.dma_semaphore, #tpu.memory_space<semaphore_mem>>)
        } else {
        }
      } else {
      }
      %while3A_184 = arith.constant 0 : i32
      scf.yield %while3A_184 : i32
    }
    %sub3A_68 = arith.constant 40 : i32
    %sub3A_69 = arith.subi %select_n3A, %sub3A_68 : i32
    %jit3A_70 = arith.constant 0 : i32
    %jit3A_71 = arith.constant 40 : i32
    %max3A_72 = arith.maxsi %jit3A_70, %sub3A_69 : i32
    %min3A_73 = arith.minsi %jit3A_71, %max3A_72 : i32
    %add3A_74 = arith.constant 40 : i32
    %add3A_75 = arith.addi %multiple_of3A, %add3A_74 : i32
    %run_scoped3A_76 = arith.constant 0 : i32
    "tpu.region"() ({
      %run_scoped3A_141 = tpu.sem_alloc : memref<!tpu.dma_semaphore, #tpu.memory_space<semaphore_mem>>
      %dma_start3A = arith.constant 0 : i32
      %dma_start3A_142 = tpu.memref_slice %arg3[%run_scoped3A_76, %add3A_75, %dma_start3A] : memref<2x2672x128xi32, #tpu.memory_space<hbm>> -> memref<1x48x128xi32, #tpu.memory_space<hbm>>
      %dma_start3A_143 = tpu.memref_squeeze %dma_start3A_142 : memref<1x48x128xi32, #tpu.memory_space<hbm>> -> memref<48x128xi32, #tpu.memory_space<hbm>>
      %dma_start3A_144 = arith.constant 0 : i32
      %dma_start3A_145 = tpu.memref_slice %arg3[%run_scoped3A_76, %add3A_75, %dma_start3A_144] : memref<2x2672x128xi32, #tpu.memory_space<hbm>> -> memref<1x48x128xi32, #tpu.memory_space<hbm>>
      %dma_start3A_146 = tpu.memref_squeeze %dma_start3A_145 : memref<1x48x128xi32, #tpu.memory_space<hbm>> -> memref<48x128xi32, #tpu.memory_space<hbm>>
      tpu.enqueue_dma source(%dma_start3A_146 : memref<48x128xi32, #tpu.memory_space<hbm>>) target(%arg5 : memref<48x128xi32, #tpu.memory_space<vmem>>) target_semaphore(%run_scoped3A_141 : memref<!tpu.dma_semaphore, #tpu.memory_space<semaphore_mem>>)
      %dma_wait3A = arith.constant 0 : i32
      %dma_wait3A_147 = tpu.memref_slice %arg3[%run_scoped3A_76, %add3A_75, %dma_wait3A] : memref<2x2672x128xi32, #tpu.memory_space<hbm>> -> memref<1x48x128xi32, #tpu.memory_space<hbm>>
      %dma_wait3A_148 = tpu.memref_squeeze %dma_wait3A_147 : memref<1x48x128xi32, #tpu.memory_space<hbm>> -> memref<48x128xi32, #tpu.memory_space<hbm>>
      %dma_wait3A_149 = arith.constant 0 : i32
      %dma_wait3A_150 = tpu.memref_slice %arg3[%run_scoped3A_76, %add3A_75, %dma_wait3A_149] : memref<2x2672x128xi32, #tpu.memory_space<hbm>> -> memref<1x48x128xi32, #tpu.memory_space<hbm>>
      %dma_wait3A_151 = tpu.memref_squeeze %dma_wait3A_150 : memref<1x48x128xi32, #tpu.memory_space<hbm>> -> memref<48x128xi32, #tpu.memory_space<hbm>>
      tpu.wait_dma2 semaphore(%run_scoped3A_141 : memref<!tpu.dma_semaphore, #tpu.memory_space<semaphore_mem>>) src(%dma_wait3A_151 : memref<48x128xi32, #tpu.memory_space<hbm>>) dst(%arg5 : memref<48x128xi32, #tpu.memory_space<vmem>>)
      tpu.yield
    }) : () -> ()
    %add3A_77 = arith.constant 40 : i32
    %add3A_78 = arith.addi %multiple_of3A, %add3A_77 : i32
    %run_scoped3A_79 = arith.constant 1 : i32
    "tpu.region"() ({
      %run_scoped3A_141 = tpu.sem_alloc : memref<!tpu.dma_semaphore, #tpu.memory_space<semaphore_mem>>
      %dma_start3A = arith.constant 0 : i32
      %dma_start3A_142 = tpu.memref_slice %arg3[%run_scoped3A_79, %add3A_78, %dma_start3A] : memref<2x2672x128xi32, #tpu.memory_space<hbm>> -> memref<1x48x128xi32, #tpu.memory_space<hbm>>
      %dma_start3A_143 = tpu.memref_squeeze %dma_start3A_142 : memref<1x48x128xi32, #tpu.memory_space<hbm>> -> memref<48x128xi32, #tpu.memory_space<hbm>>
      %dma_start3A_144 = arith.constant 0 : i32
      %dma_start3A_145 = tpu.memref_slice %arg3[%run_scoped3A_79, %add3A_78, %dma_start3A_144] : memref<2x2672x128xi32, #tpu.memory_space<hbm>> -> memref<1x48x128xi32, #tpu.memory_space<hbm>>
      %dma_start3A_146 = tpu.memref_squeeze %dma_start3A_145 : memref<1x48x128xi32, #tpu.memory_space<hbm>> -> memref<48x128xi32, #tpu.memory_space<hbm>>
      tpu.enqueue_dma source(%dma_start3A_146 : memref<48x128xi32, #tpu.memory_space<hbm>>) target(%arg6 : memref<48x128xi32, #tpu.memory_space<vmem>>) target_semaphore(%run_scoped3A_141 : memref<!tpu.dma_semaphore, #tpu.memory_space<semaphore_mem>>)
      %dma_wait3A = arith.constant 0 : i32
      %dma_wait3A_147 = tpu.memref_slice %arg3[%run_scoped3A_79, %add3A_78, %dma_wait3A] : memref<2x2672x128xi32, #tpu.memory_space<hbm>> -> memref<1x48x128xi32, #tpu.memory_space<hbm>>
      %dma_wait3A_148 = tpu.memref_squeeze %dma_wait3A_147 : memref<1x48x128xi32, #tpu.memory_space<hbm>> -> memref<48x128xi32, #tpu.memory_space<hbm>>
      %dma_wait3A_149 = arith.constant 0 : i32
      %dma_wait3A_150 = tpu.memref_slice %arg3[%run_scoped3A_79, %add3A_78, %dma_wait3A_149] : memref<2x2672x128xi32, #tpu.memory_space<hbm>> -> memref<1x48x128xi32, #tpu.memory_space<hbm>>
      %dma_wait3A_151 = tpu.memref_squeeze %dma_wait3A_150 : memref<1x48x128xi32, #tpu.memory_space<hbm>> -> memref<48x128xi32, #tpu.memory_space<hbm>>
      tpu.wait_dma2 semaphore(%run_scoped3A_141 : memref<!tpu.dma_semaphore, #tpu.memory_space<semaphore_mem>>) src(%dma_wait3A_151 : memref<48x128xi32, #tpu.memory_space<hbm>>) dst(%arg6 : memref<48x128xi32, #tpu.memory_space<vmem>>)
      tpu.yield
    }) : () -> ()
    %gt3A_80 = arith.constant 0 : i32
    %gt3A_81 = arith.cmpi sgt, %min3A_73, %gt3A_80 : i32
    %convert_element_type3A_82 = arith.extui %gt3A_81 : i1 to i32
    %cond3A_83 = arith.constant 0 : i32
    %cond3A_84 = arith.cmpi ne, %convert_element_type3A_82, %cond3A_83 : i32
    scf.if %cond3A_84 {
      %dma_start3A = arith.constant 0 : i32
      %dma_start3A_141 = tpu.memref_slice %arg5[%sub3A_29, %dma_start3A] : memref<48x128xi32, #tpu.memory_space<vmem>> -> memref<1x128xi32, #tpu.memory_space<vmem>>
      %dma_start3A_142 = tpu.memref_squeeze %dma_start3A_141 : memref<1x128xi32, #tpu.memory_space<vmem>> -> memref<128xi32, #tpu.memory_space<vmem>>
      %dma_start3A_143 = arith.constant 0 : i32
      %dma_start3A_144 = arith.constant 0 : i32
      %dma_start3A_145 = tpu.memref_slice %arg2[%dma_start3A_143, %dma_start3A_144] : memref<10000x128xf32, #tpu.memory_space<hbm>> -> memref<10000x128xf32, #tpu.memory_space<hbm>>
      tpu.enqueue_indirect_dma source(%dma_start3A_145 : memref<10000x128xf32, #tpu.memory_space<hbm>>) target(%arg7 : memref<128x128xf32, #tpu.memory_space<vmem>>) offsets(%dma_start3A_142 : memref<128xi32, #tpu.memory_space<vmem>>) semaphore(%arg11 : memref<!tpu.dma_semaphore, #tpu.memory_space<semaphore_mem>>)
    } else {
    }
    %gt3A_85 = arith.constant 1 : i32
    %gt3A_86 = arith.cmpi sgt, %min3A_73, %gt3A_85 : i32
    %convert_element_type3A_87 = arith.extui %gt3A_86 : i1 to i32
    %cond3A_88 = arith.constant 0 : i32
    %cond3A_89 = arith.cmpi ne, %convert_element_type3A_87, %cond3A_88 : i32
    scf.if %cond3A_89 {
      %add3A_141 = arith.constant 1 : i32
      %add3A_142 = arith.addi %sub3A_29, %add3A_141 : i32
      %dma_start3A = arith.constant 0 : i32
      %dma_start3A_143 = tpu.memref_slice %arg5[%add3A_142, %dma_start3A] : memref<48x128xi32, #tpu.memory_space<vmem>> -> memref<1x128xi32, #tpu.memory_space<vmem>>
      %dma_start3A_144 = tpu.memref_squeeze %dma_start3A_143 : memref<1x128xi32, #tpu.memory_space<vmem>> -> memref<128xi32, #tpu.memory_space<vmem>>
      %dma_start3A_145 = arith.constant 0 : i32
      %dma_start3A_146 = arith.constant 0 : i32
      %dma_start3A_147 = tpu.memref_slice %arg2[%dma_start3A_145, %dma_start3A_146] : memref<10000x128xf32, #tpu.memory_space<hbm>> -> memref<10000x128xf32, #tpu.memory_space<hbm>>
      tpu.enqueue_indirect_dma source(%dma_start3A_147 : memref<10000x128xf32, #tpu.memory_space<hbm>>) target(%arg8 : memref<128x128xf32, #tpu.memory_space<vmem>>) offsets(%dma_start3A_144 : memref<128xi32, #tpu.memory_space<vmem>>) semaphore(%arg12 : memref<!tpu.dma_semaphore, #tpu.memory_space<semaphore_mem>>)
    } else {
    }
    %while3A_90 = arith.constant 0 : i32
    %while3A_91 = arith.constant 0 : i32
    %while3A_92 = arith.subi %min3A_73, %while3A_90 : i32
    %while3A_93 = arith.addi %while3A_90, %while3A_92 : i32
    %while3A_94 = arith.constant 1 : i32
    %while3A_95 = arith.divsi %while3A_92, %while3A_94 : i32
    %while3A_96 = arith.muli %while3A_95, %while3A_94 : i32
    %while3A_97 = arith.addi %while3A_90, %while3A_96 : i32
    %while3A_98 = arith.constant 1 : i32
    %while3A_99 = scf.for %while3A_141 = %while3A_90 to %while3A_97 step %while3A_98 iter_args(%while3A_142 = %while3A_91) -> (i32)  : i32 {
      %jit3A_143 = arith.constant 2 : i32
      %eq3A_144 = arith.constant 0 : i32
      %eq3A_145 = arith.cmpi eq, %jit3A_143, %eq3A_144 : i32
      %jit3A_146 = arith.constant 1 : i32
      %select_n3A_147 = arith.select %eq3A_145, %jit3A_146, %jit3A_143 : i32
      %rem3A_148 = arith.remsi %while3A_141, %select_n3A_147 : i32
      %ne3A_149 = arith.constant 0 : i32
      %ne3A_150 = arith.cmpi ne, %rem3A_148, %ne3A_149 : i32
      %lt3A = arith.constant 0 : i32
      %lt3A_151 = arith.cmpi slt, %rem3A_148, %lt3A : i32
      %lt3A_152 = arith.constant 0 : i32
      %lt3A_153 = arith.cmpi slt, %select_n3A_147, %lt3A_152 : i32
      %ne3A_154 = arith.xori %lt3A_151, %lt3A_153 : i1
      %and3A_155 = arith.andi %ne3A_154, %ne3A_150 : i1
      %add3A_156 = arith.addi %rem3A_148, %select_n3A_147 : i32
      %select_n3A_157 = arith.select %and3A_155, %add3A_156, %rem3A_148 : i32
      %eq3A_158 = arith.constant 0 : i32
      %eq3A_159 = arith.cmpi eq, %select_n3A_157, %eq3A_158 : i32
      %convert_element_type3A_160 = arith.extui %eq3A_159 : i1 to i32
      %cond3A_161 = arith.constant 0 : i32
      %cond3A_162 = arith.cmpi ne, %convert_element_type3A_160, %cond3A_161 : i32
      scf.if %cond3A_162 {
        %add3A_185 = arith.addi %sub3A_29, %while3A_141 : i32
        %dma_wait3A = arith.constant 0 : i32
        %dma_wait3A_186 = tpu.memref_slice %arg5[%add3A_185, %dma_wait3A] : memref<48x128xi32, #tpu.memory_space<vmem>> -> memref<1x128xi32, #tpu.memory_space<vmem>>
        %dma_wait3A_187 = tpu.memref_squeeze %dma_wait3A_186 : memref<1x128xi32, #tpu.memory_space<vmem>> -> memref<128xi32, #tpu.memory_space<vmem>>
        %dma_wait3A_188 = arith.constant 0 : i32
        %dma_wait3A_189 = arith.constant 0 : i32
        %dma_wait3A_190 = tpu.memref_slice %arg2[%dma_wait3A_188, %dma_wait3A_189] : memref<10000x128xf32, #tpu.memory_space<hbm>> -> memref<10000x128xf32, #tpu.memory_space<hbm>>
        tpu.wait_indirect_dma semaphore(%arg11 : memref<!tpu.dma_semaphore, #tpu.memory_space<semaphore_mem>>) src(%dma_wait3A_190 : memref<10000x128xf32, #tpu.memory_space<hbm>>) dst(%arg7 : memref<128x128xf32, #tpu.memory_space<vmem>>)
        %add3A_191 = arith.addi %sub3A_29, %while3A_141 : i32
        "tpu.region"() ({
          %run_scoped3A_198 = tpu.sem_alloc : memref<!tpu.dma_semaphore, #tpu.memory_space<semaphore_mem>>
          %dma_start3A = arith.constant 0 : i32
          %dma_start3A_199 = tpu.memref_slice %arg6[%add3A_191, %dma_start3A] : memref<48x128xi32, #tpu.memory_space<vmem>> -> memref<1x128xi32, #tpu.memory_space<vmem>>
          %dma_start3A_200 = tpu.memref_squeeze %dma_start3A_199 : memref<1x128xi32, #tpu.memory_space<vmem>> -> memref<128xi32, #tpu.memory_space<vmem>>
          %dma_start3A_201 = arith.constant 0 : i32
          %dma_start3A_202 = arith.constant 0 : i32
          %dma_start3A_203 = tpu.memref_slice %arg10[%dma_start3A_201, %dma_start3A_202] : memref<10240x128xf32, #tpu.memory_space<vmem_shared>> -> memref<10240x128xf32, #tpu.memory_space<vmem_shared>>
          tpu.enqueue_indirect_dma source(%arg7 : memref<128x128xf32, #tpu.memory_space<vmem>>) target(%dma_start3A_203 : memref<10240x128xf32, #tpu.memory_space<vmem_shared>>) offsets(%dma_start3A_200 : memref<128xi32, #tpu.memory_space<vmem>>) semaphore(%run_scoped3A_198 : memref<!tpu.dma_semaphore, #tpu.memory_space<semaphore_mem>>) {add = true}
          %dma_wait3A_204 = arith.constant 0 : i32
          %dma_wait3A_205 = tpu.memref_slice %arg6[%add3A_191, %dma_wait3A_204] : memref<48x128xi32, #tpu.memory_space<vmem>> -> memref<1x128xi32, #tpu.memory_space<vmem>>
          %dma_wait3A_206 = tpu.memref_squeeze %dma_wait3A_205 : memref<1x128xi32, #tpu.memory_space<vmem>> -> memref<128xi32, #tpu.memory_space<vmem>>
          %dma_wait3A_207 = arith.constant 0 : i32
          %dma_wait3A_208 = arith.constant 0 : i32
          %dma_wait3A_209 = tpu.memref_slice %arg10[%dma_wait3A_207, %dma_wait3A_208] : memref<10240x128xf32, #tpu.memory_space<vmem_shared>> -> memref<10240x128xf32, #tpu.memory_space<vmem_shared>>
          tpu.wait_indirect_dma semaphore(%run_scoped3A_198 : memref<!tpu.dma_semaphore, #tpu.memory_space<semaphore_mem>>) src(%arg7 : memref<128x128xf32, #tpu.memory_space<vmem>>) dst(%dma_wait3A_209 : memref<10240x128xf32, #tpu.memory_space<vmem_shared>>)
          tpu.yield
        }) : () -> ()
        %sub3A_192 = arith.constant 2 : i32
        %sub3A_193 = arith.subi %min3A_73, %sub3A_192 : i32
        %lt3A_194 = arith.cmpi slt, %while3A_141, %sub3A_193 : i32
        %convert_element_type3A_195 = arith.extui %lt3A_194 : i1 to i32
        %cond3A_196 = arith.constant 0 : i32
        %cond3A_197 = arith.cmpi ne, %convert_element_type3A_195, %cond3A_196 : i32
        scf.if %cond3A_197 {
          %add3A_198 = arith.addi %sub3A_29, %while3A_141 : i32
          %add3A_199 = arith.constant 2 : i32
          %add3A_200 = arith.addi %add3A_198, %add3A_199 : i32
          %dma_start3A = arith.constant 0 : i32
          %dma_start3A_201 = tpu.memref_slice %arg5[%add3A_200, %dma_start3A] : memref<48x128xi32, #tpu.memory_space<vmem>> -> memref<1x128xi32, #tpu.memory_space<vmem>>
          %dma_start3A_202 = tpu.memref_squeeze %dma_start3A_201 : memref<1x128xi32, #tpu.memory_space<vmem>> -> memref<128xi32, #tpu.memory_space<vmem>>
          %dma_start3A_203 = arith.constant 0 : i32
          %dma_start3A_204 = arith.constant 0 : i32
          %dma_start3A_205 = tpu.memref_slice %arg2[%dma_start3A_203, %dma_start3A_204] : memref<10000x128xf32, #tpu.memory_space<hbm>> -> memref<10000x128xf32, #tpu.memory_space<hbm>>
          tpu.enqueue_indirect_dma source(%dma_start3A_205 : memref<10000x128xf32, #tpu.memory_space<hbm>>) target(%arg7 : memref<128x128xf32, #tpu.memory_space<vmem>>) offsets(%dma_start3A_202 : memref<128xi32, #tpu.memory_space<vmem>>) semaphore(%arg11 : memref<!tpu.dma_semaphore, #tpu.memory_space<semaphore_mem>>)
        } else {
        }
      } else {
      }
      %jit3A_163 = arith.constant 2 : i32
      %eq3A_164 = arith.constant 0 : i32
      %eq3A_165 = arith.cmpi eq, %jit3A_163, %eq3A_164 : i32
      %jit3A_166 = arith.constant 1 : i32
      %select_n3A_167 = arith.select %eq3A_165, %jit3A_166, %jit3A_163 : i32
      %rem3A_168 = arith.remsi %while3A_141, %select_n3A_167 : i32
      %ne3A_169 = arith.constant 0 : i32
      %ne3A_170 = arith.cmpi ne, %rem3A_168, %ne3A_169 : i32
      %lt3A_171 = arith.constant 0 : i32
      %lt3A_172 = arith.cmpi slt, %rem3A_168, %lt3A_171 : i32
      %lt3A_173 = arith.constant 0 : i32
      %lt3A_174 = arith.cmpi slt, %select_n3A_167, %lt3A_173 : i32
      %ne3A_175 = arith.xori %lt3A_172, %lt3A_174 : i1
      %and3A_176 = arith.andi %ne3A_175, %ne3A_170 : i1
      %add3A_177 = arith.addi %rem3A_168, %select_n3A_167 : i32
      %select_n3A_178 = arith.select %and3A_176, %add3A_177, %rem3A_168 : i32
      %eq3A_179 = arith.constant 1 : i32
      %eq3A_180 = arith.cmpi eq, %select_n3A_178, %eq3A_179 : i32
      %convert_element_type3A_181 = arith.extui %eq3A_180 : i1 to i32
      %cond3A_182 = arith.constant 0 : i32
      %cond3A_183 = arith.cmpi ne, %convert_element_type3A_181, %cond3A_182 : i32
      scf.if %cond3A_183 {
        %add3A_185 = arith.addi %sub3A_29, %while3A_141 : i32
        %dma_wait3A = arith.constant 0 : i32
        %dma_wait3A_186 = tpu.memref_slice %arg5[%add3A_185, %dma_wait3A] : memref<48x128xi32, #tpu.memory_space<vmem>> -> memref<1x128xi32, #tpu.memory_space<vmem>>
        %dma_wait3A_187 = tpu.memref_squeeze %dma_wait3A_186 : memref<1x128xi32, #tpu.memory_space<vmem>> -> memref<128xi32, #tpu.memory_space<vmem>>
        %dma_wait3A_188 = arith.constant 0 : i32
        %dma_wait3A_189 = arith.constant 0 : i32
        %dma_wait3A_190 = tpu.memref_slice %arg2[%dma_wait3A_188, %dma_wait3A_189] : memref<10000x128xf32, #tpu.memory_space<hbm>> -> memref<10000x128xf32, #tpu.memory_space<hbm>>
        tpu.wait_indirect_dma semaphore(%arg12 : memref<!tpu.dma_semaphore, #tpu.memory_space<semaphore_mem>>) src(%dma_wait3A_190 : memref<10000x128xf32, #tpu.memory_space<hbm>>) dst(%arg8 : memref<128x128xf32, #tpu.memory_space<vmem>>)
        %add3A_191 = arith.addi %sub3A_29, %while3A_141 : i32
        "tpu.region"() ({
          %run_scoped3A_198 = tpu.sem_alloc : memref<!tpu.dma_semaphore, #tpu.memory_space<semaphore_mem>>
          %dma_start3A = arith.constant 0 : i32
          %dma_start3A_199 = tpu.memref_slice %arg6[%add3A_191, %dma_start3A] : memref<48x128xi32, #tpu.memory_space<vmem>> -> memref<1x128xi32, #tpu.memory_space<vmem>>
          %dma_start3A_200 = tpu.memref_squeeze %dma_start3A_199 : memref<1x128xi32, #tpu.memory_space<vmem>> -> memref<128xi32, #tpu.memory_space<vmem>>
          %dma_start3A_201 = arith.constant 0 : i32
          %dma_start3A_202 = arith.constant 0 : i32
          %dma_start3A_203 = tpu.memref_slice %arg10[%dma_start3A_201, %dma_start3A_202] : memref<10240x128xf32, #tpu.memory_space<vmem_shared>> -> memref<10240x128xf32, #tpu.memory_space<vmem_shared>>
          tpu.enqueue_indirect_dma source(%arg8 : memref<128x128xf32, #tpu.memory_space<vmem>>) target(%dma_start3A_203 : memref<10240x128xf32, #tpu.memory_space<vmem_shared>>) offsets(%dma_start3A_200 : memref<128xi32, #tpu.memory_space<vmem>>) semaphore(%run_scoped3A_198 : memref<!tpu.dma_semaphore, #tpu.memory_space<semaphore_mem>>) {add = true}
          %dma_wait3A_204 = arith.constant 0 : i32
          %dma_wait3A_205 = tpu.memref_slice %arg6[%add3A_191, %dma_wait3A_204] : memref<48x128xi32, #tpu.memory_space<vmem>> -> memref<1x128xi32, #tpu.memory_space<vmem>>
          %dma_wait3A_206 = tpu.memref_squeeze %dma_wait3A_205 : memref<1x128xi32, #tpu.memory_space<vmem>> -> memref<128xi32, #tpu.memory_space<vmem>>
          %dma_wait3A_207 = arith.constant 0 : i32
          %dma_wait3A_208 = arith.constant 0 : i32
          %dma_wait3A_209 = tpu.memref_slice %arg10[%dma_wait3A_207, %dma_wait3A_208] : memref<10240x128xf32, #tpu.memory_space<vmem_shared>> -> memref<10240x128xf32, #tpu.memory_space<vmem_shared>>
          tpu.wait_indirect_dma semaphore(%run_scoped3A_198 : memref<!tpu.dma_semaphore, #tpu.memory_space<semaphore_mem>>) src(%arg8 : memref<128x128xf32, #tpu.memory_space<vmem>>) dst(%dma_wait3A_209 : memref<10240x128xf32, #tpu.memory_space<vmem_shared>>)
          tpu.yield
        }) : () -> ()
        %sub3A_192 = arith.constant 2 : i32
        %sub3A_193 = arith.subi %min3A_73, %sub3A_192 : i32
        %lt3A_194 = arith.cmpi slt, %while3A_141, %sub3A_193 : i32
        %convert_element_type3A_195 = arith.extui %lt3A_194 : i1 to i32
        %cond3A_196 = arith.constant 0 : i32
        %cond3A_197 = arith.cmpi ne, %convert_element_type3A_195, %cond3A_196 : i32
        scf.if %cond3A_197 {
          %add3A_198 = arith.addi %sub3A_29, %while3A_141 : i32
          %add3A_199 = arith.constant 2 : i32
          %add3A_200 = arith.addi %add3A_198, %add3A_199 : i32
          %dma_start3A = arith.constant 0 : i32
          %dma_start3A_201 = tpu.memref_slice %arg5[%add3A_200, %dma_start3A] : memref<48x128xi32, #tpu.memory_space<vmem>> -> memref<1x128xi32, #tpu.memory_space<vmem>>
          %dma_start3A_202 = tpu.memref_squeeze %dma_start3A_201 : memref<1x128xi32, #tpu.memory_space<vmem>> -> memref<128xi32, #tpu.memory_space<vmem>>
          %dma_start3A_203 = arith.constant 0 : i32
          %dma_start3A_204 = arith.constant 0 : i32
          %dma_start3A_205 = tpu.memref_slice %arg2[%dma_start3A_203, %dma_start3A_204] : memref<10000x128xf32, #tpu.memory_space<hbm>> -> memref<10000x128xf32, #tpu.memory_space<hbm>>
          tpu.enqueue_indirect_dma source(%dma_start3A_205 : memref<10000x128xf32, #tpu.memory_space<hbm>>) target(%arg8 : memref<128x128xf32, #tpu.memory_space<vmem>>) offsets(%dma_start3A_202 : memref<128xi32, #tpu.memory_space<vmem>>) semaphore(%arg12 : memref<!tpu.dma_semaphore, #tpu.memory_space<semaphore_mem>>)
        } else {
        }
      } else {
      }
      %while3A_184 = arith.constant 0 : i32
      scf.yield %while3A_184 : i32
    }
    %while3A_100 = arith.constant 1 : i32
    %while3A_101 = scf.for %while3A_141 = %while3A_97 to %while3A_93 step %while3A_100 iter_args(%while3A_142 = %while3A_99) -> (i32)  : i32 {
      %jit3A_143 = arith.constant 2 : i32
      %eq3A_144 = arith.constant 0 : i32
      %eq3A_145 = arith.cmpi eq, %jit3A_143, %eq3A_144 : i32
      %jit3A_146 = arith.constant 1 : i32
      %select_n3A_147 = arith.select %eq3A_145, %jit3A_146, %jit3A_143 : i32
      %rem3A_148 = arith.remsi %while3A_141, %select_n3A_147 : i32
      %ne3A_149 = arith.constant 0 : i32
      %ne3A_150 = arith.cmpi ne, %rem3A_148, %ne3A_149 : i32
      %lt3A = arith.constant 0 : i32
      %lt3A_151 = arith.cmpi slt, %rem3A_148, %lt3A : i32
      %lt3A_152 = arith.constant 0 : i32
      %lt3A_153 = arith.cmpi slt, %select_n3A_147, %lt3A_152 : i32
      %ne3A_154 = arith.xori %lt3A_151, %lt3A_153 : i1
      %and3A_155 = arith.andi %ne3A_154, %ne3A_150 : i1
      %add3A_156 = arith.addi %rem3A_148, %select_n3A_147 : i32
      %select_n3A_157 = arith.select %and3A_155, %add3A_156, %rem3A_148 : i32
      %eq3A_158 = arith.constant 0 : i32
      %eq3A_159 = arith.cmpi eq, %select_n3A_157, %eq3A_158 : i32
      %convert_element_type3A_160 = arith.extui %eq3A_159 : i1 to i32
      %cond3A_161 = arith.constant 0 : i32
      %cond3A_162 = arith.cmpi ne, %convert_element_type3A_160, %cond3A_161 : i32
      scf.if %cond3A_162 {
        %add3A_185 = arith.addi %sub3A_29, %while3A_141 : i32
        %dma_wait3A = arith.constant 0 : i32
        %dma_wait3A_186 = tpu.memref_slice %arg5[%add3A_185, %dma_wait3A] : memref<48x128xi32, #tpu.memory_space<vmem>> -> memref<1x128xi32, #tpu.memory_space<vmem>>
        %dma_wait3A_187 = tpu.memref_squeeze %dma_wait3A_186 : memref<1x128xi32, #tpu.memory_space<vmem>> -> memref<128xi32, #tpu.memory_space<vmem>>
        %dma_wait3A_188 = arith.constant 0 : i32
        %dma_wait3A_189 = arith.constant 0 : i32
        %dma_wait3A_190 = tpu.memref_slice %arg2[%dma_wait3A_188, %dma_wait3A_189] : memref<10000x128xf32, #tpu.memory_space<hbm>> -> memref<10000x128xf32, #tpu.memory_space<hbm>>
        tpu.wait_indirect_dma semaphore(%arg11 : memref<!tpu.dma_semaphore, #tpu.memory_space<semaphore_mem>>) src(%dma_wait3A_190 : memref<10000x128xf32, #tpu.memory_space<hbm>>) dst(%arg7 : memref<128x128xf32, #tpu.memory_space<vmem>>)
        %add3A_191 = arith.addi %sub3A_29, %while3A_141 : i32
        "tpu.region"() ({
          %run_scoped3A_198 = tpu.sem_alloc : memref<!tpu.dma_semaphore, #tpu.memory_space<semaphore_mem>>
          %dma_start3A = arith.constant 0 : i32
          %dma_start3A_199 = tpu.memref_slice %arg6[%add3A_191, %dma_start3A] : memref<48x128xi32, #tpu.memory_space<vmem>> -> memref<1x128xi32, #tpu.memory_space<vmem>>
          %dma_start3A_200 = tpu.memref_squeeze %dma_start3A_199 : memref<1x128xi32, #tpu.memory_space<vmem>> -> memref<128xi32, #tpu.memory_space<vmem>>
          %dma_start3A_201 = arith.constant 0 : i32
          %dma_start3A_202 = arith.constant 0 : i32
          %dma_start3A_203 = tpu.memref_slice %arg10[%dma_start3A_201, %dma_start3A_202] : memref<10240x128xf32, #tpu.memory_space<vmem_shared>> -> memref<10240x128xf32, #tpu.memory_space<vmem_shared>>
          tpu.enqueue_indirect_dma source(%arg7 : memref<128x128xf32, #tpu.memory_space<vmem>>) target(%dma_start3A_203 : memref<10240x128xf32, #tpu.memory_space<vmem_shared>>) offsets(%dma_start3A_200 : memref<128xi32, #tpu.memory_space<vmem>>) semaphore(%run_scoped3A_198 : memref<!tpu.dma_semaphore, #tpu.memory_space<semaphore_mem>>) {add = true}
          %dma_wait3A_204 = arith.constant 0 : i32
          %dma_wait3A_205 = tpu.memref_slice %arg6[%add3A_191, %dma_wait3A_204] : memref<48x128xi32, #tpu.memory_space<vmem>> -> memref<1x128xi32, #tpu.memory_space<vmem>>
          %dma_wait3A_206 = tpu.memref_squeeze %dma_wait3A_205 : memref<1x128xi32, #tpu.memory_space<vmem>> -> memref<128xi32, #tpu.memory_space<vmem>>
          %dma_wait3A_207 = arith.constant 0 : i32
          %dma_wait3A_208 = arith.constant 0 : i32
          %dma_wait3A_209 = tpu.memref_slice %arg10[%dma_wait3A_207, %dma_wait3A_208] : memref<10240x128xf32, #tpu.memory_space<vmem_shared>> -> memref<10240x128xf32, #tpu.memory_space<vmem_shared>>
          tpu.wait_indirect_dma semaphore(%run_scoped3A_198 : memref<!tpu.dma_semaphore, #tpu.memory_space<semaphore_mem>>) src(%arg7 : memref<128x128xf32, #tpu.memory_space<vmem>>) dst(%dma_wait3A_209 : memref<10240x128xf32, #tpu.memory_space<vmem_shared>>)
          tpu.yield
        }) : () -> ()
        %sub3A_192 = arith.constant 2 : i32
        %sub3A_193 = arith.subi %min3A_73, %sub3A_192 : i32
        %lt3A_194 = arith.cmpi slt, %while3A_141, %sub3A_193 : i32
        %convert_element_type3A_195 = arith.extui %lt3A_194 : i1 to i32
        %cond3A_196 = arith.constant 0 : i32
        %cond3A_197 = arith.cmpi ne, %convert_element_type3A_195, %cond3A_196 : i32
        scf.if %cond3A_197 {
          %add3A_198 = arith.addi %sub3A_29, %while3A_141 : i32
          %add3A_199 = arith.constant 2 : i32
          %add3A_200 = arith.addi %add3A_198, %add3A_199 : i32
          %dma_start3A = arith.constant 0 : i32
          %dma_start3A_201 = tpu.memref_slice %arg5[%add3A_200, %dma_start3A] : memref<48x128xi32, #tpu.memory_space<vmem>> -> memref<1x128xi32, #tpu.memory_space<vmem>>
          %dma_start3A_202 = tpu.memref_squeeze %dma_start3A_201 : memref<1x128xi32, #tpu.memory_space<vmem>> -> memref<128xi32, #tpu.memory_space<vmem>>
          %dma_start3A_203 = arith.constant 0 : i32
          %dma_start3A_204 = arith.constant 0 : i32
          %dma_start3A_205 = tpu.memref_slice %arg2[%dma_start3A_203, %dma_start3A_204] : memref<10000x128xf32, #tpu.memory_space<hbm>> -> memref<10000x128xf32, #tpu.memory_space<hbm>>
          tpu.enqueue_indirect_dma source(%dma_start3A_205 : memref<10000x128xf32, #tpu.memory_space<hbm>>) target(%arg7 : memref<128x128xf32, #tpu.memory_space<vmem>>) offsets(%dma_start3A_202 : memref<128xi32, #tpu.memory_space<vmem>>) semaphore(%arg11 : memref<!tpu.dma_semaphore, #tpu.memory_space<semaphore_mem>>)
        } else {
        }
      } else {
      }
      %jit3A_163 = arith.constant 2 : i32
      %eq3A_164 = arith.constant 0 : i32
      %eq3A_165 = arith.cmpi eq, %jit3A_163, %eq3A_164 : i32
      %jit3A_166 = arith.constant 1 : i32
      %select_n3A_167 = arith.select %eq3A_165, %jit3A_166, %jit3A_163 : i32
      %rem3A_168 = arith.remsi %while3A_141, %select_n3A_167 : i32
      %ne3A_169 = arith.constant 0 : i32
      %ne3A_170 = arith.cmpi ne, %rem3A_168, %ne3A_169 : i32
      %lt3A_171 = arith.constant 0 : i32
      %lt3A_172 = arith.cmpi slt, %rem3A_168, %lt3A_171 : i32
      %lt3A_173 = arith.constant 0 : i32
      %lt3A_174 = arith.cmpi slt, %select_n3A_167, %lt3A_173 : i32
      %ne3A_175 = arith.xori %lt3A_172, %lt3A_174 : i1
      %and3A_176 = arith.andi %ne3A_175, %ne3A_170 : i1
      %add3A_177 = arith.addi %rem3A_168, %select_n3A_167 : i32
      %select_n3A_178 = arith.select %and3A_176, %add3A_177, %rem3A_168 : i32
      %eq3A_179 = arith.constant 1 : i32
      %eq3A_180 = arith.cmpi eq, %select_n3A_178, %eq3A_179 : i32
      %convert_element_type3A_181 = arith.extui %eq3A_180 : i1 to i32
      %cond3A_182 = arith.constant 0 : i32
      %cond3A_183 = arith.cmpi ne, %convert_element_type3A_181, %cond3A_182 : i32
      scf.if %cond3A_183 {
        %add3A_185 = arith.addi %sub3A_29, %while3A_141 : i32
        %dma_wait3A = arith.constant 0 : i32
        %dma_wait3A_186 = tpu.memref_slice %arg5[%add3A_185, %dma_wait3A] : memref<48x128xi32, #tpu.memory_space<vmem>> -> memref<1x128xi32, #tpu.memory_space<vmem>>
        %dma_wait3A_187 = tpu.memref_squeeze %dma_wait3A_186 : memref<1x128xi32, #tpu.memory_space<vmem>> -> memref<128xi32, #tpu.memory_space<vmem>>
        %dma_wait3A_188 = arith.constant 0 : i32
        %dma_wait3A_189 = arith.constant 0 : i32
        %dma_wait3A_190 = tpu.memref_slice %arg2[%dma_wait3A_188, %dma_wait3A_189] : memref<10000x128xf32, #tpu.memory_space<hbm>> -> memref<10000x128xf32, #tpu.memory_space<hbm>>
        tpu.wait_indirect_dma semaphore(%arg12 : memref<!tpu.dma_semaphore, #tpu.memory_space<semaphore_mem>>) src(%dma_wait3A_190 : memref<10000x128xf32, #tpu.memory_space<hbm>>) dst(%arg8 : memref<128x128xf32, #tpu.memory_space<vmem>>)
        %add3A_191 = arith.addi %sub3A_29, %while3A_141 : i32
        "tpu.region"() ({
          %run_scoped3A_198 = tpu.sem_alloc : memref<!tpu.dma_semaphore, #tpu.memory_space<semaphore_mem>>
          %dma_start3A = arith.constant 0 : i32
          %dma_start3A_199 = tpu.memref_slice %arg6[%add3A_191, %dma_start3A] : memref<48x128xi32, #tpu.memory_space<vmem>> -> memref<1x128xi32, #tpu.memory_space<vmem>>
          %dma_start3A_200 = tpu.memref_squeeze %dma_start3A_199 : memref<1x128xi32, #tpu.memory_space<vmem>> -> memref<128xi32, #tpu.memory_space<vmem>>
          %dma_start3A_201 = arith.constant 0 : i32
          %dma_start3A_202 = arith.constant 0 : i32
          %dma_start3A_203 = tpu.memref_slice %arg10[%dma_start3A_201, %dma_start3A_202] : memref<10240x128xf32, #tpu.memory_space<vmem_shared>> -> memref<10240x128xf32, #tpu.memory_space<vmem_shared>>
          tpu.enqueue_indirect_dma source(%arg8 : memref<128x128xf32, #tpu.memory_space<vmem>>) target(%dma_start3A_203 : memref<10240x128xf32, #tpu.memory_space<vmem_shared>>) offsets(%dma_start3A_200 : memref<128xi32, #tpu.memory_space<vmem>>) semaphore(%run_scoped3A_198 : memref<!tpu.dma_semaphore, #tpu.memory_space<semaphore_mem>>) {add = true}
          %dma_wait3A_204 = arith.constant 0 : i32
          %dma_wait3A_205 = tpu.memref_slice %arg6[%add3A_191, %dma_wait3A_204] : memref<48x128xi32, #tpu.memory_space<vmem>> -> memref<1x128xi32, #tpu.memory_space<vmem>>
          %dma_wait3A_206 = tpu.memref_squeeze %dma_wait3A_205 : memref<1x128xi32, #tpu.memory_space<vmem>> -> memref<128xi32, #tpu.memory_space<vmem>>
          %dma_wait3A_207 = arith.constant 0 : i32
          %dma_wait3A_208 = arith.constant 0 : i32
          %dma_wait3A_209 = tpu.memref_slice %arg10[%dma_wait3A_207, %dma_wait3A_208] : memref<10240x128xf32, #tpu.memory_space<vmem_shared>> -> memref<10240x128xf32, #tpu.memory_space<vmem_shared>>
          tpu.wait_indirect_dma semaphore(%run_scoped3A_198 : memref<!tpu.dma_semaphore, #tpu.memory_space<semaphore_mem>>) src(%arg8 : memref<128x128xf32, #tpu.memory_space<vmem>>) dst(%dma_wait3A_209 : memref<10240x128xf32, #tpu.memory_space<vmem_shared>>)
          tpu.yield
        }) : () -> ()
        %sub3A_192 = arith.constant 2 : i32
        %sub3A_193 = arith.subi %min3A_73, %sub3A_192 : i32
        %lt3A_194 = arith.cmpi slt, %while3A_141, %sub3A_193 : i32
        %convert_element_type3A_195 = arith.extui %lt3A_194 : i1 to i32
        %cond3A_196 = arith.constant 0 : i32
        %cond3A_197 = arith.cmpi ne, %convert_element_type3A_195, %cond3A_196 : i32
        scf.if %cond3A_197 {
          %add3A_198 = arith.addi %sub3A_29, %while3A_141 : i32
          %add3A_199 = arith.constant 2 : i32
          %add3A_200 = arith.addi %add3A_198, %add3A_199 : i32
          %dma_start3A = arith.constant 0 : i32
          %dma_start3A_201 = tpu.memref_slice %arg5[%add3A_200, %dma_start3A] : memref<48x128xi32, #tpu.memory_space<vmem>> -> memref<1x128xi32, #tpu.memory_space<vmem>>
          %dma_start3A_202 = tpu.memref_squeeze %dma_start3A_201 : memref<1x128xi32, #tpu.memory_space<vmem>> -> memref<128xi32, #tpu.memory_space<vmem>>
          %dma_start3A_203 = arith.constant 0 : i32
          %dma_start3A_204 = arith.constant 0 : i32
          %dma_start3A_205 = tpu.memref_slice %arg2[%dma_start3A_203, %dma_start3A_204] : memref<10000x128xf32, #tpu.memory_space<hbm>> -> memref<10000x128xf32, #tpu.memory_space<hbm>>
          tpu.enqueue_indirect_dma source(%dma_start3A_205 : memref<10000x128xf32, #tpu.memory_space<hbm>>) target(%arg8 : memref<128x128xf32, #tpu.memory_space<vmem>>) offsets(%dma_start3A_202 : memref<128xi32, #tpu.memory_space<vmem>>) semaphore(%arg12 : memref<!tpu.dma_semaphore, #tpu.memory_space<semaphore_mem>>)
        } else {
        }
      } else {
      }
      %while3A_184 = arith.constant 0 : i32
      scf.yield %while3A_184 : i32
    }
    %sub3A_102 = arith.constant 80 : i32
    %sub3A_103 = arith.subi %select_n3A, %sub3A_102 : i32
    %jit3A_104 = arith.constant 0 : i32
    %jit3A_105 = arith.constant 40 : i32
    %max3A_106 = arith.maxsi %jit3A_104, %sub3A_103 : i32
    %min3A_107 = arith.minsi %jit3A_105, %max3A_106 : i32
    %add3A_108 = arith.constant 80 : i32
    %add3A_109 = arith.addi %multiple_of3A, %add3A_108 : i32
    %run_scoped3A_110 = arith.constant 0 : i32
    "tpu.region"() ({
      %run_scoped3A_141 = tpu.sem_alloc : memref<!tpu.dma_semaphore, #tpu.memory_space<semaphore_mem>>
      %dma_start3A = arith.constant 0 : i32
      %dma_start3A_142 = tpu.memref_slice %arg3[%run_scoped3A_110, %add3A_109, %dma_start3A] : memref<2x2672x128xi32, #tpu.memory_space<hbm>> -> memref<1x48x128xi32, #tpu.memory_space<hbm>>
      %dma_start3A_143 = tpu.memref_squeeze %dma_start3A_142 : memref<1x48x128xi32, #tpu.memory_space<hbm>> -> memref<48x128xi32, #tpu.memory_space<hbm>>
      %dma_start3A_144 = arith.constant 0 : i32
      %dma_start3A_145 = tpu.memref_slice %arg3[%run_scoped3A_110, %add3A_109, %dma_start3A_144] : memref<2x2672x128xi32, #tpu.memory_space<hbm>> -> memref<1x48x128xi32, #tpu.memory_space<hbm>>
      %dma_start3A_146 = tpu.memref_squeeze %dma_start3A_145 : memref<1x48x128xi32, #tpu.memory_space<hbm>> -> memref<48x128xi32, #tpu.memory_space<hbm>>
      tpu.enqueue_dma source(%dma_start3A_146 : memref<48x128xi32, #tpu.memory_space<hbm>>) target(%arg5 : memref<48x128xi32, #tpu.memory_space<vmem>>) target_semaphore(%run_scoped3A_141 : memref<!tpu.dma_semaphore, #tpu.memory_space<semaphore_mem>>)
      %dma_wait3A = arith.constant 0 : i32
      %dma_wait3A_147 = tpu.memref_slice %arg3[%run_scoped3A_110, %add3A_109, %dma_wait3A] : memref<2x2672x128xi32, #tpu.memory_space<hbm>> -> memref<1x48x128xi32, #tpu.memory_space<hbm>>
      %dma_wait3A_148 = tpu.memref_squeeze %dma_wait3A_147 : memref<1x48x128xi32, #tpu.memory_space<hbm>> -> memref<48x128xi32, #tpu.memory_space<hbm>>
      %dma_wait3A_149 = arith.constant 0 : i32
      %dma_wait3A_150 = tpu.memref_slice %arg3[%run_scoped3A_110, %add3A_109, %dma_wait3A_149] : memref<2x2672x128xi32, #tpu.memory_space<hbm>> -> memref<1x48x128xi32, #tpu.memory_space<hbm>>
      %dma_wait3A_151 = tpu.memref_squeeze %dma_wait3A_150 : memref<1x48x128xi32, #tpu.memory_space<hbm>> -> memref<48x128xi32, #tpu.memory_space<hbm>>
      tpu.wait_dma2 semaphore(%run_scoped3A_141 : memref<!tpu.dma_semaphore, #tpu.memory_space<semaphore_mem>>) src(%dma_wait3A_151 : memref<48x128xi32, #tpu.memory_space<hbm>>) dst(%arg5 : memref<48x128xi32, #tpu.memory_space<vmem>>)
      tpu.yield
    }) : () -> ()
    %add3A_111 = arith.constant 80 : i32
    %add3A_112 = arith.addi %multiple_of3A, %add3A_111 : i32
    %run_scoped3A_113 = arith.constant 1 : i32
    "tpu.region"() ({
      %run_scoped3A_141 = tpu.sem_alloc : memref<!tpu.dma_semaphore, #tpu.memory_space<semaphore_mem>>
      %dma_start3A = arith.constant 0 : i32
      %dma_start3A_142 = tpu.memref_slice %arg3[%run_scoped3A_113, %add3A_112, %dma_start3A] : memref<2x2672x128xi32, #tpu.memory_space<hbm>> -> memref<1x48x128xi32, #tpu.memory_space<hbm>>
      %dma_start3A_143 = tpu.memref_squeeze %dma_start3A_142 : memref<1x48x128xi32, #tpu.memory_space<hbm>> -> memref<48x128xi32, #tpu.memory_space<hbm>>
      %dma_start3A_144 = arith.constant 0 : i32
      %dma_start3A_145 = tpu.memref_slice %arg3[%run_scoped3A_113, %add3A_112, %dma_start3A_144] : memref<2x2672x128xi32, #tpu.memory_space<hbm>> -> memref<1x48x128xi32, #tpu.memory_space<hbm>>
      %dma_start3A_146 = tpu.memref_squeeze %dma_start3A_145 : memref<1x48x128xi32, #tpu.memory_space<hbm>> -> memref<48x128xi32, #tpu.memory_space<hbm>>
      tpu.enqueue_dma source(%dma_start3A_146 : memref<48x128xi32, #tpu.memory_space<hbm>>) target(%arg6 : memref<48x128xi32, #tpu.memory_space<vmem>>) target_semaphore(%run_scoped3A_141 : memref<!tpu.dma_semaphore, #tpu.memory_space<semaphore_mem>>)
      %dma_wait3A = arith.constant 0 : i32
      %dma_wait3A_147 = tpu.memref_slice %arg3[%run_scoped3A_113, %add3A_112, %dma_wait3A] : memref<2x2672x128xi32, #tpu.memory_space<hbm>> -> memref<1x48x128xi32, #tpu.memory_space<hbm>>
      %dma_wait3A_148 = tpu.memref_squeeze %dma_wait3A_147 : memref<1x48x128xi32, #tpu.memory_space<hbm>> -> memref<48x128xi32, #tpu.memory_space<hbm>>
      %dma_wait3A_149 = arith.constant 0 : i32
      %dma_wait3A_150 = tpu.memref_slice %arg3[%run_scoped3A_113, %add3A_112, %dma_wait3A_149] : memref<2x2672x128xi32, #tpu.memory_space<hbm>> -> memref<1x48x128xi32, #tpu.memory_space<hbm>>
      %dma_wait3A_151 = tpu.memref_squeeze %dma_wait3A_150 : memref<1x48x128xi32, #tpu.memory_space<hbm>> -> memref<48x128xi32, #tpu.memory_space<hbm>>
      tpu.wait_dma2 semaphore(%run_scoped3A_141 : memref<!tpu.dma_semaphore, #tpu.memory_space<semaphore_mem>>) src(%dma_wait3A_151 : memref<48x128xi32, #tpu.memory_space<hbm>>) dst(%arg6 : memref<48x128xi32, #tpu.memory_space<vmem>>)
      tpu.yield
    }) : () -> ()
    %gt3A_114 = arith.constant 0 : i32
    %gt3A_115 = arith.cmpi sgt, %min3A_107, %gt3A_114 : i32
    %convert_element_type3A_116 = arith.extui %gt3A_115 : i1 to i32
    %cond3A_117 = arith.constant 0 : i32
    %cond3A_118 = arith.cmpi ne, %convert_element_type3A_116, %cond3A_117 : i32
    scf.if %cond3A_118 {
      %dma_start3A = arith.constant 0 : i32
      %dma_start3A_141 = tpu.memref_slice %arg5[%sub3A_29, %dma_start3A] : memref<48x128xi32, #tpu.memory_space<vmem>> -> memref<1x128xi32, #tpu.memory_space<vmem>>
      %dma_start3A_142 = tpu.memref_squeeze %dma_start3A_141 : memref<1x128xi32, #tpu.memory_space<vmem>> -> memref<128xi32, #tpu.memory_space<vmem>>
      %dma_start3A_143 = arith.constant 0 : i32
      %dma_start3A_144 = arith.constant 0 : i32
      %dma_start3A_145 = tpu.memref_slice %arg2[%dma_start3A_143, %dma_start3A_144] : memref<10000x128xf32, #tpu.memory_space<hbm>> -> memref<10000x128xf32, #tpu.memory_space<hbm>>
      tpu.enqueue_indirect_dma source(%dma_start3A_145 : memref<10000x128xf32, #tpu.memory_space<hbm>>) target(%arg7 : memref<128x128xf32, #tpu.memory_space<vmem>>) offsets(%dma_start3A_142 : memref<128xi32, #tpu.memory_space<vmem>>) semaphore(%arg11 : memref<!tpu.dma_semaphore, #tpu.memory_space<semaphore_mem>>)
    } else {
    }
    %gt3A_119 = arith.constant 1 : i32
    %gt3A_120 = arith.cmpi sgt, %min3A_107, %gt3A_119 : i32
    %convert_element_type3A_121 = arith.extui %gt3A_120 : i1 to i32
    %cond3A_122 = arith.constant 0 : i32
    %cond3A_123 = arith.cmpi ne, %convert_element_type3A_121, %cond3A_122 : i32
    scf.if %cond3A_123 {
      %add3A_141 = arith.constant 1 : i32
      %add3A_142 = arith.addi %sub3A_29, %add3A_141 : i32
      %dma_start3A = arith.constant 0 : i32
      %dma_start3A_143 = tpu.memref_slice %arg5[%add3A_142, %dma_start3A] : memref<48x128xi32, #tpu.memory_space<vmem>> -> memref<1x128xi32, #tpu.memory_space<vmem>>
      %dma_start3A_144 = tpu.memref_squeeze %dma_start3A_143 : memref<1x128xi32, #tpu.memory_space<vmem>> -> memref<128xi32, #tpu.memory_space<vmem>>
      %dma_start3A_145 = arith.constant 0 : i32
      %dma_start3A_146 = arith.constant 0 : i32
      %dma_start3A_147 = tpu.memref_slice %arg2[%dma_start3A_145, %dma_start3A_146] : memref<10000x128xf32, #tpu.memory_space<hbm>> -> memref<10000x128xf32, #tpu.memory_space<hbm>>
      tpu.enqueue_indirect_dma source(%dma_start3A_147 : memref<10000x128xf32, #tpu.memory_space<hbm>>) target(%arg8 : memref<128x128xf32, #tpu.memory_space<vmem>>) offsets(%dma_start3A_144 : memref<128xi32, #tpu.memory_space<vmem>>) semaphore(%arg12 : memref<!tpu.dma_semaphore, #tpu.memory_space<semaphore_mem>>)
    } else {
    }
    %while3A_124 = arith.constant 0 : i32
    %while3A_125 = arith.constant 0 : i32
    %while3A_126 = arith.subi %min3A_107, %while3A_124 : i32
    %while3A_127 = arith.addi %while3A_124, %while3A_126 : i32
    %while3A_128 = arith.constant 1 : i32
    %while3A_129 = arith.divsi %while3A_126, %while3A_128 : i32
    %while3A_130 = arith.muli %while3A_129, %while3A_128 : i32
    %while3A_131 = arith.addi %while3A_124, %while3A_130 : i32
    %while3A_132 = arith.constant 1 : i32
    %while3A_133 = scf.for %while3A_141 = %while3A_124 to %while3A_131 step %while3A_132 iter_args(%while3A_142 = %while3A_125) -> (i32)  : i32 {
      %jit3A_143 = arith.constant 2 : i32
      %eq3A_144 = arith.constant 0 : i32
      %eq3A_145 = arith.cmpi eq, %jit3A_143, %eq3A_144 : i32
      %jit3A_146 = arith.constant 1 : i32
      %select_n3A_147 = arith.select %eq3A_145, %jit3A_146, %jit3A_143 : i32
      %rem3A_148 = arith.remsi %while3A_141, %select_n3A_147 : i32
      %ne3A_149 = arith.constant 0 : i32
      %ne3A_150 = arith.cmpi ne, %rem3A_148, %ne3A_149 : i32
      %lt3A = arith.constant 0 : i32
      %lt3A_151 = arith.cmpi slt, %rem3A_148, %lt3A : i32
      %lt3A_152 = arith.constant 0 : i32
      %lt3A_153 = arith.cmpi slt, %select_n3A_147, %lt3A_152 : i32
      %ne3A_154 = arith.xori %lt3A_151, %lt3A_153 : i1
      %and3A_155 = arith.andi %ne3A_154, %ne3A_150 : i1
      %add3A_156 = arith.addi %rem3A_148, %select_n3A_147 : i32
      %select_n3A_157 = arith.select %and3A_155, %add3A_156, %rem3A_148 : i32
      %eq3A_158 = arith.constant 0 : i32
      %eq3A_159 = arith.cmpi eq, %select_n3A_157, %eq3A_158 : i32
      %convert_element_type3A_160 = arith.extui %eq3A_159 : i1 to i32
      %cond3A_161 = arith.constant 0 : i32
      %cond3A_162 = arith.cmpi ne, %convert_element_type3A_160, %cond3A_161 : i32
      scf.if %cond3A_162 {
        %add3A_185 = arith.addi %sub3A_29, %while3A_141 : i32
        %dma_wait3A = arith.constant 0 : i32
        %dma_wait3A_186 = tpu.memref_slice %arg5[%add3A_185, %dma_wait3A] : memref<48x128xi32, #tpu.memory_space<vmem>> -> memref<1x128xi32, #tpu.memory_space<vmem>>
        %dma_wait3A_187 = tpu.memref_squeeze %dma_wait3A_186 : memref<1x128xi32, #tpu.memory_space<vmem>> -> memref<128xi32, #tpu.memory_space<vmem>>
        %dma_wait3A_188 = arith.constant 0 : i32
        %dma_wait3A_189 = arith.constant 0 : i32
        %dma_wait3A_190 = tpu.memref_slice %arg2[%dma_wait3A_188, %dma_wait3A_189] : memref<10000x128xf32, #tpu.memory_space<hbm>> -> memref<10000x128xf32, #tpu.memory_space<hbm>>
        tpu.wait_indirect_dma semaphore(%arg11 : memref<!tpu.dma_semaphore, #tpu.memory_space<semaphore_mem>>) src(%dma_wait3A_190 : memref<10000x128xf32, #tpu.memory_space<hbm>>) dst(%arg7 : memref<128x128xf32, #tpu.memory_space<vmem>>)
        %add3A_191 = arith.addi %sub3A_29, %while3A_141 : i32
        "tpu.region"() ({
          %run_scoped3A_198 = tpu.sem_alloc : memref<!tpu.dma_semaphore, #tpu.memory_space<semaphore_mem>>
          %dma_start3A = arith.constant 0 : i32
          %dma_start3A_199 = tpu.memref_slice %arg6[%add3A_191, %dma_start3A] : memref<48x128xi32, #tpu.memory_space<vmem>> -> memref<1x128xi32, #tpu.memory_space<vmem>>
          %dma_start3A_200 = tpu.memref_squeeze %dma_start3A_199 : memref<1x128xi32, #tpu.memory_space<vmem>> -> memref<128xi32, #tpu.memory_space<vmem>>
          %dma_start3A_201 = arith.constant 0 : i32
          %dma_start3A_202 = arith.constant 0 : i32
          %dma_start3A_203 = tpu.memref_slice %arg10[%dma_start3A_201, %dma_start3A_202] : memref<10240x128xf32, #tpu.memory_space<vmem_shared>> -> memref<10240x128xf32, #tpu.memory_space<vmem_shared>>
          tpu.enqueue_indirect_dma source(%arg7 : memref<128x128xf32, #tpu.memory_space<vmem>>) target(%dma_start3A_203 : memref<10240x128xf32, #tpu.memory_space<vmem_shared>>) offsets(%dma_start3A_200 : memref<128xi32, #tpu.memory_space<vmem>>) semaphore(%run_scoped3A_198 : memref<!tpu.dma_semaphore, #tpu.memory_space<semaphore_mem>>) {add = true}
          %dma_wait3A_204 = arith.constant 0 : i32
          %dma_wait3A_205 = tpu.memref_slice %arg6[%add3A_191, %dma_wait3A_204] : memref<48x128xi32, #tpu.memory_space<vmem>> -> memref<1x128xi32, #tpu.memory_space<vmem>>
          %dma_wait3A_206 = tpu.memref_squeeze %dma_wait3A_205 : memref<1x128xi32, #tpu.memory_space<vmem>> -> memref<128xi32, #tpu.memory_space<vmem>>
          %dma_wait3A_207 = arith.constant 0 : i32
          %dma_wait3A_208 = arith.constant 0 : i32
          %dma_wait3A_209 = tpu.memref_slice %arg10[%dma_wait3A_207, %dma_wait3A_208] : memref<10240x128xf32, #tpu.memory_space<vmem_shared>> -> memref<10240x128xf32, #tpu.memory_space<vmem_shared>>
          tpu.wait_indirect_dma semaphore(%run_scoped3A_198 : memref<!tpu.dma_semaphore, #tpu.memory_space<semaphore_mem>>) src(%arg7 : memref<128x128xf32, #tpu.memory_space<vmem>>) dst(%dma_wait3A_209 : memref<10240x128xf32, #tpu.memory_space<vmem_shared>>)
          tpu.yield
        }) : () -> ()
        %sub3A_192 = arith.constant 2 : i32
        %sub3A_193 = arith.subi %min3A_107, %sub3A_192 : i32
        %lt3A_194 = arith.cmpi slt, %while3A_141, %sub3A_193 : i32
        %convert_element_type3A_195 = arith.extui %lt3A_194 : i1 to i32
        %cond3A_196 = arith.constant 0 : i32
        %cond3A_197 = arith.cmpi ne, %convert_element_type3A_195, %cond3A_196 : i32
        scf.if %cond3A_197 {
          %add3A_198 = arith.addi %sub3A_29, %while3A_141 : i32
          %add3A_199 = arith.constant 2 : i32
          %add3A_200 = arith.addi %add3A_198, %add3A_199 : i32
          %dma_start3A = arith.constant 0 : i32
          %dma_start3A_201 = tpu.memref_slice %arg5[%add3A_200, %dma_start3A] : memref<48x128xi32, #tpu.memory_space<vmem>> -> memref<1x128xi32, #tpu.memory_space<vmem>>
          %dma_start3A_202 = tpu.memref_squeeze %dma_start3A_201 : memref<1x128xi32, #tpu.memory_space<vmem>> -> memref<128xi32, #tpu.memory_space<vmem>>
          %dma_start3A_203 = arith.constant 0 : i32
          %dma_start3A_204 = arith.constant 0 : i32
          %dma_start3A_205 = tpu.memref_slice %arg2[%dma_start3A_203, %dma_start3A_204] : memref<10000x128xf32, #tpu.memory_space<hbm>> -> memref<10000x128xf32, #tpu.memory_space<hbm>>
          tpu.enqueue_indirect_dma source(%dma_start3A_205 : memref<10000x128xf32, #tpu.memory_space<hbm>>) target(%arg7 : memref<128x128xf32, #tpu.memory_space<vmem>>) offsets(%dma_start3A_202 : memref<128xi32, #tpu.memory_space<vmem>>) semaphore(%arg11 : memref<!tpu.dma_semaphore, #tpu.memory_space<semaphore_mem>>)
        } else {
        }
      } else {
      }
      %jit3A_163 = arith.constant 2 : i32
      %eq3A_164 = arith.constant 0 : i32
      %eq3A_165 = arith.cmpi eq, %jit3A_163, %eq3A_164 : i32
      %jit3A_166 = arith.constant 1 : i32
      %select_n3A_167 = arith.select %eq3A_165, %jit3A_166, %jit3A_163 : i32
      %rem3A_168 = arith.remsi %while3A_141, %select_n3A_167 : i32
      %ne3A_169 = arith.constant 0 : i32
      %ne3A_170 = arith.cmpi ne, %rem3A_168, %ne3A_169 : i32
      %lt3A_171 = arith.constant 0 : i32
      %lt3A_172 = arith.cmpi slt, %rem3A_168, %lt3A_171 : i32
      %lt3A_173 = arith.constant 0 : i32
      %lt3A_174 = arith.cmpi slt, %select_n3A_167, %lt3A_173 : i32
      %ne3A_175 = arith.xori %lt3A_172, %lt3A_174 : i1
      %and3A_176 = arith.andi %ne3A_175, %ne3A_170 : i1
      %add3A_177 = arith.addi %rem3A_168, %select_n3A_167 : i32
      %select_n3A_178 = arith.select %and3A_176, %add3A_177, %rem3A_168 : i32
      %eq3A_179 = arith.constant 1 : i32
      %eq3A_180 = arith.cmpi eq, %select_n3A_178, %eq3A_179 : i32
      %convert_element_type3A_181 = arith.extui %eq3A_180 : i1 to i32
      %cond3A_182 = arith.constant 0 : i32
      %cond3A_183 = arith.cmpi ne, %convert_element_type3A_181, %cond3A_182 : i32
      scf.if %cond3A_183 {
        %add3A_185 = arith.addi %sub3A_29, %while3A_141 : i32
        %dma_wait3A = arith.constant 0 : i32
        %dma_wait3A_186 = tpu.memref_slice %arg5[%add3A_185, %dma_wait3A] : memref<48x128xi32, #tpu.memory_space<vmem>> -> memref<1x128xi32, #tpu.memory_space<vmem>>
        %dma_wait3A_187 = tpu.memref_squeeze %dma_wait3A_186 : memref<1x128xi32, #tpu.memory_space<vmem>> -> memref<128xi32, #tpu.memory_space<vmem>>
        %dma_wait3A_188 = arith.constant 0 : i32
        %dma_wait3A_189 = arith.constant 0 : i32
        %dma_wait3A_190 = tpu.memref_slice %arg2[%dma_wait3A_188, %dma_wait3A_189] : memref<10000x128xf32, #tpu.memory_space<hbm>> -> memref<10000x128xf32, #tpu.memory_space<hbm>>
        tpu.wait_indirect_dma semaphore(%arg12 : memref<!tpu.dma_semaphore, #tpu.memory_space<semaphore_mem>>) src(%dma_wait3A_190 : memref<10000x128xf32, #tpu.memory_space<hbm>>) dst(%arg8 : memref<128x128xf32, #tpu.memory_space<vmem>>)
        %add3A_191 = arith.addi %sub3A_29, %while3A_141 : i32
        "tpu.region"() ({
          %run_scoped3A_198 = tpu.sem_alloc : memref<!tpu.dma_semaphore, #tpu.memory_space<semaphore_mem>>
          %dma_start3A = arith.constant 0 : i32
          %dma_start3A_199 = tpu.memref_slice %arg6[%add3A_191, %dma_start3A] : memref<48x128xi32, #tpu.memory_space<vmem>> -> memref<1x128xi32, #tpu.memory_space<vmem>>
          %dma_start3A_200 = tpu.memref_squeeze %dma_start3A_199 : memref<1x128xi32, #tpu.memory_space<vmem>> -> memref<128xi32, #tpu.memory_space<vmem>>
          %dma_start3A_201 = arith.constant 0 : i32
          %dma_start3A_202 = arith.constant 0 : i32
          %dma_start3A_203 = tpu.memref_slice %arg10[%dma_start3A_201, %dma_start3A_202] : memref<10240x128xf32, #tpu.memory_space<vmem_shared>> -> memref<10240x128xf32, #tpu.memory_space<vmem_shared>>
          tpu.enqueue_indirect_dma source(%arg8 : memref<128x128xf32, #tpu.memory_space<vmem>>) target(%dma_start3A_203 : memref<10240x128xf32, #tpu.memory_space<vmem_shared>>) offsets(%dma_start3A_200 : memref<128xi32, #tpu.memory_space<vmem>>) semaphore(%run_scoped3A_198 : memref<!tpu.dma_semaphore, #tpu.memory_space<semaphore_mem>>) {add = true}
          %dma_wait3A_204 = arith.constant 0 : i32
          %dma_wait3A_205 = tpu.memref_slice %arg6[%add3A_191, %dma_wait3A_204] : memref<48x128xi32, #tpu.memory_space<vmem>> -> memref<1x128xi32, #tpu.memory_space<vmem>>
          %dma_wait3A_206 = tpu.memref_squeeze %dma_wait3A_205 : memref<1x128xi32, #tpu.memory_space<vmem>> -> memref<128xi32, #tpu.memory_space<vmem>>
          %dma_wait3A_207 = arith.constant 0 : i32
          %dma_wait3A_208 = arith.constant 0 : i32
          %dma_wait3A_209 = tpu.memref_slice %arg10[%dma_wait3A_207, %dma_wait3A_208] : memref<10240x128xf32, #tpu.memory_space<vmem_shared>> -> memref<10240x128xf32, #tpu.memory_space<vmem_shared>>
          tpu.wait_indirect_dma semaphore(%run_scoped3A_198 : memref<!tpu.dma_semaphore, #tpu.memory_space<semaphore_mem>>) src(%arg8 : memref<128x128xf32, #tpu.memory_space<vmem>>) dst(%dma_wait3A_209 : memref<10240x128xf32, #tpu.memory_space<vmem_shared>>)
          tpu.yield
        }) : () -> ()
        %sub3A_192 = arith.constant 2 : i32
        %sub3A_193 = arith.subi %min3A_107, %sub3A_192 : i32
        %lt3A_194 = arith.cmpi slt, %while3A_141, %sub3A_193 : i32
        %convert_element_type3A_195 = arith.extui %lt3A_194 : i1 to i32
        %cond3A_196 = arith.constant 0 : i32
        %cond3A_197 = arith.cmpi ne, %convert_element_type3A_195, %cond3A_196 : i32
        scf.if %cond3A_197 {
          %add3A_198 = arith.addi %sub3A_29, %while3A_141 : i32
          %add3A_199 = arith.constant 2 : i32
          %add3A_200 = arith.addi %add3A_198, %add3A_199 : i32
          %dma_start3A = arith.constant 0 : i32
          %dma_start3A_201 = tpu.memref_slice %arg5[%add3A_200, %dma_start3A] : memref<48x128xi32, #tpu.memory_space<vmem>> -> memref<1x128xi32, #tpu.memory_space<vmem>>
          %dma_start3A_202 = tpu.memref_squeeze %dma_start3A_201 : memref<1x128xi32, #tpu.memory_space<vmem>> -> memref<128xi32, #tpu.memory_space<vmem>>
          %dma_start3A_203 = arith.constant 0 : i32
          %dma_start3A_204 = arith.constant 0 : i32
          %dma_start3A_205 = tpu.memref_slice %arg2[%dma_start3A_203, %dma_start3A_204] : memref<10000x128xf32, #tpu.memory_space<hbm>> -> memref<10000x128xf32, #tpu.memory_space<hbm>>
          tpu.enqueue_indirect_dma source(%dma_start3A_205 : memref<10000x128xf32, #tpu.memory_space<hbm>>) target(%arg8 : memref<128x128xf32, #tpu.memory_space<vmem>>) offsets(%dma_start3A_202 : memref<128xi32, #tpu.memory_space<vmem>>) semaphore(%arg12 : memref<!tpu.dma_semaphore, #tpu.memory_space<semaphore_mem>>)
        } else {
        }
      } else {
      }
      %while3A_184 = arith.constant 0 : i32
      scf.yield %while3A_184 : i32
    }
    %while3A_134 = arith.constant 1 : i32
    %while3A_135 = scf.for %while3A_141 = %while3A_131 to %while3A_127 step %while3A_134 iter_args(%while3A_142 = %while3A_133) -> (i32)  : i32 {
      %jit3A_143 = arith.constant 2 : i32
      %eq3A_144 = arith.constant 0 : i32
      %eq3A_145 = arith.cmpi eq, %jit3A_143, %eq3A_144 : i32
      %jit3A_146 = arith.constant 1 : i32
      %select_n3A_147 = arith.select %eq3A_145, %jit3A_146, %jit3A_143 : i32
      %rem3A_148 = arith.remsi %while3A_141, %select_n3A_147 : i32
      %ne3A_149 = arith.constant 0 : i32
      %ne3A_150 = arith.cmpi ne, %rem3A_148, %ne3A_149 : i32
      %lt3A = arith.constant 0 : i32
      %lt3A_151 = arith.cmpi slt, %rem3A_148, %lt3A : i32
      %lt3A_152 = arith.constant 0 : i32
      %lt3A_153 = arith.cmpi slt, %select_n3A_147, %lt3A_152 : i32
      %ne3A_154 = arith.xori %lt3A_151, %lt3A_153 : i1
      %and3A_155 = arith.andi %ne3A_154, %ne3A_150 : i1
      %add3A_156 = arith.addi %rem3A_148, %select_n3A_147 : i32
      %select_n3A_157 = arith.select %and3A_155, %add3A_156, %rem3A_148 : i32
      %eq3A_158 = arith.constant 0 : i32
      %eq3A_159 = arith.cmpi eq, %select_n3A_157, %eq3A_158 : i32
      %convert_element_type3A_160 = arith.extui %eq3A_159 : i1 to i32
      %cond3A_161 = arith.constant 0 : i32
      %cond3A_162 = arith.cmpi ne, %convert_element_type3A_160, %cond3A_161 : i32
      scf.if %cond3A_162 {
        %add3A_185 = arith.addi %sub3A_29, %while3A_141 : i32
        %dma_wait3A = arith.constant 0 : i32
        %dma_wait3A_186 = tpu.memref_slice %arg5[%add3A_185, %dma_wait3A] : memref<48x128xi32, #tpu.memory_space<vmem>> -> memref<1x128xi32, #tpu.memory_space<vmem>>
        %dma_wait3A_187 = tpu.memref_squeeze %dma_wait3A_186 : memref<1x128xi32, #tpu.memory_space<vmem>> -> memref<128xi32, #tpu.memory_space<vmem>>
        %dma_wait3A_188 = arith.constant 0 : i32
        %dma_wait3A_189 = arith.constant 0 : i32
        %dma_wait3A_190 = tpu.memref_slice %arg2[%dma_wait3A_188, %dma_wait3A_189] : memref<10000x128xf32, #tpu.memory_space<hbm>> -> memref<10000x128xf32, #tpu.memory_space<hbm>>
        tpu.wait_indirect_dma semaphore(%arg11 : memref<!tpu.dma_semaphore, #tpu.memory_space<semaphore_mem>>) src(%dma_wait3A_190 : memref<10000x128xf32, #tpu.memory_space<hbm>>) dst(%arg7 : memref<128x128xf32, #tpu.memory_space<vmem>>)
        %add3A_191 = arith.addi %sub3A_29, %while3A_141 : i32
        "tpu.region"() ({
          %run_scoped3A_198 = tpu.sem_alloc : memref<!tpu.dma_semaphore, #tpu.memory_space<semaphore_mem>>
          %dma_start3A = arith.constant 0 : i32
          %dma_start3A_199 = tpu.memref_slice %arg6[%add3A_191, %dma_start3A] : memref<48x128xi32, #tpu.memory_space<vmem>> -> memref<1x128xi32, #tpu.memory_space<vmem>>
          %dma_start3A_200 = tpu.memref_squeeze %dma_start3A_199 : memref<1x128xi32, #tpu.memory_space<vmem>> -> memref<128xi32, #tpu.memory_space<vmem>>
          %dma_start3A_201 = arith.constant 0 : i32
          %dma_start3A_202 = arith.constant 0 : i32
          %dma_start3A_203 = tpu.memref_slice %arg10[%dma_start3A_201, %dma_start3A_202] : memref<10240x128xf32, #tpu.memory_space<vmem_shared>> -> memref<10240x128xf32, #tpu.memory_space<vmem_shared>>
          tpu.enqueue_indirect_dma source(%arg7 : memref<128x128xf32, #tpu.memory_space<vmem>>) target(%dma_start3A_203 : memref<10240x128xf32, #tpu.memory_space<vmem_shared>>) offsets(%dma_start3A_200 : memref<128xi32, #tpu.memory_space<vmem>>) semaphore(%run_scoped3A_198 : memref<!tpu.dma_semaphore, #tpu.memory_space<semaphore_mem>>) {add = true}
          %dma_wait3A_204 = arith.constant 0 : i32
          %dma_wait3A_205 = tpu.memref_slice %arg6[%add3A_191, %dma_wait3A_204] : memref<48x128xi32, #tpu.memory_space<vmem>> -> memref<1x128xi32, #tpu.memory_space<vmem>>
          %dma_wait3A_206 = tpu.memref_squeeze %dma_wait3A_205 : memref<1x128xi32, #tpu.memory_space<vmem>> -> memref<128xi32, #tpu.memory_space<vmem>>
          %dma_wait3A_207 = arith.constant 0 : i32
          %dma_wait3A_208 = arith.constant 0 : i32
          %dma_wait3A_209 = tpu.memref_slice %arg10[%dma_wait3A_207, %dma_wait3A_208] : memref<10240x128xf32, #tpu.memory_space<vmem_shared>> -> memref<10240x128xf32, #tpu.memory_space<vmem_shared>>
          tpu.wait_indirect_dma semaphore(%run_scoped3A_198 : memref<!tpu.dma_semaphore, #tpu.memory_space<semaphore_mem>>) src(%arg7 : memref<128x128xf32, #tpu.memory_space<vmem>>) dst(%dma_wait3A_209 : memref<10240x128xf32, #tpu.memory_space<vmem_shared>>)
          tpu.yield
        }) : () -> ()
        %sub3A_192 = arith.constant 2 : i32
        %sub3A_193 = arith.subi %min3A_107, %sub3A_192 : i32
        %lt3A_194 = arith.cmpi slt, %while3A_141, %sub3A_193 : i32
        %convert_element_type3A_195 = arith.extui %lt3A_194 : i1 to i32
        %cond3A_196 = arith.constant 0 : i32
        %cond3A_197 = arith.cmpi ne, %convert_element_type3A_195, %cond3A_196 : i32
        scf.if %cond3A_197 {
          %add3A_198 = arith.addi %sub3A_29, %while3A_141 : i32
          %add3A_199 = arith.constant 2 : i32
          %add3A_200 = arith.addi %add3A_198, %add3A_199 : i32
          %dma_start3A = arith.constant 0 : i32
          %dma_start3A_201 = tpu.memref_slice %arg5[%add3A_200, %dma_start3A] : memref<48x128xi32, #tpu.memory_space<vmem>> -> memref<1x128xi32, #tpu.memory_space<vmem>>
          %dma_start3A_202 = tpu.memref_squeeze %dma_start3A_201 : memref<1x128xi32, #tpu.memory_space<vmem>> -> memref<128xi32, #tpu.memory_space<vmem>>
          %dma_start3A_203 = arith.constant 0 : i32
          %dma_start3A_204 = arith.constant 0 : i32
          %dma_start3A_205 = tpu.memref_slice %arg2[%dma_start3A_203, %dma_start3A_204] : memref<10000x128xf32, #tpu.memory_space<hbm>> -> memref<10000x128xf32, #tpu.memory_space<hbm>>
          tpu.enqueue_indirect_dma source(%dma_start3A_205 : memref<10000x128xf32, #tpu.memory_space<hbm>>) target(%arg7 : memref<128x128xf32, #tpu.memory_space<vmem>>) offsets(%dma_start3A_202 : memref<128xi32, #tpu.memory_space<vmem>>) semaphore(%arg11 : memref<!tpu.dma_semaphore, #tpu.memory_space<semaphore_mem>>)
        } else {
        }
      } else {
      }
      %jit3A_163 = arith.constant 2 : i32
      %eq3A_164 = arith.constant 0 : i32
      %eq3A_165 = arith.cmpi eq, %jit3A_163, %eq3A_164 : i32
      %jit3A_166 = arith.constant 1 : i32
      %select_n3A_167 = arith.select %eq3A_165, %jit3A_166, %jit3A_163 : i32
      %rem3A_168 = arith.remsi %while3A_141, %select_n3A_167 : i32
      %ne3A_169 = arith.constant 0 : i32
      %ne3A_170 = arith.cmpi ne, %rem3A_168, %ne3A_169 : i32
      %lt3A_171 = arith.constant 0 : i32
      %lt3A_172 = arith.cmpi slt, %rem3A_168, %lt3A_171 : i32
      %lt3A_173 = arith.constant 0 : i32
      %lt3A_174 = arith.cmpi slt, %select_n3A_167, %lt3A_173 : i32
      %ne3A_175 = arith.xori %lt3A_172, %lt3A_174 : i1
      %and3A_176 = arith.andi %ne3A_175, %ne3A_170 : i1
      %add3A_177 = arith.addi %rem3A_168, %select_n3A_167 : i32
      %select_n3A_178 = arith.select %and3A_176, %add3A_177, %rem3A_168 : i32
      %eq3A_179 = arith.constant 1 : i32
      %eq3A_180 = arith.cmpi eq, %select_n3A_178, %eq3A_179 : i32
      %convert_element_type3A_181 = arith.extui %eq3A_180 : i1 to i32
      %cond3A_182 = arith.constant 0 : i32
      %cond3A_183 = arith.cmpi ne, %convert_element_type3A_181, %cond3A_182 : i32
      scf.if %cond3A_183 {
        %add3A_185 = arith.addi %sub3A_29, %while3A_141 : i32
        %dma_wait3A = arith.constant 0 : i32
        %dma_wait3A_186 = tpu.memref_slice %arg5[%add3A_185, %dma_wait3A] : memref<48x128xi32, #tpu.memory_space<vmem>> -> memref<1x128xi32, #tpu.memory_space<vmem>>
        %dma_wait3A_187 = tpu.memref_squeeze %dma_wait3A_186 : memref<1x128xi32, #tpu.memory_space<vmem>> -> memref<128xi32, #tpu.memory_space<vmem>>
        %dma_wait3A_188 = arith.constant 0 : i32
        %dma_wait3A_189 = arith.constant 0 : i32
        %dma_wait3A_190 = tpu.memref_slice %arg2[%dma_wait3A_188, %dma_wait3A_189] : memref<10000x128xf32, #tpu.memory_space<hbm>> -> memref<10000x128xf32, #tpu.memory_space<hbm>>
        tpu.wait_indirect_dma semaphore(%arg12 : memref<!tpu.dma_semaphore, #tpu.memory_space<semaphore_mem>>) src(%dma_wait3A_190 : memref<10000x128xf32, #tpu.memory_space<hbm>>) dst(%arg8 : memref<128x128xf32, #tpu.memory_space<vmem>>)
        %add3A_191 = arith.addi %sub3A_29, %while3A_141 : i32
        "tpu.region"() ({
          %run_scoped3A_198 = tpu.sem_alloc : memref<!tpu.dma_semaphore, #tpu.memory_space<semaphore_mem>>
          %dma_start3A = arith.constant 0 : i32
          %dma_start3A_199 = tpu.memref_slice %arg6[%add3A_191, %dma_start3A] : memref<48x128xi32, #tpu.memory_space<vmem>> -> memref<1x128xi32, #tpu.memory_space<vmem>>
          %dma_start3A_200 = tpu.memref_squeeze %dma_start3A_199 : memref<1x128xi32, #tpu.memory_space<vmem>> -> memref<128xi32, #tpu.memory_space<vmem>>
          %dma_start3A_201 = arith.constant 0 : i32
          %dma_start3A_202 = arith.constant 0 : i32
          %dma_start3A_203 = tpu.memref_slice %arg10[%dma_start3A_201, %dma_start3A_202] : memref<10240x128xf32, #tpu.memory_space<vmem_shared>> -> memref<10240x128xf32, #tpu.memory_space<vmem_shared>>
          tpu.enqueue_indirect_dma source(%arg8 : memref<128x128xf32, #tpu.memory_space<vmem>>) target(%dma_start3A_203 : memref<10240x128xf32, #tpu.memory_space<vmem_shared>>) offsets(%dma_start3A_200 : memref<128xi32, #tpu.memory_space<vmem>>) semaphore(%run_scoped3A_198 : memref<!tpu.dma_semaphore, #tpu.memory_space<semaphore_mem>>) {add = true}
          %dma_wait3A_204 = arith.constant 0 : i32
          %dma_wait3A_205 = tpu.memref_slice %arg6[%add3A_191, %dma_wait3A_204] : memref<48x128xi32, #tpu.memory_space<vmem>> -> memref<1x128xi32, #tpu.memory_space<vmem>>
          %dma_wait3A_206 = tpu.memref_squeeze %dma_wait3A_205 : memref<1x128xi32, #tpu.memory_space<vmem>> -> memref<128xi32, #tpu.memory_space<vmem>>
          %dma_wait3A_207 = arith.constant 0 : i32
          %dma_wait3A_208 = arith.constant 0 : i32
          %dma_wait3A_209 = tpu.memref_slice %arg10[%dma_wait3A_207, %dma_wait3A_208] : memref<10240x128xf32, #tpu.memory_space<vmem_shared>> -> memref<10240x128xf32, #tpu.memory_space<vmem_shared>>
          tpu.wait_indirect_dma semaphore(%run_scoped3A_198 : memref<!tpu.dma_semaphore, #tpu.memory_space<semaphore_mem>>) src(%arg8 : memref<128x128xf32, #tpu.memory_space<vmem>>) dst(%dma_wait3A_209 : memref<10240x128xf32, #tpu.memory_space<vmem_shared>>)
          tpu.yield
        }) : () -> ()
        %sub3A_192 = arith.constant 2 : i32
        %sub3A_193 = arith.subi %min3A_107, %sub3A_192 : i32
        %lt3A_194 = arith.cmpi slt, %while3A_141, %sub3A_193 : i32
        %convert_element_type3A_195 = arith.extui %lt3A_194 : i1 to i32
        %cond3A_196 = arith.constant 0 : i32
        %cond3A_197 = arith.cmpi ne, %convert_element_type3A_195, %cond3A_196 : i32
        scf.if %cond3A_197 {
          %add3A_198 = arith.addi %sub3A_29, %while3A_141 : i32
          %add3A_199 = arith.constant 2 : i32
          %add3A_200 = arith.addi %add3A_198, %add3A_199 : i32
          %dma_start3A = arith.constant 0 : i32
          %dma_start3A_201 = tpu.memref_slice %arg5[%add3A_200, %dma_start3A] : memref<48x128xi32, #tpu.memory_space<vmem>> -> memref<1x128xi32, #tpu.memory_space<vmem>>
          %dma_start3A_202 = tpu.memref_squeeze %dma_start3A_201 : memref<1x128xi32, #tpu.memory_space<vmem>> -> memref<128xi32, #tpu.memory_space<vmem>>
          %dma_start3A_203 = arith.constant 0 : i32
          %dma_start3A_204 = arith.constant 0 : i32
          %dma_start3A_205 = tpu.memref_slice %arg2[%dma_start3A_203, %dma_start3A_204] : memref<10000x128xf32, #tpu.memory_space<hbm>> -> memref<10000x128xf32, #tpu.memory_space<hbm>>
          tpu.enqueue_indirect_dma source(%dma_start3A_205 : memref<10000x128xf32, #tpu.memory_space<hbm>>) target(%arg8 : memref<128x128xf32, #tpu.memory_space<vmem>>) offsets(%dma_start3A_202 : memref<128xi32, #tpu.memory_space<vmem>>) semaphore(%arg12 : memref<!tpu.dma_semaphore, #tpu.memory_space<semaphore_mem>>)
        } else {
        }
      } else {
      }
      %while3A_184 = arith.constant 0 : i32
      scf.yield %while3A_184 : i32
    }
    %barrier3A_136 = arith.constant 0 : index
    tpu.barrier barrier_id(%barrier3A_136)
    %mul3A_137 = arith.constant 640 : i32
    %mul3A_138 = arith.muli %arg1, %mul3A_137 : i32
    %mul3A_139 = arith.constant 640 : i32
    %mul3A_140 = arith.muli %arg1, %mul3A_139 : i32
    "tpu.region"() ({
      %run_scoped3A_141 = tpu.sem_alloc : memref<!tpu.dma_semaphore, #tpu.memory_space<semaphore_mem>>
      %dma_start3A = arith.constant 0 : i32
      %dma_start3A_142 = tpu.memref_slice %arg4[%arg0, %mul3A_140, %dma_start3A] : memref<2x10240x128xf32, #tpu.memory_space<hbm>> -> memref<1x640x128xf32, #tpu.memory_space<hbm>>
      %dma_start3A_143 = tpu.memref_squeeze %dma_start3A_142 : memref<1x640x128xf32, #tpu.memory_space<hbm>> -> memref<640x128xf32, #tpu.memory_space<hbm>>
      %dma_start3A_144 = arith.constant 0 : i32
      %dma_start3A_145 = tpu.memref_slice %arg10[%mul3A_138, %dma_start3A_144] : memref<10240x128xf32, #tpu.memory_space<vmem_shared>> -> memref<640x128xf32, #tpu.memory_space<vmem_shared>>
      tpu.enqueue_dma source(%dma_start3A_145 : memref<640x128xf32, #tpu.memory_space<vmem_shared>>) target(%dma_start3A_143 : memref<640x128xf32, #tpu.memory_space<hbm>>) target_semaphore(%run_scoped3A_141 : memref<!tpu.dma_semaphore, #tpu.memory_space<semaphore_mem>>)
      %dma_wait3A = arith.constant 0 : i32
      %dma_wait3A_146 = tpu.memref_slice %arg4[%arg0, %mul3A_140, %dma_wait3A] : memref<2x10240x128xf32, #tpu.memory_space<hbm>> -> memref<1x640x128xf32, #tpu.memory_space<hbm>>
      %dma_wait3A_147 = tpu.memref_squeeze %dma_wait3A_146 : memref<1x640x128xf32, #tpu.memory_space<hbm>> -> memref<640x128xf32, #tpu.memory_space<hbm>>
      %dma_wait3A_148 = arith.constant 0 : i32
      %dma_wait3A_149 = tpu.memref_slice %arg10[%mul3A_138, %dma_wait3A_148] : memref<10240x128xf32, #tpu.memory_space<vmem_shared>> -> memref<640x128xf32, #tpu.memory_space<vmem_shared>>
      tpu.wait_dma2 semaphore(%run_scoped3A_141 : memref<!tpu.dma_semaphore, #tpu.memory_space<semaphore_mem>>) src(%dma_wait3A_149 : memref<640x128xf32, #tpu.memory_space<vmem_shared>>) dst(%dma_wait3A_147 : memref<640x128xf32, #tpu.memory_space<hbm>>)
      tpu.yield
    }) : () -> ()
    return
  }
}

module attributes {stable_mosaic.version = 14 : i64} {
  func.func @_tc_pre_body(%arg0: memref<10000x128xf32, #tpu.memory_space<vmem>>, %arg1: memref<128x128xf32, #tpu.memory_space<vmem>>, %arg2: memref<2x10240x128xf32, #tpu.memory_space<vmem>>, %arg3: memref<10000x128xf32, #tpu.memory_space<vmem>>) attributes {dimension_semantics = [], scalar_prefetch = 0 : i64, scratch_operands = 0 : i64, tpu.core_type = #tpu.core_type<tc>} {
    %get3A = arith.constant 0 : index
    %get3A_0 = arith.constant 0 : index
    %get3A_1 = arith.constant 0 : index
    %get3A_2 = vector.load %arg2[%get3A, %get3A_0, %get3A_1] : memref<2x10240x128xf32, #tpu.memory_space<vmem>>, vector<2x10240x128xf32>
    %slice3A = vector.extract_strided_slice %get3A_2 {offsets = [0, 0, 0], sizes = [1, 10240, 128], strides = [1, 1, 1]} : vector<2x10240x128xf32> to vector<1x10240x128xf32>
    %squeeze3A = vector.shape_cast %slice3A : vector<1x10240x128xf32> to vector<10240x128xf32>
    %slice3A_3 = vector.extract_strided_slice %get3A_2 {offsets = [1, 0, 0], sizes = [1, 10240, 128], strides = [1, 1, 1]} : vector<2x10240x128xf32> to vector<1x10240x128xf32>
    %squeeze3A_4 = vector.shape_cast %slice3A_3 : vector<1x10240x128xf32> to vector<10240x128xf32>
    %add3A = arith.addf %squeeze3A, %squeeze3A_4 : vector<10240x128xf32>
    %slice3A_5 = vector.extract_strided_slice %add3A {offsets = [0, 0], sizes = [10000, 1], strides = [1, 1]} : vector<10240x128xf32> to vector<10000x1xf32>
    %gt3A = arith.constant 0.000000e+00 : f32
    %gt3A_6 = vector.broadcast %gt3A : f32 to vector<10000x1xf32>
    %gt3A_7 = arith.cmpf ogt, %slice3A_5, %gt3A_6 : vector<10000x1xf32>
    %max3A = arith.constant 9.99999996E-13 : f32
    %max3A_8 = vector.broadcast %max3A : f32 to vector<10000x1xf32>
    %max3A_9 = arith.maximumf %slice3A_5, %max3A_8 : vector<10000x1xf32>
    %rsqrt3A = math.rsqrt %max3A_9 : vector<10000x1xf32>
    %jit3A = arith.constant 0.000000e+00 : f32
    %broadcast_in_dim3A = vector.broadcast %jit3A : f32 to vector<10000x1xf32>
    %select_n3A = arith.select %gt3A_7, %rsqrt3A, %broadcast_in_dim3A : vector<10000x1xi1>, vector<10000x1xf32>
    %get3A_10 = arith.constant 0 : index
    %get3A_11 = arith.constant 0 : index
    %get3A_12 = vector.load %arg0[%get3A_10, %get3A_11] : memref<10000x128xf32, #tpu.memory_space<vmem>>, vector<10000x128xf32>
    %get3A_13 = arith.constant 0 : index
    %get3A_14 = arith.constant 0 : index
    %get3A_15 = vector.load %arg1[%get3A_13, %get3A_14] : memref<128x128xf32, #tpu.memory_space<vmem>>, vector<128x128xf32>
    %dot_general3A = arith.constant dense<0.000000e+00> : vector<10000x128xf32>
    %dot_general3A_16 = tpu.matmul %get3A_12, %get3A_15, %dot_general3A {dimension_numbers = #tpu.dot_dimension_numbers<[1], [0], [0], [1], [0, 0, 1, 1], [], []>, transpose_lhs_hint = false} : vector<10000x128xf32>, vector<128x128xf32>, vector<10000x128xf32> -> vector<10000x128xf32>
    %mul3A = vector.broadcast %select_n3A : vector<10000x1xf32> to vector<10000x128xf32>
    %mul3A_17 = arith.mulf %dot_general3A_16, %mul3A : vector<10000x128xf32>
    %swap3A = arith.constant 0 : index
    %swap3A_18 = arith.constant 0 : index
    %swap3A_19 = vector.load %arg3[%swap3A, %swap3A_18] : memref<10000x128xf32, #tpu.memory_space<vmem>>, vector<10000x128xf32>
    tpu.vector_store %arg3[%swap3A, %swap3A_18], %mul3A_17 {strides = array<i32>} : memref<10000x128xf32, #tpu.memory_space<vmem>>, vector<10000x128xf32>,
    return
  }
}

module attributes {stable_mosaic.version = 14 : i64} {
  func.func @_tc_mid_body(%arg0: memref<2x10240x128xf32, #tpu.memory_space<vmem>>, %arg1: memref<2x10240x128xf32, #tpu.memory_space<vmem>>, %arg2: memref<1x128xf32, #tpu.memory_space<vmem>>, %arg3: memref<1x128xf32, #tpu.memory_space<vmem>>, %arg4: memref<1x128xf32, #tpu.memory_space<vmem>>, %arg5: memref<128x128xf32, #tpu.memory_space<vmem>>, %arg6: memref<10000x128xf32, #tpu.memory_space<vmem>>) attributes {dimension_semantics = [], scalar_prefetch = 0 : i64, scratch_operands = 0 : i64, tpu.core_type = #tpu.core_type<tc>} {
    %get3A = arith.constant 0 : index
    %get3A_0 = arith.constant 0 : index
    %get3A_1 = arith.constant 0 : index
    %get3A_2 = vector.load %arg0[%get3A, %get3A_0, %get3A_1] : memref<2x10240x128xf32, #tpu.memory_space<vmem>>, vector<2x10240x128xf32>
    %get3A_3 = arith.constant 0 : index
    %get3A_4 = arith.constant 0 : index
    %get3A_5 = arith.constant 0 : index
    %get3A_6 = vector.load %arg1[%get3A_3, %get3A_4, %get3A_5] : memref<2x10240x128xf32, #tpu.memory_space<vmem>>, vector<2x10240x128xf32>
    %get3A_7 = arith.constant 0 : index
    %get3A_8 = arith.constant 0 : index
    %get3A_9 = vector.load %arg2[%get3A_7, %get3A_8] : memref<1x128xf32, #tpu.memory_space<vmem>>, vector<1x128xf32>
    %get3A_10 = arith.constant 0 : index
    %get3A_11 = arith.constant 0 : index
    %get3A_12 = vector.load %arg3[%get3A_10, %get3A_11] : memref<1x128xf32, #tpu.memory_space<vmem>>, vector<1x128xf32>
    %get3A_13 = arith.constant 0 : index
    %get3A_14 = arith.constant 0 : index
    %get3A_15 = vector.load %arg4[%get3A_13, %get3A_14] : memref<1x128xf32, #tpu.memory_space<vmem>>, vector<1x128xf32>
    %slice3A = vector.extract_strided_slice %get3A_6 {offsets = [0, 0, 0], sizes = [1, 10240, 128], strides = [1, 1, 1]} : vector<2x10240x128xf32> to vector<1x10240x128xf32>
    %squeeze3A = vector.shape_cast %slice3A : vector<1x10240x128xf32> to vector<10240x128xf32>
    %slice3A_16 = vector.extract_strided_slice %get3A_6 {offsets = [1, 0, 0], sizes = [1, 10240, 128], strides = [1, 1, 1]} : vector<2x10240x128xf32> to vector<1x10240x128xf32>
    %squeeze3A_17 = vector.shape_cast %slice3A_16 : vector<1x10240x128xf32> to vector<10240x128xf32>
    %add3A = arith.addf %squeeze3A, %squeeze3A_17 : vector<10240x128xf32>
    %slice3A_18 = vector.extract_strided_slice %add3A {offsets = [0, 0], sizes = [10000, 1], strides = [1, 1]} : vector<10240x128xf32> to vector<10000x1xf32>
    %gt3A = arith.constant 0.000000e+00 : f32
    %gt3A_19 = vector.broadcast %gt3A : f32 to vector<10000x1xf32>
    %gt3A_20 = arith.cmpf ogt, %slice3A_18, %gt3A_19 : vector<10000x1xf32>
    %max3A = arith.constant 9.99999996E-13 : f32
    %max3A_21 = vector.broadcast %max3A : f32 to vector<10000x1xf32>
    %max3A_22 = arith.maximumf %slice3A_18, %max3A_21 : vector<10000x1xf32>
    %rsqrt3A = math.rsqrt %max3A_22 : vector<10000x1xf32>
    %jit3A = arith.constant 0.000000e+00 : f32
    %broadcast_in_dim3A = vector.broadcast %jit3A : f32 to vector<10000x1xf32>
    %select_n3A = arith.select %gt3A_20, %rsqrt3A, %broadcast_in_dim3A : vector<10000x1xi1>, vector<10000x1xf32>
    %slice3A_23 = vector.extract_strided_slice %get3A_2 {offsets = [0, 0, 0], sizes = [1, 10000, 128], strides = [1, 1, 1]} : vector<2x10240x128xf32> to vector<1x10000x128xf32>
    %squeeze3A_24 = vector.shape_cast %slice3A_23 : vector<1x10000x128xf32> to vector<10000x128xf32>
    %slice3A_25 = vector.extract_strided_slice %get3A_2 {offsets = [1, 0, 0], sizes = [1, 10000, 128], strides = [1, 1, 1]} : vector<2x10240x128xf32> to vector<1x10000x128xf32>
    %squeeze3A_26 = vector.shape_cast %slice3A_25 : vector<1x10000x128xf32> to vector<10000x128xf32>
    %add3A_27 = arith.addf %squeeze3A_24, %squeeze3A_26 : vector<10000x128xf32>
    %mul3A = vector.broadcast %select_n3A : vector<10000x1xf32> to vector<10000x128xf32>
    %mul3A_28 = arith.mulf %add3A_27, %mul3A : vector<10000x128xf32>
    %add3A_29 = vector.broadcast %get3A_9 : vector<1x128xf32> to vector<10000x128xf32>
    %add3A_30 = arith.addf %mul3A_28, %add3A_29 : vector<10000x128xf32>
    %reduce_sum3A = arith.constant dense<0.000000e+00> : vector<128xf32>
    %reduce_sum3A_31 = vector.multi_reduction <add>, %add3A_30, %reduce_sum3A [0] : vector<10000x128xf32> to vector<128xf32>
    %broadcast_in_dim3A_32 = vector.shape_cast %reduce_sum3A_31 : vector<128xf32> to vector<1x128xf32>
    %div3A = arith.constant 1.000000e+04 : f32
    %div3A_33 = vector.broadcast %div3A : f32 to vector<1x128xf32>
    %div3A_34 = arith.divf %broadcast_in_dim3A_32, %div3A_33 : vector<1x128xf32>
    %sub3A = vector.broadcast %div3A_34 : vector<1x128xf32> to vector<10000x128xf32>
    %sub3A_35 = arith.subf %add3A_30, %sub3A : vector<10000x128xf32>
    %mul3A_36 = arith.mulf %sub3A_35, %sub3A_35 : vector<10000x128xf32>
    %reduce_sum3A_37 = arith.constant dense<0.000000e+00> : vector<128xf32>
    %reduce_sum3A_38 = vector.multi_reduction <add>, %mul3A_36, %reduce_sum3A_37 [0] : vector<10000x128xf32> to vector<128xf32>
    %broadcast_in_dim3A_39 = vector.shape_cast %reduce_sum3A_38 : vector<128xf32> to vector<1x128xf32>
    %div3A_40 = arith.constant 1.000000e+04 : f32
    %div3A_41 = vector.broadcast %div3A_40 : f32 to vector<1x128xf32>
    %div3A_42 = arith.divf %broadcast_in_dim3A_39, %div3A_41 : vector<1x128xf32>
    %add3A_43 = arith.constant 9.99999974E-6 : f32
    %add3A_44 = vector.broadcast %add3A_43 : f32 to vector<1x128xf32>
    %add3A_45 = arith.addf %div3A_42, %add3A_44 : vector<1x128xf32>
    %rsqrt3A_46 = math.rsqrt %add3A_45 : vector<1x128xf32>
    %mul3A_47 = vector.broadcast %rsqrt3A_46 : vector<1x128xf32> to vector<10000x128xf32>
    %mul3A_48 = arith.mulf %sub3A_35, %mul3A_47 : vector<10000x128xf32>
    %mul3A_49 = vector.broadcast %get3A_12 : vector<1x128xf32> to vector<10000x128xf32>
    %mul3A_50 = arith.mulf %mul3A_48, %mul3A_49 : vector<10000x128xf32>
    %add3A_51 = vector.broadcast %get3A_15 : vector<1x128xf32> to vector<10000x128xf32>
    %add3A_52 = arith.addf %mul3A_50, %add3A_51 : vector<10000x128xf32>
    %max3A_53 = arith.constant 0.000000e+00 : f32
    %max3A_54 = vector.broadcast %max3A_53 : f32 to vector<10000x128xf32>
    %max3A_55 = arith.maximumf %add3A_52, %max3A_54 : vector<10000x128xf32>
    %get3A_56 = arith.constant 0 : index
    %get3A_57 = arith.constant 0 : index
    %get3A_58 = vector.load %arg5[%get3A_56, %get3A_57] : memref<128x128xf32, #tpu.memory_space<vmem>>, vector<128x128xf32>
    %dot_general3A = arith.constant dense<0.000000e+00> : vector<10000x128xf32>
    %dot_general3A_59 = tpu.matmul %max3A_55, %get3A_58, %dot_general3A {dimension_numbers = #tpu.dot_dimension_numbers<[1], [0], [0], [1], [0, 0, 1, 1], [], []>, transpose_lhs_hint = false} : vector<10000x128xf32>, vector<128x128xf32>, vector<10000x128xf32> -> vector<10000x128xf32>
    %mul3A_60 = vector.broadcast %select_n3A : vector<10000x1xf32> to vector<10000x128xf32>
    %mul3A_61 = arith.mulf %dot_general3A_59, %mul3A_60 : vector<10000x128xf32>
    %swap3A = arith.constant 0 : index
    %swap3A_62 = arith.constant 0 : index
    %swap3A_63 = vector.load %arg6[%swap3A, %swap3A_62] : memref<10000x128xf32, #tpu.memory_space<vmem>>, vector<10000x128xf32>
    tpu.vector_store %arg6[%swap3A, %swap3A_62], %mul3A_61 {strides = array<i32>} : memref<10000x128xf32, #tpu.memory_space<vmem>>, vector<10000x128xf32>,
    return
  }
}

module attributes {stable_mosaic.version = 14 : i64} {
  func.func @_tc_post_body(%arg0: memref<2x10240x128xf32, #tpu.memory_space<vmem>>, %arg1: memref<2x10240x128xf32, #tpu.memory_space<vmem>>, %arg2: memref<1x128xf32, #tpu.memory_space<vmem>>, %arg3: memref<1x128xf32, #tpu.memory_space<vmem>>, %arg4: memref<1x128xf32, #tpu.memory_space<vmem>>, %arg5: memref<10000x128xf32, #tpu.memory_space<vmem>>) attributes {dimension_semantics = [], scalar_prefetch = 0 : i64, scratch_operands = 0 : i64, tpu.core_type = #tpu.core_type<tc>} {
    %get3A = arith.constant 0 : index
    %get3A_0 = arith.constant 0 : index
    %get3A_1 = arith.constant 0 : index
    %get3A_2 = vector.load %arg0[%get3A, %get3A_0, %get3A_1] : memref<2x10240x128xf32, #tpu.memory_space<vmem>>, vector<2x10240x128xf32>
    %get3A_3 = arith.constant 0 : index
    %get3A_4 = arith.constant 0 : index
    %get3A_5 = arith.constant 0 : index
    %get3A_6 = vector.load %arg1[%get3A_3, %get3A_4, %get3A_5] : memref<2x10240x128xf32, #tpu.memory_space<vmem>>, vector<2x10240x128xf32>
    %get3A_7 = arith.constant 0 : index
    %get3A_8 = arith.constant 0 : index
    %get3A_9 = vector.load %arg2[%get3A_7, %get3A_8] : memref<1x128xf32, #tpu.memory_space<vmem>>, vector<1x128xf32>
    %get3A_10 = arith.constant 0 : index
    %get3A_11 = arith.constant 0 : index
    %get3A_12 = vector.load %arg3[%get3A_10, %get3A_11] : memref<1x128xf32, #tpu.memory_space<vmem>>, vector<1x128xf32>
    %get3A_13 = arith.constant 0 : index
    %get3A_14 = arith.constant 0 : index
    %get3A_15 = vector.load %arg4[%get3A_13, %get3A_14] : memref<1x128xf32, #tpu.memory_space<vmem>>, vector<1x128xf32>
    %slice3A = vector.extract_strided_slice %get3A_6 {offsets = [0, 0, 0], sizes = [1, 10240, 128], strides = [1, 1, 1]} : vector<2x10240x128xf32> to vector<1x10240x128xf32>
    %squeeze3A = vector.shape_cast %slice3A : vector<1x10240x128xf32> to vector<10240x128xf32>
    %slice3A_16 = vector.extract_strided_slice %get3A_6 {offsets = [1, 0, 0], sizes = [1, 10240, 128], strides = [1, 1, 1]} : vector<2x10240x128xf32> to vector<1x10240x128xf32>
    %squeeze3A_17 = vector.shape_cast %slice3A_16 : vector<1x10240x128xf32> to vector<10240x128xf32>
    %add3A = arith.addf %squeeze3A, %squeeze3A_17 : vector<10240x128xf32>
    %slice3A_18 = vector.extract_strided_slice %add3A {offsets = [0, 0], sizes = [10000, 1], strides = [1, 1]} : vector<10240x128xf32> to vector<10000x1xf32>
    %gt3A = arith.constant 0.000000e+00 : f32
    %gt3A_19 = vector.broadcast %gt3A : f32 to vector<10000x1xf32>
    %gt3A_20 = arith.cmpf ogt, %slice3A_18, %gt3A_19 : vector<10000x1xf32>
    %max3A = arith.constant 9.99999996E-13 : f32
    %max3A_21 = vector.broadcast %max3A : f32 to vector<10000x1xf32>
    %max3A_22 = arith.maximumf %slice3A_18, %max3A_21 : vector<10000x1xf32>
    %rsqrt3A = math.rsqrt %max3A_22 : vector<10000x1xf32>
    %jit3A = arith.constant 0.000000e+00 : f32
    %broadcast_in_dim3A = vector.broadcast %jit3A : f32 to vector<10000x1xf32>
    %select_n3A = arith.select %gt3A_20, %rsqrt3A, %broadcast_in_dim3A : vector<10000x1xi1>, vector<10000x1xf32>
    %slice3A_23 = vector.extract_strided_slice %get3A_2 {offsets = [0, 0, 0], sizes = [1, 10000, 128], strides = [1, 1, 1]} : vector<2x10240x128xf32> to vector<1x10000x128xf32>
    %squeeze3A_24 = vector.shape_cast %slice3A_23 : vector<1x10000x128xf32> to vector<10000x128xf32>
    %slice3A_25 = vector.extract_strided_slice %get3A_2 {offsets = [1, 0, 0], sizes = [1, 10000, 128], strides = [1, 1, 1]} : vector<2x10240x128xf32> to vector<1x10000x128xf32>
    %squeeze3A_26 = vector.shape_cast %slice3A_25 : vector<1x10000x128xf32> to vector<10000x128xf32>
    %add3A_27 = arith.addf %squeeze3A_24, %squeeze3A_26 : vector<10000x128xf32>
    %mul3A = vector.broadcast %select_n3A : vector<10000x1xf32> to vector<10000x128xf32>
    %mul3A_28 = arith.mulf %add3A_27, %mul3A : vector<10000x128xf32>
    %add3A_29 = vector.broadcast %get3A_9 : vector<1x128xf32> to vector<10000x128xf32>
    %add3A_30 = arith.addf %mul3A_28, %add3A_29 : vector<10000x128xf32>
    %reduce_sum3A = arith.constant dense<0.000000e+00> : vector<128xf32>
    %reduce_sum3A_31 = vector.multi_reduction <add>, %add3A_30, %reduce_sum3A [0] : vector<10000x128xf32> to vector<128xf32>
    %broadcast_in_dim3A_32 = vector.shape_cast %reduce_sum3A_31 : vector<128xf32> to vector<1x128xf32>
    %div3A = arith.constant 1.000000e+04 : f32
    %div3A_33 = vector.broadcast %div3A : f32 to vector<1x128xf32>
    %div3A_34 = arith.divf %broadcast_in_dim3A_32, %div3A_33 : vector<1x128xf32>
    %sub3A = vector.broadcast %div3A_34 : vector<1x128xf32> to vector<10000x128xf32>
    %sub3A_35 = arith.subf %add3A_30, %sub3A : vector<10000x128xf32>
    %mul3A_36 = arith.mulf %sub3A_35, %sub3A_35 : vector<10000x128xf32>
    %reduce_sum3A_37 = arith.constant dense<0.000000e+00> : vector<128xf32>
    %reduce_sum3A_38 = vector.multi_reduction <add>, %mul3A_36, %reduce_sum3A_37 [0] : vector<10000x128xf32> to vector<128xf32>
    %broadcast_in_dim3A_39 = vector.shape_cast %reduce_sum3A_38 : vector<128xf32> to vector<1x128xf32>
    %div3A_40 = arith.constant 1.000000e+04 : f32
    %div3A_41 = vector.broadcast %div3A_40 : f32 to vector<1x128xf32>
    %div3A_42 = arith.divf %broadcast_in_dim3A_39, %div3A_41 : vector<1x128xf32>
    %add3A_43 = arith.constant 9.99999974E-6 : f32
    %add3A_44 = vector.broadcast %add3A_43 : f32 to vector<1x128xf32>
    %add3A_45 = arith.addf %div3A_42, %add3A_44 : vector<1x128xf32>
    %rsqrt3A_46 = math.rsqrt %add3A_45 : vector<1x128xf32>
    %mul3A_47 = vector.broadcast %rsqrt3A_46 : vector<1x128xf32> to vector<10000x128xf32>
    %mul3A_48 = arith.mulf %sub3A_35, %mul3A_47 : vector<10000x128xf32>
    %mul3A_49 = vector.broadcast %get3A_12 : vector<1x128xf32> to vector<10000x128xf32>
    %mul3A_50 = arith.mulf %mul3A_48, %mul3A_49 : vector<10000x128xf32>
    %add3A_51 = vector.broadcast %get3A_15 : vector<1x128xf32> to vector<10000x128xf32>
    %add3A_52 = arith.addf %mul3A_50, %add3A_51 : vector<10000x128xf32>
    %max3A_53 = arith.constant 0.000000e+00 : f32
    %max3A_54 = vector.broadcast %max3A_53 : f32 to vector<10000x128xf32>
    %max3A_55 = arith.maximumf %add3A_52, %max3A_54 : vector<10000x128xf32>
    %swap3A = arith.constant 0 : index
    %swap3A_56 = arith.constant 0 : index
    %swap3A_57 = vector.load %arg5[%swap3A, %swap3A_56] : memref<10000x128xf32, #tpu.memory_space<vmem>>, vector<10000x128xf32>
    tpu.vector_store %arg5[%swap3A, %swap3A_56], %max3A_55 {strides = array<i32>} : memref<10000x128xf32, #tpu.memory_space<vmem>>, vector<10000x128xf32>,
    return
  }
}

</mosaic_0001>

<sc_bundles>
// kernel: kernel.10.cloned.1.call-start
scs
__scs_entry_jumppad:
0x0: {  	(pc) =	sbr.rel $0x88, $3  }
0x1: {  	(tag) =	ssettag $0x0;
	lr =	simm.s32 $0x1  }
0x2: {  	[smem:$0x3F93] =	sst lr;
	_ =	strace $0xD0000000  }
0x3: {  	_ = 	snop  }
0x4: {  	_ = 	snop  }
0x5: {  	_ = 	snop  }
0x6: {  	_ = 	snop  }
0x7: {  	_ = 	snop  }
__scs_overlays_trampoline_lowered:
0x8: {  	[smem:$0x3FA2] =	sst s0  }
0x9: {  	[smem:$0x3FA3] =	sst s1  }
0xa: {  	[smem:$0x3FA4] =	sst s2  }
0xb: {  	[smem:$0x3FA5] =	sst s3  }
0xc: {  	[smem:$0x3FA6] =	sst s4  }
0xd: {  	[smem:$0x3FA7] =	sst s5  }
0xe: {  	[smem:$0x3FA8] =	sst s6  }
0xf: {  	[smem:$0x3FA9] =	sst s7  }
0x10: {  	[smem:$0x3FAA] =	sst s8  }
0x11: {  	[smem:$0x3FAB] =	sst s9;
	s0 =	simm.s32 @!p0 $0x0  }
0x12: {  	s1 =	sld [smem:$0x3F91];
	s0 =	simm.s32 @p0 $0x1  }
0x13: {  	[smem:$0x3FAC] =	sst s0;
	s0 =	simm.s32 @!p1 $0x0  }
0x14: {  	s2 =	sld [smem:$0x3F90];
	s0 =	simm.s32 @p1 $0x1  }
0x15: {  	[smem:$0x3FAD] =	sst s0;
	s0 =	simm.s32 @!p2 $0x0  }
0x16: {  	s3 =	sld [smem:$0x3FDB];
	s0 =	simm.s32 @p2 $0x1  }
0x17: {  	s4 =	simm.s32 $0x1BF5;
	[smem:$0x3FAF] =	sst s0  }
0x18: {  	s0 =	sld [smem:$0x3F92];
	_ =	swait.ge [sflag:s4], $0x0  }
0x19: {  	s7 =	sld [smem:$0x3F93]  }
0x1a: {  	s8 =	sadd.s32 $0xFFFFE003, lr  }
0x1b: {  	s9 =	sadd.s32 $0xFFFFFEF7, lr;
	s5 =	simm.s32 $0xFFFFFFFF;
	p2 =	slt.u32 s8, $0xFFFFF086  }
0x1c: {  	p1 =	slt.u32 s9, $0xF7A;
	s5 =	simm.s32 @!p2 $0x0  }
0x1d: {  	s5 =	simm.s32 @p1 $0x1;
	p0 =	seq.s32 s7, s2  }
0x1e: {  	s7 =	smul.u32 @!p0 $0xF7A, s2;
	p2 =	seq.s32 @!p0 s5, $0x0  }
0x1f: {  	s9 =	smul.u32 $0xF7A, s1;
	s8 =	simm.s32 @!p0 $0x1BF5;
	p2 =	por !p2, p0  }
0x20: {  	[sflag:s8] =	ssyncset.s32 @!p0 $0xFFFFF086;
	s6 =	sadd.s32 @!p0 s3, s7;
	s7 =	simm.s32 @!p0 $0x108  }
0x21: {  	s3 =	sadd.s32 s3, s9;
	s6 =	sadd.s32 @!p0 $0x88, s6;
	s7 =	simm.s32 @p2 $0x1082  }
0x22: {  	[simem:s7], [sflag:s8] =	dma.local @!p0 [hbm:s6], $0xF7A  }
0x23: {  	s9 =	sor.u32 $0xD0000000, s2;
	s6 =	simm.s32 $0x108;
	_ =	swait.ge @!p0 [sflag:s8], $0x0  }
0x24: {  	s3 =	sadd.s32 $0x88, s3;
	s6 =	simm.s32 @!p1 $0x1082;
	[sflag:s4] =	ssyncset.s32 $0xFFFFF086  }
0x25: {  	[simem:s6], [sflag:s4] =	dma.local [hbm:s3], $0xF7A  }
0x26: {  	[smem:$0x3F93] =	sst s1;
	(tag) =	ssettag s2;
	_ =	strace s9  }
0x27: {  	s1 =	sld [smem:$0x3FA3]  }
0x28: {  	s2 =	sld [smem:$0x3FA4]  }
0x29: {  	s4 =	sld [smem:$0x3FA6]  }
0x2a: {  	p0 =	seq.s32 s5, $0x0;
	s5 =	sld [smem:$0x3FA7]  }
0x2b: {  	s6 =	sld [smem:$0x3FA8]  }
0x2c: {  	s7 =	sld [smem:$0x3FA9]  }
0x2d: {  	s3 =	simm.s32 $0x108;
	s8 =	sld [smem:$0x3FAA]  }
0x2e: {  	s3 =	simm.s32 @!p0 $0x1082;
	s9 =	sld [smem:$0x3FAB]  }
0x2f: {  	lr =	sadd.s32 s0, s3;
	s0 =	sld [smem:$0x3FA2]  }
0x30: {  	s3 =	sld [smem:$0x3FA5]  }
0x31: {  	[smem:$0x3FAE] =	sst s10  }
0x32: {  	s10 =	sld [smem:$0x3FAC];
	_ =	sdelay $0x3  }
0x33: {  	p0 =	seq.s32 s10, $0x1;
	s10 =	sld [smem:$0x3FAE];
	_ =	sdelay $0x3  }
0x34: {  	[smem:$0x3FAE] =	sst s10  }
0x35: {  	s10 =	sld [smem:$0x3FAD];
	_ =	sdelay $0x3  }
0x36: {  	p1 =	seq.s32 s10, $0x1;
	s10 =	sld [smem:$0x3FAE];
	_ =	sdelay $0x3  }
0x37: {  	[smem:$0x3FAE] =	sst s10  }
0x38: {  	s10 =	sld [smem:$0x3FAF]  }
0x39: {  	_ = 	snop;
	(pc) =	sbr.ind lr, $3  }
0x3a: {  	_ = 	snop  }
0x3b: {  	_ = 	snop  }
0x3c: {  	p2 =	seq.s32 s10, $0x1;
	s10 =	sld [smem:$0x3FAE]  }
0x3d: {  	_ =	shalt  }
0x3e: {  	_ =	shalt  }
0x3f: {  	_ =	shalt  }
0x40: {  	_ =	shalt  }
0x41: {  	_ =	shalt  }
0x42: {  	_ =	shalt  }
0x43: {  	_ =	shalt  }
0x44: {  	_ =	shalt  }
0x45: {  	_ =	shalt  }
0x46: {  	_ =	shalt  }
0x47: {  	_ =	shalt  }
0x48: {  	_ =	shalt  }
0x49: {  	_ =	shalt  }
0x4a: {  	_ =	shalt  }
0x4b: {  	_ =	shalt  }
0x4c: {  	_ =	shalt  }
0x4d: {  	_ =	shalt  }
0x4e: {  	_ =	shalt  }
0x4f: {  	_ =	shalt  }
0x50: {  	_ =	shalt  }
0x51: {  	_ =	shalt  }
0x52: {  	_ =	shalt  }
0x53: {  	_ =	shalt  }
0x54: {  	_ =	shalt  }
0x55: {  	_ =	shalt  }
0x56: {  	_ =	shalt  }
0x57: {  	_ =	shalt  }
0x58: {  	_ =	shalt  }
0x59: {  	_ =	shalt  }
0x5a: {  	_ =	shalt  }
0x5b: {  	_ =	shalt  }
0x5c: {  	_ =	shalt  }
0x5d: {  	_ =	shalt  }
0x5e: {  	_ =	shalt  }
0x5f: {  	_ =	shalt  }
0x60: {  	_ =	shalt  }
0x61: {  	_ =	shalt  }
0x62: {  	_ =	shalt  }
0x63: {  	_ =	shalt  }
0x64: {  	_ =	shalt  }
0x65: {  	_ =	shalt  }
0x66: {  	_ =	shalt  }
0x67: {  	_ =	shalt  }
0x68: {  	_ =	shalt  }
0x69: {  	_ =	shalt  }
0x6a: {  	_ =	shalt  }
0x6b: {  	_ =	shalt  }
0x6c: {  	_ =	shalt  }
0x6d: {  	_ =	shalt  }
0x6e: {  	_ =	shalt  }
0x6f: {  	_ =	shalt  }
0x70: {  	_ =	shalt  }
0x71: {  	_ =	shalt  }
0x72: {  	_ =	shalt  }
0x73: {  	_ =	shalt  }
0x74: {  	_ =	shalt  }
0x75: {  	_ =	shalt  }
0x76: {  	_ =	shalt  }
0x77: {  	_ =	shalt  }
0x78: {  	_ =	shalt  }
0x79: {  	_ =	shalt  }
0x7a: {  	_ =	shalt  }
0x7b: {  	_ =	shalt  }
0x7c: {  	_ =	shalt  }
0x7d: {  	_ =	shalt  }
0x7e: {  	_ =	shalt  }
0x7f: {  	_ =	shalt  }
0x80: {  	_ =	shalt  }
0x81: {  	_ =	shalt  }
0x82: {  	_ =	shalt  }
0x83: {  	_ =	shalt  }
0x84: {  	_ =	shalt  }
0x85: {  	_ =	shalt  }
0x86: {  	_ =	shalt  }
0x87: {  	_ =	shalt  }
.Lfunc_end0:
.L_simem_size_0:
called_computation_lowered:
.L_overlay_start_0:
0x88: {  	s2 =	sld [smem:$0x3FD9]  }
0x89: {  	s3 =	sld [smem:$0x3FFE];
	_ =	sdelay $0x1  }
0x8a: {  	s1 =	srdreg.scid  }
0x8b: {  	s0 =	sand.u32 $0x1, s1  }
0x8c: {  	s16 =	sshll.u32 s0, $0xA;
	s2 =	sadd.s32 s3, s2  }
0x8d: {  	s2 =	sadd.s32 s2, s16  }
0x8e: {  	[smem:$0x3FBA] =	sst s2  }
0x8f: {  	_ = 	snop  }
0x90: {  	(tm) =	ssettm $0x1  }
0x91: {  	s17 =	sld [smem:$0x3FFB];
	_ =	sdelay $0x3  }
0x92: {  	_ =	strace s17  }
0x93: {  	s2 =	sld [smem:$0x3FFC];
	_ =	sdelay $0x3  }
0x94: {  	_ =	strace s2  }
0x95: {  	s2 =	sld [smem:$0x3FFD];
	_ =	sdelay $0x3  }
0x96: {  	_ =	strace s2  }
0x97: {  	_ =	strace $0x8FFFFFFF  }
0x98: {  	s18 =	sld [smem:$0x3FDB];
	_ =	sdelay $0x1  }
0x99: {  	s19 =	simm.s32 $_scs_section_size  }
0x9a: {  	s4 =	simm.s32 $_size__tile_overlayer_lowered;
	s5 =	simm.s32 $_tile_overlayer_lowered  }
0x9b: {  	s22 =	simm.s32 $0x1BFF;
	s21 =	sshll.u32 s5, $0x1;
	s2 =	sadd.s32 s19, s18  }
0x9c: {  	s6 =	simm.s32 $0x0;
	s20 =	sshll.u32 s4, $0x1;
	s4 =	sadd.s32 s21, s2  }
0x9d: {  	[timem:s6], [sflag:s22] =	dma.local [hbm:s4], s20  }
0x9e: {  	_ =	swait.ge [sflag:s22], s20  }
0x9f: {  	s3 =	ssub.s32 $0x0, s20;
	[sflag:s22] =	ssyncset.done $0x0  }
0xa0: {  	[sflag:s22] =	ssyncadd.s32 s3;
	_ =	sdelay $0x1  }
0xa1: {  	s23 =	simm.s32 $0x1B8B  }
0xa2: {  	_ =	swait.ge [sflag:s23], $0x1  }
0xa3: {  	[sflag:s23] =	ssyncset.done $0x0  }
0xa4: {  	s25 =	simm.s32 $0x1B8E;
	s24 =	sld [smem:$0x3FFE];
	[sflag:s23] =	ssyncadd.s32 $0xFFFFFFFF  }
0xa5: {  	s26 =	simm.s32 $execute0_lowered;
	[smem:$0x3FD2] =	sst s25  }
0xa6: {  	s4 =	sshll.u32 s26, $0x1;
	_ =	strace $0x80000046;
	[dreg:$0x1] =	wrdreg $0xFFFFFFFF  }
0xa7: {  	s28 =	simm.s32 $_size_execute0_lowered;
	s2 =	sadd.s32 s2, s4;
	[dreg:$0x0] =	wrdreg $0x0  }
0xa8: {  	s4 =	sshll.u32 s28, $0x1;
	[dreg:$0x2] =	wrdreg s2  }
0xa9: {  	[dreg:$0x3] =	wrdreg s4  }
0xaa: {  	[dreg:$0x4] =	wrdreg $0xC0  }
0xab: {  	_ =	task [dreg:s6], $0x5FFFF  }
0xac: {  	[dreg:$0x1] =	wrdreg $0xFFFFFFFF  }
0xad: {  	[dreg:$0x0] =	wrdreg $0x60  }
0xae: {  	[dreg:$0x2] =	wrdreg s24  }
0xaf: {  	[dreg:$0x3] =	wrdreg $0x74000  }
0xb0: {  	[dreg:$0x4] =	wrdreg $0x9  }
0xb1: {  	_ =	task.clear_ibuf [dreg:s6], $0x5FFFF;
	_ =	strace $0x90000046  }
0xb2: {  	s29 =	simm.s32 $0x9;
	_ =	strace $0x80000048  }
0xb3: {  	_ =	swait.ge [sflag:s29], $0x1  }
0xb4: {  	[sflag:s29] =	ssyncadd.s32 $0xFFFFFFFF  }
0xb5: {  	_ =	strace $0x90000048  }
0xb6: {  	_ =	sfence  }
0xb7: {  	s30 =	sld [smem:$0x0];
	_ =	sdelay $0x2  }
0xb8: {  	s31 =	sshll.u32 s1, $0xD;
	s1 =	sshrl.u32 s1, $0x2  }
0xb9: {  	s3 =	sand.u32 $0x4000, s31;
	s1 =	sadd.s32 s1, s30  }
0xba: {  	s0 =	sor.u32 s3, s0;
	s1 =	sshll.u32 s1, $0x11  }
0xbb: {  	s0 =	sor.u32 s1, s0  }
0xbc: {  	s0 =	sadd.s32 $0x8F2B, s0  }
0xbd: {  	[sflag:s0] =	ssyncadd.remote.s32 $0x1  }
0xbe: {  	_ =	sfence.sel $0xFFFF  }
0xbf: {  	[dreg:$0x0] =	wrdreg $0xFFFFFFFF;
	(pc) =	sbr.abs _section_cstart, $3  }
0xc0: {  	[dreg:$0x1] =	wrdreg $0xFFFFFFFF  }
0xc1: {  	_ =	task.clear_ibuf [dreg:s6], $0x2FFFF;
	_ =	strace $0x9FFFFFFF  }
0xc2: {  	(tm) =	ssettm $0x7FFFFFFF  }
0xc3: {  	_ =	shalt  }
tec
execute0_lowered:
.L_overlay_start_1:
0x0: {  	(tag) =	ssettag $0x1  }
0x1: {  	s4 =	rddreg [dreg:$0x0]  }
0x2: {  	s2 =	rddreg [dreg:$0x1]  }
0x3: {  	s0 =	srdreg.scid;
	s1 =	rddreg [dreg:$0x2];
	s3 =	simm.s32 $0x0  }
0x4: {  	s11 =	simm.s32 $0x80;
	s5 =	sand.u32 $0x1, s0;
	s0 =	stileid.u32  }
0x5: {  	s12 =	simm.s32 $0x2C00;
	[smem:$0x7FF] =	sst s3;
	s6 =	smul.u32 $0x140000, s5  }
0x6: {  	s7 =	smul.u32 $0x14000, s0;
	s8 =	sshll.u32 s5, $0x4;
	_ =	strace $0x80000047  }
0x7: {  	s5 =	ssub.s32 $0x2, s5;
	s9 =	smul.u32 $0x50000, s0;
	s10 =	sand.u32 $0x7, s0  }
0x8: {  	s13 =	sshll.u32 s0, $0x6;
	s8 =	sor.u32 s0, s8;
	s29 =	sshrl.u32 s5, $0x1  }
0x9: {  	s13 =	sor.u32 $0x1C01, s13;
	s6 =	sadd.s32 s7, s6;
	s28 =	smul.u32 $0x2880, s8  }
0xa: {  	s8 =	ssub.s32 s5, s29;
	s31 =	sshrl.u32 s9, $0x2;
	s6 =	sshrl.u32 s6, $0x3  }
0xb: {  	s9 =	simm.s32 $0x6C00;
	s7 =	sand.u32 $0x7FC00, s28;
	s6 =	sadd.s32 s6, s4  }
0xc: {  	s30 =	sshrl.u32 s7, $0x3;
	s6 =	sadd.s32 $0x19800, s6;
	s7 =	smax.u32 s8, $0x1  }
0xd: {  	s8 =	sshll.u32 s10, $0x7;
	s5 =	sadd.s32 s4, s30;
	s4 =	sadd.s32 s31, s2  }
0xe: {  	v0 =	vimm.f32 $1.000000000e+00;
	v1 =	vimm.f32 $0.0e+00;
	s10 =	simm.s32 $0x1;
	s5 =	sadd.s32 $0xF100, s5;
	s14 =	sshrl.u32 s4, $0x3  }
.LBB2_1:
0xf: {  	s15 =	simm.s32 $0x0;
	s16 =	simm.s32 $0x200  }
.LBB2_2:
0x10: {  	p0 =	sne.s32 s16, $0xFE00;
	[tilespmem:s15+$0x2C70] =	vst v0  }
0x11: {  	[tilespmem:s15+$0x2C00] =	vst v0  }
0x12: {  	[tilespmem:s15+$0x2C10] =	vst v0  }
.Ltmp0:
0x13: {  	[tilespmem:s15+$0x2C20] =	vst v0;
	(pc) =	sbr.rel @p0 .LBB2_2-.Ltmp0, $4  }
0x14: {  	[tilespmem:s15+$0x2C30] =	vst v0  }
0x15: {  	[tilespmem:s15+$0x2C40] =	vst v0  }
0x16: {  	[tilespmem:s15+$0x2C50] =	vst v0  }
0x17: {  	[tilespmem:s15+$0x2C60] =	vst v0;
	s15 =	sshra.s32 s16, $0x2;
	s16 =	sadd.s32 $0x200, s16  }
0x18: {  	[tilespmem:s15+$0x2C70] =	vst v0  }
0x19: {  	[tilespmem:s15+$0x2C00] =	vst v0  }
0x1a: {  	[tilespmem:s15+$0x2C10] =	vst v0  }
0x1b: {  	[tilespmem:s15+$0x2C20] =	vst v0  }
0x1c: {  	[tilespmem:s15+$0x2C30] =	vst v0  }
0x1d: {  	[tilespmem:s15+$0x2C40] =	vst v0  }
0x1e: {  	[tilespmem:s15+$0x2C50] =	vst v0  }
0x1f: {  	[tilespmem:s15+$0x2C60] =	vst v0;
	s15 =	simm.s32 $0x0;
	s16 =	simm.s32 $0x200  }
.LBB2_4:
0x20: {  	p0 =	sne.s32 s16, $0x1E00;
	[tilespmem:s15+$0x6C70] =	vst v1  }
0x21: {  	[tilespmem:s15+$0x6C00] =	vst v1  }
0x22: {  	[tilespmem:s15+$0x6C10] =	vst v1  }
.Ltmp1:
0x23: {  	[tilespmem:s15+$0x6C20] =	vst v1;
	(pc) =	sbr.rel @p0 .LBB2_4-.Ltmp1, $4  }
0x24: {  	[tilespmem:s15+$0x6C30] =	vst v1  }
0x25: {  	[tilespmem:s15+$0x6C40] =	vst v1  }
0x26: {  	[tilespmem:s15+$0x6C50] =	vst v1  }
0x27: {  	[tilespmem:s15+$0x6C60] =	vst v1;
	s15 =	sshra.s32 s16, $0x2;
	s16 =	sadd.s32 $0x200, s16  }
0x28: {  	[tilespmem:s15+$0x6C70] =	vst v1  }
0x29: {  	[tilespmem:s15+$0x6C00] =	vst v1  }
0x2a: {  	[tilespmem:s15+$0x6C10] =	vst v1  }
0x2b: {  	[tilespmem:s15+$0x6C20] =	vst v1  }
0x2c: {  	[tilespmem:s15+$0x6C30] =	vst v1  }
0x2d: {  	[tilespmem:s15+$0x6C40] =	vst v1  }
0x2e: {  	[tilespmem:s15+$0x6C50] =	vst v1  }
0x2f: {  	[tilespmem:s15+$0x6C60] =	vst v1;
	s31 =	sadd.s32 $0x0, s4  }
0x30: {  	[spmem:s31] =	stream.linear.scatter [tilespmem:s9], [sflag:$0x1], $0x800, $0x38;
	[tilespmem:$0x1B400] =	vst v63  }
0x31: {  	s15 =	simm.s32 $0x2000;
	_ =	swait.ge [sflag:s10], $0x800  }
.LBB2_6:
0x32: {  	s16 =	sshra.s32 s15, $0x2;
	[sflag:s10] =	ssyncset.done $0x0;
	p0 =	sne.s32 s15, $0x4E000  }
.Ltmp2:
0x33: {  	s16 =	sadd.s32 s16, s4;
	[sflag:s10] =	ssyncadd.s32 $0xFFFFF800;
	(pc) =	sbr.rel @p0 .LBB2_6-.Ltmp2, $3  }
0x34: {  	[spmem:s16] =	stream.linear.scatter [tilespmem:s9], [sflag:$0x1], $0x800, $0x38;
	[tilespmem:$0x1B400] =	vst v63  }
0x35: {  	s15 =	sadd.s32 $0x2000, s15;
	_ =	sdelay $0x1  }
0x36: {  	_ =	swait.ge [sflag:s10], $0x800  }
0x37: {  	[sflag:s10] =	ssyncset.done $0x0  }
0x38: {  	[sflag:s10] =	ssyncadd.s32 $0xFFFFF800  }
0x39: {  	s15 =	simm.s32 $0x0;
	[bflag:$0x0] =	sbarrier.arrive $0xFFFF  }
0x3a: {  	[tilespmem:s15], [sflag:$0x1] =	stream.linear.gather [hbm4b:s5+s15], $0x2C00, $0x38;
	[tilespmem:$0x1B400] =	vst v63  }
0x3b: {  	_ =	swait.ge [sflag:s10], $0x2C00  }
0x3c: {  	[sflag:s10] =	ssyncset.done $0x0  }
0x3d: {  	s31 =	sadd.s32 $0x0, s8;
	[sflag:s10] =	ssyncadd.s32 $0xFFFFD400  }
0x3e: {  	[spmem:s2] =	stream.indirect.scatter.add.f32 [tilespmem:s12], [sflag:$0x1], $0x80, s31, s11, $0xb8;
	[tilespmem:$0x1B400] =	vst v63  }
0x3f: {  	s15 =	simm.s32 $0x200;
	_ =	swait.ge [sflag:s10], $0x4000  }
.LBB2_8:
0x40: {  	s16 =	sshra.s32 s15, $0x2;
	[sflag:s10] =	ssyncset.done $0x0;
	p0 =	sne.s32 s15, $0xA000  }
.Ltmp3:
0x41: {  	s16 =	sadd.s32 s16, s8;
	[sflag:s10] =	ssyncadd.s32 $0xFFFFC000;
	(pc) =	sbr.rel @p0 .LBB2_8-.Ltmp3, $3  }
0x42: {  	[spmem:s2] =	stream.indirect.scatter.add.f32 [tilespmem:s12], [sflag:$0x1], $0x80, s16, s11, $0xb8;
	[tilespmem:$0x1B400] =	vst v63  }
0x43: {  	s15 =	sadd.s32 $0x200, s15;
	_ =	sdelay $0x1  }
0x44: {  	_ =	swait.ge [sflag:s10], $0x4000  }
0x45: {  	[sflag:s10] =	ssyncset.done $0x0;
	s3 =	sadd.s32 $0x1, s3  }
0x46: {  	[sflag:s10] =	ssyncadd.s32 $0xFFFFC000;
	p0 =	sne.s32 s3, s7  }
.Ltmp4:
0x47: {  	[bflag:$0x0] =	sbarrier.arrive $0xFFFF;
	(pc) =	sbr.rel @p0 .LBB2_1-.Ltmp4, $4  }
0x48: {  	[hbm:s6], [sflag:s13] =	dma.local [spmem:s14], $0x2800  }
0x49: {  	_ =	swait.ge [sflag:s10], $0x2800  }
0x4a: {  	[sflag:s10] =	ssyncset.done $0x0  }
0x4b: {  	[sflag:s10] =	ssyncadd.s32 $0xFFFFD800  }
0x4c: {  	_ =	sfence.sel $0x180000  }
0x4d: {  	[bflag:$0x0] =	sbarrier.arrive $0xFFFF  }
0x4e: {  	p0 =	sne.s32 s0, $0x0;
	_ =	strace $0x90000047  }
0x4f: {  	s0 =	sadd.s32 @!p0 $0x100000, s1;
	[bflag:$0x2] =	sbarrier.arrive $0xFFFF  }
0x50: {  	[sflag:s0] =	ssyncadd.tile.s32 @!p0 $0x1;
	_ =	shalt  }
.Lfunc_end2:
_tile_overlayer_lowered:
.L_overlay_start_2:
0x51: {  	(tag) =	ssettag $0x2  }
0x52: {  	s0 =	rddreg [dreg:$0x0];
	s2 =	stileid.u32  }
0x53: {  	s1 =	rddreg [dreg:$0x1];
	p0 =	sne.s32 s2, $0x0  }
0x54: {  	s3 =	rddreg [dreg:$0x2];
	[bflag:$0x3] =	sbarrier.arrive $0xFFFF;
	s2 =	simm.s32 @!p0 $0x1C01  }
0x55: {  	[timem:s3], [sflag:s2] =	dma.local @!p0 [hbm:s0], s1  }
0x56: {  	s0 =	simm.s32 @!p0 $0x1  }
0x57: {  	_ =	swait.ge @!p0 [sflag:s0], s1  }
0x58: {  	s1 =	ssub.s32 @!p0 $0x0, s1;
	[sflag:s0] =	ssyncset.done @!p0 $0x0  }
0x59: {  	[sflag:s0] =	ssyncadd.s32 @!p0 s1  }
0x5a: {  	[bflag:$0x3] =	sbarrier.arrive $0xFFFF  }
0x5b: {  	_ =	shalt  }

// kernel: kernel.13.cloned.1.call-start
scs
__scs_entry_jumppad:
0x0: {  	(pc) =	sbr.rel $0x88, $3  }
0x1: {  	(tag) =	ssettag $0x0;
	lr =	simm.s32 $0x1  }
0x2: {  	[smem:$0x3F93] =	sst lr;
	_ =	strace $0xD0000000  }
0x3: {  	_ = 	snop  }
0x4: {  	_ = 	snop  }
0x5: {  	_ = 	snop  }
0x6: {  	_ = 	snop  }
0x7: {  	_ = 	snop  }
__scs_overlays_trampoline_lowered:
0x8: {  	[smem:$0x3FA2] =	sst s0  }
0x9: {  	[smem:$0x3FA3] =	sst s1  }
0xa: {  	[smem:$0x3FA4] =	sst s2  }
0xb: {  	[smem:$0x3FA5] =	sst s3  }
0xc: {  	[smem:$0x3FA6] =	sst s4  }
0xd: {  	[smem:$0x3FA7] =	sst s5  }
0xe: {  	[smem:$0x3FA8] =	sst s6  }
0xf: {  	[smem:$0x3FA9] =	sst s7  }
0x10: {  	[smem:$0x3FAA] =	sst s8  }
0x11: {  	[smem:$0x3FAB] =	sst s9;
	s0 =	simm.s32 @!p0 $0x0  }
0x12: {  	s1 =	sld [smem:$0x3F91];
	s0 =	simm.s32 @p0 $0x1  }
0x13: {  	[smem:$0x3FAC] =	sst s0;
	s0 =	simm.s32 @!p1 $0x0  }
0x14: {  	s2 =	sld [smem:$0x3F90];
	s0 =	simm.s32 @p1 $0x1  }
0x15: {  	[smem:$0x3FAD] =	sst s0;
	s0 =	simm.s32 @!p2 $0x0  }
0x16: {  	s3 =	sld [smem:$0x3FDB];
	s0 =	simm.s32 @p2 $0x1  }
0x17: {  	s4 =	simm.s32 $0x1BF5;
	[smem:$0x3FAF] =	sst s0  }
0x18: {  	s0 =	sld [smem:$0x3F92];
	_ =	swait.ge [sflag:s4], $0x0  }
0x19: {  	s7 =	sld [smem:$0x3F93]  }
0x1a: {  	s8 =	sadd.s32 $0xFFFFE003, lr  }
0x1b: {  	s9 =	sadd.s32 $0xFFFFFEF7, lr;
	s5 =	simm.s32 $0xFFFFFFFF;
	p2 =	slt.u32 s8, $0xFFFFF086  }
0x1c: {  	p1 =	slt.u32 s9, $0xF7A;
	s5 =	simm.s32 @!p2 $0x0  }
0x1d: {  	s5 =	simm.s32 @p1 $0x1;
	p0 =	seq.s32 s7, s2  }
0x1e: {  	s7 =	smul.u32 @!p0 $0xF7A, s2;
	p2 =	seq.s32 @!p0 s5, $0x0  }
0x1f: {  	s9 =	smul.u32 $0xF7A, s1;
	s8 =	simm.s32 @!p0 $0x1BF5;
	p2 =	por !p2, p0  }
0x20: {  	[sflag:s8] =	ssyncset.s32 @!p0 $0xFFFFF086;
	s6 =	sadd.s32 @!p0 s3, s7;
	s7 =	simm.s32 @!p0 $0x108  }
0x21: {  	s3 =	sadd.s32 s3, s9;
	s6 =	sadd.s32 @!p0 $0x88, s6;
	s7 =	simm.s32 @p2 $0x1082  }
0x22: {  	[simem:s7], [sflag:s8] =	dma.local @!p0 [hbm:s6], $0xF7A  }
0x23: {  	s9 =	sor.u32 $0xD0000000, s2;
	s6 =	simm.s32 $0x108;
	_ =	swait.ge @!p0 [sflag:s8], $0x0  }
0x24: {  	s3 =	sadd.s32 $0x88, s3;
	s6 =	simm.s32 @!p1 $0x1082;
	[sflag:s4] =	ssyncset.s32 $0xFFFFF086  }
0x25: {  	[simem:s6], [sflag:s4] =	dma.local [hbm:s3], $0xF7A  }
0x26: {  	[smem:$0x3F93] =	sst s1;
	(tag) =	ssettag s2;
	_ =	strace s9  }
0x27: {  	s1 =	sld [smem:$0x3FA3]  }
0x28: {  	s2 =	sld [smem:$0x3FA4]  }
0x29: {  	s4 =	sld [smem:$0x3FA6]  }
0x2a: {  	p0 =	seq.s32 s5, $0x0;
	s5 =	sld [smem:$0x3FA7]  }
0x2b: {  	s6 =	sld [smem:$0x3FA8]  }
0x2c: {  	s7 =	sld [smem:$0x3FA9]  }
0x2d: {  	s3 =	simm.s32 $0x108;
	s8 =	sld [smem:$0x3FAA]  }
0x2e: {  	s3 =	simm.s32 @!p0 $0x1082;
	s9 =	sld [smem:$0x3FAB]  }
0x2f: {  	lr =	sadd.s32 s0, s3;
	s0 =	sld [smem:$0x3FA2]  }
0x30: {  	s3 =	sld [smem:$0x3FA5]  }
0x31: {  	[smem:$0x3FAE] =	sst s10  }
0x32: {  	s10 =	sld [smem:$0x3FAC];
	_ =	sdelay $0x3  }
0x33: {  	p0 =	seq.s32 s10, $0x1;
	s10 =	sld [smem:$0x3FAE];
	_ =	sdelay $0x3  }
0x34: {  	[smem:$0x3FAE] =	sst s10  }
0x35: {  	s10 =	sld [smem:$0x3FAD];
	_ =	sdelay $0x3  }
0x36: {  	p1 =	seq.s32 s10, $0x1;
	s10 =	sld [smem:$0x3FAE];
	_ =	sdelay $0x3  }
0x37: {  	[smem:$0x3FAE] =	sst s10  }
0x38: {  	s10 =	sld [smem:$0x3FAF]  }
0x39: {  	_ = 	snop;
	(pc) =	sbr.ind lr, $3  }
0x3a: {  	_ = 	snop  }
0x3b: {  	_ = 	snop  }
0x3c: {  	p2 =	seq.s32 s10, $0x1;
	s10 =	sld [smem:$0x3FAE]  }
0x3d: {  	_ =	shalt  }
0x3e: {  	_ =	shalt  }
0x3f: {  	_ =	shalt  }
0x40: {  	_ =	shalt  }
0x41: {  	_ =	shalt  }
0x42: {  	_ =	shalt  }
0x43: {  	_ =	shalt  }
0x44: {  	_ =	shalt  }
0x45: {  	_ =	shalt  }
0x46: {  	_ =	shalt  }
0x47: {  	_ =	shalt  }
0x48: {  	_ =	shalt  }
0x49: {  	_ =	shalt  }
0x4a: {  	_ =	shalt  }
0x4b: {  	_ =	shalt  }
0x4c: {  	_ =	shalt  }
0x4d: {  	_ =	shalt  }
0x4e: {  	_ =	shalt  }
0x4f: {  	_ =	shalt  }
0x50: {  	_ =	shalt  }
0x51: {  	_ =	shalt  }
0x52: {  	_ =	shalt  }
0x53: {  	_ =	shalt  }
0x54: {  	_ =	shalt  }
0x55: {  	_ =	shalt  }
0x56: {  	_ =	shalt  }
0x57: {  	_ =	shalt  }
0x58: {  	_ =	shalt  }
0x59: {  	_ =	shalt  }
0x5a: {  	_ =	shalt  }
0x5b: {  	_ =	shalt  }
0x5c: {  	_ =	shalt  }
0x5d: {  	_ =	shalt  }
0x5e: {  	_ =	shalt  }
0x5f: {  	_ =	shalt  }
0x60: {  	_ =	shalt  }
0x61: {  	_ =	shalt  }
0x62: {  	_ =	shalt  }
0x63: {  	_ =	shalt  }
0x64: {  	_ =	shalt  }
0x65: {  	_ =	shalt  }
0x66: {  	_ =	shalt  }
0x67: {  	_ =	shalt  }
0x68: {  	_ =	shalt  }
0x69: {  	_ =	shalt  }
0x6a: {  	_ =	shalt  }
0x6b: {  	_ =	shalt  }
0x6c: {  	_ =	shalt  }
0x6d: {  	_ =	shalt  }
0x6e: {  	_ =	shalt  }
0x6f: {  	_ =	shalt  }
0x70: {  	_ =	shalt  }
0x71: {  	_ =	shalt  }
0x72: {  	_ =	shalt  }
0x73: {  	_ =	shalt  }
0x74: {  	_ =	shalt  }
0x75: {  	_ =	shalt  }
0x76: {  	_ =	shalt  }
0x77: {  	_ =	shalt  }
0x78: {  	_ =	shalt  }
0x79: {  	_ =	shalt  }
0x7a: {  	_ =	shalt  }
0x7b: {  	_ =	shalt  }
0x7c: {  	_ =	shalt  }
0x7d: {  	_ =	shalt  }
0x7e: {  	_ =	shalt  }
0x7f: {  	_ =	shalt  }
0x80: {  	_ =	shalt  }
0x81: {  	_ =	shalt  }
0x82: {  	_ =	shalt  }
0x83: {  	_ =	shalt  }
0x84: {  	_ =	shalt  }
0x85: {  	_ =	shalt  }
0x86: {  	_ =	shalt  }
0x87: {  	_ =	shalt  }
.Lfunc_end0:
.L_simem_size_0:
called_computation.1_lowered:
.L_overlay_start_0:
0x88: {  	s2 =	sld [smem:$0x3FD9]  }
0x89: {  	s3 =	sld [smem:$0x3FFE];
	_ =	sdelay $0x1  }
0x8a: {  	s1 =	srdreg.scid  }
0x8b: {  	s0 =	sand.u32 $0x1, s1  }
0x8c: {  	s17 =	sshll.u32 s0, $0xA;
	s2 =	sadd.s32 s3, s2  }
0x8d: {  	s2 =	sadd.s32 s2, s17  }
0x8e: {  	[smem:$0x3FBA] =	sst s2  }
0x8f: {  	_ = 	snop  }
0x90: {  	s2 =	sld [smem:$0x3FD0];
	(tm) =	ssettm $0x1  }
0x91: {  	s18 =	sld [smem:$0x3FFB];
	_ =	sdelay $0x3  }
0x92: {  	_ =	strace s18  }
0x93: {  	s3 =	sld [smem:$0x3FFC];
	_ =	sdelay $0x3  }
0x94: {  	_ =	strace s3  }
0x95: {  	s3 =	sld [smem:$0x3FFD];
	_ =	sdelay $0x3  }
0x96: {  	_ =	strace s3  }
0x97: {  	_ =	strace $0x8FFFFFFF  }
0x98: {  	s19 =	sld [smem:$0x3FDB];
	_ =	sdelay $0x1  }
0x99: {  	s4 =	simm.s32 $_scs_section_size  }
0x9a: {  	s5 =	simm.s32 $_size__tile_overlayer_lowered;
	s6 =	simm.s32 $_tile_overlayer_lowered  }
0x9b: {  	s22 =	simm.s32 $0x1BFF;
	s21 =	sshll.u32 s6, $0x1;
	s3 =	sadd.s32 s4, s19  }
0x9c: {  	s7 =	simm.s32 $0x0;
	s20 =	sshll.u32 s5, $0x1;
	s5 =	sadd.s32 s21, s3  }
0x9d: {  	[timem:s7], [sflag:s22] =	dma.local [hbm:s5], s20  }
0x9e: {  	_ =	swait.ge [sflag:s22], s20  }
0x9f: {  	s4 =	ssub.s32 $0x0, s20;
	[sflag:s22] =	ssyncset.done $0x0  }
0xa0: {  	[sflag:s22] =	ssyncadd.s32 s4;
	_ =	sdelay $0x1  }
0xa1: {  	s23 =	simm.s32 $0x1B8B  }
0xa2: {  	_ =	swait.ge [sflag:s23], $0x1  }
0xa3: {  	[sflag:s23] =	ssyncset.done $0x0  }
0xa4: {  	s25 =	simm.s32 $0x1B8E;
	s24 =	sld [smem:$0x3FFE];
	[sflag:s23] =	ssyncadd.s32 $0xFFFFFFFF  }
0xa5: {  	s26 =	simm.s32 $execute0_lowered;
	[smem:$0x3FD2] =	sst s25  }
0xa6: {  	s5 =	sshll.u32 s26, $0x1;
	_ =	strace $0x80000049;
	[dreg:$0x1] =	wrdreg $0xFFFFFFFF  }
0xa7: {  	s28 =	simm.s32 $_size_execute0_lowered;
	s3 =	sadd.s32 s3, s5;
	[dreg:$0x0] =	wrdreg $0x0  }
0xa8: {  	s5 =	sshll.u32 s28, $0x1;
	[dreg:$0x2] =	wrdreg s3  }
0xa9: {  	[dreg:$0x3] =	wrdreg s5  }
0xaa: {  	[dreg:$0x4] =	wrdreg $0xC0  }
0xab: {  	_ =	task [dreg:s7], $0x5FFFF  }
0xac: {  	[dreg:$0x1] =	wrdreg $0xFFFFFFFF  }
0xad: {  	[dreg:$0x0] =	wrdreg $0x60  }
0xae: {  	[dreg:$0x2] =	wrdreg s2  }
0xaf: {  	[dreg:$0x3] =	wrdreg s24  }
0xb0: {  	[dreg:$0x4] =	wrdreg $0xB8000  }
0xb1: {  	[dreg:$0x5] =	wrdreg $0x9  }
0xb2: {  	_ =	task.clear_ibuf [dreg:s7], $0x6FFFF;
	_ =	strace $0x90000049  }
0xb3: {  	s29 =	simm.s32 $0x9;
	_ =	strace $0x8000004B  }
0xb4: {  	_ =	swait.ge [sflag:s29], $0x1  }
0xb5: {  	[sflag:s29] =	ssyncadd.s32 $0xFFFFFFFF  }
0xb6: {  	_ =	strace $0x9000004B  }
0xb7: {  	_ =	sfence  }
0xb8: {  	s30 =	sld [smem:$0x0];
	_ =	sdelay $0x2  }
0xb9: {  	s31 =	sshll.u32 s1, $0xD;
	s1 =	sshrl.u32 s1, $0x2  }
0xba: {  	s3 =	sand.u32 $0x4000, s31;
	s1 =	sadd.s32 s1, s30  }
0xbb: {  	s0 =	sor.u32 s3, s0;
	s1 =	sshll.u32 s1, $0x11  }
0xbc: {  	s0 =	sor.u32 s1, s0  }
0xbd: {  	s0 =	sadd.s32 $0x8F2B, s0  }
0xbe: {  	[sflag:s0] =	ssyncadd.remote.s32 $0x1  }
0xbf: {  	_ =	sfence.sel $0xFFFF  }
0xc0: {  	[dreg:$0x0] =	wrdreg $0xFFFFFFFF;
	(pc) =	sbr.abs _section_cstart, $3  }
0xc1: {  	[dreg:$0x1] =	wrdreg $0xFFFFFFFF  }
0xc2: {  	_ =	task.clear_ibuf [dreg:s7], $0x2FFFF;
	_ =	strace $0x9FFFFFFF  }
0xc3: {  	(tm) =	ssettm $0x7FFFFFFF  }
tec
execute0_lowered:
.L_overlay_start_1:
0x0: {  	(tag) =	ssettag $0x1  }
0x1: {  	s2 =	rddreg [dreg:$0x0]  }
0x2: {  	s1 =	rddreg [dreg:$0x1]  }
0x3: {  	s3 =	rddreg [dreg:$0x2];
	s0 =	stileid.u32  }
0x4: {  	s4 =	srdreg.scid;
	s21 =	simm.s32 $0x0;
	s5 =	smul.u32 $0x2F, s0  }
0x5: {  	s20 =	simm.s32 $0x73;
	s28 =	simm.s32 $0x7000;
	s7 =	smul.u32 $0x73, s0  }
0x6: {  	s29 =	simm.s32 $0x2;
	s30 =	simm.s32 $0x0;
	s22 =	smul.u32 $0x14000, s0  }
0x7: {  	s6 =	sand.u32 $0x1, s4;
	[smem:$0x7FF] =	sst s21;
	s25 =	smul.u32 $0x50000, s0  }
0x8: {  	p0 =	seq.s32 s6, $0x0;
	s8 =	smul.u32 $0x140000, s6;
	s23 =	ssub.s32 $0x2, s6  }
0x9: {  	_ =	strace $0x8000004A;
	s5 =	sadd.s32 $0x730, s5;
	s24 =	sshrl.u32 s23, $0x1  }
0xa: {  	s20 =	simm.s32 @!p0 $0x2F;
	s5 =	smov.u32 @p0 s7;
	s7 =	sadd.s32 s22, s8  }
0xb: {  	s19 =	ssub.s32 s23, s24;
	s21 =	smin.u32 s20, $0x50;
	s17 =	smax.u32 s20, $0x50  }
0xc: {  	s22 =	smax.u32 s20, $0x51;
	s23 =	simm.s32 $0x3;
	s24 =	simm.s32 $0x1800  }
0xd: {  	p0 =	sne.s32 s6, $0x0;
	s9 =	sshll.u32 s5, $0x4;
	s7 =	sshrl.u32 s7, $0x3  }
0xe: {  	s5 =	sand.u32 $0x7, s5;
	s14 =	sadd.s32 $0xFFFFFFD6, s21;
	s17 =	sadd.s32 $0xFFFFFFAE, s17  }
0xf: {  	s19 =	smax.u32 s19, $0x1;
	s20 =	sadd.s32 $0xFFFFFFD8, s21;
	s21 =	sadd.s32 $0xFFFFFFB0, s22  }
0x10: {  	s22 =	simm.s32 $0xB000;
	s9 =	sand.u32 $0xFF80, s9;
	s18 =	sadd.s32 s7, s1  }
0x11: {  	s7 =	sshrl.u32 s25, $0x2;
	s25 =	simm.s32 $0x80;
	s16 =	sadd.s32 s9, s1  }
.Ltmp0:
0x12: {  	s1 =	sshll.u32 s5, $0x9;
	s7 =	sadd.s32 s7, s3;
	(pc) =	sbr.rel .LBB2_1-.Ltmp0, $4  }
0x13: {  	s18 =	sadd.s32 $0x69800, s18;
	s26 =	sadd.s32 $0x4A00, s16;
	s9 =	sshrl.u32 s1, $0x2  }
0x14: {  	s31 =	sadd.s32 $0xF100, s16;
	s12 =	sadd.s32 $0x4C80, s16;
	s13 =	sadd.s32 $0xF380, s16  }
0x15: {  	s15 =	sadd.s32 $0x4F00, s16;
	s16 =	sadd.s32 $0xF600, s16;
	[dreg:$0x4] =	wrdreg s26  }
0x16: {  	v0 =	vimm.f32 $0.0e+00;
	[dreg:$0x5] =	wrdreg s31;
	s11 =	sadd.s32 $0x80, s9;
	s26 =	simm.s32 $0x3000  }
.LBB2_18:
0x17: {  	s0 =	stileid.u32;
	s30 =	sadd.s32 $0x1, s30  }
0x18: {  	[bflag:$0x0] =	sbarrier.arrive $0xFFFF;
	s0 =	sshll.u32 s0, $0x6;
	p1 =	sne.s32 s30, s19  }
.Ltmp1:
0x19: {  	s4 =	sshrl.u32 s7, $0x3;
	s0 =	sor.u32 $0x1C03, s0;
	(pc) =	sbr.rel @!p1 .LBB2_19-.Ltmp1, $4  }
0x1a: {  	[hbm:s18], [sflag:s0] =	dma.local [spmem:s4], $0x2800  }
0x1b: {  	_ =	swait.ge [sflag:s23], $0x2800  }
0x1c: {  	[sflag:s23] =	ssyncset.done $0x0  }
0x1d: {  	[sflag:s23] =	ssyncadd.s32 $0xFFFFD800  }
.LBB2_1:
0x1e: {  	s6 =	simm.s32 $0x0;
	s31 =	simm.s32 $0x200  }
.LBB2_2:
0x1f: {  	p1 =	sne.s32 s31, $0x1E00;
	[tilespmem:s6+$0xB070] =	vst v0  }
0x20: {  	[tilespmem:s6+$0xB000] =	vst v0  }
0x21: {  	[tilespmem:s6+$0xB010] =	vst v0  }
.Ltmp2:
0x22: {  	[tilespmem:s6+$0xB020] =	vst v0;
	(pc) =	sbr.rel @p1 .LBB2_2-.Ltmp2, $4  }
0x23: {  	[tilespmem:s6+$0xB030] =	vst v0  }
0x24: {  	[tilespmem:s6+$0xB040] =	vst v0  }
0x25: {  	[tilespmem:s6+$0xB050] =	vst v0  }
0x26: {  	[tilespmem:s6+$0xB060] =	vst v0;
	s6 =	sshra.s32 s31, $0x2;
	s31 =	sadd.s32 $0x200, s31  }
0x27: {  	[tilespmem:s6+$0xB070] =	vst v0  }
0x28: {  	[tilespmem:s6+$0xB000] =	vst v0  }
0x29: {  	[tilespmem:s6+$0xB010] =	vst v0  }
0x2a: {  	[tilespmem:s6+$0xB020] =	vst v0  }
0x2b: {  	[tilespmem:s6+$0xB030] =	vst v0  }
0x2c: {  	[tilespmem:s6+$0xB040] =	vst v0  }
0x2d: {  	[tilespmem:s6+$0xB050] =	vst v0  }
0x2e: {  	[tilespmem:s6+$0xB060] =	vst v0;
	s31 =	sadd.s32 $0x0, s7  }
0x2f: {  	[spmem:s31] =	stream.linear.scatter [tilespmem:s22], [sflag:$0x3], $0x800, $0x38;
	[tilespmem:$0x1F800] =	vst v63  }
0x30: {  	s6 =	simm.s32 $0x2000;
	_ =	swait.ge [sflag:s23], $0x800  }
.LBB2_4:
0x31: {  	s31 =	sshra.s32 s6, $0x2;
	[sflag:s23] =	ssyncset.done $0x0;
	p1 =	sne.s32 s6, $0x4E000  }
.Ltmp3:
0x32: {  	s31 =	sadd.s32 s31, s7;
	[sflag:s23] =	ssyncadd.s32 $0xFFFFF800;
	(pc) =	sbr.rel @p1 .LBB2_4-.Ltmp3, $3  }
0x33: {  	[spmem:s31] =	stream.linear.scatter [tilespmem:s22], [sflag:$0x3], $0x800, $0x38;
	[tilespmem:$0x1F800] =	vst v63  }
0x34: {  	s6 =	sadd.s32 $0x2000, s6;
	_ =	sdelay $0x1  }
0x35: {  	_ =	swait.ge [sflag:s23], $0x800  }
0x36: {  	[sflag:s23] =	ssyncset.done $0x0  }
0x37: {  	[sflag:s23] =	ssyncadd.s32 $0xFFFFF800  }
0x38: {  	[bflag:$0x0] =	sbarrier.arrive $0xFFFF  }
0x39: {  	s31 =	simm.s32 $0x0;
	s0 =	rddreg [dreg:$0x4]  }
0x3a: {  	[tilespmem:s31], [sflag:$0x3] =	stream.linear.gather [hbm4b:s0+s31], $0x1800, $0x38;
	[tilespmem:$0x1F800] =	vst v63  }
0x3b: {  	_ =	swait.ge [sflag:s23], $0x1800  }
0x3c: {  	[sflag:s23] =	ssyncset.done $0x0  }
0x3d: {  	s10 =	rddreg [dreg:$0x5];
	[sflag:s23] =	ssyncadd.s32 $0xFFFFE800  }
0x3e: {  	[tilespmem:s24], [sflag:$0x3] =	stream.linear.gather [hbm4b:s10+s31], $0x1800, $0x38;
	[tilespmem:$0x1F800] =	vst v63  }
0x3f: {  	_ =	swait.ge [sflag:s23], $0x1800  }
.Ltmp4:
0x40: {  	[sflag:s23] =	ssyncset.done $0x0;
	(pc) =	sbr.rel .LBB2_6-.Ltmp4, $4  }
0x41: {  	[sflag:s23] =	ssyncadd.s32 $0xFFFFE800  }
0x42: {  	[tilespmem:s26], [sflag:$0x1] =	stream.indirect.gather [hbm4b:s2+s25], $0x80, s9, s25, $0xb8;
	[tilespmem:$0x1F800] =	vst v63  }
0x43: {  	s6 =	smov.u32 s1  }
0x44: {  	[tilespmem:s28], [sflag:$0x2] =	stream.indirect.gather [hbm4b:s2+s25], $0x80, s11, s25, $0xb8;
	[tilespmem:$0x1F800] =	vst v63  }
.LBB2_8:
0x45: {  	s31 =	sadd.s32 $0x1, s31  }
0x46: {  	p1 =	sne.s32 s31, $0x28  }
.Ltmp5:
0x47: {  	_ = 	snop;
	(pc) =	sbr.rel @!p1 .LBB2_9-.Ltmp5, $2  }
0x48: {  	_ =	sdelay $0x2  }
0x49: {  	s6 =	sadd.s32 $0x200, s6  }
.LBB2_6:
0x4a: {  	s0 =	sand.u32 $0x1, s31  }
0x4b: {  	p1 =	seq.s32 s0, $0x1  }
0x4c: {  	s4 =	simm.s32 @!p1 $0x1  }
0x4d: {  	_ =	swait.ge @!p1 [sflag:s4], $0x4000  }
0x4e: {  	[sflag:s4] =	ssyncset.done @!p1 $0x0  }
0x4f: {  	[sflag:s4] =	ssyncadd.s32 @!p1 $0xFFFFC000;
	s4 =	sshra.s32 @!p1 s6, $0x2  }
0x50: {  	s8 =	simm.s32 @!p1 $0x80;
	s10 =	simm.s32 @!p1 $0x3000;
	s4 =	sadd.s32 @!p1 $0x1800, s4  }
0x51: {  	[spmem:s3] =	stream.indirect.scatter.add.f32 @!p1 [tilespmem:s10], [sflag:$0x3], $0x80, s4, s8, $0xb8;
	[tilespmem:$0x1F800] =	vst v63  }
0x52: {  	s4 =	simm.s32 @!p1 $0x3  }
0x53: {  	p2 =	sgt.u32 @!p1 s31, $0x25;
	_ =	swait.ge @!p1 [sflag:s4], $0x4000  }
0x54: {  	p2 =	por p2, p1;
	[sflag:s4] =	ssyncset.done @!p1 $0x0  }
0x55: {  	[sflag:s4] =	ssyncadd.s32 @!p1 $0xFFFFC000;
	s4 =	sshra.s32 @!p2 s6, $0x2  }
0x56: {  	s8 =	simm.s32 @!p2 $0x80;
	s10 =	simm.s32 @!p2 $0x3000;
	s4 =	sadd.s32 @!p2 $0x100, s4  }
0x57: {  	[tilespmem:s10], [sflag:$0x1] =	stream.indirect.gather @!p2 [hbm4b:s2+s8], $0x80, s4, s8, $0xb8;
	[tilespmem:$0x1F800] =	vst v63  }
0x58: {  	p2 =	seq.s32 @!p1 s0, $0x0  }
0x59: {  	p2 =	por p1, !p2  }
.Ltmp6:
0x5a: {  	_ = 	snop;
	(pc) =	sbr.rel @!p2 .LBB2_8-.Ltmp6, $1  }
0x5b: {  	_ =	sdelay $0x3  }
0x5c: {  	s0 =	sadd.s32 @!p1 s5, s31  }
0x5d: {  	s0 =	sshll.u32 @!p1 s0, $0x9  }
0x5e: {  	_ =	swait.ge [sflag:s29], $0x4000;
	s0 =	smov.u32 @p1 s6  }
0x5f: {  	[sflag:s29] =	ssyncset.done $0x0;
	s4 =	sshra.s32 s0, $0x2  }
0x60: {  	[sflag:s29] =	ssyncadd.s32 $0xFFFFC000;
	s4 =	sadd.s32 $0x1800, s4  }
0x61: {  	[spmem:s3] =	stream.indirect.scatter.add.f32 [tilespmem:s28], [sflag:$0x3], $0x80, s4, s25, $0xb8;
	[tilespmem:$0x1F800] =	vst v63  }
.Ltmp7:
0x62: {  	_ = 	snop;
	(pc) =	sbr.rel .LBB2_8-.Ltmp7, $4  }
0x63: {  	p1 =	sgt.u32 s31, $0x25;
	_ =	swait.ge [sflag:s23], $0x4000  }
0x64: {  	s0 =	sshra.s32 @!p1 s0, $0x2;
	s8 =	simm.s32 @!p1 $0x7000;
	[sflag:s23] =	ssyncset.done $0x0  }
0x65: {  	s0 =	sadd.s32 @!p1 $0x100, s0;
	s4 =	simm.s32 @!p1 $0x80;
	[sflag:s23] =	ssyncadd.s32 $0xFFFFC000  }
0x66: {  	[tilespmem:s8], [sflag:$0x2] =	stream.indirect.gather @!p1 [hbm4b:s2+s4], $0x80, s0, s4, $0xb8;
	[tilespmem:$0x1F800] =	vst v63  }
.LBB2_9:
0x67: {  	s31 =	simm.s32 $0x0  }
0x68: {  	[tilespmem:s31], [sflag:$0x3] =	stream.linear.gather [hbm4b:s12+s31], $0x1800, $0x38;
	[tilespmem:$0x1F800] =	vst v63  }
0x69: {  	_ =	swait.ge [sflag:s23], $0x1800  }
0x6a: {  	[sflag:s23] =	ssyncset.done $0x0  }
0x6b: {  	[sflag:s23] =	ssyncadd.s32 $0xFFFFE800  }
0x6c: {  	[tilespmem:s24], [sflag:$0x3] =	stream.linear.gather [hbm4b:s13+s31], $0x1800, $0x38;
	[tilespmem:$0x1F800] =	vst v63  }
0x6d: {  	_ =	swait.ge [sflag:s23], $0x1800  }
.Ltmp8:
0x6e: {  	[sflag:s23] =	ssyncset.done $0x0;
	(pc) =	sbr.rel .LBB2_10-.Ltmp8, $4  }
0x6f: {  	[sflag:s23] =	ssyncadd.s32 $0xFFFFE800  }
0x70: {  	[tilespmem:s26], [sflag:$0x1] =	stream.indirect.gather [hbm4b:s2+s25], $0x80, s9, s25, $0xb8;
	[tilespmem:$0x1F800] =	vst v63  }
0x71: {  	s6 =	smov.u32 s1  }
0x72: {  	[tilespmem:s28], [sflag:$0x2] =	stream.indirect.gather [hbm4b:s2+s25], $0x80, s11, s25, $0xb8;
	[tilespmem:$0x1F800] =	vst v63  }
.LBB2_12:
0x73: {  	s31 =	sadd.s32 $0x1, s31  }
0x74: {  	p1 =	sne.s32 s20, s31  }
.Ltmp9:
0x75: {  	_ = 	snop;
	(pc) =	sbr.rel @!p1 .LBB2_13-.Ltmp9, $2  }
0x76: {  	_ =	sdelay $0x2  }
0x77: {  	s6 =	sadd.s32 $0x200, s6  }
.LBB2_10:
0x78: {  	s0 =	sand.u32 $0x1, s31  }
0x79: {  	p1 =	seq.s32 s0, $0x1  }
0x7a: {  	s4 =	simm.s32 @!p1 $0x1  }
0x7b: {  	_ =	swait.ge @!p1 [sflag:s4], $0x4000  }
0x7c: {  	[sflag:s4] =	ssyncset.done @!p1 $0x0  }
0x7d: {  	[sflag:s4] =	ssyncadd.s32 @!p1 $0xFFFFC000;
	s4 =	sshra.s32 @!p1 s6, $0x2  }
0x7e: {  	s8 =	simm.s32 @!p1 $0x80;
	s10 =	simm.s32 @!p1 $0x3000;
	s4 =	sadd.s32 @!p1 $0x1800, s4  }
0x7f: {  	[spmem:s3] =	stream.indirect.scatter.add.f32 @!p1 [tilespmem:s10], [sflag:$0x3], $0x80, s4, s8, $0xb8;
	[tilespmem:$0x1F800] =	vst v63  }
0x80: {  	s4 =	simm.s32 @!p1 $0x3  }
0x81: {  	p2 =	sge.s32 @!p1 s31, s14;
	_ =	swait.ge @!p1 [sflag:s4], $0x4000  }
0x82: {  	p2 =	por p2, p1;
	[sflag:s4] =	ssyncset.done @!p1 $0x0  }
0x83: {  	[sflag:s4] =	ssyncadd.s32 @!p1 $0xFFFFC000;
	s4 =	sshra.s32 @!p2 s6, $0x2  }
0x84: {  	s8 =	simm.s32 @!p2 $0x80;
	s10 =	simm.s32 @!p2 $0x3000;
	s4 =	sadd.s32 @!p2 $0x100, s4  }
0x85: {  	[tilespmem:s10], [sflag:$0x1] =	stream.indirect.gather @!p2 [hbm4b:s2+s8], $0x80, s4, s8, $0xb8;
	[tilespmem:$0x1F800] =	vst v63  }
0x86: {  	p2 =	seq.s32 @!p1 s0, $0x0  }
0x87: {  	p2 =	por p1, !p2  }
.Ltmp10:
0x88: {  	_ = 	snop;
	(pc) =	sbr.rel @!p2 .LBB2_12-.Ltmp10, $1  }
0x89: {  	_ =	sdelay $0x3  }
0x8a: {  	s0 =	sadd.s32 @!p1 s5, s31  }
0x8b: {  	s0 =	sshll.u32 @!p1 s0, $0x9  }
0x8c: {  	_ =	swait.ge [sflag:s29], $0x4000;
	s0 =	smov.u32 @p1 s6  }
0x8d: {  	[sflag:s29] =	ssyncset.done $0x0;
	s4 =	sshra.s32 s0, $0x2  }
0x8e: {  	[sflag:s29] =	ssyncadd.s32 $0xFFFFC000;
	s4 =	sadd.s32 $0x1800, s4  }
0x8f: {  	[spmem:s3] =	stream.indirect.scatter.add.f32 [tilespmem:s28], [sflag:$0x3], $0x80, s4, s25, $0xb8;
	[tilespmem:$0x1F800] =	vst v63  }
.Ltmp11:
0x90: {  	_ = 	snop;
	(pc) =	sbr.rel .LBB2_12-.Ltmp11, $4  }
0x91: {  	p1 =	sge.s32 s31, s14;
	_ =	swait.ge [sflag:s23], $0x4000  }
0x92: {  	s0 =	sshra.s32 @!p1 s0, $0x2;
	s8 =	simm.s32 @!p1 $0x7000;
	[sflag:s23] =	ssyncset.done $0x0  }
0x93: {  	s0 =	sadd.s32 @!p1 $0x100, s0;
	s4 =	simm.s32 @!p1 $0x80;
	[sflag:s23] =	ssyncadd.s32 $0xFFFFC000  }
0x94: {  	[tilespmem:s8], [sflag:$0x2] =	stream.indirect.gather @!p1 [hbm4b:s2+s4], $0x80, s0, s4, $0xb8;
	[tilespmem:$0x1F800] =	vst v63  }
.LBB2_13:
0x95: {  	s0 =	simm.s32 $0x0  }
0x96: {  	[tilespmem:s0], [sflag:$0x3] =	stream.linear.gather [hbm4b:s15+s0], $0x1800, $0x38;
	[tilespmem:$0x1F800] =	vst v63  }
0x97: {  	_ =	swait.ge [sflag:s23], $0x1800  }
0x98: {  	[sflag:s23] =	ssyncset.done $0x0  }
.Ltmp12:
0x99: {  	[sflag:s23] =	ssyncadd.s32 $0xFFFFE800;
	(pc) =	sbr.rel @p0 .LBB2_18-.Ltmp12, $4  }
0x9a: {  	[tilespmem:s24], [sflag:$0x3] =	stream.linear.gather [hbm4b:s16+s0], $0x1800, $0x38;
	[tilespmem:$0x1F800] =	vst v63  }
0x9b: {  	_ =	swait.ge [sflag:s23], $0x1800  }
0x9c: {  	[sflag:s23] =	ssyncset.done $0x0  }
0x9d: {  	[sflag:s23] =	ssyncadd.s32 $0xFFFFE800  }
.Ltmp13:
0x9e: {  	(pc) =	sbr.rel .LBB2_15-.Ltmp13, $4  }
0x9f: {  	_ = 	snop  }
0xa0: {  	[tilespmem:s26], [sflag:$0x1] =	stream.indirect.gather [hbm4b:s2+s25], $0x80, s9, s25, $0xb8;
	[tilespmem:$0x1F800] =	vst v63  }
0xa1: {  	s31 =	simm.s32 $0x0;
	s6 =	smov.u32 s1  }
0xa2: {  	[tilespmem:s28], [sflag:$0x2] =	stream.indirect.gather [hbm4b:s2+s25], $0x80, s11, s25, $0xb8;
	[tilespmem:$0x1F800] =	vst v63  }
.LBB2_17:
0xa3: {  	s31 =	sadd.s32 $0x1, s31  }
0xa4: {  	p1 =	sne.s32 s21, s31  }
.Ltmp14:
0xa5: {  	_ = 	snop;
	(pc) =	sbr.rel @!p1 .LBB2_18-.Ltmp14, $2  }
0xa6: {  	_ =	sdelay $0x2  }
0xa7: {  	s6 =	sadd.s32 $0x200, s6  }
.LBB2_15:
0xa8: {  	s0 =	sand.u32 $0x1, s31  }
0xa9: {  	p1 =	seq.s32 s0, $0x1  }
0xaa: {  	s4 =	simm.s32 @!p1 $0x1  }
0xab: {  	_ =	swait.ge @!p1 [sflag:s4], $0x4000  }
0xac: {  	[sflag:s4] =	ssyncset.done @!p1 $0x0  }
0xad: {  	[sflag:s4] =	ssyncadd.s32 @!p1 $0xFFFFC000;
	s4 =	sshra.s32 @!p1 s6, $0x2  }
0xae: {  	s8 =	simm.s32 @!p1 $0x80;
	s10 =	simm.s32 @!p1 $0x3000;
	s4 =	sadd.s32 @!p1 $0x1800, s4  }
0xaf: {  	[spmem:s3] =	stream.indirect.scatter.add.f32 @!p1 [tilespmem:s10], [sflag:$0x3], $0x80, s4, s8, $0xb8;
	[tilespmem:$0x1F800] =	vst v63  }
0xb0: {  	s4 =	simm.s32 @!p1 $0x3  }
0xb1: {  	p2 =	sge.s32 @!p1 s31, s17;
	_ =	swait.ge @!p1 [sflag:s4], $0x4000  }
0xb2: {  	p2 =	por p2, p1;
	[sflag:s4] =	ssyncset.done @!p1 $0x0  }
0xb3: {  	[sflag:s4] =	ssyncadd.s32 @!p1 $0xFFFFC000;
	s4 =	sshra.s32 @!p2 s6, $0x2  }
0xb4: {  	s8 =	simm.s32 @!p2 $0x80;
	s10 =	simm.s32 @!p2 $0x3000;
	s4 =	sadd.s32 @!p2 $0x100, s4  }
0xb5: {  	[tilespmem:s10], [sflag:$0x1] =	stream.indirect.gather @!p2 [hbm4b:s2+s8], $0x80, s4, s8, $0xb8;
	[tilespmem:$0x1F800] =	vst v63  }
0xb6: {  	p2 =	seq.s32 @!p1 s0, $0x0  }
0xb7: {  	p2 =	por p1, !p2  }
.Ltmp15:
0xb8: {  	_ = 	snop;
	(pc) =	sbr.rel @!p2 .LBB2_17-.Ltmp15, $1  }
0xb9: {  	_ =	sdelay $0x3  }
0xba: {  	s0 =	sadd.s32 @!p1 s5, s31  }
0xbb: {  	s0 =	sshll.u32 @!p1 s0, $0x9  }
0xbc: {  	_ =	swait.ge [sflag:s29], $0x4000;
	s0 =	smov.u32 @p1 s6  }
0xbd: {  	[sflag:s29] =	ssyncset.done $0x0;
	s4 =	sshra.s32 s0, $0x2  }
0xbe: {  	[sflag:s29] =	ssyncadd.s32 $0xFFFFC000;
	s4 =	sadd.s32 $0x1800, s4  }
0xbf: {  	[spmem:s3] =	stream.indirect.scatter.add.f32 [tilespmem:s28], [sflag:$0x3], $0x80, s4, s25, $0xb8;
	[tilespmem:$0x1F800] =	vst v63  }
.Ltmp16:
0xc0: {  	_ = 	snop;
	(pc) =	sbr.rel .LBB2_17-.Ltmp16, $4  }
0xc1: {  	p1 =	sge.s32 s31, s17;
	_ =	swait.ge [sflag:s23], $0x4000  }
0xc2: {  	s0 =	sshra.s32 @!p1 s0, $0x2;
	s8 =	simm.s32 @!p1 $0x7000;
	[sflag:s23] =	ssyncset.done $0x0  }
0xc3: {  	s0 =	sadd.s32 @!p1 $0x100, s0;
	s4 =	simm.s32 @!p1 $0x80;
	[sflag:s23] =	ssyncadd.s32 $0xFFFFC000  }
0xc4: {  	[tilespmem:s8], [sflag:$0x2] =	stream.indirect.gather @!p1 [hbm4b:s2+s4], $0x80, s0, s4, $0xb8;
	[tilespmem:$0x1F800] =	vst v63  }
.LBB2_19:
0xc5: {  	_ =	sfence.sel $0x180000  }
0xc6: {  	[bflag:$0x0] =	sbarrier.arrive $0xFFFF  }
0xc7: {  	_ =	strace $0x9000004A  }
0xc8: {  	s0 =	stileid.u32;
	[bflag:$0x2] =	sbarrier.arrive $0xFFFF  }
0xc9: {  	p0 =	sne.s32 s0, $0x0;
	s0 =	rddreg [dreg:$0x3]  }
0xca: {  	s0 =	sadd.s32 @!p0 $0x100000, s0  }
0xcb: {  	[sflag:s0] =	ssyncadd.tile.s32 @!p0 $0x1;
	_ =	shalt  }
.Lfunc_end2:
_tile_overlayer_lowered:
.L_overlay_start_2:
0xcc: {  	(tag) =	ssettag $0x2  }
0xcd: {  	s0 =	rddreg [dreg:$0x0];
	s2 =	stileid.u32  }
0xce: {  	s1 =	rddreg [dreg:$0x1];
	p0 =	sne.s32 s2, $0x0  }
0xcf: {  	s3 =	rddreg [dreg:$0x2];
	[bflag:$0x3] =	sbarrier.arrive $0xFFFF;
	s2 =	simm.s32 @!p0 $0x1C03  }
0xd0: {  	[timem:s3], [sflag:s2] =	dma.local @!p0 [hbm:s0], s1  }
0xd1: {  	s0 =	simm.s32 @!p0 $0x3  }
0xd2: {  	_ =	swait.ge @!p0 [sflag:s0], s1  }
0xd3: {  	s1 =	ssub.s32 @!p0 $0x0, s1;
	[sflag:s0] =	ssyncset.done @!p0 $0x0  }
0xd4: {  	[sflag:s0] =	ssyncadd.s32 @!p0 s1  }
0xd5: {  	[bflag:$0x3] =	sbarrier.arrive $0xFFFF  }
0xd6: {  	_ =	shalt  }

// kernel: kernel.16.cloned.1.call-start
scs
__scs_entry_jumppad:
0x0: {  	(pc) =	sbr.rel $0x88, $3  }
0x1: {  	(tag) =	ssettag $0x0;
	lr =	simm.s32 $0x1  }
0x2: {  	[smem:$0x3F93] =	sst lr;
	_ =	strace $0xD0000000  }
0x3: {  	_ = 	snop  }
0x4: {  	_ = 	snop  }
0x5: {  	_ = 	snop  }
0x6: {  	_ = 	snop  }
0x7: {  	_ = 	snop  }
__scs_overlays_trampoline_lowered:
0x8: {  	[smem:$0x3FA2] =	sst s0  }
0x9: {  	[smem:$0x3FA3] =	sst s1  }
0xa: {  	[smem:$0x3FA4] =	sst s2  }
0xb: {  	[smem:$0x3FA5] =	sst s3  }
0xc: {  	[smem:$0x3FA6] =	sst s4  }
0xd: {  	[smem:$0x3FA7] =	sst s5  }
0xe: {  	[smem:$0x3FA8] =	sst s6  }
0xf: {  	[smem:$0x3FA9] =	sst s7  }
0x10: {  	[smem:$0x3FAA] =	sst s8  }
0x11: {  	[smem:$0x3FAB] =	sst s9;
	s0 =	simm.s32 @!p0 $0x0  }
0x12: {  	s1 =	sld [smem:$0x3F91];
	s0 =	simm.s32 @p0 $0x1  }
0x13: {  	[smem:$0x3FAC] =	sst s0;
	s0 =	simm.s32 @!p1 $0x0  }
0x14: {  	s2 =	sld [smem:$0x3F90];
	s0 =	simm.s32 @p1 $0x1  }
0x15: {  	[smem:$0x3FAD] =	sst s0;
	s0 =	simm.s32 @!p2 $0x0  }
0x16: {  	s3 =	sld [smem:$0x3FDB];
	s0 =	simm.s32 @p2 $0x1  }
0x17: {  	s4 =	simm.s32 $0x1BF5;
	[smem:$0x3FAF] =	sst s0  }
0x18: {  	s0 =	sld [smem:$0x3F92];
	_ =	swait.ge [sflag:s4], $0x0  }
0x19: {  	s7 =	sld [smem:$0x3F93]  }
0x1a: {  	s8 =	sadd.s32 $0xFFFFE003, lr  }
0x1b: {  	s9 =	sadd.s32 $0xFFFFFEF7, lr;
	s5 =	simm.s32 $0xFFFFFFFF;
	p2 =	slt.u32 s8, $0xFFFFF086  }
0x1c: {  	p1 =	slt.u32 s9, $0xF7A;
	s5 =	simm.s32 @!p2 $0x0  }
0x1d: {  	s5 =	simm.s32 @p1 $0x1;
	p0 =	seq.s32 s7, s2  }
0x1e: {  	s7 =	smul.u32 @!p0 $0xF7A, s2;
	p2 =	seq.s32 @!p0 s5, $0x0  }
0x1f: {  	s9 =	smul.u32 $0xF7A, s1;
	s8 =	simm.s32 @!p0 $0x1BF5;
	p2 =	por !p2, p0  }
0x20: {  	[sflag:s8] =	ssyncset.s32 @!p0 $0xFFFFF086;
	s6 =	sadd.s32 @!p0 s3, s7;
	s7 =	simm.s32 @!p0 $0x108  }
0x21: {  	s3 =	sadd.s32 s3, s9;
	s6 =	sadd.s32 @!p0 $0x88, s6;
	s7 =	simm.s32 @p2 $0x1082  }
0x22: {  	[simem:s7], [sflag:s8] =	dma.local @!p0 [hbm:s6], $0xF7A  }
0x23: {  	s9 =	sor.u32 $0xD0000000, s2;
	s6 =	simm.s32 $0x108;
	_ =	swait.ge @!p0 [sflag:s8], $0x0  }
0x24: {  	s3 =	sadd.s32 $0x88, s3;
	s6 =	simm.s32 @!p1 $0x1082;
	[sflag:s4] =	ssyncset.s32 $0xFFFFF086  }
0x25: {  	[simem:s6], [sflag:s4] =	dma.local [hbm:s3], $0xF7A  }
0x26: {  	[smem:$0x3F93] =	sst s1;
	(tag) =	ssettag s2;
	_ =	strace s9  }
0x27: {  	s1 =	sld [smem:$0x3FA3]  }
0x28: {  	s2 =	sld [smem:$0x3FA4]  }
0x29: {  	s4 =	sld [smem:$0x3FA6]  }
0x2a: {  	p0 =	seq.s32 s5, $0x0;
	s5 =	sld [smem:$0x3FA7]  }
0x2b: {  	s6 =	sld [smem:$0x3FA8]  }
0x2c: {  	s7 =	sld [smem:$0x3FA9]  }
0x2d: {  	s3 =	simm.s32 $0x108;
	s8 =	sld [smem:$0x3FAA]  }
0x2e: {  	s3 =	simm.s32 @!p0 $0x1082;
	s9 =	sld [smem:$0x3FAB]  }
0x2f: {  	lr =	sadd.s32 s0, s3;
	s0 =	sld [smem:$0x3FA2]  }
0x30: {  	s3 =	sld [smem:$0x3FA5]  }
0x31: {  	[smem:$0x3FAE] =	sst s10  }
0x32: {  	s10 =	sld [smem:$0x3FAC];
	_ =	sdelay $0x3  }
0x33: {  	p0 =	seq.s32 s10, $0x1;
	s10 =	sld [smem:$0x3FAE];
	_ =	sdelay $0x3  }
0x34: {  	[smem:$0x3FAE] =	sst s10  }
0x35: {  	s10 =	sld [smem:$0x3FAD];
	_ =	sdelay $0x3  }
0x36: {  	p1 =	seq.s32 s10, $0x1;
	s10 =	sld [smem:$0x3FAE];
	_ =	sdelay $0x3  }
0x37: {  	[smem:$0x3FAE] =	sst s10  }
0x38: {  	s10 =	sld [smem:$0x3FAF]  }
0x39: {  	_ = 	snop;
	(pc) =	sbr.ind lr, $3  }
0x3a: {  	_ = 	snop  }
0x3b: {  	_ = 	snop  }
0x3c: {  	p2 =	seq.s32 s10, $0x1;
	s10 =	sld [smem:$0x3FAE]  }
0x3d: {  	_ =	shalt  }
0x3e: {  	_ =	shalt  }
0x3f: {  	_ =	shalt  }
0x40: {  	_ =	shalt  }
0x41: {  	_ =	shalt  }
0x42: {  	_ =	shalt  }
0x43: {  	_ =	shalt  }
0x44: {  	_ =	shalt  }
0x45: {  	_ =	shalt  }
0x46: {  	_ =	shalt  }
0x47: {  	_ =	shalt  }
0x48: {  	_ =	shalt  }
0x49: {  	_ =	shalt  }
0x4a: {  	_ =	shalt  }
0x4b: {  	_ =	shalt  }
0x4c: {  	_ =	shalt  }
0x4d: {  	_ =	shalt  }
0x4e: {  	_ =	shalt  }
0x4f: {  	_ =	shalt  }
0x50: {  	_ =	shalt  }
0x51: {  	_ =	shalt  }
0x52: {  	_ =	shalt  }
0x53: {  	_ =	shalt  }
0x54: {  	_ =	shalt  }
0x55: {  	_ =	shalt  }
0x56: {  	_ =	shalt  }
0x57: {  	_ =	shalt  }
0x58: {  	_ =	shalt  }
0x59: {  	_ =	shalt  }
0x5a: {  	_ =	shalt  }
0x5b: {  	_ =	shalt  }
0x5c: {  	_ =	shalt  }
0x5d: {  	_ =	shalt  }
0x5e: {  	_ =	shalt  }
0x5f: {  	_ =	shalt  }
0x60: {  	_ =	shalt  }
0x61: {  	_ =	shalt  }
0x62: {  	_ =	shalt  }
0x63: {  	_ =	shalt  }
0x64: {  	_ =	shalt  }
0x65: {  	_ =	shalt  }
0x66: {  	_ =	shalt  }
0x67: {  	_ =	shalt  }
0x68: {  	_ =	shalt  }
0x69: {  	_ =	shalt  }
0x6a: {  	_ =	shalt  }
0x6b: {  	_ =	shalt  }
0x6c: {  	_ =	shalt  }
0x6d: {  	_ =	shalt  }
0x6e: {  	_ =	shalt  }
0x6f: {  	_ =	shalt  }
0x70: {  	_ =	shalt  }
0x71: {  	_ =	shalt  }
0x72: {  	_ =	shalt  }
0x73: {  	_ =	shalt  }
0x74: {  	_ =	shalt  }
0x75: {  	_ =	shalt  }
0x76: {  	_ =	shalt  }
0x77: {  	_ =	shalt  }
0x78: {  	_ =	shalt  }
0x79: {  	_ =	shalt  }
0x7a: {  	_ =	shalt  }
0x7b: {  	_ =	shalt  }
0x7c: {  	_ =	shalt  }
0x7d: {  	_ =	shalt  }
0x7e: {  	_ =	shalt  }
0x7f: {  	_ =	shalt  }
0x80: {  	_ =	shalt  }
0x81: {  	_ =	shalt  }
0x82: {  	_ =	shalt  }
0x83: {  	_ =	shalt  }
0x84: {  	_ =	shalt  }
0x85: {  	_ =	shalt  }
0x86: {  	_ =	shalt  }
0x87: {  	_ =	shalt  }
.Lfunc_end0:
.L_simem_size_0:
called_computation.2_lowered:
.L_overlay_start_0:
0x88: {  	s2 =	sld [smem:$0x3FD9]  }
0x89: {  	s3 =	sld [smem:$0x3FFE];
	_ =	sdelay $0x1  }
0x8a: {  	s1 =	srdreg.scid  }
0x8b: {  	s0 =	sand.u32 $0x1, s1  }
0x8c: {  	s17 =	sshll.u32 s0, $0xA;
	s2 =	sadd.s32 s3, s2  }
0x8d: {  	s2 =	sadd.s32 s2, s17  }
0x8e: {  	[smem:$0x3FBA] =	sst s2  }
0x8f: {  	_ = 	snop  }
0x90: {  	s2 =	sld [smem:$0x3FD0];
	(tm) =	ssettm $0x1  }
0x91: {  	s18 =	sld [smem:$0x3FFB];
	_ =	sdelay $0x3  }
0x92: {  	_ =	strace s18  }
0x93: {  	s3 =	sld [smem:$0x3FFC];
	_ =	sdelay $0x3  }
0x94: {  	_ =	strace s3  }
0x95: {  	s3 =	sld [smem:$0x3FFD];
	_ =	sdelay $0x3  }
0x96: {  	_ =	strace s3  }
0x97: {  	_ =	strace $0x8FFFFFFF  }
0x98: {  	s19 =	sld [smem:$0x3FDB];
	_ =	sdelay $0x1  }
0x99: {  	s4 =	simm.s32 $_scs_section_size  }
0x9a: {  	s5 =	simm.s32 $_size__tile_overlayer_lowered;
	s6 =	simm.s32 $_tile_overlayer_lowered  }
0x9b: {  	s22 =	simm.s32 $0x1BFF;
	s21 =	sshll.u32 s6, $0x1;
	s3 =	sadd.s32 s4, s19  }
0x9c: {  	s7 =	simm.s32 $0x0;
	s20 =	sshll.u32 s5, $0x1;
	s5 =	sadd.s32 s21, s3  }
0x9d: {  	[timem:s7], [sflag:s22] =	dma.local [hbm:s5], s20  }
0x9e: {  	_ =	swait.ge [sflag:s22], s20  }
0x9f: {  	s4 =	ssub.s32 $0x0, s20;
	[sflag:s22] =	ssyncset.done $0x0  }
0xa0: {  	[sflag:s22] =	ssyncadd.s32 s4;
	_ =	sdelay $0x1  }
0xa1: {  	s23 =	simm.s32 $0x1B8B  }
0xa2: {  	_ =	swait.ge [sflag:s23], $0x1  }
0xa3: {  	[sflag:s23] =	ssyncset.done $0x0  }
0xa4: {  	s25 =	simm.s32 $0x1B8E;
	s24 =	sld [smem:$0x3FFE];
	[sflag:s23] =	ssyncadd.s32 $0xFFFFFFFF  }
0xa5: {  	s26 =	simm.s32 $execute0_lowered;
	[smem:$0x3FD2] =	sst s25  }
0xa6: {  	s5 =	sshll.u32 s26, $0x1;
	_ =	strace $0x8000004C;
	[dreg:$0x1] =	wrdreg $0xFFFFFFFF  }
0xa7: {  	s28 =	simm.s32 $_size_execute0_lowered;
	s3 =	sadd.s32 s3, s5;
	[dreg:$0x0] =	wrdreg $0x0  }
0xa8: {  	s5 =	sshll.u32 s28, $0x1;
	[dreg:$0x2] =	wrdreg s3  }
0xa9: {  	[dreg:$0x3] =	wrdreg s5  }
0xaa: {  	[dreg:$0x4] =	wrdreg $0xC0  }
0xab: {  	_ =	task [dreg:s7], $0x5FFFF  }
0xac: {  	[dreg:$0x1] =	wrdreg $0xFFFFFFFF  }
0xad: {  	[dreg:$0x0] =	wrdreg $0x60  }
0xae: {  	[dreg:$0x2] =	wrdreg s2  }
0xaf: {  	[dreg:$0x3] =	wrdreg s24  }
0xb0: {  	[dreg:$0x4] =	wrdreg $0xB8000  }
0xb1: {  	[dreg:$0x5] =	wrdreg $0x9  }
0xb2: {  	_ =	task.clear_ibuf [dreg:s7], $0x6FFFF;
	_ =	strace $0x9000004C  }
0xb3: {  	s29 =	simm.s32 $0x9;
	_ =	strace $0x8000004E  }
0xb4: {  	_ =	swait.ge [sflag:s29], $0x1  }
0xb5: {  	[sflag:s29] =	ssyncadd.s32 $0xFFFFFFFF  }
0xb6: {  	_ =	strace $0x9000004E  }
0xb7: {  	_ =	sfence  }
0xb8: {  	s30 =	sld [smem:$0x0];
	_ =	sdelay $0x2  }
0xb9: {  	s31 =	sshll.u32 s1, $0xD;
	s1 =	sshrl.u32 s1, $0x2  }
0xba: {  	s3 =	sand.u32 $0x4000, s31;
	s1 =	sadd.s32 s1, s30  }
0xbb: {  	s0 =	sor.u32 s3, s0;
	s1 =	sshll.u32 s1, $0x11  }
0xbc: {  	s0 =	sor.u32 s1, s0  }
0xbd: {  	s0 =	sadd.s32 $0x8F2B, s0  }
0xbe: {  	[sflag:s0] =	ssyncadd.remote.s32 $0x1  }
0xbf: {  	_ =	sfence.sel $0xFFFF  }
0xc0: {  	[dreg:$0x0] =	wrdreg $0xFFFFFFFF;
	(pc) =	sbr.abs _section_cstart, $3  }
0xc1: {  	[dreg:$0x1] =	wrdreg $0xFFFFFFFF  }
0xc2: {  	_ =	task.clear_ibuf [dreg:s7], $0x2FFFF;
	_ =	strace $0x9FFFFFFF  }
0xc3: {  	(tm) =	ssettm $0x7FFFFFFF  }
tec
execute0_lowered:
.L_overlay_start_1:
0x0: {  	(tag) =	ssettag $0x1  }
0x1: {  	s2 =	rddreg [dreg:$0x0]  }
0x2: {  	s1 =	rddreg [dreg:$0x1]  }
0x3: {  	s3 =	rddreg [dreg:$0x2];
	s0 =	stileid.u32  }
0x4: {  	s4 =	srdreg.scid;
	s21 =	simm.s32 $0x0;
	s5 =	smul.u32 $0x2F, s0  }
0x5: {  	s20 =	simm.s32 $0x73;
	s28 =	simm.s32 $0x7000;
	s7 =	smul.u32 $0x73, s0  }
0x6: {  	s29 =	simm.s32 $0x2;
	s30 =	simm.s32 $0x0;
	s22 =	smul.u32 $0x14000, s0  }
0x7: {  	s6 =	sand.u32 $0x1, s4;
	[smem:$0x7FF] =	sst s21;
	s25 =	smul.u32 $0x50000, s0  }
0x8: {  	p0 =	seq.s32 s6, $0x0;
	s8 =	smul.u32 $0x140000, s6;
	s23 =	ssub.s32 $0x2, s6  }
0x9: {  	_ =	strace $0x8000004D;
	s5 =	sadd.s32 $0x730, s5;
	s24 =	sshrl.u32 s23, $0x1  }
0xa: {  	s20 =	simm.s32 @!p0 $0x2F;
	s5 =	smov.u32 @p0 s7;
	s7 =	sadd.s32 s22, s8  }
0xb: {  	s19 =	ssub.s32 s23, s24;
	s21 =	smin.u32 s20, $0x50;
	s17 =	smax.u32 s20, $0x50  }
0xc: {  	s22 =	smax.u32 s20, $0x51;
	s23 =	simm.s32 $0x3;
	s24 =	simm.s32 $0x1800  }
0xd: {  	p0 =	sne.s32 s6, $0x0;
	s9 =	sshll.u32 s5, $0x4;
	s7 =	sshrl.u32 s7, $0x3  }
0xe: {  	s5 =	sand.u32 $0x7, s5;
	s14 =	sadd.s32 $0xFFFFFFD6, s21;
	s17 =	sadd.s32 $0xFFFFFFAE, s17  }
0xf: {  	s19 =	smax.u32 s19, $0x1;
	s20 =	sadd.s32 $0xFFFFFFD8, s21;
	s21 =	sadd.s32 $0xFFFFFFB0, s22  }
0x10: {  	s22 =	simm.s32 $0xB000;
	s9 =	sand.u32 $0xFF80, s9;
	s18 =	sadd.s32 s7, s1  }
0x11: {  	s7 =	sshrl.u32 s25, $0x2;
	s25 =	simm.s32 $0x80;
	s16 =	sadd.s32 s9, s1  }
.Ltmp0:
0x12: {  	s1 =	sshll.u32 s5, $0x9;
	s7 =	sadd.s32 s7, s3;
	(pc) =	sbr.rel .LBB2_1-.Ltmp0, $4  }
0x13: {  	s18 =	sadd.s32 $0x69800, s18;
	s26 =	sadd.s32 $0x4A00, s16;
	s9 =	sshrl.u32 s1, $0x2  }
0x14: {  	s31 =	sadd.s32 $0xF100, s16;
	s12 =	sadd.s32 $0x4C80, s16;
	s13 =	sadd.s32 $0xF380, s16  }
0x15: {  	s15 =	sadd.s32 $0x4F00, s16;
	s16 =	sadd.s32 $0xF600, s16;
	[dreg:$0x4] =	wrdreg s26  }
0x16: {  	v0 =	vimm.f32 $0.0e+00;
	[dreg:$0x5] =	wrdreg s31;
	s11 =	sadd.s32 $0x80, s9;
	s26 =	simm.s32 $0x3000  }
.LBB2_18:
0x17: {  	s0 =	stileid.u32;
	s30 =	sadd.s32 $0x1, s30  }
0x18: {  	[bflag:$0x0] =	sbarrier.arrive $0xFFFF;
	s0 =	sshll.u32 s0, $0x6;
	p1 =	sne.s32 s30, s19  }
.Ltmp1:
0x19: {  	s4 =	sshrl.u32 s7, $0x3;
	s0 =	sor.u32 $0x1C03, s0;
	(pc) =	sbr.rel @!p1 .LBB2_19-.Ltmp1, $4  }
0x1a: {  	[hbm:s18], [sflag:s0] =	dma.local [spmem:s4], $0x2800  }
0x1b: {  	_ =	swait.ge [sflag:s23], $0x2800  }
0x1c: {  	[sflag:s23] =	ssyncset.done $0x0  }
0x1d: {  	[sflag:s23] =	ssyncadd.s32 $0xFFFFD800  }
.LBB2_1:
0x1e: {  	s6 =	simm.s32 $0x0;
	s31 =	simm.s32 $0x200  }
.LBB2_2:
0x1f: {  	p1 =	sne.s32 s31, $0x1E00;
	[tilespmem:s6+$0xB070] =	vst v0  }
0x20: {  	[tilespmem:s6+$0xB000] =	vst v0  }
0x21: {  	[tilespmem:s6+$0xB010] =	vst v0  }
.Ltmp2:
0x22: {  	[tilespmem:s6+$0xB020] =	vst v0;
	(pc) =	sbr.rel @p1 .LBB2_2-.Ltmp2, $4  }
0x23: {  	[tilespmem:s6+$0xB030] =	vst v0  }
0x24: {  	[tilespmem:s6+$0xB040] =	vst v0  }
0x25: {  	[tilespmem:s6+$0xB050] =	vst v0  }
0x26: {  	[tilespmem:s6+$0xB060] =	vst v0;
	s6 =	sshra.s32 s31, $0x2;
	s31 =	sadd.s32 $0x200, s31  }
0x27: {  	[tilespmem:s6+$0xB070] =	vst v0  }
0x28: {  	[tilespmem:s6+$0xB000] =	vst v0  }
0x29: {  	[tilespmem:s6+$0xB010] =	vst v0  }
0x2a: {  	[tilespmem:s6+$0xB020] =	vst v0  }
0x2b: {  	[tilespmem:s6+$0xB030] =	vst v0  }
0x2c: {  	[tilespmem:s6+$0xB040] =	vst v0  }
0x2d: {  	[tilespmem:s6+$0xB050] =	vst v0  }
0x2e: {  	[tilespmem:s6+$0xB060] =	vst v0;
	s31 =	sadd.s32 $0x0, s7  }
0x2f: {  	[spmem:s31] =	stream.linear.scatter [tilespmem:s22], [sflag:$0x3], $0x800, $0x38;
	[tilespmem:$0x1F800] =	vst v63  }
0x30: {  	s6 =	simm.s32 $0x2000;
	_ =	swait.ge [sflag:s23], $0x800  }
.LBB2_4:
0x31: {  	s31 =	sshra.s32 s6, $0x2;
	[sflag:s23] =	ssyncset.done $0x0;
	p1 =	sne.s32 s6, $0x4E000  }
.Ltmp3:
0x32: {  	s31 =	sadd.s32 s31, s7;
	[sflag:s23] =	ssyncadd.s32 $0xFFFFF800;
	(pc) =	sbr.rel @p1 .LBB2_4-.Ltmp3, $3  }
0x33: {  	[spmem:s31] =	stream.linear.scatter [tilespmem:s22], [sflag:$0x3], $0x800, $0x38;
	[tilespmem:$0x1F800] =	vst v63  }
0x34: {  	s6 =	sadd.s32 $0x2000, s6;
	_ =	sdelay $0x1  }
0x35: {  	_ =	swait.ge [sflag:s23], $0x800  }
0x36: {  	[sflag:s23] =	ssyncset.done $0x0  }
0x37: {  	[sflag:s23] =	ssyncadd.s32 $0xFFFFF800  }
0x38: {  	[bflag:$0x0] =	sbarrier.arrive $0xFFFF  }
0x39: {  	s31 =	simm.s32 $0x0;
	s0 =	rddreg [dreg:$0x4]  }
0x3a: {  	[tilespmem:s31], [sflag:$0x3] =	stream.linear.gather [hbm4b:s0+s31], $0x1800, $0x38;
	[tilespmem:$0x1F800] =	vst v63  }
0x3b: {  	_ =	swait.ge [sflag:s23], $0x1800  }
0x3c: {  	[sflag:s23] =	ssyncset.done $0x0  }
0x3d: {  	s10 =	rddreg [dreg:$0x5];
	[sflag:s23] =	ssyncadd.s32 $0xFFFFE800  }
0x3e: {  	[tilespmem:s24], [sflag:$0x3] =	stream.linear.gather [hbm4b:s10+s31], $0x1800, $0x38;
	[tilespmem:$0x1F800] =	vst v63  }
0x3f: {  	_ =	swait.ge [sflag:s23], $0x1800  }
.Ltmp4:
0x40: {  	[sflag:s23] =	ssyncset.done $0x0;
	(pc) =	sbr.rel .LBB2_6-.Ltmp4, $4  }
0x41: {  	[sflag:s23] =	ssyncadd.s32 $0xFFFFE800  }
0x42: {  	[tilespmem:s26], [sflag:$0x1] =	stream.indirect.gather [hbm4b:s2+s25], $0x80, s9, s25, $0xb8;
	[tilespmem:$0x1F800] =	vst v63  }
0x43: {  	s6 =	smov.u32 s1  }
0x44: {  	[tilespmem:s28], [sflag:$0x2] =	stream.indirect.gather [hbm4b:s2+s25], $0x80, s11, s25, $0xb8;
	[tilespmem:$0x1F800] =	vst v63  }
.LBB2_8:
0x45: {  	s31 =	sadd.s32 $0x1, s31  }
0x46: {  	p1 =	sne.s32 s31, $0x28  }
.Ltmp5:
0x47: {  	_ = 	snop;
	(pc) =	sbr.rel @!p1 .LBB2_9-.Ltmp5, $2  }
0x48: {  	_ =	sdelay $0x2  }
0x49: {  	s6 =	sadd.s32 $0x200, s6  }
.LBB2_6:
0x4a: {  	s0 =	sand.u32 $0x1, s31  }
0x4b: {  	p1 =	seq.s32 s0, $0x1  }
0x4c: {  	s4 =	simm.s32 @!p1 $0x1  }
0x4d: {  	_ =	swait.ge @!p1 [sflag:s4], $0x4000  }
0x4e: {  	[sflag:s4] =	ssyncset.done @!p1 $0x0  }
0x4f: {  	[sflag:s4] =	ssyncadd.s32 @!p1 $0xFFFFC000;
	s4 =	sshra.s32 @!p1 s6, $0x2  }
0x50: {  	s8 =	simm.s32 @!p1 $0x80;
	s10 =	simm.s32 @!p1 $0x3000;
	s4 =	sadd.s32 @!p1 $0x1800, s4  }
0x51: {  	[spmem:s3] =	stream.indirect.scatter.add.f32 @!p1 [tilespmem:s10], [sflag:$0x3], $0x80, s4, s8, $0xb8;
	[tilespmem:$0x1F800] =	vst v63  }
0x52: {  	s4 =	simm.s32 @!p1 $0x3  }
0x53: {  	p2 =	sgt.u32 @!p1 s31, $0x25;
	_ =	swait.ge @!p1 [sflag:s4], $0x4000  }
0x54: {  	p2 =	por p2, p1;
	[sflag:s4] =	ssyncset.done @!p1 $0x0  }
0x55: {  	[sflag:s4] =	ssyncadd.s32 @!p1 $0xFFFFC000;
	s4 =	sshra.s32 @!p2 s6, $0x2  }
0x56: {  	s8 =	simm.s32 @!p2 $0x80;
	s10 =	simm.s32 @!p2 $0x3000;
	s4 =	sadd.s32 @!p2 $0x100, s4  }
0x57: {  	[tilespmem:s10], [sflag:$0x1] =	stream.indirect.gather @!p2 [hbm4b:s2+s8], $0x80, s4, s8, $0xb8;
	[tilespmem:$0x1F800] =	vst v63  }
0x58: {  	p2 =	seq.s32 @!p1 s0, $0x0  }
0x59: {  	p2 =	por p1, !p2  }
.Ltmp6:
0x5a: {  	_ = 	snop;
	(pc) =	sbr.rel @!p2 .LBB2_8-.Ltmp6, $1  }
0x5b: {  	_ =	sdelay $0x3  }
0x5c: {  	s0 =	sadd.s32 @!p1 s5, s31  }
0x5d: {  	s0 =	sshll.u32 @!p1 s0, $0x9  }
0x5e: {  	_ =	swait.ge [sflag:s29], $0x4000;
	s0 =	smov.u32 @p1 s6  }
0x5f: {  	[sflag:s29] =	ssyncset.done $0x0;
	s4 =	sshra.s32 s0, $0x2  }
0x60: {  	[sflag:s29] =	ssyncadd.s32 $0xFFFFC000;
	s4 =	sadd.s32 $0x1800, s4  }
0x61: {  	[spmem:s3] =	stream.indirect.scatter.add.f32 [tilespmem:s28], [sflag:$0x3], $0x80, s4, s25, $0xb8;
	[tilespmem:$0x1F800] =	vst v63  }
.Ltmp7:
0x62: {  	_ = 	snop;
	(pc) =	sbr.rel .LBB2_8-.Ltmp7, $4  }
0x63: {  	p1 =	sgt.u32 s31, $0x25;
	_ =	swait.ge [sflag:s23], $0x4000  }
0x64: {  	s0 =	sshra.s32 @!p1 s0, $0x2;
	s8 =	simm.s32 @!p1 $0x7000;
	[sflag:s23] =	ssyncset.done $0x0  }
0x65: {  	s0 =	sadd.s32 @!p1 $0x100, s0;
	s4 =	simm.s32 @!p1 $0x80;
	[sflag:s23] =	ssyncadd.s32 $0xFFFFC000  }
0x66: {  	[tilespmem:s8], [sflag:$0x2] =	stream.indirect.gather @!p1 [hbm4b:s2+s4], $0x80, s0, s4, $0xb8;
	[tilespmem:$0x1F800] =	vst v63  }
.LBB2_9:
0x67: {  	s31 =	simm.s32 $0x0  }
0x68: {  	[tilespmem:s31], [sflag:$0x3] =	stream.linear.gather [hbm4b:s12+s31], $0x1800, $0x38;
	[tilespmem:$0x1F800] =	vst v63  }
0x69: {  	_ =	swait.ge [sflag:s23], $0x1800  }
0x6a: {  	[sflag:s23] =	ssyncset.done $0x0  }
0x6b: {  	[sflag:s23] =	ssyncadd.s32 $0xFFFFE800  }
0x6c: {  	[tilespmem:s24], [sflag:$0x3] =	stream.linear.gather [hbm4b:s13+s31], $0x1800, $0x38;
	[tilespmem:$0x1F800] =	vst v63  }
0x6d: {  	_ =	swait.ge [sflag:s23], $0x1800  }
.Ltmp8:
0x6e: {  	[sflag:s23] =	ssyncset.done $0x0;
	(pc) =	sbr.rel .LBB2_10-.Ltmp8, $4  }
0x6f: {  	[sflag:s23] =	ssyncadd.s32 $0xFFFFE800  }
0x70: {  	[tilespmem:s26], [sflag:$0x1] =	stream.indirect.gather [hbm4b:s2+s25], $0x80, s9, s25, $0xb8;
	[tilespmem:$0x1F800] =	vst v63  }
0x71: {  	s6 =	smov.u32 s1  }
0x72: {  	[tilespmem:s28], [sflag:$0x2] =	stream.indirect.gather [hbm4b:s2+s25], $0x80, s11, s25, $0xb8;
	[tilespmem:$0x1F800] =	vst v63  }
.LBB2_12:
0x73: {  	s31 =	sadd.s32 $0x1, s31  }
0x74: {  	p1 =	sne.s32 s20, s31  }
.Ltmp9:
0x75: {  	_ = 	snop;
	(pc) =	sbr.rel @!p1 .LBB2_13-.Ltmp9, $2  }
0x76: {  	_ =	sdelay $0x2  }
0x77: {  	s6 =	sadd.s32 $0x200, s6  }
.LBB2_10:
0x78: {  	s0 =	sand.u32 $0x1, s31  }
0x79: {  	p1 =	seq.s32 s0, $0x1  }
0x7a: {  	s4 =	simm.s32 @!p1 $0x1  }
0x7b: {  	_ =	swait.ge @!p1 [sflag:s4], $0x4000  }
0x7c: {  	[sflag:s4] =	ssyncset.done @!p1 $0x0  }
0x7d: {  	[sflag:s4] =	ssyncadd.s32 @!p1 $0xFFFFC000;
	s4 =	sshra.s32 @!p1 s6, $0x2  }
0x7e: {  	s8 =	simm.s32 @!p1 $0x80;
	s10 =	simm.s32 @!p1 $0x3000;
	s4 =	sadd.s32 @!p1 $0x1800, s4  }
0x7f: {  	[spmem:s3] =	stream.indirect.scatter.add.f32 @!p1 [tilespmem:s10], [sflag:$0x3], $0x80, s4, s8, $0xb8;
	[tilespmem:$0x1F800] =	vst v63  }
0x80: {  	s4 =	simm.s32 @!p1 $0x3  }
0x81: {  	p2 =	sge.s32 @!p1 s31, s14;
	_ =	swait.ge @!p1 [sflag:s4], $0x4000  }
0x82: {  	p2 =	por p2, p1;
	[sflag:s4] =	ssyncset.done @!p1 $0x0  }
0x83: {  	[sflag:s4] =	ssyncadd.s32 @!p1 $0xFFFFC000;
	s4 =	sshra.s32 @!p2 s6, $0x2  }
0x84: {  	s8 =	simm.s32 @!p2 $0x80;
	s10 =	simm.s32 @!p2 $0x3000;
	s4 =	sadd.s32 @!p2 $0x100, s4  }
0x85: {  	[tilespmem:s10], [sflag:$0x1] =	stream.indirect.gather @!p2 [hbm4b:s2+s8], $0x80, s4, s8, $0xb8;
	[tilespmem:$0x1F800] =	vst v63  }
0x86: {  	p2 =	seq.s32 @!p1 s0, $0x0  }
0x87: {  	p2 =	por p1, !p2  }
.Ltmp10:
0x88: {  	_ = 	snop;
	(pc) =	sbr.rel @!p2 .LBB2_12-.Ltmp10, $1  }
0x89: {  	_ =	sdelay $0x3  }
0x8a: {  	s0 =	sadd.s32 @!p1 s5, s31  }
0x8b: {  	s0 =	sshll.u32 @!p1 s0, $0x9  }
0x8c: {  	_ =	swait.ge [sflag:s29], $0x4000;
	s0 =	smov.u32 @p1 s6  }
0x8d: {  	[sflag:s29] =	ssyncset.done $0x0;
	s4 =	sshra.s32 s0, $0x2  }
0x8e: {  	[sflag:s29] =	ssyncadd.s32 $0xFFFFC000;
	s4 =	sadd.s32 $0x1800, s4  }
0x8f: {  	[spmem:s3] =	stream.indirect.scatter.add.f32 [tilespmem:s28], [sflag:$0x3], $0x80, s4, s25, $0xb8;
	[tilespmem:$0x1F800] =	vst v63  }
.Ltmp11:
0x90: {  	_ = 	snop;
	(pc) =	sbr.rel .LBB2_12-.Ltmp11, $4  }
0x91: {  	p1 =	sge.s32 s31, s14;
	_ =	swait.ge [sflag:s23], $0x4000  }
0x92: {  	s0 =	sshra.s32 @!p1 s0, $0x2;
	s8 =	simm.s32 @!p1 $0x7000;
	[sflag:s23] =	ssyncset.done $0x0  }
0x93: {  	s0 =	sadd.s32 @!p1 $0x100, s0;
	s4 =	simm.s32 @!p1 $0x80;
	[sflag:s23] =	ssyncadd.s32 $0xFFFFC000  }
0x94: {  	[tilespmem:s8], [sflag:$0x2] =	stream.indirect.gather @!p1 [hbm4b:s2+s4], $0x80, s0, s4, $0xb8;
	[tilespmem:$0x1F800] =	vst v63  }
.LBB2_13:
0x95: {  	s0 =	simm.s32 $0x0  }
0x96: {  	[tilespmem:s0], [sflag:$0x3] =	stream.linear.gather [hbm4b:s15+s0], $0x1800, $0x38;
	[tilespmem:$0x1F800] =	vst v63  }
0x97: {  	_ =	swait.ge [sflag:s23], $0x1800  }
0x98: {  	[sflag:s23] =	ssyncset.done $0x0  }
.Ltmp12:
0x99: {  	[sflag:s23] =	ssyncadd.s32 $0xFFFFE800;
	(pc) =	sbr.rel @p0 .LBB2_18-.Ltmp12, $4  }
0x9a: {  	[tilespmem:s24], [sflag:$0x3] =	stream.linear.gather [hbm4b:s16+s0], $0x1800, $0x38;
	[tilespmem:$0x1F800] =	vst v63  }
0x9b: {  	_ =	swait.ge [sflag:s23], $0x1800  }
0x9c: {  	[sflag:s23] =	ssyncset.done $0x0  }
0x9d: {  	[sflag:s23] =	ssyncadd.s32 $0xFFFFE800  }
.Ltmp13:
0x9e: {  	(pc) =	sbr.rel .LBB2_15-.Ltmp13, $4  }
0x9f: {  	_ = 	snop  }
0xa0: {  	[tilespmem:s26], [sflag:$0x1] =	stream.indirect.gather [hbm4b:s2+s25], $0x80, s9, s25, $0xb8;
	[tilespmem:$0x1F800] =	vst v63  }
0xa1: {  	s31 =	simm.s32 $0x0;
	s6 =	smov.u32 s1  }
0xa2: {  	[tilespmem:s28], [sflag:$0x2] =	stream.indirect.gather [hbm4b:s2+s25], $0x80, s11, s25, $0xb8;
	[tilespmem:$0x1F800] =	vst v63  }
.LBB2_17:
0xa3: {  	s31 =	sadd.s32 $0x1, s31  }
0xa4: {  	p1 =	sne.s32 s21, s31  }
.Ltmp14:
0xa5: {  	_ = 	snop;
	(pc) =	sbr.rel @!p1 .LBB2_18-.Ltmp14, $2  }
0xa6: {  	_ =	sdelay $0x2  }
0xa7: {  	s6 =	sadd.s32 $0x200, s6  }
.LBB2_15:
0xa8: {  	s0 =	sand.u32 $0x1, s31  }
0xa9: {  	p1 =	seq.s32 s0, $0x1  }
0xaa: {  	s4 =	simm.s32 @!p1 $0x1  }
0xab: {  	_ =	swait.ge @!p1 [sflag:s4], $0x4000  }
0xac: {  	[sflag:s4] =	ssyncset.done @!p1 $0x0  }
0xad: {  	[sflag:s4] =	ssyncadd.s32 @!p1 $0xFFFFC000;
	s4 =	sshra.s32 @!p1 s6, $0x2  }
0xae: {  	s8 =	simm.s32 @!p1 $0x80;
	s10 =	simm.s32 @!p1 $0x3000;
	s4 =	sadd.s32 @!p1 $0x1800, s4  }
0xaf: {  	[spmem:s3] =	stream.indirect.scatter.add.f32 @!p1 [tilespmem:s10], [sflag:$0x3], $0x80, s4, s8, $0xb8;
	[tilespmem:$0x1F800] =	vst v63  }
0xb0: {  	s4 =	simm.s32 @!p1 $0x3  }
0xb1: {  	p2 =	sge.s32 @!p1 s31, s17;
	_ =	swait.ge @!p1 [sflag:s4], $0x4000  }
0xb2: {  	p2 =	por p2, p1;
	[sflag:s4] =	ssyncset.done @!p1 $0x0  }
0xb3: {  	[sflag:s4] =	ssyncadd.s32 @!p1 $0xFFFFC000;
	s4 =	sshra.s32 @!p2 s6, $0x2  }
0xb4: {  	s8 =	simm.s32 @!p2 $0x80;
	s10 =	simm.s32 @!p2 $0x3000;
	s4 =	sadd.s32 @!p2 $0x100, s4  }
0xb5: {  	[tilespmem:s10], [sflag:$0x1] =	stream.indirect.gather @!p2 [hbm4b:s2+s8], $0x80, s4, s8, $0xb8;
	[tilespmem:$0x1F800] =	vst v63  }
0xb6: {  	p2 =	seq.s32 @!p1 s0, $0x0  }
0xb7: {  	p2 =	por p1, !p2  }
.Ltmp15:
0xb8: {  	_ = 	snop;
	(pc) =	sbr.rel @!p2 .LBB2_17-.Ltmp15, $1  }
0xb9: {  	_ =	sdelay $0x3  }
0xba: {  	s0 =	sadd.s32 @!p1 s5, s31  }
0xbb: {  	s0 =	sshll.u32 @!p1 s0, $0x9  }
0xbc: {  	_ =	swait.ge [sflag:s29], $0x4000;
	s0 =	smov.u32 @p1 s6  }
0xbd: {  	[sflag:s29] =	ssyncset.done $0x0;
	s4 =	sshra.s32 s0, $0x2  }
0xbe: {  	[sflag:s29] =	ssyncadd.s32 $0xFFFFC000;
	s4 =	sadd.s32 $0x1800, s4  }
0xbf: {  	[spmem:s3] =	stream.indirect.scatter.add.f32 [tilespmem:s28], [sflag:$0x3], $0x80, s4, s25, $0xb8;
	[tilespmem:$0x1F800] =	vst v63  }
.Ltmp16:
0xc0: {  	_ = 	snop;
	(pc) =	sbr.rel .LBB2_17-.Ltmp16, $4  }
0xc1: {  	p1 =	sge.s32 s31, s17;
	_ =	swait.ge [sflag:s23], $0x4000  }
0xc2: {  	s0 =	sshra.s32 @!p1 s0, $0x2;
	s8 =	simm.s32 @!p1 $0x7000;
	[sflag:s23] =	ssyncset.done $0x0  }
0xc3: {  	s0 =	sadd.s32 @!p1 $0x100, s0;
	s4 =	simm.s32 @!p1 $0x80;
	[sflag:s23] =	ssyncadd.s32 $0xFFFFC000  }
0xc4: {  	[tilespmem:s8], [sflag:$0x2] =	stream.indirect.gather @!p1 [hbm4b:s2+s4], $0x80, s0, s4, $0xb8;
	[tilespmem:$0x1F800] =	vst v63  }
.LBB2_19:
0xc5: {  	_ =	sfence.sel $0x180000  }
0xc6: {  	[bflag:$0x0] =	sbarrier.arrive $0xFFFF  }
0xc7: {  	_ =	strace $0x9000004D  }
0xc8: {  	s0 =	stileid.u32;
	[bflag:$0x2] =	sbarrier.arrive $0xFFFF  }
0xc9: {  	p0 =	sne.s32 s0, $0x0;
	s0 =	rddreg [dreg:$0x3]  }
0xca: {  	s0 =	sadd.s32 @!p0 $0x100000, s0  }
0xcb: {  	[sflag:s0] =	ssyncadd.tile.s32 @!p0 $0x1;
	_ =	shalt  }
.Lfunc_end2:
_tile_overlayer_lowered:
.L_overlay_start_2:
0xcc: {  	(tag) =	ssettag $0x2  }
0xcd: {  	s0 =	rddreg [dreg:$0x0];
	s2 =	stileid.u32  }
0xce: {  	s1 =	rddreg [dreg:$0x1];
	p0 =	sne.s32 s2, $0x0  }
0xcf: {  	s3 =	rddreg [dreg:$0x2];
	[bflag:$0x3] =	sbarrier.arrive $0xFFFF;
	s2 =	simm.s32 @!p0 $0x1C03  }
0xd0: {  	[timem:s3], [sflag:s2] =	dma.local @!p0 [hbm:s0], s1  }
0xd1: {  	s0 =	simm.s32 @!p0 $0x3  }
0xd2: {  	_ =	swait.ge @!p0 [sflag:s0], s1  }
0xd3: {  	s1 =	ssub.s32 @!p0 $0x0, s1;
	[sflag:s0] =	ssyncset.done @!p0 $0x0  }
0xd4: {  	[sflag:s0] =	ssyncadd.s32 @!p0 s1  }
0xd5: {  	[bflag:$0x3] =	sbarrier.arrive $0xFFFF  }
0xd6: {  	_ =	shalt  }

// kernel: kernel.19.cloned.1.call-start
scs
__scs_entry_jumppad:
0x0: {  	(pc) =	sbr.rel $0x88, $3  }
0x1: {  	(tag) =	ssettag $0x0;
	lr =	simm.s32 $0x1  }
0x2: {  	[smem:$0x3F93] =	sst lr;
	_ =	strace $0xD0000000  }
0x3: {  	_ = 	snop  }
0x4: {  	_ = 	snop  }
0x5: {  	_ = 	snop  }
0x6: {  	_ = 	snop  }
0x7: {  	_ = 	snop  }
__scs_overlays_trampoline_lowered:
0x8: {  	[smem:$0x3FA2] =	sst s0  }
0x9: {  	[smem:$0x3FA3] =	sst s1  }
0xa: {  	[smem:$0x3FA4] =	sst s2  }
0xb: {  	[smem:$0x3FA5] =	sst s3  }
0xc: {  	[smem:$0x3FA6] =	sst s4  }
0xd: {  	[smem:$0x3FA7] =	sst s5  }
0xe: {  	[smem:$0x3FA8] =	sst s6  }
0xf: {  	[smem:$0x3FA9] =	sst s7  }
0x10: {  	[smem:$0x3FAA] =	sst s8  }
0x11: {  	[smem:$0x3FAB] =	sst s9;
	s0 =	simm.s32 @!p0 $0x0  }
0x12: {  	s1 =	sld [smem:$0x3F91];
	s0 =	simm.s32 @p0 $0x1  }
0x13: {  	[smem:$0x3FAC] =	sst s0;
	s0 =	simm.s32 @!p1 $0x0  }
0x14: {  	s2 =	sld [smem:$0x3F90];
	s0 =	simm.s32 @p1 $0x1  }
0x15: {  	[smem:$0x3FAD] =	sst s0;
	s0 =	simm.s32 @!p2 $0x0  }
0x16: {  	s3 =	sld [smem:$0x3FDB];
	s0 =	simm.s32 @p2 $0x1  }
0x17: {  	s4 =	simm.s32 $0x1BF5;
	[smem:$0x3FAF] =	sst s0  }
0x18: {  	s0 =	sld [smem:$0x3F92];
	_ =	swait.ge [sflag:s4], $0x0  }
0x19: {  	s7 =	sld [smem:$0x3F93]  }
0x1a: {  	s8 =	sadd.s32 $0xFFFFE003, lr  }
0x1b: {  	s9 =	sadd.s32 $0xFFFFFEF7, lr;
	s5 =	simm.s32 $0xFFFFFFFF;
	p2 =	slt.u32 s8, $0xFFFFF086  }
0x1c: {  	p1 =	slt.u32 s9, $0xF7A;
	s5 =	simm.s32 @!p2 $0x0  }
0x1d: {  	s5 =	simm.s32 @p1 $0x1;
	p0 =	seq.s32 s7, s2  }
0x1e: {  	s7 =	smul.u32 @!p0 $0xF7A, s2;
	p2 =	seq.s32 @!p0 s5, $0x0  }
0x1f: {  	s9 =	smul.u32 $0xF7A, s1;
	s8 =	simm.s32 @!p0 $0x1BF5;
	p2 =	por !p2, p0  }
0x20: {  	[sflag:s8] =	ssyncset.s32 @!p0 $0xFFFFF086;
	s6 =	sadd.s32 @!p0 s3, s7;
	s7 =	simm.s32 @!p0 $0x108  }
0x21: {  	s3 =	sadd.s32 s3, s9;
	s6 =	sadd.s32 @!p0 $0x88, s6;
	s7 =	simm.s32 @p2 $0x1082  }
0x22: {  	[simem:s7], [sflag:s8] =	dma.local @!p0 [hbm:s6], $0xF7A  }
0x23: {  	s9 =	sor.u32 $0xD0000000, s2;
	s6 =	simm.s32 $0x108;
	_ =	swait.ge @!p0 [sflag:s8], $0x0  }
0x24: {  	s3 =	sadd.s32 $0x88, s3;
	s6 =	simm.s32 @!p1 $0x1082;
	[sflag:s4] =	ssyncset.s32 $0xFFFFF086  }
0x25: {  	[simem:s6], [sflag:s4] =	dma.local [hbm:s3], $0xF7A  }
0x26: {  	[smem:$0x3F93] =	sst s1;
	(tag) =	ssettag s2;
	_ =	strace s9  }
0x27: {  	s1 =	sld [smem:$0x3FA3]  }
0x28: {  	s2 =	sld [smem:$0x3FA4]  }
0x29: {  	s4 =	sld [smem:$0x3FA6]  }
0x2a: {  	p0 =	seq.s32 s5, $0x0;
	s5 =	sld [smem:$0x3FA7]  }
0x2b: {  	s6 =	sld [smem:$0x3FA8]  }
0x2c: {  	s7 =	sld [smem:$0x3FA9]  }
0x2d: {  	s3 =	simm.s32 $0x108;
	s8 =	sld [smem:$0x3FAA]  }
0x2e: {  	s3 =	simm.s32 @!p0 $0x1082;
	s9 =	sld [smem:$0x3FAB]  }
0x2f: {  	lr =	sadd.s32 s0, s3;
	s0 =	sld [smem:$0x3FA2]  }
0x30: {  	s3 =	sld [smem:$0x3FA5]  }
0x31: {  	[smem:$0x3FAE] =	sst s10  }
0x32: {  	s10 =	sld [smem:$0x3FAC];
	_ =	sdelay $0x3  }
0x33: {  	p0 =	seq.s32 s10, $0x1;
	s10 =	sld [smem:$0x3FAE];
	_ =	sdelay $0x3  }
0x34: {  	[smem:$0x3FAE] =	sst s10  }
0x35: {  	s10 =	sld [smem:$0x3FAD];
	_ =	sdelay $0x3  }
0x36: {  	p1 =	seq.s32 s10, $0x1;
	s10 =	sld [smem:$0x3FAE];
	_ =	sdelay $0x3  }
0x37: {  	[smem:$0x3FAE] =	sst s10  }
0x38: {  	s10 =	sld [smem:$0x3FAF]  }
0x39: {  	_ = 	snop;
	(pc) =	sbr.ind lr, $3  }
0x3a: {  	_ = 	snop  }
0x3b: {  	_ = 	snop  }
0x3c: {  	p2 =	seq.s32 s10, $0x1;
	s10 =	sld [smem:$0x3FAE]  }
0x3d: {  	_ =	shalt  }
0x3e: {  	_ =	shalt  }
0x3f: {  	_ =	shalt  }
0x40: {  	_ =	shalt  }
0x41: {  	_ =	shalt  }
0x42: {  	_ =	shalt  }
0x43: {  	_ =	shalt  }
0x44: {  	_ =	shalt  }
0x45: {  	_ =	shalt  }
0x46: {  	_ =	shalt  }
0x47: {  	_ =	shalt  }
0x48: {  	_ =	shalt  }
0x49: {  	_ =	shalt  }
0x4a: {  	_ =	shalt  }
0x4b: {  	_ =	shalt  }
0x4c: {  	_ =	shalt  }
0x4d: {  	_ =	shalt  }
0x4e: {  	_ =	shalt  }
0x4f: {  	_ =	shalt  }
0x50: {  	_ =	shalt  }
0x51: {  	_ =	shalt  }
0x52: {  	_ =	shalt  }
0x53: {  	_ =	shalt  }
0x54: {  	_ =	shalt  }
0x55: {  	_ =	shalt  }
0x56: {  	_ =	shalt  }
0x57: {  	_ =	shalt  }
0x58: {  	_ =	shalt  }
0x59: {  	_ =	shalt  }
0x5a: {  	_ =	shalt  }
0x5b: {  	_ =	shalt  }
0x5c: {  	_ =	shalt  }
0x5d: {  	_ =	shalt  }
0x5e: {  	_ =	shalt  }
0x5f: {  	_ =	shalt  }
0x60: {  	_ =	shalt  }
0x61: {  	_ =	shalt  }
0x62: {  	_ =	shalt  }
0x63: {  	_ =	shalt  }
0x64: {  	_ =	shalt  }
0x65: {  	_ =	shalt  }
0x66: {  	_ =	shalt  }
0x67: {  	_ =	shalt  }
0x68: {  	_ =	shalt  }
0x69: {  	_ =	shalt  }
0x6a: {  	_ =	shalt  }
0x6b: {  	_ =	shalt  }
0x6c: {  	_ =	shalt  }
0x6d: {  	_ =	shalt  }
0x6e: {  	_ =	shalt  }
0x6f: {  	_ =	shalt  }
0x70: {  	_ =	shalt  }
0x71: {  	_ =	shalt  }
0x72: {  	_ =	shalt  }
0x73: {  	_ =	shalt  }
0x74: {  	_ =	shalt  }
0x75: {  	_ =	shalt  }
0x76: {  	_ =	shalt  }
0x77: {  	_ =	shalt  }
0x78: {  	_ =	shalt  }
0x79: {  	_ =	shalt  }
0x7a: {  	_ =	shalt  }
0x7b: {  	_ =	shalt  }
0x7c: {  	_ =	shalt  }
0x7d: {  	_ =	shalt  }
0x7e: {  	_ =	shalt  }
0x7f: {  	_ =	shalt  }
0x80: {  	_ =	shalt  }
0x81: {  	_ =	shalt  }
0x82: {  	_ =	shalt  }
0x83: {  	_ =	shalt  }
0x84: {  	_ =	shalt  }
0x85: {  	_ =	shalt  }
0x86: {  	_ =	shalt  }
0x87: {  	_ =	shalt  }
.Lfunc_end0:
.L_simem_size_0:
called_computation.3_lowered:
.L_overlay_start_0:
0x88: {  	s2 =	sld [smem:$0x3FD9]  }
0x89: {  	s3 =	sld [smem:$0x3FFE];
	_ =	sdelay $0x1  }
0x8a: {  	s1 =	srdreg.scid  }
0x8b: {  	s0 =	sand.u32 $0x1, s1  }
0x8c: {  	s17 =	sshll.u32 s0, $0xA;
	s2 =	sadd.s32 s3, s2  }
0x8d: {  	s2 =	sadd.s32 s2, s17  }
0x8e: {  	[smem:$0x3FBA] =	sst s2  }
0x8f: {  	_ = 	snop  }
0x90: {  	s2 =	sld [smem:$0x3FD0];
	(tm) =	ssettm $0x1  }
0x91: {  	s18 =	sld [smem:$0x3FFB];
	_ =	sdelay $0x3  }
0x92: {  	_ =	strace s18  }
0x93: {  	s3 =	sld [smem:$0x3FFC];
	_ =	sdelay $0x3  }
0x94: {  	_ =	strace s3  }
0x95: {  	s3 =	sld [smem:$0x3FFD];
	_ =	sdelay $0x3  }
0x96: {  	_ =	strace s3  }
0x97: {  	_ =	strace $0x8FFFFFFF  }
0x98: {  	s19 =	sld [smem:$0x3FDB];
	_ =	sdelay $0x1  }
0x99: {  	s4 =	simm.s32 $_scs_section_size  }
0x9a: {  	s5 =	simm.s32 $_size__tile_overlayer_lowered;
	s6 =	simm.s32 $_tile_overlayer_lowered  }
0x9b: {  	s22 =	simm.s32 $0x1BFF;
	s21 =	sshll.u32 s6, $0x1;
	s3 =	sadd.s32 s4, s19  }
0x9c: {  	s7 =	simm.s32 $0x0;
	s20 =	sshll.u32 s5, $0x1;
	s5 =	sadd.s32 s21, s3  }
0x9d: {  	[timem:s7], [sflag:s22] =	dma.local [hbm:s5], s20  }
0x9e: {  	_ =	swait.ge [sflag:s22], s20  }
0x9f: {  	s4 =	ssub.s32 $0x0, s20;
	[sflag:s22] =	ssyncset.done $0x0  }
0xa0: {  	[sflag:s22] =	ssyncadd.s32 s4;
	_ =	sdelay $0x1  }
0xa1: {  	s23 =	simm.s32 $0x1B8B  }
0xa2: {  	_ =	swait.ge [sflag:s23], $0x1  }
0xa3: {  	[sflag:s23] =	ssyncset.done $0x0  }
0xa4: {  	s25 =	simm.s32 $0x1B8E;
	s24 =	sld [smem:$0x3FFE];
	[sflag:s23] =	ssyncadd.s32 $0xFFFFFFFF  }
0xa5: {  	s26 =	simm.s32 $execute0_lowered;
	[smem:$0x3FD2] =	sst s25  }
0xa6: {  	s5 =	sshll.u32 s26, $0x1;
	_ =	strace $0x8000004F;
	[dreg:$0x1] =	wrdreg $0xFFFFFFFF  }
0xa7: {  	s28 =	simm.s32 $_size_execute0_lowered;
	s3 =	sadd.s32 s3, s5;
	[dreg:$0x0] =	wrdreg $0x0  }
0xa8: {  	s5 =	sshll.u32 s28, $0x1;
	[dreg:$0x2] =	wrdreg s3  }
0xa9: {  	[dreg:$0x3] =	wrdreg s5  }
0xaa: {  	[dreg:$0x4] =	wrdreg $0xC0  }
0xab: {  	_ =	task [dreg:s7], $0x5FFFF  }
0xac: {  	[dreg:$0x1] =	wrdreg $0xFFFFFFFF  }
0xad: {  	[dreg:$0x0] =	wrdreg $0x60  }
0xae: {  	[dreg:$0x2] =	wrdreg s2  }
0xaf: {  	[dreg:$0x3] =	wrdreg s24  }
0xb0: {  	[dreg:$0x4] =	wrdreg $0xB8000  }
0xb1: {  	[dreg:$0x5] =	wrdreg $0x9  }
0xb2: {  	_ =	task.clear_ibuf [dreg:s7], $0x6FFFF;
	_ =	strace $0x9000004F  }
0xb3: {  	s29 =	simm.s32 $0x9;
	_ =	strace $0x80000051  }
0xb4: {  	_ =	swait.ge [sflag:s29], $0x1  }
0xb5: {  	[sflag:s29] =	ssyncadd.s32 $0xFFFFFFFF  }
0xb6: {  	_ =	strace $0x90000051  }
0xb7: {  	_ =	sfence  }
0xb8: {  	s30 =	sld [smem:$0x0];
	_ =	sdelay $0x2  }
0xb9: {  	s31 =	sshll.u32 s1, $0xD;
	s1 =	sshrl.u32 s1, $0x2  }
0xba: {  	s3 =	sand.u32 $0x4000, s31;
	s1 =	sadd.s32 s1, s30  }
0xbb: {  	s0 =	sor.u32 s3, s0;
	s1 =	sshll.u32 s1, $0x11  }
0xbc: {  	s0 =	sor.u32 s1, s0  }
0xbd: {  	s0 =	sadd.s32 $0x8F2B, s0  }
0xbe: {  	[sflag:s0] =	ssyncadd.remote.s32 $0x1  }
0xbf: {  	_ =	sfence.sel $0xFFFF  }
0xc0: {  	[dreg:$0x0] =	wrdreg $0xFFFFFFFF;
	(pc) =	sbr.abs _section_cstart, $3  }
0xc1: {  	[dreg:$0x1] =	wrdreg $0xFFFFFFFF  }
0xc2: {  	_ =	task.clear_ibuf [dreg:s7], $0x2FFFF;
	_ =	strace $0x9FFFFFFF  }
0xc3: {  	(tm) =	ssettm $0x7FFFFFFF  }
tec
execute0_lowered:
.L_overlay_start_1:
0x0: {  	(tag) =	ssettag $0x1  }
0x1: {  	s2 =	rddreg [dreg:$0x0]  }
0x2: {  	s1 =	rddreg [dreg:$0x1]  }
0x3: {  	s3 =	rddreg [dreg:$0x2];
	s0 =	stileid.u32  }
0x4: {  	s4 =	srdreg.scid;
	s21 =	simm.s32 $0x0;
	s5 =	smul.u32 $0x2F, s0  }
0x5: {  	s20 =	simm.s32 $0x73;
	s28 =	simm.s32 $0x7000;
	s7 =	smul.u32 $0x73, s0  }
0x6: {  	s29 =	simm.s32 $0x2;
	s30 =	simm.s32 $0x0;
	s22 =	smul.u32 $0x14000, s0  }
0x7: {  	s6 =	sand.u32 $0x1, s4;
	[smem:$0x7FF] =	sst s21;
	s25 =	smul.u32 $0x50000, s0  }
0x8: {  	p0 =	seq.s32 s6, $0x0;
	s8 =	smul.u32 $0x140000, s6;
	s23 =	ssub.s32 $0x2, s6  }
0x9: {  	_ =	strace $0x80000050;
	s5 =	sadd.s32 $0x730, s5;
	s24 =	sshrl.u32 s23, $0x1  }
0xa: {  	s20 =	simm.s32 @!p0 $0x2F;
	s5 =	smov.u32 @p0 s7;
	s7 =	sadd.s32 s22, s8  }
0xb: {  	s19 =	ssub.s32 s23, s24;
	s21 =	smin.u32 s20, $0x50;
	s17 =	smax.u32 s20, $0x50  }
0xc: {  	s22 =	smax.u32 s20, $0x51;
	s23 =	simm.s32 $0x3;
	s24 =	simm.s32 $0x1800  }
0xd: {  	p0 =	sne.s32 s6, $0x0;
	s9 =	sshll.u32 s5, $0x4;
	s7 =	sshrl.u32 s7, $0x3  }
0xe: {  	s5 =	sand.u32 $0x7, s5;
	s14 =	sadd.s32 $0xFFFFFFD6, s21;
	s17 =	sadd.s32 $0xFFFFFFAE, s17  }
0xf: {  	s19 =	smax.u32 s19, $0x1;
	s20 =	sadd.s32 $0xFFFFFFD8, s21;
	s21 =	sadd.s32 $0xFFFFFFB0, s22  }
0x10: {  	s22 =	simm.s32 $0xB000;
	s9 =	sand.u32 $0xFF80, s9;
	s18 =	sadd.s32 s7, s1  }
0x11: {  	s7 =	sshrl.u32 s25, $0x2;
	s25 =	simm.s32 $0x80;
	s16 =	sadd.s32 s9, s1  }
.Ltmp0:
0x12: {  	s1 =	sshll.u32 s5, $0x9;
	s7 =	sadd.s32 s7, s3;
	(pc) =	sbr.rel .LBB2_1-.Ltmp0, $4  }
0x13: {  	s18 =	sadd.s32 $0x69800, s18;
	s26 =	sadd.s32 $0x4A00, s16;
	s9 =	sshrl.u32 s1, $0x2  }
0x14: {  	s31 =	sadd.s32 $0xF100, s16;
	s12 =	sadd.s32 $0x4C80, s16;
	s13 =	sadd.s32 $0xF380, s16  }
0x15: {  	s15 =	sadd.s32 $0x4F00, s16;
	s16 =	sadd.s32 $0xF600, s16;
	[dreg:$0x4] =	wrdreg s26  }
0x16: {  	v0 =	vimm.f32 $0.0e+00;
	[dreg:$0x5] =	wrdreg s31;
	s11 =	sadd.s32 $0x80, s9;
	s26 =	simm.s32 $0x3000  }
.LBB2_18:
0x17: {  	s0 =	stileid.u32;
	s30 =	sadd.s32 $0x1, s30  }
0x18: {  	[bflag:$0x0] =	sbarrier.arrive $0xFFFF;
	s0 =	sshll.u32 s0, $0x6;
	p1 =	sne.s32 s30, s19  }
.Ltmp1:
0x19: {  	s4 =	sshrl.u32 s7, $0x3;
	s0 =	sor.u32 $0x1C03, s0;
	(pc) =	sbr.rel @!p1 .LBB2_19-.Ltmp1, $4  }
0x1a: {  	[hbm:s18], [sflag:s0] =	dma.local [spmem:s4], $0x2800  }
0x1b: {  	_ =	swait.ge [sflag:s23], $0x2800  }
0x1c: {  	[sflag:s23] =	ssyncset.done $0x0  }
0x1d: {  	[sflag:s23] =	ssyncadd.s32 $0xFFFFD800  }
.LBB2_1:
0x1e: {  	s6 =	simm.s32 $0x0;
	s31 =	simm.s32 $0x200  }
.LBB2_2:
0x1f: {  	p1 =	sne.s32 s31, $0x1E00;
	[tilespmem:s6+$0xB070] =	vst v0  }
0x20: {  	[tilespmem:s6+$0xB000] =	vst v0  }
0x21: {  	[tilespmem:s6+$0xB010] =	vst v0  }
.Ltmp2:
0x22: {  	[tilespmem:s6+$0xB020] =	vst v0;
	(pc) =	sbr.rel @p1 .LBB2_2-.Ltmp2, $4  }
0x23: {  	[tilespmem:s6+$0xB030] =	vst v0  }
0x24: {  	[tilespmem:s6+$0xB040] =	vst v0  }
0x25: {  	[tilespmem:s6+$0xB050] =	vst v0  }
0x26: {  	[tilespmem:s6+$0xB060] =	vst v0;
	s6 =	sshra.s32 s31, $0x2;
	s31 =	sadd.s32 $0x200, s31  }
0x27: {  	[tilespmem:s6+$0xB070] =	vst v0  }
0x28: {  	[tilespmem:s6+$0xB000] =	vst v0  }
0x29: {  	[tilespmem:s6+$0xB010] =	vst v0  }
0x2a: {  	[tilespmem:s6+$0xB020] =	vst v0  }
0x2b: {  	[tilespmem:s6+$0xB030] =	vst v0  }
0x2c: {  	[tilespmem:s6+$0xB040] =	vst v0  }
0x2d: {  	[tilespmem:s6+$0xB050] =	vst v0  }
0x2e: {  	[tilespmem:s6+$0xB060] =	vst v0;
	s31 =	sadd.s32 $0x0, s7  }
0x2f: {  	[spmem:s31] =	stream.linear.scatter [tilespmem:s22], [sflag:$0x3], $0x800, $0x38;
	[tilespmem:$0x1F800] =	vst v63  }
0x30: {  	s6 =	simm.s32 $0x2000;
	_ =	swait.ge [sflag:s23], $0x800  }
.LBB2_4:
0x31: {  	s31 =	sshra.s32 s6, $0x2;
	[sflag:s23] =	ssyncset.done $0x0;
	p1 =	sne.s32 s6, $0x4E000  }
.Ltmp3:
0x32: {  	s31 =	sadd.s32 s31, s7;
	[sflag:s23] =	ssyncadd.s32 $0xFFFFF800;
	(pc) =	sbr.rel @p1 .LBB2_4-.Ltmp3, $3  }
0x33: {  	[spmem:s31] =	stream.linear.scatter [tilespmem:s22], [sflag:$0x3], $0x800, $0x38;
	[tilespmem:$0x1F800] =	vst v63  }
0x34: {  	s6 =	sadd.s32 $0x2000, s6;
	_ =	sdelay $0x1  }
0x35: {  	_ =	swait.ge [sflag:s23], $0x800  }
0x36: {  	[sflag:s23] =	ssyncset.done $0x0  }
0x37: {  	[sflag:s23] =	ssyncadd.s32 $0xFFFFF800  }
0x38: {  	[bflag:$0x0] =	sbarrier.arrive $0xFFFF  }
0x39: {  	s31 =	simm.s32 $0x0;
	s0 =	rddreg [dreg:$0x4]  }
0x3a: {  	[tilespmem:s31], [sflag:$0x3] =	stream.linear.gather [hbm4b:s0+s31], $0x1800, $0x38;
	[tilespmem:$0x1F800] =	vst v63  }
0x3b: {  	_ =	swait.ge [sflag:s23], $0x1800  }
0x3c: {  	[sflag:s23] =	ssyncset.done $0x0  }
0x3d: {  	s10 =	rddreg [dreg:$0x5];
	[sflag:s23] =	ssyncadd.s32 $0xFFFFE800  }
0x3e: {  	[tilespmem:s24], [sflag:$0x3] =	stream.linear.gather [hbm4b:s10+s31], $0x1800, $0x38;
	[tilespmem:$0x1F800] =	vst v63  }
0x3f: {  	_ =	swait.ge [sflag:s23], $0x1800  }
.Ltmp4:
0x40: {  	[sflag:s23] =	ssyncset.done $0x0;
	(pc) =	sbr.rel .LBB2_6-.Ltmp4, $4  }
0x41: {  	[sflag:s23] =	ssyncadd.s32 $0xFFFFE800  }
0x42: {  	[tilespmem:s26], [sflag:$0x1] =	stream.indirect.gather [hbm4b:s2+s25], $0x80, s9, s25, $0xb8;
	[tilespmem:$0x1F800] =	vst v63  }
0x43: {  	s6 =	smov.u32 s1  }
0x44: {  	[tilespmem:s28], [sflag:$0x2] =	stream.indirect.gather [hbm4b:s2+s25], $0x80, s11, s25, $0xb8;
	[tilespmem:$0x1F800] =	vst v63  }
.LBB2_8:
0x45: {  	s31 =	sadd.s32 $0x1, s31  }
0x46: {  	p1 =	sne.s32 s31, $0x28  }
.Ltmp5:
0x47: {  	_ = 	snop;
	(pc) =	sbr.rel @!p1 .LBB2_9-.Ltmp5, $2  }
0x48: {  	_ =	sdelay $0x2  }
0x49: {  	s6 =	sadd.s32 $0x200, s6  }
.LBB2_6:
0x4a: {  	s0 =	sand.u32 $0x1, s31  }
0x4b: {  	p1 =	seq.s32 s0, $0x1  }
0x4c: {  	s4 =	simm.s32 @!p1 $0x1  }
0x4d: {  	_ =	swait.ge @!p1 [sflag:s4], $0x4000  }
0x4e: {  	[sflag:s4] =	ssyncset.done @!p1 $0x0  }
0x4f: {  	[sflag:s4] =	ssyncadd.s32 @!p1 $0xFFFFC000;
	s4 =	sshra.s32 @!p1 s6, $0x2  }
0x50: {  	s8 =	simm.s32 @!p1 $0x80;
	s10 =	simm.s32 @!p1 $0x3000;
	s4 =	sadd.s32 @!p1 $0x1800, s4  }
0x51: {  	[spmem:s3] =	stream.indirect.scatter.add.f32 @!p1 [tilespmem:s10], [sflag:$0x3], $0x80, s4, s8, $0xb8;
	[tilespmem:$0x1F800] =	vst v63  }
0x52: {  	s4 =	simm.s32 @!p1 $0x3  }
0x53: {  	p2 =	sgt.u32 @!p1 s31, $0x25;
	_ =	swait.ge @!p1 [sflag:s4], $0x4000  }
0x54: {  	p2 =	por p2, p1;
	[sflag:s4] =	ssyncset.done @!p1 $0x0  }
0x55: {  	[sflag:s4] =	ssyncadd.s32 @!p1 $0xFFFFC000;
	s4 =	sshra.s32 @!p2 s6, $0x2  }
0x56: {  	s8 =	simm.s32 @!p2 $0x80;
	s10 =	simm.s32 @!p2 $0x3000;
	s4 =	sadd.s32 @!p2 $0x100, s4  }
0x57: {  	[tilespmem:s10], [sflag:$0x1] =	stream.indirect.gather @!p2 [hbm4b:s2+s8], $0x80, s4, s8, $0xb8;
	[tilespmem:$0x1F800] =	vst v63  }
0x58: {  	p2 =	seq.s32 @!p1 s0, $0x0  }
0x59: {  	p2 =	por p1, !p2  }
.Ltmp6:
0x5a: {  	_ = 	snop;
	(pc) =	sbr.rel @!p2 .LBB2_8-.Ltmp6, $1  }
0x5b: {  	_ =	sdelay $0x3  }
0x5c: {  	s0 =	sadd.s32 @!p1 s5, s31  }
0x5d: {  	s0 =	sshll.u32 @!p1 s0, $0x9  }
0x5e: {  	_ =	swait.ge [sflag:s29], $0x4000;
	s0 =	smov.u32 @p1 s6  }
0x5f: {  	[sflag:s29] =	ssyncset.done $0x0;
	s4 =	sshra.s32 s0, $0x2  }
0x60: {  	[sflag:s29] =	ssyncadd.s32 $0xFFFFC000;
	s4 =	sadd.s32 $0x1800, s4  }
0x61: {  	[spmem:s3] =	stream.indirect.scatter.add.f32 [tilespmem:s28], [sflag:$0x3], $0x80, s4, s25, $0xb8;
	[tilespmem:$0x1F800] =	vst v63  }
.Ltmp7:
0x62: {  	_ = 	snop;
	(pc) =	sbr.rel .LBB2_8-.Ltmp7, $4  }
0x63: {  	p1 =	sgt.u32 s31, $0x25;
	_ =	swait.ge [sflag:s23], $0x4000  }
0x64: {  	s0 =	sshra.s32 @!p1 s0, $0x2;
	s8 =	simm.s32 @!p1 $0x7000;
	[sflag:s23] =	ssyncset.done $0x0  }
0x65: {  	s0 =	sadd.s32 @!p1 $0x100, s0;
	s4 =	simm.s32 @!p1 $0x80;
	[sflag:s23] =	ssyncadd.s32 $0xFFFFC000  }
0x66: {  	[tilespmem:s8], [sflag:$0x2] =	stream.indirect.gather @!p1 [hbm4b:s2+s4], $0x80, s0, s4, $0xb8;
	[tilespmem:$0x1F800] =	vst v63  }
.LBB2_9:
0x67: {  	s31 =	simm.s32 $0x0  }
0x68: {  	[tilespmem:s31], [sflag:$0x3] =	stream.linear.gather [hbm4b:s12+s31], $0x1800, $0x38;
	[tilespmem:$0x1F800] =	vst v63  }
0x69: {  	_ =	swait.ge [sflag:s23], $0x1800  }
0x6a: {  	[sflag:s23] =	ssyncset.done $0x0  }
0x6b: {  	[sflag:s23] =	ssyncadd.s32 $0xFFFFE800  }
0x6c: {  	[tilespmem:s24], [sflag:$0x3] =	stream.linear.gather [hbm4b:s13+s31], $0x1800, $0x38;
	[tilespmem:$0x1F800] =	vst v63  }
0x6d: {  	_ =	swait.ge [sflag:s23], $0x1800  }
.Ltmp8:
0x6e: {  	[sflag:s23] =	ssyncset.done $0x0;
	(pc) =	sbr.rel .LBB2_10-.Ltmp8, $4  }
0x6f: {  	[sflag:s23] =	ssyncadd.s32 $0xFFFFE800  }
0x70: {  	[tilespmem:s26], [sflag:$0x1] =	stream.indirect.gather [hbm4b:s2+s25], $0x80, s9, s25, $0xb8;
	[tilespmem:$0x1F800] =	vst v63  }
0x71: {  	s6 =	smov.u32 s1  }
0x72: {  	[tilespmem:s28], [sflag:$0x2] =	stream.indirect.gather [hbm4b:s2+s25], $0x80, s11, s25, $0xb8;
	[tilespmem:$0x1F800] =	vst v63  }
.LBB2_12:
0x73: {  	s31 =	sadd.s32 $0x1, s31  }
0x74: {  	p1 =	sne.s32 s20, s31  }
.Ltmp9:
0x75: {  	_ = 	snop;
	(pc) =	sbr.rel @!p1 .LBB2_13-.Ltmp9, $2  }
0x76: {  	_ =	sdelay $0x2  }
0x77: {  	s6 =	sadd.s32 $0x200, s6  }
.LBB2_10:
0x78: {  	s0 =	sand.u32 $0x1, s31  }
0x79: {  	p1 =	seq.s32 s0, $0x1  }
0x7a: {  	s4 =	simm.s32 @!p1 $0x1  }
0x7b: {  	_ =	swait.ge @!p1 [sflag:s4], $0x4000  }
0x7c: {  	[sflag:s4] =	ssyncset.done @!p1 $0x0  }
0x7d: {  	[sflag:s4] =	ssyncadd.s32 @!p1 $0xFFFFC000;
	s4 =	sshra.s32 @!p1 s6, $0x2  }
0x7e: {  	s8 =	simm.s32 @!p1 $0x80;
	s10 =	simm.s32 @!p1 $0x3000;
	s4 =	sadd.s32 @!p1 $0x1800, s4  }
0x7f: {  	[spmem:s3] =	stream.indirect.scatter.add.f32 @!p1 [tilespmem:s10], [sflag:$0x3], $0x80, s4, s8, $0xb8;
	[tilespmem:$0x1F800] =	vst v63  }
0x80: {  	s4 =	simm.s32 @!p1 $0x3  }
0x81: {  	p2 =	sge.s32 @!p1 s31, s14;
	_ =	swait.ge @!p1 [sflag:s4], $0x4000  }
0x82: {  	p2 =	por p2, p1;
	[sflag:s4] =	ssyncset.done @!p1 $0x0  }
0x83: {  	[sflag:s4] =	ssyncadd.s32 @!p1 $0xFFFFC000;
	s4 =	sshra.s32 @!p2 s6, $0x2  }
0x84: {  	s8 =	simm.s32 @!p2 $0x80;
	s10 =	simm.s32 @!p2 $0x3000;
	s4 =	sadd.s32 @!p2 $0x100, s4  }
0x85: {  	[tilespmem:s10], [sflag:$0x1] =	stream.indirect.gather @!p2 [hbm4b:s2+s8], $0x80, s4, s8, $0xb8;
	[tilespmem:$0x1F800] =	vst v63  }
0x86: {  	p2 =	seq.s32 @!p1 s0, $0x0  }
0x87: {  	p2 =	por p1, !p2  }
.Ltmp10:
0x88: {  	_ = 	snop;
	(pc) =	sbr.rel @!p2 .LBB2_12-.Ltmp10, $1  }
0x89: {  	_ =	sdelay $0x3  }
0x8a: {  	s0 =	sadd.s32 @!p1 s5, s31  }
0x8b: {  	s0 =	sshll.u32 @!p1 s0, $0x9  }
0x8c: {  	_ =	swait.ge [sflag:s29], $0x4000;
	s0 =	smov.u32 @p1 s6  }
0x8d: {  	[sflag:s29] =	ssyncset.done $0x0;
	s4 =	sshra.s32 s0, $0x2  }
0x8e: {  	[sflag:s29] =	ssyncadd.s32 $0xFFFFC000;
	s4 =	sadd.s32 $0x1800, s4  }
0x8f: {  	[spmem:s3] =	stream.indirect.scatter.add.f32 [tilespmem:s28], [sflag:$0x3], $0x80, s4, s25, $0xb8;
	[tilespmem:$0x1F800] =	vst v63  }
.Ltmp11:
0x90: {  	_ = 	snop;
	(pc) =	sbr.rel .LBB2_12-.Ltmp11, $4  }
0x91: {  	p1 =	sge.s32 s31, s14;
	_ =	swait.ge [sflag:s23], $0x4000  }
0x92: {  	s0 =	sshra.s32 @!p1 s0, $0x2;
	s8 =	simm.s32 @!p1 $0x7000;
	[sflag:s23] =	ssyncset.done $0x0  }
0x93: {  	s0 =	sadd.s32 @!p1 $0x100, s0;
	s4 =	simm.s32 @!p1 $0x80;
	[sflag:s23] =	ssyncadd.s32 $0xFFFFC000  }
0x94: {  	[tilespmem:s8], [sflag:$0x2] =	stream.indirect.gather @!p1 [hbm4b:s2+s4], $0x80, s0, s4, $0xb8;
	[tilespmem:$0x1F800] =	vst v63  }
.LBB2_13:
0x95: {  	s0 =	simm.s32 $0x0  }
0x96: {  	[tilespmem:s0], [sflag:$0x3] =	stream.linear.gather [hbm4b:s15+s0], $0x1800, $0x38;
	[tilespmem:$0x1F800] =	vst v63  }
0x97: {  	_ =	swait.ge [sflag:s23], $0x1800  }
0x98: {  	[sflag:s23] =	ssyncset.done $0x0  }
.Ltmp12:
0x99: {  	[sflag:s23] =	ssyncadd.s32 $0xFFFFE800;
	(pc) =	sbr.rel @p0 .LBB2_18-.Ltmp12, $4  }
0x9a: {  	[tilespmem:s24], [sflag:$0x3] =	stream.linear.gather [hbm4b:s16+s0], $0x1800, $0x38;
	[tilespmem:$0x1F800] =	vst v63  }
0x9b: {  	_ =	swait.ge [sflag:s23], $0x1800  }
0x9c: {  	[sflag:s23] =	ssyncset.done $0x0  }
0x9d: {  	[sflag:s23] =	ssyncadd.s32 $0xFFFFE800  }
.Ltmp13:
0x9e: {  	(pc) =	sbr.rel .LBB2_15-.Ltmp13, $4  }
0x9f: {  	_ = 	snop  }
0xa0: {  	[tilespmem:s26], [sflag:$0x1] =	stream.indirect.gather [hbm4b:s2+s25], $0x80, s9, s25, $0xb8;
	[tilespmem:$0x1F800] =	vst v63  }
0xa1: {  	s31 =	simm.s32 $0x0;
	s6 =	smov.u32 s1  }
0xa2: {  	[tilespmem:s28], [sflag:$0x2] =	stream.indirect.gather [hbm4b:s2+s25], $0x80, s11, s25, $0xb8;
	[tilespmem:$0x1F800] =	vst v63  }
.LBB2_17:
0xa3: {  	s31 =	sadd.s32 $0x1, s31  }
0xa4: {  	p1 =	sne.s32 s21, s31  }
.Ltmp14:
0xa5: {  	_ = 	snop;
	(pc) =	sbr.rel @!p1 .LBB2_18-.Ltmp14, $2  }
0xa6: {  	_ =	sdelay $0x2  }
0xa7: {  	s6 =	sadd.s32 $0x200, s6  }
.LBB2_15:
0xa8: {  	s0 =	sand.u32 $0x1, s31  }
0xa9: {  	p1 =	seq.s32 s0, $0x1  }
0xaa: {  	s4 =	simm.s32 @!p1 $0x1  }
0xab: {  	_ =	swait.ge @!p1 [sflag:s4], $0x4000  }
0xac: {  	[sflag:s4] =	ssyncset.done @!p1 $0x0  }
0xad: {  	[sflag:s4] =	ssyncadd.s32 @!p1 $0xFFFFC000;
	s4 =	sshra.s32 @!p1 s6, $0x2  }
0xae: {  	s8 =	simm.s32 @!p1 $0x80;
	s10 =	simm.s32 @!p1 $0x3000;
	s4 =	sadd.s32 @!p1 $0x1800, s4  }
0xaf: {  	[spmem:s3] =	stream.indirect.scatter.add.f32 @!p1 [tilespmem:s10], [sflag:$0x3], $0x80, s4, s8, $0xb8;
	[tilespmem:$0x1F800] =	vst v63  }
0xb0: {  	s4 =	simm.s32 @!p1 $0x3  }
0xb1: {  	p2 =	sge.s32 @!p1 s31, s17;
	_ =	swait.ge @!p1 [sflag:s4], $0x4000  }
0xb2: {  	p2 =	por p2, p1;
	[sflag:s4] =	ssyncset.done @!p1 $0x0  }
0xb3: {  	[sflag:s4] =	ssyncadd.s32 @!p1 $0xFFFFC000;
	s4 =	sshra.s32 @!p2 s6, $0x2  }
0xb4: {  	s8 =	simm.s32 @!p2 $0x80;
	s10 =	simm.s32 @!p2 $0x3000;
	s4 =	sadd.s32 @!p2 $0x100, s4  }
0xb5: {  	[tilespmem:s10], [sflag:$0x1] =	stream.indirect.gather @!p2 [hbm4b:s2+s8], $0x80, s4, s8, $0xb8;
	[tilespmem:$0x1F800] =	vst v63  }
0xb6: {  	p2 =	seq.s32 @!p1 s0, $0x0  }
0xb7: {  	p2 =	por p1, !p2  }
.Ltmp15:
0xb8: {  	_ = 	snop;
	(pc) =	sbr.rel @!p2 .LBB2_17-.Ltmp15, $1  }
0xb9: {  	_ =	sdelay $0x3  }
0xba: {  	s0 =	sadd.s32 @!p1 s5, s31  }
0xbb: {  	s0 =	sshll.u32 @!p1 s0, $0x9  }
0xbc: {  	_ =	swait.ge [sflag:s29], $0x4000;
	s0 =	smov.u32 @p1 s6  }
0xbd: {  	[sflag:s29] =	ssyncset.done $0x0;
	s4 =	sshra.s32 s0, $0x2  }
0xbe: {  	[sflag:s29] =	ssyncadd.s32 $0xFFFFC000;
	s4 =	sadd.s32 $0x1800, s4  }
0xbf: {  	[spmem:s3] =	stream.indirect.scatter.add.f32 [tilespmem:s28], [sflag:$0x3], $0x80, s4, s25, $0xb8;
	[tilespmem:$0x1F800] =	vst v63  }
.Ltmp16:
0xc0: {  	_ = 	snop;
	(pc) =	sbr.rel .LBB2_17-.Ltmp16, $4  }
0xc1: {  	p1 =	sge.s32 s31, s17;
	_ =	swait.ge [sflag:s23], $0x4000  }
0xc2: {  	s0 =	sshra.s32 @!p1 s0, $0x2;
	s8 =	simm.s32 @!p1 $0x7000;
	[sflag:s23] =	ssyncset.done $0x0  }
0xc3: {  	s0 =	sadd.s32 @!p1 $0x100, s0;
	s4 =	simm.s32 @!p1 $0x80;
	[sflag:s23] =	ssyncadd.s32 $0xFFFFC000  }
0xc4: {  	[tilespmem:s8], [sflag:$0x2] =	stream.indirect.gather @!p1 [hbm4b:s2+s4], $0x80, s0, s4, $0xb8;
	[tilespmem:$0x1F800] =	vst v63  }
.LBB2_19:
0xc5: {  	_ =	sfence.sel $0x180000  }
0xc6: {  	[bflag:$0x0] =	sbarrier.arrive $0xFFFF  }
0xc7: {  	_ =	strace $0x90000050  }
0xc8: {  	s0 =	stileid.u32;
	[bflag:$0x2] =	sbarrier.arrive $0xFFFF  }
0xc9: {  	p0 =	sne.s32 s0, $0x0;
	s0 =	rddreg [dreg:$0x3]  }
0xca: {  	s0 =	sadd.s32 @!p0 $0x100000, s0  }
0xcb: {  	[sflag:s0] =	ssyncadd.tile.s32 @!p0 $0x1;
	_ =	shalt  }
.Lfunc_end2:
_tile_overlayer_lowered:
.L_overlay_start_2:
0xcc: {  	(tag) =	ssettag $0x2  }
0xcd: {  	s0 =	rddreg [dreg:$0x0];
	s2 =	stileid.u32  }
0xce: {  	s1 =	rddreg [dreg:$0x1];
	p0 =	sne.s32 s2, $0x0  }
0xcf: {  	s3 =	rddreg [dreg:$0x2];
	[bflag:$0x3] =	sbarrier.arrive $0xFFFF;
	s2 =	simm.s32 @!p0 $0x1C03  }
0xd0: {  	[timem:s3], [sflag:s2] =	dma.local @!p0 [hbm:s0], s1  }
0xd1: {  	s0 =	simm.s32 @!p0 $0x3  }
0xd2: {  	_ =	swait.ge @!p0 [sflag:s0], s1  }
0xd3: {  	s1 =	ssub.s32 @!p0 $0x0, s1;
	[sflag:s0] =	ssyncset.done @!p0 $0x0  }
0xd4: {  	[sflag:s0] =	ssyncadd.s32 @!p0 s1  }
0xd5: {  	[bflag:$0x3] =	sbarrier.arrive $0xFFFF  }
0xd6: {  	_ =	shalt  }

</sc_bundles>
